<compile_context>
chip_gen: v7x
topology: tpu7x:2x2x1
jax: 0.10.2.dev20260603
libtpu: 0.0.44.dev20260713+nightly
codegen_flags: <defaults>
</compile_context>

<pallas_src>
import functools
import jax
import jax.numpy as jnp
from jax import lax
from jax.experimental import pallas as pl
from jax.experimental.pallas import tpu as pltpu
from jax.experimental.pallas import tpu_sc as plsc

N = 10000
E = 320000
D = 128
H = 256
P = 5000
EPS = 1e-5

NC, NS, L = 2, 16, 16
NW = NC * NS
NPAD = 10240
EP1 = 331776
EP2 = 323584
PP = 8192
CH = 128
T = 256
NT = 512

mesh = plsc.VectorSubcoreMesh(core_axis_name="c", subcore_axis_name="s")


def _wid():
    return lax.axis_index("s") * NC + lax.axis_index("c")



def _gather1(VD, B, out_d):
    nchunk = B // (NW * CH)
    start = nchunk % 2

    @functools.partial(
        pl.kernel, mesh=mesh,
        out_type=jax.ShapeDtypeStruct((B, out_d), jnp.float32),
        scratch_types=[
            pltpu.VMEM((CH,), jnp.int32),
            pltpu.VMEM((CH,), jnp.int32),
            pltpu.VMEM((CH, out_d), jnp.float32),
            pltpu.VMEM((CH, out_d), jnp.float32),
            pltpu.SemaphoreType.DMA,
            pltpu.SemaphoreType.DMA,
        ],
    )
    def k(table, idx, out, ia_v, ib_v, ra_v, rb_v, sa, sb):
        base = _wid() * (nchunk * CH)
        if start:
            pltpu.sync_copy(idx.at[pl.ds(base, CH)], ia_v)
            pltpu.async_copy(table.at[ia_v], ra_v, sa).wait()
            pltpu.sync_copy(ra_v, out.at[pl.ds(base, CH)])

        def body(g2, _):
            o0 = base + (start + 2 * g2) * CH
            o1 = o0 + CH
            pltpu.sync_copy(idx.at[pl.ds(o0, CH)], ia_v)
            cpa = pltpu.async_copy(table.at[ia_v], ra_v, sa)
            pltpu.sync_copy(idx.at[pl.ds(o1, CH)], ib_v)
            cpb = pltpu.async_copy(table.at[ib_v], rb_v, sb)
            cpa.wait()
            pltpu.sync_copy(ra_v, out.at[pl.ds(o0, CH)])
            cpb.wait()
            pltpu.sync_copy(rb_v, out.at[pl.ds(o1, CH)])
            return 0

        lax.fori_loop(0, (nchunk - start) // 2, body, 0)

    return k


def _gather_diff(B, out_d):
    CD = 64
    nchunk = B // (NW * CD)
    assert nchunk % 2 == 0

    @functools.partial(
        pl.kernel, mesh=mesh,
        out_type=jax.ShapeDtypeStruct((B, out_d), jnp.float32),
        scratch_types=[
            pltpu.VMEM((CD,), jnp.int32),
            pltpu.VMEM((CD,), jnp.int32),
            pltpu.VMEM((CD,), jnp.int32),
            pltpu.VMEM((CD,), jnp.int32),
            pltpu.VMEM((CD, out_d), jnp.float32),
            pltpu.VMEM((CD, out_d), jnp.float32),
            pltpu.VMEM((CD, out_d), jnp.float32),
            pltpu.VMEM((CD, out_d), jnp.float32),
            pltpu.SemaphoreType.DMA,
            pltpu.SemaphoreType.DMA,
            pltpu.SemaphoreType.DMA,
            pltpu.SemaphoreType.DMA,
        ],
    )
    def k(table_a, table_b, idx_a, idx_b, out,
          ia0, ib0, ia1, ib1, ra0, rb0, ra1, rb1, sa0, sb0, sa1, sb1):
        base = _wid() * (nchunk * CD)

        def diff(ra_v, rb_v):
            def row(e, _):
                for f in range(out_d // L):
                    sl = pl.ds(f * L, L)
                    ra_v[e, sl] = ra_v[e, sl] - rb_v[e, sl]
                return 0

            lax.fori_loop(0, CD, row, 0)

        def body(g2, _):
            o0 = base + 2 * g2 * CD
            o1 = o0 + CD
            pltpu.sync_copy(idx_a.at[pl.ds(o0, CD)], ia0)
            pltpu.sync_copy(idx_b.at[pl.ds(o0, CD)], ib0)
            cpa0 = pltpu.async_copy(table_a.at[ia0], ra0, sa0)
            cpb0 = pltpu.async_copy(table_b.at[ib0], rb0, sb0)
            pltpu.sync_copy(idx_a.at[pl.ds(o1, CD)], ia1)
            pltpu.sync_copy(idx_b.at[pl.ds(o1, CD)], ib1)
            cpa1 = pltpu.async_copy(table_a.at[ia1], ra1, sa1)
            cpb1 = pltpu.async_copy(table_b.at[ib1], rb1, sb1)
            cpa0.wait()
            cpb0.wait()
            diff(ra0, rb0)
            pltpu.sync_copy(ra0, out.at[pl.ds(o0, CD)])
            cpa1.wait()
            cpb1.wait()
            diff(ra1, rb1)
            pltpu.sync_copy(ra1, out.at[pl.ds(o1, CD)])
            return 0

        lax.fori_loop(0, nchunk // 2, body, 0)

    return k


def _scatter2():
    nchunk = EP1 // (NS * CH)
    zrows = NPAD // NS

    @functools.partial(
        pl.kernel, mesh=mesh,
        out_type=[
            jax.ShapeDtypeStruct((NPAD, D), jnp.float32),
            jax.ShapeDtypeStruct((NPAD, D), jnp.float32),
        ],
        scratch_types=[
            pltpu.VMEM((CH,), jnp.int32),
            pltpu.VMEM((CH, D), jnp.float32),
            pltpu.VMEM_SHARED((NPAD, D), jnp.float32),
        ],
    )
    def k(p2, ex, dst, num, den, idx_v, rows_v, acc):
        cid = lax.axis_index("c")
        sid = lax.axis_index("s")

        def zrow(e, _):
            for f in range(D // L):
                rows_v[e, pl.ds(f * L, L)] = jnp.zeros((L,), jnp.float32)
            return 0

        lax.fori_loop(0, CH, zrow, 0)

        def zblk(g, _):
            pltpu.sync_copy(rows_v, acc.at[pl.ds(sid * zrows + g * CH, CH)])
            return 0

        lax.fori_loop(0, zrows // CH, zblk, 0)
        plsc.subcore_barrier()

        def run(payload):
            def body(g, _):
                o = (sid * nchunk + g) * CH
                pltpu.sync_copy(dst.at[pl.ds(o, CH)], idx_v)
                pltpu.sync_copy(payload.at[pl.ds(o, CH)], rows_v)
                pltpu.sync_copy(rows_v, acc.at[idx_v], add=True)
                return 0

            lax.fori_loop(0, nchunk, body, 0)

        @pl.when(cid == 0)
        def _():
            run(p2)

        @pl.when(cid == 1)
        def _():
            run(ex)

        plsc.subcore_barrier()

        @pl.when(cid == 0)
        def _():
            pltpu.sync_copy(acc.at[pl.ds(sid * zrows, zrows)],
                            num.at[pl.ds(sid * zrows, zrows)])

        @pl.when(cid == 1)
        def _():
            pltpu.sync_copy(acc.at[pl.ds(sid * zrows, zrows)],
                            den.at[pl.ds(sid * zrows, zrows)])

    return k



def _nodemm_k(x_ref, pos_ref, wl_ref, ws_ref, wd_ref, w1_ref,
              v_ref, as_ref, ad_ref, pnn_ref):
    x = x_ref[...]
    v_ref[...] = jnp.dot(x, wl_ref[...], preferred_element_type=jnp.float32)
    as_ref[...] = jnp.dot(x, ws_ref[...], preferred_element_type=jnp.float32)
    ad_ref[...] = jnp.dot(x, wd_ref[...], preferred_element_type=jnp.float32)
    pnn_ref[...] = jnp.dot(pos_ref[...], w1_ref[...],
                           preferred_element_type=jnp.float32)


def _edge_mask(src, dst, step):
    idx = step * T + lax.broadcasted_iota(jnp.int32, (T, 1), 0)
    keep = (src != dst) | (idx >= E)
    return jnp.where(keep & (idx < E + N), 1.0, 0.0).astype(jnp.float32)


def _stats1_k(pdiff_ref, src_ref, dst_ref, b1_ref, out_ref, acc):
    step = pl.program_id(0)

    @pl.when(step == 0)
    def _():
        acc[...] = jnp.zeros_like(acc)

    m = _edge_mask(src_ref[0, 0, :].reshape(T, 1), dst_ref[0, 0, :].reshape(T, 1), step)
    h1 = pdiff_ref[...] + b1_ref[...]
    acc[0:1, :] += jnp.sum(m * h1, axis=0, keepdims=True)
    acc[1:2, :] += jnp.sum(m * h1 * h1, axis=0, keepdims=True)
    acc[2:3, :] += jnp.sum(m, axis=0, keepdims=True) * jnp.ones((1, H), jnp.float32)

    @pl.when(step == pl.num_programs(0) - 1)
    def _():
        out_ref[...] = acc[...]


def _stageB_k(pdiff_ref, adiff_ref, src_ref, dst_ref, b1_ref,
              sc1_ref, sh1_ref, w2_ref, b2_ref, aw1_ref, ab1_ref,
              delta_ref, out_ref, acc):
    step = pl.program_id(0)

    @pl.when(step == 0)
    def _():
        acc[...] = jnp.zeros_like(acc)

    m = _edge_mask(src_ref[0, 0, :].reshape(T, 1), dst_ref[0, 0, :].reshape(T, 1), step)
    h1 = jax.nn.relu((pdiff_ref[...] + b1_ref[...]) * sc1_ref[...] + sh1_ref[...])
    delta = jnp.dot(h1, w2_ref[...], preferred_element_type=jnp.float32) + b2_ref[...]
    delta_ref[...] = delta
    h2 = jnp.dot(adiff_ref[...] + delta, aw1_ref[...], preferred_element_type=jnp.float32) + ab1_ref[...]
    acc[0:1, :] += jnp.sum(m * h2, axis=0, keepdims=True)
    acc[1:2, :] += jnp.sum(m * h2 * h2, axis=0, keepdims=True)
    acc[2:3, :] += jnp.sum(m, axis=0, keepdims=True) * jnp.ones((1, H), jnp.float32)

    @pl.when(step == pl.num_programs(0) - 1)
    def _():
        out_ref[...] = acc[...]


def _stageC_k(adiff_ref, delta_ref, vs_ref, aw1_ref, ab1_ref,
              sc2_ref, sh2_ref, aw2_ref, ab2_ref, ex_ref, p2_ref):
    delta = delta_ref[...]
    h2 = jnp.dot(adiff_ref[...] + delta, aw1_ref[...], preferred_element_type=jnp.float32) + ab1_ref[...]
    h2 = jax.nn.relu(h2 * sc2_ref[...] + sh2_ref[...])
    alpha = jnp.dot(h2, aw2_ref[...], preferred_element_type=jnp.float32) + ab2_ref[...]
    ex = jnp.exp(alpha)
    ex_ref[...] = ex
    p2_ref[...] = ex * (vs_ref[...] + delta)


def _down_k(num_ref, den_ref, w_ref, b_ref, h_ref):
    out = num_ref[...] / (den_ref[...] + 1e-16)
    h_ref[...] = jnp.dot(out, w_ref[...], preferred_element_type=jnp.float32) + b_ref[...]


def _pool_k(d2_ref, hs_ref, h_ref, out_ref, acc):
    step = pl.program_id(0)

    @pl.when(step == 0)
    def _():
        acc[...] = h_ref[...]

    def body(e, _):
        i = d2_ref[0, 0, e]
        acc[pl.ds(i, 1), :] = jnp.maximum(acc[pl.ds(i, 1), :], hs_ref[pl.ds(e, 1), :])
        return 0

    lax.fori_loop(0, CH, body, 0)

    @pl.when(step == pl.num_programs(0) - 1)
    def _():
        out_ref[...] = acc[...]


def _padr(a, n):
    return jnp.pad(a, ((0, n - a.shape[0]), (0, 0)))


def _padi(a, n, val):
    return jnp.pad(a, (0, n - a.shape[0]), constant_values=val)


def kernel(x, pos, edge_index, pool_index, conv_lin_W, conv_src_W, conv_dst_W,
           posnn_W1, posnn_b1, posnn_bn_w, posnn_bn_b, posnn_W2, posnn_b2,
           attnn_W1, attnn_b1, attnn_bn_w, attnn_bn_b, attnn_W2, attnn_b2,
           down_W, down_b):
    f32 = jnp.float32
    src = edge_index[0]
    dst = edge_index[1]
    loop = jnp.arange(N, dtype=jnp.int32)
    src_sl = _padi(jnp.concatenate([src, loop]), EP1, 0)
    dst_sl = _padi(jnp.concatenate([jnp.where(src != dst, dst, N), loop]), EP1, N)
    d2 = _padi(dst, EP2, NPAD - 1)
    s2 = _padi(src, EP2, 0)
    pool_p = _padi(pool_index, PP, 0)

    xp = _padr(x, NPAD)
    pos128 = jnp.pad(pos, ((0, NPAD - N), (0, D - 3)))
    w1p = jnp.pad(posnn_W1, ((0, D - 3), (0, 0)))

    v, a_src, a_dst, pnn = pl.pallas_call(
        _nodemm_k,
        grid=(NPAD // NT,),
        in_specs=[pl.BlockSpec((NT, D), lambda i: (i, 0))] * 2 +
                 [pl.BlockSpec((D, D), lambda i: (0, 0))] * 3 +
                 [pl.BlockSpec((D, H), lambda i: (0, 0))],
        out_specs=[pl.BlockSpec((NT, D), lambda i: (i, 0))] * 3 +
                  [pl.BlockSpec((NT, H), lambda i: (i, 0))],
        out_shape=[jax.ShapeDtypeStruct((NPAD, D), f32)] * 3 +
                  [jax.ShapeDtypeStruct((NPAD, H), f32)],
    )(xp, pos128, conv_lin_W, conv_src_W, conv_dst_W, w1p)

    pdiff = _gather_diff(EP1, H)(pnn, pnn, dst_sl, src_sl)
    adiff = _gather_diff(EP1, D)(a_dst, a_src, dst_sl, src_sl)
    vs = _gather1(NPAD, EP1, D)(v, src_sl)

    ntile = EP1 // T
    src3 = src_sl.reshape(ntile, 1, T)
    dst3 = dst_sl.reshape(ntile, 1, T)
    ispec = pl.BlockSpec((1, 1, T), lambda i: (i, 0, 0))
    wspec = lambda r, c: pl.BlockSpec((r, c), lambda i: (0, 0))

    st1 = pl.pallas_call(
        _stats1_k,
        grid=(ntile,),
        in_specs=[pl.BlockSpec((T, H), lambda i: (i, 0)), ispec, ispec,
                  wspec(1, H)],
        out_specs=pl.BlockSpec((4, H), lambda i: (0, 0)),
        out_shape=jax.ShapeDtypeStruct((4, H), f32),
        scratch_shapes=[pltpu.VMEM((4, H), f32)],
    )(pdiff, src3, dst3, posnn_b1.reshape(1, H))
    cnt = st1[2, 0]
    mu1 = st1[0] / cnt
    var1 = st1[1] / cnt - mu1 * mu1
    sc1 = posnn_bn_w / jnp.sqrt(var1 + EPS)
    sh1 = posnn_bn_b - mu1 * sc1

    delta, st2 = pl.pallas_call(
        _stageB_k,
        grid=(ntile,),
        in_specs=[pl.BlockSpec((T, H), lambda i: (i, 0)),
                  pl.BlockSpec((T, D), lambda i: (i, 0)), ispec, ispec,
                  wspec(1, H), wspec(1, H), wspec(1, H),
                  wspec(H, D), wspec(1, D), wspec(D, H), wspec(1, H)],
        out_specs=[pl.BlockSpec((T, D), lambda i: (i, 0)),
                   pl.BlockSpec((4, H), lambda i: (0, 0))],
        out_shape=[jax.ShapeDtypeStruct((EP1, D), f32),
                   jax.ShapeDtypeStruct((4, H), f32)],
        scratch_shapes=[pltpu.VMEM((4, H), f32)],
    )(pdiff, adiff, src3, dst3, posnn_b1.reshape(1, H),
      sc1.reshape(1, H), sh1.reshape(1, H), posnn_W2, posnn_b2.reshape(1, D),
      attnn_W1, attnn_b1.reshape(1, H))
    mu2 = st2[0] / cnt
    var2 = st2[1] / cnt - mu2 * mu2
    sc2 = attnn_bn_w / jnp.sqrt(var2 + EPS)
    sh2 = attnn_bn_b - mu2 * sc2

    ex, p2 = pl.pallas_call(
        _stageC_k,
        grid=(ntile,),
        in_specs=[pl.BlockSpec((T, D), lambda i: (i, 0)),
                  pl.BlockSpec((T, D), lambda i: (i, 0)),
                  pl.BlockSpec((T, D), lambda i: (i, 0)),
                  wspec(D, H), wspec(1, H), wspec(1, H), wspec(1, H),
                  wspec(H, D), wspec(1, D)],
        out_specs=[pl.BlockSpec((T, D), lambda i: (i, 0))] * 2,
        out_shape=[jax.ShapeDtypeStruct((EP1, D), f32)] * 2,
    )(adiff, delta, vs, attnn_W1, attnn_b1.reshape(1, H),
      sc2.reshape(1, H), sh2.reshape(1, H), attnn_W2, attnn_b2.reshape(1, D))

    num, den = _scatter2()(p2, ex, dst_sl)

    h = pl.pallas_call(
        _down_k,
        grid=(NPAD // NT,),
        in_specs=[pl.BlockSpec((NT, D), lambda i: (i, 0))] * 2 +
                 [wspec(D, D), wspec(1, D)],
        out_specs=pl.BlockSpec((NT, D), lambda i: (i, 0)),
        out_shape=jax.ShapeDtypeStruct((NPAD, D), f32),
    )(num, den, down_W, down_b.reshape(1, D))

    hs = _gather1(NPAD, EP2, D)(h, s2)

    nch2 = EP2 // CH
    pooled = pl.pallas_call(
        _pool_k,
        grid=(nch2,),
        in_specs=[pl.BlockSpec((1, 1, CH), lambda i: (i, 0, 0),
                               memory_space=pltpu.SMEM),
                  pl.BlockSpec((CH, D), lambda i: (i, 0)),
                  pl.BlockSpec((NPAD, D), lambda i: (0, 0))],
        out_specs=pl.BlockSpec((NPAD, D), lambda i: (0, 0)),
        out_shape=jax.ShapeDtypeStruct((NPAD, D), f32),
        scratch_shapes=[pltpu.VMEM((NPAD, D), f32)],
    )(d2.reshape(nch2, 1, CH), hs, h)

    x_out = _gather1(NPAD, PP, D)(pooled, pool_p)[:P]
    pos_out = _gather1(NPAD, PP, D)(pos128, pool_p)[:P, :3]
    return (x_out, pos_out)

# --- scband reference (transcript-rebuilt; emitter-appended) ---
"""Pipeline reference for scband-enc-block-67920612819554 (READ-ONLY COPY).

The authoritative reference and input builder live on the scoring server;
editing this copy changes nothing except your own understanding.
"""

import jax, jax.numpy as jnp
import numpy as np

N = 10000
E = 320000
D = 128
H = 256
P = 5000
EPS = 1e-5

def mlp(x, W1, b1, bn_w, bn_b, W2, b2, mask, count):
    h = x @ W1 + b1
    mu = jnp.sum(h * mask, axis=0, keepdims=True) / count
    var = jnp.sum(mask * jnp.square(h - mu), axis=0, keepdims=True) / count
    h = (h - mu) / jnp.sqrt(var + EPS) * bn_w + bn_b
    h = jax.nn.relu(h)
    return h @ W2 + b2

def setup_inputs(seed: int = 0):
    key = jax.random.key(seed)
    ks = jax.random.split(key, 16)
    def w(k, shape):
        return jax.random.normal(k, shape, dtype=jnp.float32) * 0.05
    return {
        "x": jax.random.normal(ks[0], (N, D), dtype=jnp.float32),
        "pos": jax.random.normal(ks[1], (N, 3), dtype=jnp.float32),
        "edge_index": jax.random.randint(ks[2], (2, E), 0, N, dtype=jnp.int32),
        "pool_index": jnp.sort(jax.random.randint(ks[3], (P,), 0, N, dtype=jnp.int32)),
        "conv_lin_W": w(ks[4], (D, D)),
        "conv_src_W": w(ks[5], (D, D)),
        "conv_dst_W": w(ks[6], (D, D)),
        "posnn_W1": w(ks[7], (3, H)),
        "posnn_b1": jnp.zeros((H,), jnp.float32),
        "posnn_bn_w": jnp.ones((H,), jnp.float32),
        "posnn_bn_b": jnp.zeros((H,), jnp.float32),
        "posnn_W2": w(ks[8], (H, D)),
        "posnn_b2": jnp.zeros((D,), jnp.float32),
        "attnn_W1": w(ks[9], (D, H)),
        "attnn_b1": jnp.zeros((H,), jnp.float32),
        "attnn_bn_w": jnp.ones((H,), jnp.float32),
        "attnn_bn_b": jnp.zeros((H,), jnp.float32),
        "attnn_W2": w(ks[10], (H, D)),
        "attnn_b2": jnp.zeros((D,), jnp.float32),
        "down_W": w(ks[11], (D, D)),
        "down_b": jnp.zeros((D,), jnp.float32),
    }

def reference(x, pos, edge_index, pool_index, conv_lin_W, conv_src_W, conv_dst_W, posnn_W1, posnn_b1, posnn_bn_w, posnn_bn_b, posnn_W2, posnn_b2, attnn_W1, attnn_b1, attnn_bn_w, attnn_bn_b, attnn_W2, attnn_b2, down_W, down_b):
    # PointTransformerConv (PyG semantics): remove self loops, add self loops
    src = edge_index[0]
    dst = edge_index[1]
    keep = src != dst
    loop = jnp.arange(N, dtype=src.dtype)
    src_sl = jnp.concatenate([src, loop])
    dst_sl = jnp.concatenate([jnp.where(keep, dst, jnp.int32(N)), loop])
    mask = jnp.concatenate([keep.astype(jnp.float32), jnp.ones((N,), jnp.float32)])[:, None]
    count = jnp.sum(mask)
    v = x @ conv_lin_W
    a_src = x @ conv_src_W
    a_dst = x @ conv_dst_W
    delta = mlp(pos[dst_sl] - pos[src_sl], posnn_W1, posnn_b1, posnn_bn_w, posnn_bn_b, posnn_W2, posnn_b2, mask, count)
    alpha = a_dst[dst_sl] - a_src[src_sl] + delta
    alpha = mlp(alpha, attnn_W1, attnn_b1, attnn_bn_w, attnn_bn_b, attnn_W2, attnn_b2, mask, count)
    amax = jax.ops.segment_max(alpha, dst_sl, num_segments=N + 1)
    ex = jnp.exp(alpha - amax[dst_sl])
    denom = jax.ops.segment_sum(ex, dst_sl, num_segments=N + 1)
    attw = ex / (denom[dst_sl] + 1e-16)
    out = jax.ops.segment_sum(attw * (v[src_sl] + delta), dst_sl, num_segments=N + 1)[:N]
    # PointTrans_Layer_down: linear, max_pool_neighbor_x, subsample
    h = out @ down_W + down_b
    s2 = jnp.concatenate([edge_index[0], loop])
    d2 = jnp.concatenate([edge_index[1], loop])
    pooled = jax.ops.segment_max(h[s2], d2, num_segments=N)
    x_out = pooled[pool_index]
    pos_out = pos[pool_index]
    return (x_out, pos_out)

if __name__ == "__main__":
    import jax
    _d = setup_inputs()
    print(jax.jit(kernel)(*tuple(_d.values())))

</pallas_src>

<mosaic_0001>
#map = affine_map<(d0, d1) -> (0, 0)>
#map1 = affine_map<(d0, d1) -> (0)>
module attributes {stable_mosaic.version = 14 : i64} {
  func.func @k(%arg0: i32, %arg1: i32, %arg2: memref<10240x256xf32, #tpu.memory_space<hbm>>, %arg3: memref<10240x256xf32, #tpu.memory_space<hbm>>, %arg4: memref<331776xi32, #tpu.memory_space<hbm>>, %arg5: memref<331776xi32, #tpu.memory_space<hbm>>, %arg6: memref<331776x256xf32, #tpu.memory_space<hbm>>, %arg7: memref<64xi32, #tpu.memory_space<vmem>>, %arg8: memref<64xi32, #tpu.memory_space<vmem>>, %arg9: memref<64xi32, #tpu.memory_space<vmem>>, %arg10: memref<64xi32, #tpu.memory_space<vmem>>, %arg11: memref<64x256xf32, #tpu.memory_space<vmem>>, %arg12: memref<64x256xf32, #tpu.memory_space<vmem>>, %arg13: memref<64x256xf32, #tpu.memory_space<vmem>>, %arg14: memref<64x256xf32, #tpu.memory_space<vmem>>, %arg15: memref<!tpu.dma_semaphore, #tpu.memory_space<semaphore_mem>>, %arg16: memref<!tpu.dma_semaphore, #tpu.memory_space<semaphore_mem>>, %arg17: memref<!tpu.dma_semaphore, #tpu.memory_space<semaphore_mem>>, %arg18: memref<!tpu.dma_semaphore, #tpu.memory_space<semaphore_mem>>) attributes {dimension_semantics = [#tpu.dimension_semantics<core_parallel>, #tpu.dimension_semantics<subcore_parallel>], iteration_bounds = array<i64: 2, 16>, scalar_prefetch = 0 : i64, scratch_operands = 12 : i64, tpu.core_type = #tpu.core_type<sc_vector_subcore>, window_params = [{transform_indices = #map}, {transform_indices = #map}, {transform_indices = #map1}, {transform_indices = #map1}, {transform_indices = #map}]} {
    %mul3A = arith.constant 2 : i32
    %mul3A_0 = arith.muli %arg1, %mul3A : i32
    %add3A = arith.addi %mul3A_0, %arg0 : i32
    %mul3A_1 = arith.constant 10368 : i32
    %mul3A_2 = arith.muli %add3A, %mul3A_1 : i32
    %scan3A = arith.constant 0 : i32
    %scan3A_3 = arith.constant 0 : i32
    %scan3A_4 = arith.constant 81 : i32
    %scan3A_5 = arith.addi %scan3A_3, %scan3A_4 : i32
    %scan3A_6 = arith.constant 1 : i32
    %scan3A_7 = scf.for %scan3A_9 = %scan3A_3 to %scan3A_5 step %scan3A_6 iter_args(%scan3A_10 = %scan3A) -> (i32)  : i32 {
      %mul3A_11 = arith.constant 2 : i32
      %mul3A_12 = arith.muli %mul3A_11, %scan3A_9 : i32
      %mul3A_13 = arith.constant 64 : i32
      %mul3A_14 = arith.muli %mul3A_12, %mul3A_13 : i32
      %add3A_15 = arith.addi %mul3A_2, %mul3A_14 : i32
      %add3A_16 = arith.constant 64 : i32
      %add3A_17 = arith.addi %add3A_15, %add3A_16 : i32
      "tpu.region"() ({
        %run_scoped3A = tpu.sem_alloc : memref<!tpu.dma_semaphore, #tpu.memory_space<semaphore_mem>>
        %dma_start3A_55 = tpu.memref_slice %arg4[%add3A_15] : memref<331776xi32, #tpu.memory_space<hbm>> -> memref<64xi32, #tpu.memory_space<hbm>>
        %dma_start3A_56 = tpu.memref_slice %arg4[%add3A_15] : memref<331776xi32, #tpu.memory_space<hbm>> -> memref<64xi32, #tpu.memory_space<hbm>>
        tpu.enqueue_dma source(%dma_start3A_56 : memref<64xi32, #tpu.memory_space<hbm>>) target(%arg7 : memref<64xi32, #tpu.memory_space<vmem>>) target_semaphore(%run_scoped3A : memref<!tpu.dma_semaphore, #tpu.memory_space<semaphore_mem>>)
        %dma_wait3A_57 = tpu.memref_slice %arg4[%add3A_15] : memref<331776xi32, #tpu.memory_space<hbm>> -> memref<64xi32, #tpu.memory_space<hbm>>
        %dma_wait3A_58 = tpu.memref_slice %arg4[%add3A_15] : memref<331776xi32, #tpu.memory_space<hbm>> -> memref<64xi32, #tpu.memory_space<hbm>>
        tpu.wait_dma2 semaphore(%run_scoped3A : memref<!tpu.dma_semaphore, #tpu.memory_space<semaphore_mem>>) src(%dma_wait3A_58 : memref<64xi32, #tpu.memory_space<hbm>>) dst(%arg7 : memref<64xi32, #tpu.memory_space<vmem>>)
        tpu.yield
      }) : () -> ()
      "tpu.region"() ({
        %run_scoped3A = tpu.sem_alloc : memref<!tpu.dma_semaphore, #tpu.memory_space<semaphore_mem>>
        %dma_start3A_55 = tpu.memref_slice %arg5[%add3A_15] : memref<331776xi32, #tpu.memory_space<hbm>> -> memref<64xi32, #tpu.memory_space<hbm>>
        %dma_start3A_56 = tpu.memref_slice %arg5[%add3A_15] : memref<331776xi32, #tpu.memory_space<hbm>> -> memref<64xi32, #tpu.memory_space<hbm>>
        tpu.enqueue_dma source(%dma_start3A_56 : memref<64xi32, #tpu.memory_space<hbm>>) target(%arg8 : memref<64xi32, #tpu.memory_space<vmem>>) target_semaphore(%run_scoped3A : memref<!tpu.dma_semaphore, #tpu.memory_space<semaphore_mem>>)
        %dma_wait3A_57 = tpu.memref_slice %arg5[%add3A_15] : memref<331776xi32, #tpu.memory_space<hbm>> -> memref<64xi32, #tpu.memory_space<hbm>>
        %dma_wait3A_58 = tpu.memref_slice %arg5[%add3A_15] : memref<331776xi32, #tpu.memory_space<hbm>> -> memref<64xi32, #tpu.memory_space<hbm>>
        tpu.wait_dma2 semaphore(%run_scoped3A : memref<!tpu.dma_semaphore, #tpu.memory_space<semaphore_mem>>) src(%dma_wait3A_58 : memref<64xi32, #tpu.memory_space<hbm>>) dst(%arg8 : memref<64xi32, #tpu.memory_space<vmem>>)
        tpu.yield
      }) : () -> ()
      %dma_start3A = arith.constant 0 : i32
      %dma_start3A_18 = arith.constant 0 : i32
      %dma_start3A_19 = tpu.memref_slice %arg2[%dma_start3A, %dma_start3A_18] : memref<10240x256xf32, #tpu.memory_space<hbm>> -> memref<10240x256xf32, #tpu.memory_space<hbm>>
      tpu.enqueue_indirect_dma source(%dma_start3A_19 : memref<10240x256xf32, #tpu.memory_space<hbm>>) target(%arg11 : memref<64x256xf32, #tpu.memory_space<vmem>>) offsets(%arg7 : memref<64xi32, #tpu.memory_space<vmem>>) semaphore(%arg15 : memref<!tpu.dma_semaphore, #tpu.memory_space<semaphore_mem>>)
      %dma_start3A_20 = arith.constant 0 : i32
      %dma_start3A_21 = arith.constant 0 : i32
      %dma_start3A_22 = tpu.memref_slice %arg3[%dma_start3A_20, %dma_start3A_21] : memref<10240x256xf32, #tpu.memory_space<hbm>> -> memref<10240x256xf32, #tpu.memory_space<hbm>>
      tpu.enqueue_indirect_dma source(%dma_start3A_22 : memref<10240x256xf32, #tpu.memory_space<hbm>>) target(%arg12 : memref<64x256xf32, #tpu.memory_space<vmem>>) offsets(%arg8 : memref<64xi32, #tpu.memory_space<vmem>>) semaphore(%arg16 : memref<!tpu.dma_semaphore, #tpu.memory_space<semaphore_mem>>)
      "tpu.region"() ({
        %run_scoped3A = tpu.sem_alloc : memref<!tpu.dma_semaphore, #tpu.memory_space<semaphore_mem>>
        %dma_start3A_55 = tpu.memref_slice %arg4[%add3A_17] : memref<331776xi32, #tpu.memory_space<hbm>> -> memref<64xi32, #tpu.memory_space<hbm>>
        %dma_start3A_56 = tpu.memref_slice %arg4[%add3A_17] : memref<331776xi32, #tpu.memory_space<hbm>> -> memref<64xi32, #tpu.memory_space<hbm>>
        tpu.enqueue_dma source(%dma_start3A_56 : memref<64xi32, #tpu.memory_space<hbm>>) target(%arg9 : memref<64xi32, #tpu.memory_space<vmem>>) target_semaphore(%run_scoped3A : memref<!tpu.dma_semaphore, #tpu.memory_space<semaphore_mem>>)
        %dma_wait3A_57 = tpu.memref_slice %arg4[%add3A_17] : memref<331776xi32, #tpu.memory_space<hbm>> -> memref<64xi32, #tpu.memory_space<hbm>>
        %dma_wait3A_58 = tpu.memref_slice %arg4[%add3A_17] : memref<331776xi32, #tpu.memory_space<hbm>> -> memref<64xi32, #tpu.memory_space<hbm>>
        tpu.wait_dma2 semaphore(%run_scoped3A : memref<!tpu.dma_semaphore, #tpu.memory_space<semaphore_mem>>) src(%dma_wait3A_58 : memref<64xi32, #tpu.memory_space<hbm>>) dst(%arg9 : memref<64xi32, #tpu.memory_space<vmem>>)
        tpu.yield
      }) : () -> ()
      "tpu.region"() ({
        %run_scoped3A = tpu.sem_alloc : memref<!tpu.dma_semaphore, #tpu.memory_space<semaphore_mem>>
        %dma_start3A_55 = tpu.memref_slice %arg5[%add3A_17] : memref<331776xi32, #tpu.memory_space<hbm>> -> memref<64xi32, #tpu.memory_space<hbm>>
        %dma_start3A_56 = tpu.memref_slice %arg5[%add3A_17] : memref<331776xi32, #tpu.memory_space<hbm>> -> memref<64xi32, #tpu.memory_space<hbm>>
        tpu.enqueue_dma source(%dma_start3A_56 : memref<64xi32, #tpu.memory_space<hbm>>) target(%arg10 : memref<64xi32, #tpu.memory_space<vmem>>) target_semaphore(%run_scoped3A : memref<!tpu.dma_semaphore, #tpu.memory_space<semaphore_mem>>)
        %dma_wait3A_57 = tpu.memref_slice %arg5[%add3A_17] : memref<331776xi32, #tpu.memory_space<hbm>> -> memref<64xi32, #tpu.memory_space<hbm>>
        %dma_wait3A_58 = tpu.memref_slice %arg5[%add3A_17] : memref<331776xi32, #tpu.memory_space<hbm>> -> memref<64xi32, #tpu.memory_space<hbm>>
        tpu.wait_dma2 semaphore(%run_scoped3A : memref<!tpu.dma_semaphore, #tpu.memory_space<semaphore_mem>>) src(%dma_wait3A_58 : memref<64xi32, #tpu.memory_space<hbm>>) dst(%arg10 : memref<64xi32, #tpu.memory_space<vmem>>)
        tpu.yield
      }) : () -> ()
      %dma_start3A_23 = arith.constant 0 : i32
      %dma_start3A_24 = arith.constant 0 : i32
      %dma_start3A_25 = tpu.memref_slice %arg2[%dma_start3A_23, %dma_start3A_24] : memref<10240x256xf32, #tpu.memory_space<hbm>> -> memref<10240x256xf32, #tpu.memory_space<hbm>>
      tpu.enqueue_indirect_dma source(%dma_start3A_25 : memref<10240x256xf32, #tpu.memory_space<hbm>>) target(%arg13 : memref<64x256xf32, #tpu.memory_space<vmem>>) offsets(%arg9 : memref<64xi32, #tpu.memory_space<vmem>>) semaphore(%arg17 : memref<!tpu.dma_semaphore, #tpu.memory_space<semaphore_mem>>)
      %dma_start3A_26 = arith.constant 0 : i32
      %dma_start3A_27 = arith.constant 0 : i32
      %dma_start3A_28 = tpu.memref_slice %arg3[%dma_start3A_26, %dma_start3A_27] : memref<10240x256xf32, #tpu.memory_space<hbm>> -> memref<10240x256xf32, #tpu.memory_space<hbm>>
      tpu.enqueue_indirect_dma source(%dma_start3A_28 : memref<10240x256xf32, #tpu.memory_space<hbm>>) target(%arg14 : memref<64x256xf32, #tpu.memory_space<vmem>>) offsets(%arg10 : memref<64xi32, #tpu.memory_space<vmem>>) semaphore(%arg18 : memref<!tpu.dma_semaphore, #tpu.memory_space<semaphore_mem>>)
      %dma_wait3A = arith.constant 0 : i32
      %dma_wait3A_29 = arith.constant 0 : i32
      %dma_wait3A_30 = tpu.memref_slice %arg2[%dma_wait3A, %dma_wait3A_29] : memref<10240x256xf32, #tpu.memory_space<hbm>> -> memref<10240x256xf32, #tpu.memory_space<hbm>>
      tpu.wait_indirect_dma semaphore(%arg15 : memref<!tpu.dma_semaphore, #tpu.memory_space<semaphore_mem>>) src(%dma_wait3A_30 : memref<10240x256xf32, #tpu.memory_space<hbm>>) dst(%arg11 : memref<64x256xf32, #tpu.memory_space<vmem>>)
      %dma_wait3A_31 = arith.constant 0 : i32
      %dma_wait3A_32 = arith.constant 0 : i32
      %dma_wait3A_33 = tpu.memref_slice %arg3[%dma_wait3A_31, %dma_wait3A_32] : memref<10240x256xf32, #tpu.memory_space<hbm>> -> memref<10240x256xf32, #tpu.memory_space<hbm>>
      tpu.wait_indirect_dma semaphore(%arg16 : memref<!tpu.dma_semaphore, #tpu.memory_space<semaphore_mem>>) src(%dma_wait3A_33 : memref<10240x256xf32, #tpu.memory_space<hbm>>) dst(%arg12 : memref<64x256xf32, #tpu.memory_space<vmem>>)
      %scan3A_34 = arith.constant 0 : i32
      %scan3A_35 = arith.constant 0 : i32
      %scan3A_36 = arith.constant 64 : i32
      %scan3A_37 = arith.addi %scan3A_35, %scan3A_36 : i32
      %scan3A_38 = arith.constant 1 : i32
      %scan3A_39 = scf.for %scan3A_55 = %scan3A_35 to %scan3A_37 step %scan3A_38 iter_args(%scan3A_56 = %scan3A_34) -> (i32)  : i32 {
        %get3A = arith.index_cast %scan3A_55 : i32 to index
        %get3A_57 = arith.constant 0 : index
        %get3A_58 = tpu.vector_load %arg11[%get3A, %get3A_57] {strides = array<i32>} : memref<64x256xf32, #tpu.memory_space<vmem>>, vector<1x16xf32>,
        %get3A_59 = vector.shape_cast %get3A_58 : vector<1x16xf32> to vector<16xf32>
        %get3A_60 = arith.index_cast %scan3A_55 : i32 to index
        %get3A_61 = arith.constant 0 : index
        %get3A_62 = tpu.vector_load %arg12[%get3A_60, %get3A_61] {strides = array<i32>} : memref<64x256xf32, #tpu.memory_space<vmem>>, vector<1x16xf32>,
        %get3A_63 = vector.shape_cast %get3A_62 : vector<1x16xf32> to vector<16xf32>
        %sub3A = arith.subf %get3A_59, %get3A_63 : vector<16xf32>
        %swap3A = arith.index_cast %scan3A_55 : i32 to index
        %swap3A_64 = arith.constant 0 : index
        %swap3A_65 = tpu.vector_load %arg11[%swap3A, %swap3A_64] {strides = array<i32>} : memref<64x256xf32, #tpu.memory_space<vmem>>, vector<1x16xf32>,
        %swap3A_66 = vector.shape_cast %swap3A_65 : vector<1x16xf32> to vector<16xf32>
        %swap3A_67 = vector.shape_cast %sub3A : vector<16xf32> to vector<1x16xf32>
        tpu.vector_store %arg11[%swap3A, %swap3A_64], %swap3A_67 {strides = array<i32>} : memref<64x256xf32, #tpu.memory_space<vmem>>, vector<1x16xf32>,
        %get3A_68 = arith.index_cast %scan3A_55 : i32 to index
        %get3A_69 = arith.constant 16 : index
        %get3A_70 = tpu.vector_load %arg11[%get3A_68, %get3A_69] {strides = array<i32>} : memref<64x256xf32, #tpu.memory_space<vmem>>, vector<1x16xf32>,
        %get3A_71 = vector.shape_cast %get3A_70 : vector<1x16xf32> to vector<16xf32>
        %get3A_72 = arith.index_cast %scan3A_55 : i32 to index
        %get3A_73 = arith.constant 16 : index
        %get3A_74 = tpu.vector_load %arg12[%get3A_72, %get3A_73] {strides = array<i32>} : memref<64x256xf32, #tpu.memory_space<vmem>>, vector<1x16xf32>,
        %get3A_75 = vector.shape_cast %get3A_74 : vector<1x16xf32> to vector<16xf32>
        %sub3A_76 = arith.subf %get3A_71, %get3A_75 : vector<16xf32>
        %swap3A_77 = arith.index_cast %scan3A_55 : i32 to index
        %swap3A_78 = arith.constant 16 : index
        %swap3A_79 = tpu.vector_load %arg11[%swap3A_77, %swap3A_78] {strides = array<i32>} : memref<64x256xf32, #tpu.memory_space<vmem>>, vector<1x16xf32>,
        %swap3A_80 = vector.shape_cast %swap3A_79 : vector<1x16xf32> to vector<16xf32>
        %swap3A_81 = vector.shape_cast %sub3A_76 : vector<16xf32> to vector<1x16xf32>
        tpu.vector_store %arg11[%swap3A_77, %swap3A_78], %swap3A_81 {strides = array<i32>} : memref<64x256xf32, #tpu.memory_space<vmem>>, vector<1x16xf32>,
        %get3A_82 = arith.index_cast %scan3A_55 : i32 to index
        %get3A_83 = arith.constant 32 : index
        %get3A_84 = tpu.vector_load %arg11[%get3A_82, %get3A_83] {strides = array<i32>} : memref<64x256xf32, #tpu.memory_space<vmem>>, vector<1x16xf32>,
        %get3A_85 = vector.shape_cast %get3A_84 : vector<1x16xf32> to vector<16xf32>
        %get3A_86 = arith.index_cast %scan3A_55 : i32 to index
        %get3A_87 = arith.constant 32 : index
        %get3A_88 = tpu.vector_load %arg12[%get3A_86, %get3A_87] {strides = array<i32>} : memref<64x256xf32, #tpu.memory_space<vmem>>, vector<1x16xf32>,
        %get3A_89 = vector.shape_cast %get3A_88 : vector<1x16xf32> to vector<16xf32>
        %sub3A_90 = arith.subf %get3A_85, %get3A_89 : vector<16xf32>
        %swap3A_91 = arith.index_cast %scan3A_55 : i32 to index
        %swap3A_92 = arith.constant 32 : index
        %swap3A_93 = tpu.vector_load %arg11[%swap3A_91, %swap3A_92] {strides = array<i32>} : memref<64x256xf32, #tpu.memory_space<vmem>>, vector<1x16xf32>,
        %swap3A_94 = vector.shape_cast %swap3A_93 : vector<1x16xf32> to vector<16xf32>
        %swap3A_95 = vector.shape_cast %sub3A_90 : vector<16xf32> to vector<1x16xf32>
        tpu.vector_store %arg11[%swap3A_91, %swap3A_92], %swap3A_95 {strides = array<i32>} : memref<64x256xf32, #tpu.memory_space<vmem>>, vector<1x16xf32>,
        %get3A_96 = arith.index_cast %scan3A_55 : i32 to index
        %get3A_97 = arith.constant 48 : index
        %get3A_98 = tpu.vector_load %arg11[%get3A_96, %get3A_97] {strides = array<i32>} : memref<64x256xf32, #tpu.memory_space<vmem>>, vector<1x16xf32>,
        %get3A_99 = vector.shape_cast %get3A_98 : vector<1x16xf32> to vector<16xf32>
        %get3A_100 = arith.index_cast %scan3A_55 : i32 to index
        %get3A_101 = arith.constant 48 : index
        %get3A_102 = tpu.vector_load %arg12[%get3A_100, %get3A_101] {strides = array<i32>} : memref<64x256xf32, #tpu.memory_space<vmem>>, vector<1x16xf32>,
        %get3A_103 = vector.shape_cast %get3A_102 : vector<1x16xf32> to vector<16xf32>
        %sub3A_104 = arith.subf %get3A_99, %get3A_103 : vector<16xf32>
        %swap3A_105 = arith.index_cast %scan3A_55 : i32 to index
        %swap3A_106 = arith.constant 48 : index
        %swap3A_107 = tpu.vector_load %arg11[%swap3A_105, %swap3A_106] {strides = array<i32>} : memref<64x256xf32, #tpu.memory_space<vmem>>, vector<1x16xf32>,
        %swap3A_108 = vector.shape_cast %swap3A_107 : vector<1x16xf32> to vector<16xf32>
        %swap3A_109 = vector.shape_cast %sub3A_104 : vector<16xf32> to vector<1x16xf32>
        tpu.vector_store %arg11[%swap3A_105, %swap3A_106], %swap3A_109 {strides = array<i32>} : memref<64x256xf32, #tpu.memory_space<vmem>>, vector<1x16xf32>,
        %get3A_110 = arith.index_cast %scan3A_55 : i32 to index
        %get3A_111 = arith.constant 64 : index
        %get3A_112 = tpu.vector_load %arg11[%get3A_110, %get3A_111] {strides = array<i32>} : memref<64x256xf32, #tpu.memory_space<vmem>>, vector<1x16xf32>,
        %get3A_113 = vector.shape_cast %get3A_112 : vector<1x16xf32> to vector<16xf32>
        %get3A_114 = arith.index_cast %scan3A_55 : i32 to index
        %get3A_115 = arith.constant 64 : index
        %get3A_116 = tpu.vector_load %arg12[%get3A_114, %get3A_115] {strides = array<i32>} : memref<64x256xf32, #tpu.memory_space<vmem>>, vector<1x16xf32>,
        %get3A_117 = vector.shape_cast %get3A_116 : vector<1x16xf32> to vector<16xf32>
        %sub3A_118 = arith.subf %get3A_113, %get3A_117 : vector<16xf32>
        %swap3A_119 = arith.index_cast %scan3A_55 : i32 to index
        %swap3A_120 = arith.constant 64 : index
        %swap3A_121 = tpu.vector_load %arg11[%swap3A_119, %swap3A_120] {strides = array<i32>} : memref<64x256xf32, #tpu.memory_space<vmem>>, vector<1x16xf32>,
        %swap3A_122 = vector.shape_cast %swap3A_121 : vector<1x16xf32> to vector<16xf32>
        %swap3A_123 = vector.shape_cast %sub3A_118 : vector<16xf32> to vector<1x16xf32>
        tpu.vector_store %arg11[%swap3A_119, %swap3A_120], %swap3A_123 {strides = array<i32>} : memref<64x256xf32, #tpu.memory_space<vmem>>, vector<1x16xf32>,
        %get3A_124 = arith.index_cast %scan3A_55 : i32 to index
        %get3A_125 = arith.constant 80 : index
        %get3A_126 = tpu.vector_load %arg11[%get3A_124, %get3A_125] {strides = array<i32>} : memref<64x256xf32, #tpu.memory_space<vmem>>, vector<1x16xf32>,
        %get3A_127 = vector.shape_cast %get3A_126 : vector<1x16xf32> to vector<16xf32>
        %get3A_128 = arith.index_cast %scan3A_55 : i32 to index
        %get3A_129 = arith.constant 80 : index
        %get3A_130 = tpu.vector_load %arg12[%get3A_128, %get3A_129] {strides = array<i32>} : memref<64x256xf32, #tpu.memory_space<vmem>>, vector<1x16xf32>,
        %get3A_131 = vector.shape_cast %get3A_130 : vector<1x16xf32> to vector<16xf32>
        %sub3A_132 = arith.subf %get3A_127, %get3A_131 : vector<16xf32>
        %swap3A_133 = arith.index_cast %scan3A_55 : i32 to index
        %swap3A_134 = arith.constant 80 : index
        %swap3A_135 = tpu.vector_load %arg11[%swap3A_133, %swap3A_134] {strides = array<i32>} : memref<64x256xf32, #tpu.memory_space<vmem>>, vector<1x16xf32>,
        %swap3A_136 = vector.shape_cast %swap3A_135 : vector<1x16xf32> to vector<16xf32>
        %swap3A_137 = vector.shape_cast %sub3A_132 : vector<16xf32> to vector<1x16xf32>
        tpu.vector_store %arg11[%swap3A_133, %swap3A_134], %swap3A_137 {strides = array<i32>} : memref<64x256xf32, #tpu.memory_space<vmem>>, vector<1x16xf32>,
        %get3A_138 = arith.index_cast %scan3A_55 : i32 to index
        %get3A_139 = arith.constant 96 : index
        %get3A_140 = tpu.vector_load %arg11[%get3A_138, %get3A_139] {strides = array<i32>} : memref<64x256xf32, #tpu.memory_space<vmem>>, vector<1x16xf32>,
        %get3A_141 = vector.shape_cast %get3A_140 : vector<1x16xf32> to vector<16xf32>
        %get3A_142 = arith.index_cast %scan3A_55 : i32 to index
        %get3A_143 = arith.constant 96 : index
        %get3A_144 = tpu.vector_load %arg12[%get3A_142, %get3A_143] {strides = array<i32>} : memref<64x256xf32, #tpu.memory_space<vmem>>, vector<1x16xf32>,
        %get3A_145 = vector.shape_cast %get3A_144 : vector<1x16xf32> to vector<16xf32>
        %sub3A_146 = arith.subf %get3A_141, %get3A_145 : vector<16xf32>
        %swap3A_147 = arith.index_cast %scan3A_55 : i32 to index
        %swap3A_148 = arith.constant 96 : index
        %swap3A_149 = tpu.vector_load %arg11[%swap3A_147, %swap3A_148] {strides = array<i32>} : memref<64x256xf32, #tpu.memory_space<vmem>>, vector<1x16xf32>,
        %swap3A_150 = vector.shape_cast %swap3A_149 : vector<1x16xf32> to vector<16xf32>
        %swap3A_151 = vector.shape_cast %sub3A_146 : vector<16xf32> to vector<1x16xf32>
        tpu.vector_store %arg11[%swap3A_147, %swap3A_148], %swap3A_151 {strides = array<i32>} : memref<64x256xf32, #tpu.memory_space<vmem>>, vector<1x16xf32>,
        %get3A_152 = arith.index_cast %scan3A_55 : i32 to index
        %get3A_153 = arith.constant 112 : index
        %get3A_154 = tpu.vector_load %arg11[%get3A_152, %get3A_153] {strides = array<i32>} : memref<64x256xf32, #tpu.memory_space<vmem>>, vector<1x16xf32>,
        %get3A_155 = vector.shape_cast %get3A_154 : vector<1x16xf32> to vector<16xf32>
        %get3A_156 = arith.index_cast %scan3A_55 : i32 to index
        %get3A_157 = arith.constant 112 : index
        %get3A_158 = tpu.vector_load %arg12[%get3A_156, %get3A_157] {strides = array<i32>} : memref<64x256xf32, #tpu.memory_space<vmem>>, vector<1x16xf32>,
        %get3A_159 = vector.shape_cast %get3A_158 : vector<1x16xf32> to vector<16xf32>
        %sub3A_160 = arith.subf %get3A_155, %get3A_159 : vector<16xf32>
        %swap3A_161 = arith.index_cast %scan3A_55 : i32 to index
        %swap3A_162 = arith.constant 112 : index
        %swap3A_163 = tpu.vector_load %arg11[%swap3A_161, %swap3A_162] {strides = array<i32>} : memref<64x256xf32, #tpu.memory_space<vmem>>, vector<1x16xf32>,
        %swap3A_164 = vector.shape_cast %swap3A_163 : vector<1x16xf32> to vector<16xf32>
        %swap3A_165 = vector.shape_cast %sub3A_160 : vector<16xf32> to vector<1x16xf32>
        tpu.vector_store %arg11[%swap3A_161, %swap3A_162], %swap3A_165 {strides = array<i32>} : memref<64x256xf32, #tpu.memory_space<vmem>>, vector<1x16xf32>,
        %get3A_166 = arith.index_cast %scan3A_55 : i32 to index
        %get3A_167 = arith.constant 128 : index
        %get3A_168 = tpu.vector_load %arg11[%get3A_166, %get3A_167] {strides = array<i32>} : memref<64x256xf32, #tpu.memory_space<vmem>>, vector<1x16xf32>,
        %get3A_169 = vector.shape_cast %get3A_168 : vector<1x16xf32> to vector<16xf32>
        %get3A_170 = arith.index_cast %scan3A_55 : i32 to index
        %get3A_171 = arith.constant 128 : index
        %get3A_172 = tpu.vector_load %arg12[%get3A_170, %get3A_171] {strides = array<i32>} : memref<64x256xf32, #tpu.memory_space<vmem>>, vector<1x16xf32>,
        %get3A_173 = vector.shape_cast %get3A_172 : vector<1x16xf32> to vector<16xf32>
        %sub3A_174 = arith.subf %get3A_169, %get3A_173 : vector<16xf32>
        %swap3A_175 = arith.index_cast %scan3A_55 : i32 to index
        %swap3A_176 = arith.constant 128 : index
        %swap3A_177 = tpu.vector_load %arg11[%swap3A_175, %swap3A_176] {strides = array<i32>} : memref<64x256xf32, #tpu.memory_space<vmem>>, vector<1x16xf32>,
        %swap3A_178 = vector.shape_cast %swap3A_177 : vector<1x16xf32> to vector<16xf32>
        %swap3A_179 = vector.shape_cast %sub3A_174 : vector<16xf32> to vector<1x16xf32>
        tpu.vector_store %arg11[%swap3A_175, %swap3A_176], %swap3A_179 {strides = array<i32>} : memref<64x256xf32, #tpu.memory_space<vmem>>, vector<1x16xf32>,
        %get3A_180 = arith.index_cast %scan3A_55 : i32 to index
        %get3A_181 = arith.constant 144 : index
        %get3A_182 = tpu.vector_load %arg11[%get3A_180, %get3A_181] {strides = array<i32>} : memref<64x256xf32, #tpu.memory_space<vmem>>, vector<1x16xf32>,
        %get3A_183 = vector.shape_cast %get3A_182 : vector<1x16xf32> to vector<16xf32>
        %get3A_184 = arith.index_cast %scan3A_55 : i32 to index
        %get3A_185 = arith.constant 144 : index
        %get3A_186 = tpu.vector_load %arg12[%get3A_184, %get3A_185] {strides = array<i32>} : memref<64x256xf32, #tpu.memory_space<vmem>>, vector<1x16xf32>,
        %get3A_187 = vector.shape_cast %get3A_186 : vector<1x16xf32> to vector<16xf32>
        %sub3A_188 = arith.subf %get3A_183, %get3A_187 : vector<16xf32>
        %swap3A_189 = arith.index_cast %scan3A_55 : i32 to index
        %swap3A_190 = arith.constant 144 : index
        %swap3A_191 = tpu.vector_load %arg11[%swap3A_189, %swap3A_190] {strides = array<i32>} : memref<64x256xf32, #tpu.memory_space<vmem>>, vector<1x16xf32>,
        %swap3A_192 = vector.shape_cast %swap3A_191 : vector<1x16xf32> to vector<16xf32>
        %swap3A_193 = vector.shape_cast %sub3A_188 : vector<16xf32> to vector<1x16xf32>
        tpu.vector_store %arg11[%swap3A_189, %swap3A_190], %swap3A_193 {strides = array<i32>} : memref<64x256xf32, #tpu.memory_space<vmem>>, vector<1x16xf32>,
        %get3A_194 = arith.index_cast %scan3A_55 : i32 to index
        %get3A_195 = arith.constant 160 : index
        %get3A_196 = tpu.vector_load %arg11[%get3A_194, %get3A_195] {strides = array<i32>} : memref<64x256xf32, #tpu.memory_space<vmem>>, vector<1x16xf32>,
        %get3A_197 = vector.shape_cast %get3A_196 : vector<1x16xf32> to vector<16xf32>
        %get3A_198 = arith.index_cast %scan3A_55 : i32 to index
        %get3A_199 = arith.constant 160 : index
        %get3A_200 = tpu.vector_load %arg12[%get3A_198, %get3A_199] {strides = array<i32>} : memref<64x256xf32, #tpu.memory_space<vmem>>, vector<1x16xf32>,
        %get3A_201 = vector.shape_cast %get3A_200 : vector<1x16xf32> to vector<16xf32>
        %sub3A_202 = arith.subf %get3A_197, %get3A_201 : vector<16xf32>
        %swap3A_203 = arith.index_cast %scan3A_55 : i32 to index
        %swap3A_204 = arith.constant 160 : index
        %swap3A_205 = tpu.vector_load %arg11[%swap3A_203, %swap3A_204] {strides = array<i32>} : memref<64x256xf32, #tpu.memory_space<vmem>>, vector<1x16xf32>,
        %swap3A_206 = vector.shape_cast %swap3A_205 : vector<1x16xf32> to vector<16xf32>
        %swap3A_207 = vector.shape_cast %sub3A_202 : vector<16xf32> to vector<1x16xf32>
        tpu.vector_store %arg11[%swap3A_203, %swap3A_204], %swap3A_207 {strides = array<i32>} : memref<64x256xf32, #tpu.memory_space<vmem>>, vector<1x16xf32>,
        %get3A_208 = arith.index_cast %scan3A_55 : i32 to index
        %get3A_209 = arith.constant 176 : index
        %get3A_210 = tpu.vector_load %arg11[%get3A_208, %get3A_209] {strides = array<i32>} : memref<64x256xf32, #tpu.memory_space<vmem>>, vector<1x16xf32>,
        %get3A_211 = vector.shape_cast %get3A_210 : vector<1x16xf32> to vector<16xf32>
        %get3A_212 = arith.index_cast %scan3A_55 : i32 to index
        %get3A_213 = arith.constant 176 : index
        %get3A_214 = tpu.vector_load %arg12[%get3A_212, %get3A_213] {strides = array<i32>} : memref<64x256xf32, #tpu.memory_space<vmem>>, vector<1x16xf32>,
        %get3A_215 = vector.shape_cast %get3A_214 : vector<1x16xf32> to vector<16xf32>
        %sub3A_216 = arith.subf %get3A_211, %get3A_215 : vector<16xf32>
        %swap3A_217 = arith.index_cast %scan3A_55 : i32 to index
        %swap3A_218 = arith.constant 176 : index
        %swap3A_219 = tpu.vector_load %arg11[%swap3A_217, %swap3A_218] {strides = array<i32>} : memref<64x256xf32, #tpu.memory_space<vmem>>, vector<1x16xf32>,
        %swap3A_220 = vector.shape_cast %swap3A_219 : vector<1x16xf32> to vector<16xf32>
        %swap3A_221 = vector.shape_cast %sub3A_216 : vector<16xf32> to vector<1x16xf32>
        tpu.vector_store %arg11[%swap3A_217, %swap3A_218], %swap3A_221 {strides = array<i32>} : memref<64x256xf32, #tpu.memory_space<vmem>>, vector<1x16xf32>,
        %get3A_222 = arith.index_cast %scan3A_55 : i32 to index
        %get3A_223 = arith.constant 192 : index
        %get3A_224 = tpu.vector_load %arg11[%get3A_222, %get3A_223] {strides = array<i32>} : memref<64x256xf32, #tpu.memory_space<vmem>>, vector<1x16xf32>,
        %get3A_225 = vector.shape_cast %get3A_224 : vector<1x16xf32> to vector<16xf32>
        %get3A_226 = arith.index_cast %scan3A_55 : i32 to index
        %get3A_227 = arith.constant 192 : index
        %get3A_228 = tpu.vector_load %arg12[%get3A_226, %get3A_227] {strides = array<i32>} : memref<64x256xf32, #tpu.memory_space<vmem>>, vector<1x16xf32>,
        %get3A_229 = vector.shape_cast %get3A_228 : vector<1x16xf32> to vector<16xf32>
        %sub3A_230 = arith.subf %get3A_225, %get3A_229 : vector<16xf32>
        %swap3A_231 = arith.index_cast %scan3A_55 : i32 to index
        %swap3A_232 = arith.constant 192 : index
        %swap3A_233 = tpu.vector_load %arg11[%swap3A_231, %swap3A_232] {strides = array<i32>} : memref<64x256xf32, #tpu.memory_space<vmem>>, vector<1x16xf32>,
        %swap3A_234 = vector.shape_cast %swap3A_233 : vector<1x16xf32> to vector<16xf32>
        %swap3A_235 = vector.shape_cast %sub3A_230 : vector<16xf32> to vector<1x16xf32>
        tpu.vector_store %arg11[%swap3A_231, %swap3A_232], %swap3A_235 {strides = array<i32>} : memref<64x256xf32, #tpu.memory_space<vmem>>, vector<1x16xf32>,
        %get3A_236 = arith.index_cast %scan3A_55 : i32 to index
        %get3A_237 = arith.constant 208 : index
        %get3A_238 = tpu.vector_load %arg11[%get3A_236, %get3A_237] {strides = array<i32>} : memref<64x256xf32, #tpu.memory_space<vmem>>, vector<1x16xf32>,
        %get3A_239 = vector.shape_cast %get3A_238 : vector<1x16xf32> to vector<16xf32>
        %get3A_240 = arith.index_cast %scan3A_55 : i32 to index
        %get3A_241 = arith.constant 208 : index
        %get3A_242 = tpu.vector_load %arg12[%get3A_240, %get3A_241] {strides = array<i32>} : memref<64x256xf32, #tpu.memory_space<vmem>>, vector<1x16xf32>,
        %get3A_243 = vector.shape_cast %get3A_242 : vector<1x16xf32> to vector<16xf32>
        %sub3A_244 = arith.subf %get3A_239, %get3A_243 : vector<16xf32>
        %swap3A_245 = arith.index_cast %scan3A_55 : i32 to index
        %swap3A_246 = arith.constant 208 : index
        %swap3A_247 = tpu.vector_load %arg11[%swap3A_245, %swap3A_246] {strides = array<i32>} : memref<64x256xf32, #tpu.memory_space<vmem>>, vector<1x16xf32>,
        %swap3A_248 = vector.shape_cast %swap3A_247 : vector<1x16xf32> to vector<16xf32>
        %swap3A_249 = vector.shape_cast %sub3A_244 : vector<16xf32> to vector<1x16xf32>
        tpu.vector_store %arg11[%swap3A_245, %swap3A_246], %swap3A_249 {strides = array<i32>} : memref<64x256xf32, #tpu.memory_space<vmem>>, vector<1x16xf32>,
        %get3A_250 = arith.index_cast %scan3A_55 : i32 to index
        %get3A_251 = arith.constant 224 : index
        %get3A_252 = tpu.vector_load %arg11[%get3A_250, %get3A_251] {strides = array<i32>} : memref<64x256xf32, #tpu.memory_space<vmem>>, vector<1x16xf32>,
        %get3A_253 = vector.shape_cast %get3A_252 : vector<1x16xf32> to vector<16xf32>
        %get3A_254 = arith.index_cast %scan3A_55 : i32 to index
        %get3A_255 = arith.constant 224 : index
        %get3A_256 = tpu.vector_load %arg12[%get3A_254, %get3A_255] {strides = array<i32>} : memref<64x256xf32, #tpu.memory_space<vmem>>, vector<1x16xf32>,
        %get3A_257 = vector.shape_cast %get3A_256 : vector<1x16xf32> to vector<16xf32>
        %sub3A_258 = arith.subf %get3A_253, %get3A_257 : vector<16xf32>
        %swap3A_259 = arith.index_cast %scan3A_55 : i32 to index
        %swap3A_260 = arith.constant 224 : index
        %swap3A_261 = tpu.vector_load %arg11[%swap3A_259, %swap3A_260] {strides = array<i32>} : memref<64x256xf32, #tpu.memory_space<vmem>>, vector<1x16xf32>,
        %swap3A_262 = vector.shape_cast %swap3A_261 : vector<1x16xf32> to vector<16xf32>
        %swap3A_263 = vector.shape_cast %sub3A_258 : vector<16xf32> to vector<1x16xf32>
        tpu.vector_store %arg11[%swap3A_259, %swap3A_260], %swap3A_263 {strides = array<i32>} : memref<64x256xf32, #tpu.memory_space<vmem>>, vector<1x16xf32>,
        %get3A_264 = arith.index_cast %scan3A_55 : i32 to index
        %get3A_265 = arith.constant 240 : index
        %get3A_266 = tpu.vector_load %arg11[%get3A_264, %get3A_265] {strides = array<i32>} : memref<64x256xf32, #tpu.memory_space<vmem>>, vector<1x16xf32>,
        %get3A_267 = vector.shape_cast %get3A_266 : vector<1x16xf32> to vector<16xf32>
        %get3A_268 = arith.index_cast %scan3A_55 : i32 to index
        %get3A_269 = arith.constant 240 : index
        %get3A_270 = tpu.vector_load %arg12[%get3A_268, %get3A_269] {strides = array<i32>} : memref<64x256xf32, #tpu.memory_space<vmem>>, vector<1x16xf32>,
        %get3A_271 = vector.shape_cast %get3A_270 : vector<1x16xf32> to vector<16xf32>
        %sub3A_272 = arith.subf %get3A_267, %get3A_271 : vector<16xf32>
        %swap3A_273 = arith.index_cast %scan3A_55 : i32 to index
        %swap3A_274 = arith.constant 240 : index
        %swap3A_275 = tpu.vector_load %arg11[%swap3A_273, %swap3A_274] {strides = array<i32>} : memref<64x256xf32, #tpu.memory_space<vmem>>, vector<1x16xf32>,
        %swap3A_276 = vector.shape_cast %swap3A_275 : vector<1x16xf32> to vector<16xf32>
        %swap3A_277 = vector.shape_cast %sub3A_272 : vector<16xf32> to vector<1x16xf32>
        tpu.vector_store %arg11[%swap3A_273, %swap3A_274], %swap3A_277 {strides = array<i32>} : memref<64x256xf32, #tpu.memory_space<vmem>>, vector<1x16xf32>,
        %scan3A_278 = arith.constant 0 : i32
        scf.yield %scan3A_278 : i32
      }
      %scan3A_40 = arith.constant 64 : i32
      "tpu.region"() ({
        %run_scoped3A = tpu.sem_alloc : memref<!tpu.dma_semaphore, #tpu.memory_space<semaphore_mem>>
        %dma_start3A_55 = arith.constant 0 : i32
        %dma_start3A_56 = tpu.memref_slice %arg6[%add3A_15, %dma_start3A_55] : memref<331776x256xf32, #tpu.memory_space<hbm>> -> memref<64x256xf32, #tpu.memory_space<hbm>>
        %dma_start3A_57 = arith.constant 0 : i32
        %dma_start3A_58 = tpu.memref_slice %arg6[%add3A_15, %dma_start3A_57] : memref<331776x256xf32, #tpu.memory_space<hbm>> -> memref<64x256xf32, #tpu.memory_space<hbm>>
        tpu.enqueue_dma source(%arg11 : memref<64x256xf32, #tpu.memory_space<vmem>>) target(%dma_start3A_58 : memref<64x256xf32, #tpu.memory_space<hbm>>) target_semaphore(%run_scoped3A : memref<!tpu.dma_semaphore, #tpu.memory_space<semaphore_mem>>)
        %dma_wait3A_59 = arith.constant 0 : i32
        %dma_wait3A_60 = tpu.memref_slice %arg6[%add3A_15, %dma_wait3A_59] : memref<331776x256xf32, #tpu.memory_space<hbm>> -> memref<64x256xf32, #tpu.memory_space<hbm>>
        %dma_wait3A_61 = arith.constant 0 : i32
        %dma_wait3A_62 = tpu.memref_slice %arg6[%add3A_15, %dma_wait3A_61] : memref<331776x256xf32, #tpu.memory_space<hbm>> -> memref<64x256xf32, #tpu.memory_space<hbm>>
        tpu.wait_dma2 semaphore(%run_scoped3A : memref<!tpu.dma_semaphore, #tpu.memory_space<semaphore_mem>>) src(%arg11 : memref<64x256xf32, #tpu.memory_space<vmem>>) dst(%dma_wait3A_62 : memref<64x256xf32, #tpu.memory_space<hbm>>)
        tpu.yield
      }) : () -> ()
      %dma_wait3A_41 = arith.constant 0 : i32
      %dma_wait3A_42 = arith.constant 0 : i32
      %dma_wait3A_43 = tpu.memref_slice %arg2[%dma_wait3A_41, %dma_wait3A_42] : memref<10240x256xf32, #tpu.memory_space<hbm>> -> memref<10240x256xf32, #tpu.memory_space<hbm>>
      tpu.wait_indirect_dma semaphore(%arg17 : memref<!tpu.dma_semaphore, #tpu.memory_space<semaphore_mem>>) src(%dma_wait3A_43 : memref<10240x256xf32, #tpu.memory_space<hbm>>) dst(%arg13 : memref<64x256xf32, #tpu.memory_space<vmem>>)
      %dma_wait3A_44 = arith.constant 0 : i32
      %dma_wait3A_45 = arith.constant 0 : i32
      %dma_wait3A_46 = tpu.memref_slice %arg3[%dma_wait3A_44, %dma_wait3A_45] : memref<10240x256xf32, #tpu.memory_space<hbm>> -> memref<10240x256xf32, #tpu.memory_space<hbm>>
      tpu.wait_indirect_dma semaphore(%arg18 : memref<!tpu.dma_semaphore, #tpu.memory_space<semaphore_mem>>) src(%dma_wait3A_46 : memref<10240x256xf32, #tpu.memory_space<hbm>>) dst(%arg14 : memref<64x256xf32, #tpu.memory_space<vmem>>)
      %scan3A_47 = arith.constant 0 : i32
      %scan3A_48 = arith.constant 0 : i32
      %scan3A_49 = arith.constant 64 : i32
      %scan3A_50 = arith.addi %scan3A_48, %scan3A_49 : i32
      %scan3A_51 = arith.constant 1 : i32
      %scan3A_52 = scf.for %scan3A_55 = %scan3A_48 to %scan3A_50 step %scan3A_51 iter_args(%scan3A_56 = %scan3A_47) -> (i32)  : i32 {
        %get3A = arith.index_cast %scan3A_55 : i32 to index
        %get3A_57 = arith.constant 0 : index
        %get3A_58 = tpu.vector_load %arg13[%get3A, %get3A_57] {strides = array<i32>} : memref<64x256xf32, #tpu.memory_space<vmem>>, vector<1x16xf32>,
        %get3A_59 = vector.shape_cast %get3A_58 : vector<1x16xf32> to vector<16xf32>
        %get3A_60 = arith.index_cast %scan3A_55 : i32 to index
        %get3A_61 = arith.constant 0 : index
        %get3A_62 = tpu.vector_load %arg14[%get3A_60, %get3A_61] {strides = array<i32>} : memref<64x256xf32, #tpu.memory_space<vmem>>, vector<1x16xf32>,
        %get3A_63 = vector.shape_cast %get3A_62 : vector<1x16xf32> to vector<16xf32>
        %sub3A = arith.subf %get3A_59, %get3A_63 : vector<16xf32>
        %swap3A = arith.index_cast %scan3A_55 : i32 to index
        %swap3A_64 = arith.constant 0 : index
        %swap3A_65 = tpu.vector_load %arg13[%swap3A, %swap3A_64] {strides = array<i32>} : memref<64x256xf32, #tpu.memory_space<vmem>>, vector<1x16xf32>,
        %swap3A_66 = vector.shape_cast %swap3A_65 : vector<1x16xf32> to vector<16xf32>
        %swap3A_67 = vector.shape_cast %sub3A : vector<16xf32> to vector<1x16xf32>
        tpu.vector_store %arg13[%swap3A, %swap3A_64], %swap3A_67 {strides = array<i32>} : memref<64x256xf32, #tpu.memory_space<vmem>>, vector<1x16xf32>,
        %get3A_68 = arith.index_cast %scan3A_55 : i32 to index
        %get3A_69 = arith.constant 16 : index
        %get3A_70 = tpu.vector_load %arg13[%get3A_68, %get3A_69] {strides = array<i32>} : memref<64x256xf32, #tpu.memory_space<vmem>>, vector<1x16xf32>,
        %get3A_71 = vector.shape_cast %get3A_70 : vector<1x16xf32> to vector<16xf32>
        %get3A_72 = arith.index_cast %scan3A_55 : i32 to index
        %get3A_73 = arith.constant 16 : index
        %get3A_74 = tpu.vector_load %arg14[%get3A_72, %get3A_73] {strides = array<i32>} : memref<64x256xf32, #tpu.memory_space<vmem>>, vector<1x16xf32>,
        %get3A_75 = vector.shape_cast %get3A_74 : vector<1x16xf32> to vector<16xf32>
        %sub3A_76 = arith.subf %get3A_71, %get3A_75 : vector<16xf32>
        %swap3A_77 = arith.index_cast %scan3A_55 : i32 to index
        %swap3A_78 = arith.constant 16 : index
        %swap3A_79 = tpu.vector_load %arg13[%swap3A_77, %swap3A_78] {strides = array<i32>} : memref<64x256xf32, #tpu.memory_space<vmem>>, vector<1x16xf32>,
        %swap3A_80 = vector.shape_cast %swap3A_79 : vector<1x16xf32> to vector<16xf32>
        %swap3A_81 = vector.shape_cast %sub3A_76 : vector<16xf32> to vector<1x16xf32>
        tpu.vector_store %arg13[%swap3A_77, %swap3A_78], %swap3A_81 {strides = array<i32>} : memref<64x256xf32, #tpu.memory_space<vmem>>, vector<1x16xf32>,
        %get3A_82 = arith.index_cast %scan3A_55 : i32 to index
        %get3A_83 = arith.constant 32 : index
        %get3A_84 = tpu.vector_load %arg13[%get3A_82, %get3A_83] {strides = array<i32>} : memref<64x256xf32, #tpu.memory_space<vmem>>, vector<1x16xf32>,
        %get3A_85 = vector.shape_cast %get3A_84 : vector<1x16xf32> to vector<16xf32>
        %get3A_86 = arith.index_cast %scan3A_55 : i32 to index
        %get3A_87 = arith.constant 32 : index
        %get3A_88 = tpu.vector_load %arg14[%get3A_86, %get3A_87] {strides = array<i32>} : memref<64x256xf32, #tpu.memory_space<vmem>>, vector<1x16xf32>,
        %get3A_89 = vector.shape_cast %get3A_88 : vector<1x16xf32> to vector<16xf32>
        %sub3A_90 = arith.subf %get3A_85, %get3A_89 : vector<16xf32>
        %swap3A_91 = arith.index_cast %scan3A_55 : i32 to index
        %swap3A_92 = arith.constant 32 : index
        %swap3A_93 = tpu.vector_load %arg13[%swap3A_91, %swap3A_92] {strides = array<i32>} : memref<64x256xf32, #tpu.memory_space<vmem>>, vector<1x16xf32>,
        %swap3A_94 = vector.shape_cast %swap3A_93 : vector<1x16xf32> to vector<16xf32>
        %swap3A_95 = vector.shape_cast %sub3A_90 : vector<16xf32> to vector<1x16xf32>
        tpu.vector_store %arg13[%swap3A_91, %swap3A_92], %swap3A_95 {strides = array<i32>} : memref<64x256xf32, #tpu.memory_space<vmem>>, vector<1x16xf32>,
        %get3A_96 = arith.index_cast %scan3A_55 : i32 to index
        %get3A_97 = arith.constant 48 : index
        %get3A_98 = tpu.vector_load %arg13[%get3A_96, %get3A_97] {strides = array<i32>} : memref<64x256xf32, #tpu.memory_space<vmem>>, vector<1x16xf32>,
        %get3A_99 = vector.shape_cast %get3A_98 : vector<1x16xf32> to vector<16xf32>
        %get3A_100 = arith.index_cast %scan3A_55 : i32 to index
        %get3A_101 = arith.constant 48 : index
        %get3A_102 = tpu.vector_load %arg14[%get3A_100, %get3A_101] {strides = array<i32>} : memref<64x256xf32, #tpu.memory_space<vmem>>, vector<1x16xf32>,
        %get3A_103 = vector.shape_cast %get3A_102 : vector<1x16xf32> to vector<16xf32>
        %sub3A_104 = arith.subf %get3A_99, %get3A_103 : vector<16xf32>
        %swap3A_105 = arith.index_cast %scan3A_55 : i32 to index
        %swap3A_106 = arith.constant 48 : index
        %swap3A_107 = tpu.vector_load %arg13[%swap3A_105, %swap3A_106] {strides = array<i32>} : memref<64x256xf32, #tpu.memory_space<vmem>>, vector<1x16xf32>,
        %swap3A_108 = vector.shape_cast %swap3A_107 : vector<1x16xf32> to vector<16xf32>
        %swap3A_109 = vector.shape_cast %sub3A_104 : vector<16xf32> to vector<1x16xf32>
        tpu.vector_store %arg13[%swap3A_105, %swap3A_106], %swap3A_109 {strides = array<i32>} : memref<64x256xf32, #tpu.memory_space<vmem>>, vector<1x16xf32>,
        %get3A_110 = arith.index_cast %scan3A_55 : i32 to index
        %get3A_111 = arith.constant 64 : index
        %get3A_112 = tpu.vector_load %arg13[%get3A_110, %get3A_111] {strides = array<i32>} : memref<64x256xf32, #tpu.memory_space<vmem>>, vector<1x16xf32>,
        %get3A_113 = vector.shape_cast %get3A_112 : vector<1x16xf32> to vector<16xf32>
        %get3A_114 = arith.index_cast %scan3A_55 : i32 to index
        %get3A_115 = arith.constant 64 : index
        %get3A_116 = tpu.vector_load %arg14[%get3A_114, %get3A_115] {strides = array<i32>} : memref<64x256xf32, #tpu.memory_space<vmem>>, vector<1x16xf32>,
        %get3A_117 = vector.shape_cast %get3A_116 : vector<1x16xf32> to vector<16xf32>
        %sub3A_118 = arith.subf %get3A_113, %get3A_117 : vector<16xf32>
        %swap3A_119 = arith.index_cast %scan3A_55 : i32 to index
        %swap3A_120 = arith.constant 64 : index
        %swap3A_121 = tpu.vector_load %arg13[%swap3A_119, %swap3A_120] {strides = array<i32>} : memref<64x256xf32, #tpu.memory_space<vmem>>, vector<1x16xf32>,
        %swap3A_122 = vector.shape_cast %swap3A_121 : vector<1x16xf32> to vector<16xf32>
        %swap3A_123 = vector.shape_cast %sub3A_118 : vector<16xf32> to vector<1x16xf32>
        tpu.vector_store %arg13[%swap3A_119, %swap3A_120], %swap3A_123 {strides = array<i32>} : memref<64x256xf32, #tpu.memory_space<vmem>>, vector<1x16xf32>,
        %get3A_124 = arith.index_cast %scan3A_55 : i32 to index
        %get3A_125 = arith.constant 80 : index
        %get3A_126 = tpu.vector_load %arg13[%get3A_124, %get3A_125] {strides = array<i32>} : memref<64x256xf32, #tpu.memory_space<vmem>>, vector<1x16xf32>,
        %get3A_127 = vector.shape_cast %get3A_126 : vector<1x16xf32> to vector<16xf32>
        %get3A_128 = arith.index_cast %scan3A_55 : i32 to index
        %get3A_129 = arith.constant 80 : index
        %get3A_130 = tpu.vector_load %arg14[%get3A_128, %get3A_129] {strides = array<i32>} : memref<64x256xf32, #tpu.memory_space<vmem>>, vector<1x16xf32>,
        %get3A_131 = vector.shape_cast %get3A_130 : vector<1x16xf32> to vector<16xf32>
        %sub3A_132 = arith.subf %get3A_127, %get3A_131 : vector<16xf32>
        %swap3A_133 = arith.index_cast %scan3A_55 : i32 to index
        %swap3A_134 = arith.constant 80 : index
        %swap3A_135 = tpu.vector_load %arg13[%swap3A_133, %swap3A_134] {strides = array<i32>} : memref<64x256xf32, #tpu.memory_space<vmem>>, vector<1x16xf32>,
        %swap3A_136 = vector.shape_cast %swap3A_135 : vector<1x16xf32> to vector<16xf32>
        %swap3A_137 = vector.shape_cast %sub3A_132 : vector<16xf32> to vector<1x16xf32>
        tpu.vector_store %arg13[%swap3A_133, %swap3A_134], %swap3A_137 {strides = array<i32>} : memref<64x256xf32, #tpu.memory_space<vmem>>, vector<1x16xf32>,
        %get3A_138 = arith.index_cast %scan3A_55 : i32 to index
        %get3A_139 = arith.constant 96 : index
        %get3A_140 = tpu.vector_load %arg13[%get3A_138, %get3A_139] {strides = array<i32>} : memref<64x256xf32, #tpu.memory_space<vmem>>, vector<1x16xf32>,
        %get3A_141 = vector.shape_cast %get3A_140 : vector<1x16xf32> to vector<16xf32>
        %get3A_142 = arith.index_cast %scan3A_55 : i32 to index
        %get3A_143 = arith.constant 96 : index
        %get3A_144 = tpu.vector_load %arg14[%get3A_142, %get3A_143] {strides = array<i32>} : memref<64x256xf32, #tpu.memory_space<vmem>>, vector<1x16xf32>,
        %get3A_145 = vector.shape_cast %get3A_144 : vector<1x16xf32> to vector<16xf32>
        %sub3A_146 = arith.subf %get3A_141, %get3A_145 : vector<16xf32>
        %swap3A_147 = arith.index_cast %scan3A_55 : i32 to index
        %swap3A_148 = arith.constant 96 : index
        %swap3A_149 = tpu.vector_load %arg13[%swap3A_147, %swap3A_148] {strides = array<i32>} : memref<64x256xf32, #tpu.memory_space<vmem>>, vector<1x16xf32>,
        %swap3A_150 = vector.shape_cast %swap3A_149 : vector<1x16xf32> to vector<16xf32>
        %swap3A_151 = vector.shape_cast %sub3A_146 : vector<16xf32> to vector<1x16xf32>
        tpu.vector_store %arg13[%swap3A_147, %swap3A_148], %swap3A_151 {strides = array<i32>} : memref<64x256xf32, #tpu.memory_space<vmem>>, vector<1x16xf32>,
        %get3A_152 = arith.index_cast %scan3A_55 : i32 to index
        %get3A_153 = arith.constant 112 : index
        %get3A_154 = tpu.vector_load %arg13[%get3A_152, %get3A_153] {strides = array<i32>} : memref<64x256xf32, #tpu.memory_space<vmem>>, vector<1x16xf32>,
        %get3A_155 = vector.shape_cast %get3A_154 : vector<1x16xf32> to vector<16xf32>
        %get3A_156 = arith.index_cast %scan3A_55 : i32 to index
        %get3A_157 = arith.constant 112 : index
        %get3A_158 = tpu.vector_load %arg14[%get3A_156, %get3A_157] {strides = array<i32>} : memref<64x256xf32, #tpu.memory_space<vmem>>, vector<1x16xf32>,
        %get3A_159 = vector.shape_cast %get3A_158 : vector<1x16xf32> to vector<16xf32>
        %sub3A_160 = arith.subf %get3A_155, %get3A_159 : vector<16xf32>
        %swap3A_161 = arith.index_cast %scan3A_55 : i32 to index
        %swap3A_162 = arith.constant 112 : index
        %swap3A_163 = tpu.vector_load %arg13[%swap3A_161, %swap3A_162] {strides = array<i32>} : memref<64x256xf32, #tpu.memory_space<vmem>>, vector<1x16xf32>,
        %swap3A_164 = vector.shape_cast %swap3A_163 : vector<1x16xf32> to vector<16xf32>
        %swap3A_165 = vector.shape_cast %sub3A_160 : vector<16xf32> to vector<1x16xf32>
        tpu.vector_store %arg13[%swap3A_161, %swap3A_162], %swap3A_165 {strides = array<i32>} : memref<64x256xf32, #tpu.memory_space<vmem>>, vector<1x16xf32>,
        %get3A_166 = arith.index_cast %scan3A_55 : i32 to index
        %get3A_167 = arith.constant 128 : index
        %get3A_168 = tpu.vector_load %arg13[%get3A_166, %get3A_167] {strides = array<i32>} : memref<64x256xf32, #tpu.memory_space<vmem>>, vector<1x16xf32>,
        %get3A_169 = vector.shape_cast %get3A_168 : vector<1x16xf32> to vector<16xf32>
        %get3A_170 = arith.index_cast %scan3A_55 : i32 to index
        %get3A_171 = arith.constant 128 : index
        %get3A_172 = tpu.vector_load %arg14[%get3A_170, %get3A_171] {strides = array<i32>} : memref<64x256xf32, #tpu.memory_space<vmem>>, vector<1x16xf32>,
        %get3A_173 = vector.shape_cast %get3A_172 : vector<1x16xf32> to vector<16xf32>
        %sub3A_174 = arith.subf %get3A_169, %get3A_173 : vector<16xf32>
        %swap3A_175 = arith.index_cast %scan3A_55 : i32 to index
        %swap3A_176 = arith.constant 128 : index
        %swap3A_177 = tpu.vector_load %arg13[%swap3A_175, %swap3A_176] {strides = array<i32>} : memref<64x256xf32, #tpu.memory_space<vmem>>, vector<1x16xf32>,
        %swap3A_178 = vector.shape_cast %swap3A_177 : vector<1x16xf32> to vector<16xf32>
        %swap3A_179 = vector.shape_cast %sub3A_174 : vector<16xf32> to vector<1x16xf32>
        tpu.vector_store %arg13[%swap3A_175, %swap3A_176], %swap3A_179 {strides = array<i32>} : memref<64x256xf32, #tpu.memory_space<vmem>>, vector<1x16xf32>,
        %get3A_180 = arith.index_cast %scan3A_55 : i32 to index
        %get3A_181 = arith.constant 144 : index
        %get3A_182 = tpu.vector_load %arg13[%get3A_180, %get3A_181] {strides = array<i32>} : memref<64x256xf32, #tpu.memory_space<vmem>>, vector<1x16xf32>,
        %get3A_183 = vector.shape_cast %get3A_182 : vector<1x16xf32> to vector<16xf32>
        %get3A_184 = arith.index_cast %scan3A_55 : i32 to index
        %get3A_185 = arith.constant 144 : index
        %get3A_186 = tpu.vector_load %arg14[%get3A_184, %get3A_185] {strides = array<i32>} : memref<64x256xf32, #tpu.memory_space<vmem>>, vector<1x16xf32>,
        %get3A_187 = vector.shape_cast %get3A_186 : vector<1x16xf32> to vector<16xf32>
        %sub3A_188 = arith.subf %get3A_183, %get3A_187 : vector<16xf32>
        %swap3A_189 = arith.index_cast %scan3A_55 : i32 to index
        %swap3A_190 = arith.constant 144 : index
        %swap3A_191 = tpu.vector_load %arg13[%swap3A_189, %swap3A_190] {strides = array<i32>} : memref<64x256xf32, #tpu.memory_space<vmem>>, vector<1x16xf32>,
        %swap3A_192 = vector.shape_cast %swap3A_191 : vector<1x16xf32> to vector<16xf32>
        %swap3A_193 = vector.shape_cast %sub3A_188 : vector<16xf32> to vector<1x16xf32>
        tpu.vector_store %arg13[%swap3A_189, %swap3A_190], %swap3A_193 {strides = array<i32>} : memref<64x256xf32, #tpu.memory_space<vmem>>, vector<1x16xf32>,
        %get3A_194 = arith.index_cast %scan3A_55 : i32 to index
        %get3A_195 = arith.constant 160 : index
        %get3A_196 = tpu.vector_load %arg13[%get3A_194, %get3A_195] {strides = array<i32>} : memref<64x256xf32, #tpu.memory_space<vmem>>, vector<1x16xf32>,
        %get3A_197 = vector.shape_cast %get3A_196 : vector<1x16xf32> to vector<16xf32>
        %get3A_198 = arith.index_cast %scan3A_55 : i32 to index
        %get3A_199 = arith.constant 160 : index
        %get3A_200 = tpu.vector_load %arg14[%get3A_198, %get3A_199] {strides = array<i32>} : memref<64x256xf32, #tpu.memory_space<vmem>>, vector<1x16xf32>,
        %get3A_201 = vector.shape_cast %get3A_200 : vector<1x16xf32> to vector<16xf32>
        %sub3A_202 = arith.subf %get3A_197, %get3A_201 : vector<16xf32>
        %swap3A_203 = arith.index_cast %scan3A_55 : i32 to index
        %swap3A_204 = arith.constant 160 : index
        %swap3A_205 = tpu.vector_load %arg13[%swap3A_203, %swap3A_204] {strides = array<i32>} : memref<64x256xf32, #tpu.memory_space<vmem>>, vector<1x16xf32>,
        %swap3A_206 = vector.shape_cast %swap3A_205 : vector<1x16xf32> to vector<16xf32>
        %swap3A_207 = vector.shape_cast %sub3A_202 : vector<16xf32> to vector<1x16xf32>
        tpu.vector_store %arg13[%swap3A_203, %swap3A_204], %swap3A_207 {strides = array<i32>} : memref<64x256xf32, #tpu.memory_space<vmem>>, vector<1x16xf32>,
        %get3A_208 = arith.index_cast %scan3A_55 : i32 to index
        %get3A_209 = arith.constant 176 : index
        %get3A_210 = tpu.vector_load %arg13[%get3A_208, %get3A_209] {strides = array<i32>} : memref<64x256xf32, #tpu.memory_space<vmem>>, vector<1x16xf32>,
        %get3A_211 = vector.shape_cast %get3A_210 : vector<1x16xf32> to vector<16xf32>
        %get3A_212 = arith.index_cast %scan3A_55 : i32 to index
        %get3A_213 = arith.constant 176 : index
        %get3A_214 = tpu.vector_load %arg14[%get3A_212, %get3A_213] {strides = array<i32>} : memref<64x256xf32, #tpu.memory_space<vmem>>, vector<1x16xf32>,
        %get3A_215 = vector.shape_cast %get3A_214 : vector<1x16xf32> to vector<16xf32>
        %sub3A_216 = arith.subf %get3A_211, %get3A_215 : vector<16xf32>
        %swap3A_217 = arith.index_cast %scan3A_55 : i32 to index
        %swap3A_218 = arith.constant 176 : index
        %swap3A_219 = tpu.vector_load %arg13[%swap3A_217, %swap3A_218] {strides = array<i32>} : memref<64x256xf32, #tpu.memory_space<vmem>>, vector<1x16xf32>,
        %swap3A_220 = vector.shape_cast %swap3A_219 : vector<1x16xf32> to vector<16xf32>
        %swap3A_221 = vector.shape_cast %sub3A_216 : vector<16xf32> to vector<1x16xf32>
        tpu.vector_store %arg13[%swap3A_217, %swap3A_218], %swap3A_221 {strides = array<i32>} : memref<64x256xf32, #tpu.memory_space<vmem>>, vector<1x16xf32>,
        %get3A_222 = arith.index_cast %scan3A_55 : i32 to index
        %get3A_223 = arith.constant 192 : index
        %get3A_224 = tpu.vector_load %arg13[%get3A_222, %get3A_223] {strides = array<i32>} : memref<64x256xf32, #tpu.memory_space<vmem>>, vector<1x16xf32>,
        %get3A_225 = vector.shape_cast %get3A_224 : vector<1x16xf32> to vector<16xf32>
        %get3A_226 = arith.index_cast %scan3A_55 : i32 to index
        %get3A_227 = arith.constant 192 : index
        %get3A_228 = tpu.vector_load %arg14[%get3A_226, %get3A_227] {strides = array<i32>} : memref<64x256xf32, #tpu.memory_space<vmem>>, vector<1x16xf32>,
        %get3A_229 = vector.shape_cast %get3A_228 : vector<1x16xf32> to vector<16xf32>
        %sub3A_230 = arith.subf %get3A_225, %get3A_229 : vector<16xf32>
        %swap3A_231 = arith.index_cast %scan3A_55 : i32 to index
        %swap3A_232 = arith.constant 192 : index
        %swap3A_233 = tpu.vector_load %arg13[%swap3A_231, %swap3A_232] {strides = array<i32>} : memref<64x256xf32, #tpu.memory_space<vmem>>, vector<1x16xf32>,
        %swap3A_234 = vector.shape_cast %swap3A_233 : vector<1x16xf32> to vector<16xf32>
        %swap3A_235 = vector.shape_cast %sub3A_230 : vector<16xf32> to vector<1x16xf32>
        tpu.vector_store %arg13[%swap3A_231, %swap3A_232], %swap3A_235 {strides = array<i32>} : memref<64x256xf32, #tpu.memory_space<vmem>>, vector<1x16xf32>,
        %get3A_236 = arith.index_cast %scan3A_55 : i32 to index
        %get3A_237 = arith.constant 208 : index
        %get3A_238 = tpu.vector_load %arg13[%get3A_236, %get3A_237] {strides = array<i32>} : memref<64x256xf32, #tpu.memory_space<vmem>>, vector<1x16xf32>,
        %get3A_239 = vector.shape_cast %get3A_238 : vector<1x16xf32> to vector<16xf32>
        %get3A_240 = arith.index_cast %scan3A_55 : i32 to index
        %get3A_241 = arith.constant 208 : index
        %get3A_242 = tpu.vector_load %arg14[%get3A_240, %get3A_241] {strides = array<i32>} : memref<64x256xf32, #tpu.memory_space<vmem>>, vector<1x16xf32>,
        %get3A_243 = vector.shape_cast %get3A_242 : vector<1x16xf32> to vector<16xf32>
        %sub3A_244 = arith.subf %get3A_239, %get3A_243 : vector<16xf32>
        %swap3A_245 = arith.index_cast %scan3A_55 : i32 to index
        %swap3A_246 = arith.constant 208 : index
        %swap3A_247 = tpu.vector_load %arg13[%swap3A_245, %swap3A_246] {strides = array<i32>} : memref<64x256xf32, #tpu.memory_space<vmem>>, vector<1x16xf32>,
        %swap3A_248 = vector.shape_cast %swap3A_247 : vector<1x16xf32> to vector<16xf32>
        %swap3A_249 = vector.shape_cast %sub3A_244 : vector<16xf32> to vector<1x16xf32>
        tpu.vector_store %arg13[%swap3A_245, %swap3A_246], %swap3A_249 {strides = array<i32>} : memref<64x256xf32, #tpu.memory_space<vmem>>, vector<1x16xf32>,
        %get3A_250 = arith.index_cast %scan3A_55 : i32 to index
        %get3A_251 = arith.constant 224 : index
        %get3A_252 = tpu.vector_load %arg13[%get3A_250, %get3A_251] {strides = array<i32>} : memref<64x256xf32, #tpu.memory_space<vmem>>, vector<1x16xf32>,
        %get3A_253 = vector.shape_cast %get3A_252 : vector<1x16xf32> to vector<16xf32>
        %get3A_254 = arith.index_cast %scan3A_55 : i32 to index
        %get3A_255 = arith.constant 224 : index
        %get3A_256 = tpu.vector_load %arg14[%get3A_254, %get3A_255] {strides = array<i32>} : memref<64x256xf32, #tpu.memory_space<vmem>>, vector<1x16xf32>,
        %get3A_257 = vector.shape_cast %get3A_256 : vector<1x16xf32> to vector<16xf32>
        %sub3A_258 = arith.subf %get3A_253, %get3A_257 : vector<16xf32>
        %swap3A_259 = arith.index_cast %scan3A_55 : i32 to index
        %swap3A_260 = arith.constant 224 : index
        %swap3A_261 = tpu.vector_load %arg13[%swap3A_259, %swap3A_260] {strides = array<i32>} : memref<64x256xf32, #tpu.memory_space<vmem>>, vector<1x16xf32>,
        %swap3A_262 = vector.shape_cast %swap3A_261 : vector<1x16xf32> to vector<16xf32>
        %swap3A_263 = vector.shape_cast %sub3A_258 : vector<16xf32> to vector<1x16xf32>
        tpu.vector_store %arg13[%swap3A_259, %swap3A_260], %swap3A_263 {strides = array<i32>} : memref<64x256xf32, #tpu.memory_space<vmem>>, vector<1x16xf32>,
        %get3A_264 = arith.index_cast %scan3A_55 : i32 to index
        %get3A_265 = arith.constant 240 : index
        %get3A_266 = tpu.vector_load %arg13[%get3A_264, %get3A_265] {strides = array<i32>} : memref<64x256xf32, #tpu.memory_space<vmem>>, vector<1x16xf32>,
        %get3A_267 = vector.shape_cast %get3A_266 : vector<1x16xf32> to vector<16xf32>
        %get3A_268 = arith.index_cast %scan3A_55 : i32 to index
        %get3A_269 = arith.constant 240 : index
        %get3A_270 = tpu.vector_load %arg14[%get3A_268, %get3A_269] {strides = array<i32>} : memref<64x256xf32, #tpu.memory_space<vmem>>, vector<1x16xf32>,
        %get3A_271 = vector.shape_cast %get3A_270 : vector<1x16xf32> to vector<16xf32>
        %sub3A_272 = arith.subf %get3A_267, %get3A_271 : vector<16xf32>
        %swap3A_273 = arith.index_cast %scan3A_55 : i32 to index
        %swap3A_274 = arith.constant 240 : index
        %swap3A_275 = tpu.vector_load %arg13[%swap3A_273, %swap3A_274] {strides = array<i32>} : memref<64x256xf32, #tpu.memory_space<vmem>>, vector<1x16xf32>,
        %swap3A_276 = vector.shape_cast %swap3A_275 : vector<1x16xf32> to vector<16xf32>
        %swap3A_277 = vector.shape_cast %sub3A_272 : vector<16xf32> to vector<1x16xf32>
        tpu.vector_store %arg13[%swap3A_273, %swap3A_274], %swap3A_277 {strides = array<i32>} : memref<64x256xf32, #tpu.memory_space<vmem>>, vector<1x16xf32>,
        %scan3A_278 = arith.constant 0 : i32
        scf.yield %scan3A_278 : i32
      }
      %scan3A_53 = arith.constant 64 : i32
      "tpu.region"() ({
        %run_scoped3A = tpu.sem_alloc : memref<!tpu.dma_semaphore, #tpu.memory_space<semaphore_mem>>
        %dma_start3A_55 = arith.constant 0 : i32
        %dma_start3A_56 = tpu.memref_slice %arg6[%add3A_17, %dma_start3A_55] : memref<331776x256xf32, #tpu.memory_space<hbm>> -> memref<64x256xf32, #tpu.memory_space<hbm>>
        %dma_start3A_57 = arith.constant 0 : i32
        %dma_start3A_58 = tpu.memref_slice %arg6[%add3A_17, %dma_start3A_57] : memref<331776x256xf32, #tpu.memory_space<hbm>> -> memref<64x256xf32, #tpu.memory_space<hbm>>
        tpu.enqueue_dma source(%arg13 : memref<64x256xf32, #tpu.memory_space<vmem>>) target(%dma_start3A_58 : memref<64x256xf32, #tpu.memory_space<hbm>>) target_semaphore(%run_scoped3A : memref<!tpu.dma_semaphore, #tpu.memory_space<semaphore_mem>>)
        %dma_wait3A_59 = arith.constant 0 : i32
        %dma_wait3A_60 = tpu.memref_slice %arg6[%add3A_17, %dma_wait3A_59] : memref<331776x256xf32, #tpu.memory_space<hbm>> -> memref<64x256xf32, #tpu.memory_space<hbm>>
        %dma_wait3A_61 = arith.constant 0 : i32
        %dma_wait3A_62 = tpu.memref_slice %arg6[%add3A_17, %dma_wait3A_61] : memref<331776x256xf32, #tpu.memory_space<hbm>> -> memref<64x256xf32, #tpu.memory_space<hbm>>
        tpu.wait_dma2 semaphore(%run_scoped3A : memref<!tpu.dma_semaphore, #tpu.memory_space<semaphore_mem>>) src(%arg13 : memref<64x256xf32, #tpu.memory_space<vmem>>) dst(%dma_wait3A_62 : memref<64x256xf32, #tpu.memory_space<hbm>>)
        tpu.yield
      }) : () -> ()
      %scan3A_54 = arith.constant 0 : i32
      scf.yield %scan3A_54 : i32
    }
    %scan3A_8 = arith.constant 81 : i32
    return
  }
}

#map = affine_map<(d0, d1) -> (0, 0)>
#map1 = affine_map<(d0, d1) -> (0)>
module attributes {stable_mosaic.version = 14 : i64} {
  func.func @k(%arg0: i32, %arg1: i32, %arg2: memref<10240x128xf32, #tpu.memory_space<hbm>>, %arg3: memref<331776xi32, #tpu.memory_space<hbm>>, %arg4: memref<331776x128xf32, #tpu.memory_space<hbm>>, %arg5: memref<128xi32, #tpu.memory_space<vmem>>, %arg6: memref<128xi32, #tpu.memory_space<vmem>>, %arg7: memref<128x128xf32, #tpu.memory_space<vmem>>, %arg8: memref<128x128xf32, #tpu.memory_space<vmem>>, %arg9: memref<!tpu.dma_semaphore, #tpu.memory_space<semaphore_mem>>, %arg10: memref<!tpu.dma_semaphore, #tpu.memory_space<semaphore_mem>>) attributes {dimension_semantics = [#tpu.dimension_semantics<core_parallel>, #tpu.dimension_semantics<subcore_parallel>], iteration_bounds = array<i64: 2, 16>, scalar_prefetch = 0 : i64, scratch_operands = 6 : i64, tpu.core_type = #tpu.core_type<sc_vector_subcore>, window_params = [{transform_indices = #map}, {transform_indices = #map1}, {transform_indices = #map}]} {
    %mul3A = arith.constant 2 : i32
    %mul3A_0 = arith.muli %arg1, %mul3A : i32
    %add3A = arith.addi %mul3A_0, %arg0 : i32
    %mul3A_1 = arith.constant 10368 : i32
    %mul3A_2 = arith.muli %add3A, %mul3A_1 : i32
    "tpu.region"() ({
      %run_scoped3A = tpu.sem_alloc : memref<!tpu.dma_semaphore, #tpu.memory_space<semaphore_mem>>
      %dma_start3A_13 = tpu.memref_slice %arg3[%mul3A_2] : memref<331776xi32, #tpu.memory_space<hbm>> -> memref<128xi32, #tpu.memory_space<hbm>>
      %dma_start3A_14 = tpu.memref_slice %arg3[%mul3A_2] : memref<331776xi32, #tpu.memory_space<hbm>> -> memref<128xi32, #tpu.memory_space<hbm>>
      tpu.enqueue_dma source(%dma_start3A_14 : memref<128xi32, #tpu.memory_space<hbm>>) target(%arg5 : memref<128xi32, #tpu.memory_space<vmem>>) target_semaphore(%run_scoped3A : memref<!tpu.dma_semaphore, #tpu.memory_space<semaphore_mem>>)
      %dma_wait3A_15 = tpu.memref_slice %arg3[%mul3A_2] : memref<331776xi32, #tpu.memory_space<hbm>> -> memref<128xi32, #tpu.memory_space<hbm>>
      %dma_wait3A_16 = tpu.memref_slice %arg3[%mul3A_2] : memref<331776xi32, #tpu.memory_space<hbm>> -> memref<128xi32, #tpu.memory_space<hbm>>
      tpu.wait_dma2 semaphore(%run_scoped3A : memref<!tpu.dma_semaphore, #tpu.memory_space<semaphore_mem>>) src(%dma_wait3A_16 : memref<128xi32, #tpu.memory_space<hbm>>) dst(%arg5 : memref<128xi32, #tpu.memory_space<vmem>>)
      tpu.yield
    }) : () -> ()
    %dma_start3A = arith.constant 0 : i32
    %dma_start3A_3 = arith.constant 0 : i32
    %dma_start3A_4 = tpu.memref_slice %arg2[%dma_start3A, %dma_start3A_3] : memref<10240x128xf32, #tpu.memory_space<hbm>> -> memref<10240x128xf32, #tpu.memory_space<hbm>>
    tpu.enqueue_indirect_dma source(%dma_start3A_4 : memref<10240x128xf32, #tpu.memory_space<hbm>>) target(%arg7 : memref<128x128xf32, #tpu.memory_space<vmem>>) offsets(%arg5 : memref<128xi32, #tpu.memory_space<vmem>>) semaphore(%arg9 : memref<!tpu.dma_semaphore, #tpu.memory_space<semaphore_mem>>)
    %dma_wait3A = arith.constant 0 : i32
    %dma_wait3A_5 = arith.constant 0 : i32
    %dma_wait3A_6 = tpu.memref_slice %arg2[%dma_wait3A, %dma_wait3A_5] : memref<10240x128xf32, #tpu.memory_space<hbm>> -> memref<10240x128xf32, #tpu.memory_space<hbm>>
    tpu.wait_indirect_dma semaphore(%arg9 : memref<!tpu.dma_semaphore, #tpu.memory_space<semaphore_mem>>) src(%dma_wait3A_6 : memref<10240x128xf32, #tpu.memory_space<hbm>>) dst(%arg7 : memref<128x128xf32, #tpu.memory_space<vmem>>)
    "tpu.region"() ({
      %run_scoped3A = tpu.sem_alloc : memref<!tpu.dma_semaphore, #tpu.memory_space<semaphore_mem>>
      %dma_start3A_13 = arith.constant 0 : i32
      %dma_start3A_14 = tpu.memref_slice %arg4[%mul3A_2, %dma_start3A_13] : memref<331776x128xf32, #tpu.memory_space<hbm>> -> memref<128x128xf32, #tpu.memory_space<hbm>>
      %dma_start3A_15 = arith.constant 0 : i32
      %dma_start3A_16 = tpu.memref_slice %arg4[%mul3A_2, %dma_start3A_15] : memref<331776x128xf32, #tpu.memory_space<hbm>> -> memref<128x128xf32, #tpu.memory_space<hbm>>
      tpu.enqueue_dma source(%arg7 : memref<128x128xf32, #tpu.memory_space<vmem>>) target(%dma_start3A_16 : memref<128x128xf32, #tpu.memory_space<hbm>>) target_semaphore(%run_scoped3A : memref<!tpu.dma_semaphore, #tpu.memory_space<semaphore_mem>>)
      %dma_wait3A_17 = arith.constant 0 : i32
      %dma_wait3A_18 = tpu.memref_slice %arg4[%mul3A_2, %dma_wait3A_17] : memref<331776x128xf32, #tpu.memory_space<hbm>> -> memref<128x128xf32, #tpu.memory_space<hbm>>
      %dma_wait3A_19 = arith.constant 0 : i32
      %dma_wait3A_20 = tpu.memref_slice %arg4[%mul3A_2, %dma_wait3A_19] : memref<331776x128xf32, #tpu.memory_space<hbm>> -> memref<128x128xf32, #tpu.memory_space<hbm>>
      tpu.wait_dma2 semaphore(%run_scoped3A : memref<!tpu.dma_semaphore, #tpu.memory_space<semaphore_mem>>) src(%arg7 : memref<128x128xf32, #tpu.memory_space<vmem>>) dst(%dma_wait3A_20 : memref<128x128xf32, #tpu.memory_space<hbm>>)
      tpu.yield
    }) : () -> ()
    %scan3A = arith.constant 0 : i32
    %scan3A_7 = arith.constant 0 : i32
    %scan3A_8 = arith.constant 40 : i32
    %scan3A_9 = arith.addi %scan3A_7, %scan3A_8 : i32
    %scan3A_10 = arith.constant 1 : i32
    %scan3A_11 = scf.for %scan3A_13 = %scan3A_7 to %scan3A_9 step %scan3A_10 iter_args(%scan3A_14 = %scan3A) -> (i32)  : i32 {
      %mul3A_15 = arith.constant 2 : i32
      %mul3A_16 = arith.muli %mul3A_15, %scan3A_13 : i32
      %add3A_17 = arith.constant 1 : i32
      %add3A_18 = arith.addi %add3A_17, %mul3A_16 : i32
      %mul3A_19 = arith.constant 128 : i32
      %mul3A_20 = arith.muli %add3A_18, %mul3A_19 : i32
      %add3A_21 = arith.addi %mul3A_2, %mul3A_20 : i32
      %add3A_22 = arith.constant 128 : i32
      %add3A_23 = arith.addi %add3A_21, %add3A_22 : i32
      "tpu.region"() ({
        %run_scoped3A = tpu.sem_alloc : memref<!tpu.dma_semaphore, #tpu.memory_space<semaphore_mem>>
        %dma_start3A_37 = tpu.memref_slice %arg3[%add3A_21] : memref<331776xi32, #tpu.memory_space<hbm>> -> memref<128xi32, #tpu.memory_space<hbm>>
        %dma_start3A_38 = tpu.memref_slice %arg3[%add3A_21] : memref<331776xi32, #tpu.memory_space<hbm>> -> memref<128xi32, #tpu.memory_space<hbm>>
        tpu.enqueue_dma source(%dma_start3A_38 : memref<128xi32, #tpu.memory_space<hbm>>) target(%arg5 : memref<128xi32, #tpu.memory_space<vmem>>) target_semaphore(%run_scoped3A : memref<!tpu.dma_semaphore, #tpu.memory_space<semaphore_mem>>)
        %dma_wait3A_39 = tpu.memref_slice %arg3[%add3A_21] : memref<331776xi32, #tpu.memory_space<hbm>> -> memref<128xi32, #tpu.memory_space<hbm>>
        %dma_wait3A_40 = tpu.memref_slice %arg3[%add3A_21] : memref<331776xi32, #tpu.memory_space<hbm>> -> memref<128xi32, #tpu.memory_space<hbm>>
        tpu.wait_dma2 semaphore(%run_scoped3A : memref<!tpu.dma_semaphore, #tpu.memory_space<semaphore_mem>>) src(%dma_wait3A_40 : memref<128xi32, #tpu.memory_space<hbm>>) dst(%arg5 : memref<128xi32, #tpu.memory_space<vmem>>)
        tpu.yield
      }) : () -> ()
      %dma_start3A_24 = arith.constant 0 : i32
      %dma_start3A_25 = arith.constant 0 : i32
      %dma_start3A_26 = tpu.memref_slice %arg2[%dma_start3A_24, %dma_start3A_25] : memref<10240x128xf32, #tpu.memory_space<hbm>> -> memref<10240x128xf32, #tpu.memory_space<hbm>>
      tpu.enqueue_indirect_dma source(%dma_start3A_26 : memref<10240x128xf32, #tpu.memory_space<hbm>>) target(%arg7 : memref<128x128xf32, #tpu.memory_space<vmem>>) offsets(%arg5 : memref<128xi32, #tpu.memory_space<vmem>>) semaphore(%arg9 : memref<!tpu.dma_semaphore, #tpu.memory_space<semaphore_mem>>)
      "tpu.region"() ({
        %run_scoped3A = tpu.sem_alloc : memref<!tpu.dma_semaphore, #tpu.memory_space<semaphore_mem>>
        %dma_start3A_37 = tpu.memref_slice %arg3[%add3A_23] : memref<331776xi32, #tpu.memory_space<hbm>> -> memref<128xi32, #tpu.memory_space<hbm>>
        %dma_start3A_38 = tpu.memref_slice %arg3[%add3A_23] : memref<331776xi32, #tpu.memory_space<hbm>> -> memref<128xi32, #tpu.memory_space<hbm>>
        tpu.enqueue_dma source(%dma_start3A_38 : memref<128xi32, #tpu.memory_space<hbm>>) target(%arg6 : memref<128xi32, #tpu.memory_space<vmem>>) target_semaphore(%run_scoped3A : memref<!tpu.dma_semaphore, #tpu.memory_space<semaphore_mem>>)
        %dma_wait3A_39 = tpu.memref_slice %arg3[%add3A_23] : memref<331776xi32, #tpu.memory_space<hbm>> -> memref<128xi32, #tpu.memory_space<hbm>>
        %dma_wait3A_40 = tpu.memref_slice %arg3[%add3A_23] : memref<331776xi32, #tpu.memory_space<hbm>> -> memref<128xi32, #tpu.memory_space<hbm>>
        tpu.wait_dma2 semaphore(%run_scoped3A : memref<!tpu.dma_semaphore, #tpu.memory_space<semaphore_mem>>) src(%dma_wait3A_40 : memref<128xi32, #tpu.memory_space<hbm>>) dst(%arg6 : memref<128xi32, #tpu.memory_space<vmem>>)
        tpu.yield
      }) : () -> ()
      %dma_start3A_27 = arith.constant 0 : i32
      %dma_start3A_28 = arith.constant 0 : i32
      %dma_start3A_29 = tpu.memref_slice %arg2[%dma_start3A_27, %dma_start3A_28] : memref<10240x128xf32, #tpu.memory_space<hbm>> -> memref<10240x128xf32, #tpu.memory_space<hbm>>
      tpu.enqueue_indirect_dma source(%dma_start3A_29 : memref<10240x128xf32, #tpu.memory_space<hbm>>) target(%arg8 : memref<128x128xf32, #tpu.memory_space<vmem>>) offsets(%arg6 : memref<128xi32, #tpu.memory_space<vmem>>) semaphore(%arg10 : memref<!tpu.dma_semaphore, #tpu.memory_space<semaphore_mem>>)
      %dma_wait3A_30 = arith.constant 0 : i32
      %dma_wait3A_31 = arith.constant 0 : i32
      %dma_wait3A_32 = tpu.memref_slice %arg2[%dma_wait3A_30, %dma_wait3A_31] : memref<10240x128xf32, #tpu.memory_space<hbm>> -> memref<10240x128xf32, #tpu.memory_space<hbm>>
      tpu.wait_indirect_dma semaphore(%arg9 : memref<!tpu.dma_semaphore, #tpu.memory_space<semaphore_mem>>) src(%dma_wait3A_32 : memref<10240x128xf32, #tpu.memory_space<hbm>>) dst(%arg7 : memref<128x128xf32, #tpu.memory_space<vmem>>)
      "tpu.region"() ({
        %run_scoped3A = tpu.sem_alloc : memref<!tpu.dma_semaphore, #tpu.memory_space<semaphore_mem>>
        %dma_start3A_37 = arith.constant 0 : i32
        %dma_start3A_38 = tpu.memref_slice %arg4[%add3A_21, %dma_start3A_37] : memref<331776x128xf32, #tpu.memory_space<hbm>> -> memref<128x128xf32, #tpu.memory_space<hbm>>
        %dma_start3A_39 = arith.constant 0 : i32
        %dma_start3A_40 = tpu.memref_slice %arg4[%add3A_21, %dma_start3A_39] : memref<331776x128xf32, #tpu.memory_space<hbm>> -> memref<128x128xf32, #tpu.memory_space<hbm>>
        tpu.enqueue_dma source(%arg7 : memref<128x128xf32, #tpu.memory_space<vmem>>) target(%dma_start3A_40 : memref<128x128xf32, #tpu.memory_space<hbm>>) target_semaphore(%run_scoped3A : memref<!tpu.dma_semaphore, #tpu.memory_space<semaphore_mem>>)
        %dma_wait3A_41 = arith.constant 0 : i32
        %dma_wait3A_42 = tpu.memref_slice %arg4[%add3A_21, %dma_wait3A_41] : memref<331776x128xf32, #tpu.memory_space<hbm>> -> memref<128x128xf32, #tpu.memory_space<hbm>>
        %dma_wait3A_43 = arith.constant 0 : i32
        %dma_wait3A_44 = tpu.memref_slice %arg4[%add3A_21, %dma_wait3A_43] : memref<331776x128xf32, #tpu.memory_space<hbm>> -> memref<128x128xf32, #tpu.memory_space<hbm>>
        tpu.wait_dma2 semaphore(%run_scoped3A : memref<!tpu.dma_semaphore, #tpu.memory_space<semaphore_mem>>) src(%arg7 : memref<128x128xf32, #tpu.memory_space<vmem>>) dst(%dma_wait3A_44 : memref<128x128xf32, #tpu.memory_space<hbm>>)
        tpu.yield
      }) : () -> ()
      %dma_wait3A_33 = arith.constant 0 : i32
      %dma_wait3A_34 = arith.constant 0 : i32
      %dma_wait3A_35 = tpu.memref_slice %arg2[%dma_wait3A_33, %dma_wait3A_34] : memref<10240x128xf32, #tpu.memory_space<hbm>> -> memref<10240x128xf32, #tpu.memory_space<hbm>>
      tpu.wait_indirect_dma semaphore(%arg10 : memref<!tpu.dma_semaphore, #tpu.memory_space<semaphore_mem>>) src(%dma_wait3A_35 : memref<10240x128xf32, #tpu.memory_space<hbm>>) dst(%arg8 : memref<128x128xf32, #tpu.memory_space<vmem>>)
      "tpu.region"() ({
        %run_scoped3A = tpu.sem_alloc : memref<!tpu.dma_semaphore, #tpu.memory_space<semaphore_mem>>
        %dma_start3A_37 = arith.constant 0 : i32
        %dma_start3A_38 = tpu.memref_slice %arg4[%add3A_23, %dma_start3A_37] : memref<331776x128xf32, #tpu.memory_space<hbm>> -> memref<128x128xf32, #tpu.memory_space<hbm>>
        %dma_start3A_39 = arith.constant 0 : i32
        %dma_start3A_40 = tpu.memref_slice %arg4[%add3A_23, %dma_start3A_39] : memref<331776x128xf32, #tpu.memory_space<hbm>> -> memref<128x128xf32, #tpu.memory_space<hbm>>
        tpu.enqueue_dma source(%arg8 : memref<128x128xf32, #tpu.memory_space<vmem>>) target(%dma_start3A_40 : memref<128x128xf32, #tpu.memory_space<hbm>>) target_semaphore(%run_scoped3A : memref<!tpu.dma_semaphore, #tpu.memory_space<semaphore_mem>>)
        %dma_wait3A_41 = arith.constant 0 : i32
        %dma_wait3A_42 = tpu.memref_slice %arg4[%add3A_23, %dma_wait3A_41] : memref<331776x128xf32, #tpu.memory_space<hbm>> -> memref<128x128xf32, #tpu.memory_space<hbm>>
        %dma_wait3A_43 = arith.constant 0 : i32
        %dma_wait3A_44 = tpu.memref_slice %arg4[%add3A_23, %dma_wait3A_43] : memref<331776x128xf32, #tpu.memory_space<hbm>> -> memref<128x128xf32, #tpu.memory_space<hbm>>
        tpu.wait_dma2 semaphore(%run_scoped3A : memref<!tpu.dma_semaphore, #tpu.memory_space<semaphore_mem>>) src(%arg8 : memref<128x128xf32, #tpu.memory_space<vmem>>) dst(%dma_wait3A_44 : memref<128x128xf32, #tpu.memory_space<hbm>>)
        tpu.yield
      }) : () -> ()
      %scan3A_36 = arith.constant 0 : i32
      scf.yield %scan3A_36 : i32
    }
    %scan3A_12 = arith.constant 40 : i32
    return
  }
}

#map = affine_map<(d0, d1) -> (0, 0)>
#map1 = affine_map<(d0, d1) -> (0)>
module attributes {stable_mosaic.version = 14 : i64} {
  func.func @k(%arg0: i32, %arg1: i32, %arg2: memref<10240x128xf32, #tpu.memory_space<hbm>>, %arg3: memref<10240x128xf32, #tpu.memory_space<hbm>>, %arg4: memref<331776xi32, #tpu.memory_space<hbm>>, %arg5: memref<331776xi32, #tpu.memory_space<hbm>>, %arg6: memref<331776x128xf32, #tpu.memory_space<hbm>>, %arg7: memref<64xi32, #tpu.memory_space<vmem>>, %arg8: memref<64xi32, #tpu.memory_space<vmem>>, %arg9: memref<64xi32, #tpu.memory_space<vmem>>, %arg10: memref<64xi32, #tpu.memory_space<vmem>>, %arg11: memref<64x128xf32, #tpu.memory_space<vmem>>, %arg12: memref<64x128xf32, #tpu.memory_space<vmem>>, %arg13: memref<64x128xf32, #tpu.memory_space<vmem>>, %arg14: memref<64x128xf32, #tpu.memory_space<vmem>>, %arg15: memref<!tpu.dma_semaphore, #tpu.memory_space<semaphore_mem>>, %arg16: memref<!tpu.dma_semaphore, #tpu.memory_space<semaphore_mem>>, %arg17: memref<!tpu.dma_semaphore, #tpu.memory_space<semaphore_mem>>, %arg18: memref<!tpu.dma_semaphore, #tpu.memory_space<semaphore_mem>>) attributes {dimension_semantics = [#tpu.dimension_semantics<core_parallel>, #tpu.dimension_semantics<subcore_parallel>], iteration_bounds = array<i64: 2, 16>, scalar_prefetch = 0 : i64, scratch_operands = 12 : i64, tpu.core_type = #tpu.core_type<sc_vector_subcore>, window_params = [{transform_indices = #map}, {transform_indices = #map}, {transform_indices = #map1}, {transform_indices = #map1}, {transform_indices = #map}]} {
    %mul3A = arith.constant 2 : i32
    %mul3A_0 = arith.muli %arg1, %mul3A : i32
    %add3A = arith.addi %mul3A_0, %arg0 : i32
    %mul3A_1 = arith.constant 10368 : i32
    %mul3A_2 = arith.muli %add3A, %mul3A_1 : i32
    %scan3A = arith.constant 0 : i32
    %scan3A_3 = arith.constant 0 : i32
    %scan3A_4 = arith.constant 81 : i32
    %scan3A_5 = arith.addi %scan3A_3, %scan3A_4 : i32
    %scan3A_6 = arith.constant 1 : i32
    %scan3A_7 = scf.for %scan3A_9 = %scan3A_3 to %scan3A_5 step %scan3A_6 iter_args(%scan3A_10 = %scan3A) -> (i32)  : i32 {
      %mul3A_11 = arith.constant 2 : i32
      %mul3A_12 = arith.muli %mul3A_11, %scan3A_9 : i32
      %mul3A_13 = arith.constant 64 : i32
      %mul3A_14 = arith.muli %mul3A_12, %mul3A_13 : i32
      %add3A_15 = arith.addi %mul3A_2, %mul3A_14 : i32
      %add3A_16 = arith.constant 64 : i32
      %add3A_17 = arith.addi %add3A_15, %add3A_16 : i32
      "tpu.region"() ({
        %run_scoped3A = tpu.sem_alloc : memref<!tpu.dma_semaphore, #tpu.memory_space<semaphore_mem>>
        %dma_start3A_55 = tpu.memref_slice %arg4[%add3A_15] : memref<331776xi32, #tpu.memory_space<hbm>> -> memref<64xi32, #tpu.memory_space<hbm>>
        %dma_start3A_56 = tpu.memref_slice %arg4[%add3A_15] : memref<331776xi32, #tpu.memory_space<hbm>> -> memref<64xi32, #tpu.memory_space<hbm>>
        tpu.enqueue_dma source(%dma_start3A_56 : memref<64xi32, #tpu.memory_space<hbm>>) target(%arg7 : memref<64xi32, #tpu.memory_space<vmem>>) target_semaphore(%run_scoped3A : memref<!tpu.dma_semaphore, #tpu.memory_space<semaphore_mem>>)
        %dma_wait3A_57 = tpu.memref_slice %arg4[%add3A_15] : memref<331776xi32, #tpu.memory_space<hbm>> -> memref<64xi32, #tpu.memory_space<hbm>>
        %dma_wait3A_58 = tpu.memref_slice %arg4[%add3A_15] : memref<331776xi32, #tpu.memory_space<hbm>> -> memref<64xi32, #tpu.memory_space<hbm>>
        tpu.wait_dma2 semaphore(%run_scoped3A : memref<!tpu.dma_semaphore, #tpu.memory_space<semaphore_mem>>) src(%dma_wait3A_58 : memref<64xi32, #tpu.memory_space<hbm>>) dst(%arg7 : memref<64xi32, #tpu.memory_space<vmem>>)
        tpu.yield
      }) : () -> ()
      "tpu.region"() ({
        %run_scoped3A = tpu.sem_alloc : memref<!tpu.dma_semaphore, #tpu.memory_space<semaphore_mem>>
        %dma_start3A_55 = tpu.memref_slice %arg5[%add3A_15] : memref<331776xi32, #tpu.memory_space<hbm>> -> memref<64xi32, #tpu.memory_space<hbm>>
        %dma_start3A_56 = tpu.memref_slice %arg5[%add3A_15] : memref<331776xi32, #tpu.memory_space<hbm>> -> memref<64xi32, #tpu.memory_space<hbm>>
        tpu.enqueue_dma source(%dma_start3A_56 : memref<64xi32, #tpu.memory_space<hbm>>) target(%arg8 : memref<64xi32, #tpu.memory_space<vmem>>) target_semaphore(%run_scoped3A : memref<!tpu.dma_semaphore, #tpu.memory_space<semaphore_mem>>)
        %dma_wait3A_57 = tpu.memref_slice %arg5[%add3A_15] : memref<331776xi32, #tpu.memory_space<hbm>> -> memref<64xi32, #tpu.memory_space<hbm>>
        %dma_wait3A_58 = tpu.memref_slice %arg5[%add3A_15] : memref<331776xi32, #tpu.memory_space<hbm>> -> memref<64xi32, #tpu.memory_space<hbm>>
        tpu.wait_dma2 semaphore(%run_scoped3A : memref<!tpu.dma_semaphore, #tpu.memory_space<semaphore_mem>>) src(%dma_wait3A_58 : memref<64xi32, #tpu.memory_space<hbm>>) dst(%arg8 : memref<64xi32, #tpu.memory_space<vmem>>)
        tpu.yield
      }) : () -> ()
      %dma_start3A = arith.constant 0 : i32
      %dma_start3A_18 = arith.constant 0 : i32
      %dma_start3A_19 = tpu.memref_slice %arg2[%dma_start3A, %dma_start3A_18] : memref<10240x128xf32, #tpu.memory_space<hbm>> -> memref<10240x128xf32, #tpu.memory_space<hbm>>
      tpu.enqueue_indirect_dma source(%dma_start3A_19 : memref<10240x128xf32, #tpu.memory_space<hbm>>) target(%arg11 : memref<64x128xf32, #tpu.memory_space<vmem>>) offsets(%arg7 : memref<64xi32, #tpu.memory_space<vmem>>) semaphore(%arg15 : memref<!tpu.dma_semaphore, #tpu.memory_space<semaphore_mem>>)
      %dma_start3A_20 = arith.constant 0 : i32
      %dma_start3A_21 = arith.constant 0 : i32
      %dma_start3A_22 = tpu.memref_slice %arg3[%dma_start3A_20, %dma_start3A_21] : memref<10240x128xf32, #tpu.memory_space<hbm>> -> memref<10240x128xf32, #tpu.memory_space<hbm>>
      tpu.enqueue_indirect_dma source(%dma_start3A_22 : memref<10240x128xf32, #tpu.memory_space<hbm>>) target(%arg12 : memref<64x128xf32, #tpu.memory_space<vmem>>) offsets(%arg8 : memref<64xi32, #tpu.memory_space<vmem>>) semaphore(%arg16 : memref<!tpu.dma_semaphore, #tpu.memory_space<semaphore_mem>>)
      "tpu.region"() ({
        %run_scoped3A = tpu.sem_alloc : memref<!tpu.dma_semaphore, #tpu.memory_space<semaphore_mem>>
        %dma_start3A_55 = tpu.memref_slice %arg4[%add3A_17] : memref<331776xi32, #tpu.memory_space<hbm>> -> memref<64xi32, #tpu.memory_space<hbm>>
        %dma_start3A_56 = tpu.memref_slice %arg4[%add3A_17] : memref<331776xi32, #tpu.memory_space<hbm>> -> memref<64xi32, #tpu.memory_space<hbm>>
        tpu.enqueue_dma source(%dma_start3A_56 : memref<64xi32, #tpu.memory_space<hbm>>) target(%arg9 : memref<64xi32, #tpu.memory_space<vmem>>) target_semaphore(%run_scoped3A : memref<!tpu.dma_semaphore, #tpu.memory_space<semaphore_mem>>)
        %dma_wait3A_57 = tpu.memref_slice %arg4[%add3A_17] : memref<331776xi32, #tpu.memory_space<hbm>> -> memref<64xi32, #tpu.memory_space<hbm>>
        %dma_wait3A_58 = tpu.memref_slice %arg4[%add3A_17] : memref<331776xi32, #tpu.memory_space<hbm>> -> memref<64xi32, #tpu.memory_space<hbm>>
        tpu.wait_dma2 semaphore(%run_scoped3A : memref<!tpu.dma_semaphore, #tpu.memory_space<semaphore_mem>>) src(%dma_wait3A_58 : memref<64xi32, #tpu.memory_space<hbm>>) dst(%arg9 : memref<64xi32, #tpu.memory_space<vmem>>)
        tpu.yield
      }) : () -> ()
      "tpu.region"() ({
        %run_scoped3A = tpu.sem_alloc : memref<!tpu.dma_semaphore, #tpu.memory_space<semaphore_mem>>
        %dma_start3A_55 = tpu.memref_slice %arg5[%add3A_17] : memref<331776xi32, #tpu.memory_space<hbm>> -> memref<64xi32, #tpu.memory_space<hbm>>
        %dma_start3A_56 = tpu.memref_slice %arg5[%add3A_17] : memref<331776xi32, #tpu.memory_space<hbm>> -> memref<64xi32, #tpu.memory_space<hbm>>
        tpu.enqueue_dma source(%dma_start3A_56 : memref<64xi32, #tpu.memory_space<hbm>>) target(%arg10 : memref<64xi32, #tpu.memory_space<vmem>>) target_semaphore(%run_scoped3A : memref<!tpu.dma_semaphore, #tpu.memory_space<semaphore_mem>>)
        %dma_wait3A_57 = tpu.memref_slice %arg5[%add3A_17] : memref<331776xi32, #tpu.memory_space<hbm>> -> memref<64xi32, #tpu.memory_space<hbm>>
        %dma_wait3A_58 = tpu.memref_slice %arg5[%add3A_17] : memref<331776xi32, #tpu.memory_space<hbm>> -> memref<64xi32, #tpu.memory_space<hbm>>
        tpu.wait_dma2 semaphore(%run_scoped3A : memref<!tpu.dma_semaphore, #tpu.memory_space<semaphore_mem>>) src(%dma_wait3A_58 : memref<64xi32, #tpu.memory_space<hbm>>) dst(%arg10 : memref<64xi32, #tpu.memory_space<vmem>>)
        tpu.yield
      }) : () -> ()
      %dma_start3A_23 = arith.constant 0 : i32
      %dma_start3A_24 = arith.constant 0 : i32
      %dma_start3A_25 = tpu.memref_slice %arg2[%dma_start3A_23, %dma_start3A_24] : memref<10240x128xf32, #tpu.memory_space<hbm>> -> memref<10240x128xf32, #tpu.memory_space<hbm>>
      tpu.enqueue_indirect_dma source(%dma_start3A_25 : memref<10240x128xf32, #tpu.memory_space<hbm>>) target(%arg13 : memref<64x128xf32, #tpu.memory_space<vmem>>) offsets(%arg9 : memref<64xi32, #tpu.memory_space<vmem>>) semaphore(%arg17 : memref<!tpu.dma_semaphore, #tpu.memory_space<semaphore_mem>>)
      %dma_start3A_26 = arith.constant 0 : i32
      %dma_start3A_27 = arith.constant 0 : i32
      %dma_start3A_28 = tpu.memref_slice %arg3[%dma_start3A_26, %dma_start3A_27] : memref<10240x128xf32, #tpu.memory_space<hbm>> -> memref<10240x128xf32, #tpu.memory_space<hbm>>
      tpu.enqueue_indirect_dma source(%dma_start3A_28 : memref<10240x128xf32, #tpu.memory_space<hbm>>) target(%arg14 : memref<64x128xf32, #tpu.memory_space<vmem>>) offsets(%arg10 : memref<64xi32, #tpu.memory_space<vmem>>) semaphore(%arg18 : memref<!tpu.dma_semaphore, #tpu.memory_space<semaphore_mem>>)
      %dma_wait3A = arith.constant 0 : i32
      %dma_wait3A_29 = arith.constant 0 : i32
      %dma_wait3A_30 = tpu.memref_slice %arg2[%dma_wait3A, %dma_wait3A_29] : memref<10240x128xf32, #tpu.memory_space<hbm>> -> memref<10240x128xf32, #tpu.memory_space<hbm>>
      tpu.wait_indirect_dma semaphore(%arg15 : memref<!tpu.dma_semaphore, #tpu.memory_space<semaphore_mem>>) src(%dma_wait3A_30 : memref<10240x128xf32, #tpu.memory_space<hbm>>) dst(%arg11 : memref<64x128xf32, #tpu.memory_space<vmem>>)
      %dma_wait3A_31 = arith.constant 0 : i32
      %dma_wait3A_32 = arith.constant 0 : i32
      %dma_wait3A_33 = tpu.memref_slice %arg3[%dma_wait3A_31, %dma_wait3A_32] : memref<10240x128xf32, #tpu.memory_space<hbm>> -> memref<10240x128xf32, #tpu.memory_space<hbm>>
      tpu.wait_indirect_dma semaphore(%arg16 : memref<!tpu.dma_semaphore, #tpu.memory_space<semaphore_mem>>) src(%dma_wait3A_33 : memref<10240x128xf32, #tpu.memory_space<hbm>>) dst(%arg12 : memref<64x128xf32, #tpu.memory_space<vmem>>)
      %scan3A_34 = arith.constant 0 : i32
      %scan3A_35 = arith.constant 0 : i32
      %scan3A_36 = arith.constant 64 : i32
      %scan3A_37 = arith.addi %scan3A_35, %scan3A_36 : i32
      %scan3A_38 = arith.constant 1 : i32
      %scan3A_39 = scf.for %scan3A_55 = %scan3A_35 to %scan3A_37 step %scan3A_38 iter_args(%scan3A_56 = %scan3A_34) -> (i32)  : i32 {
        %get3A = arith.index_cast %scan3A_55 : i32 to index
        %get3A_57 = arith.constant 0 : index
        %get3A_58 = tpu.vector_load %arg11[%get3A, %get3A_57] {strides = array<i32>} : memref<64x128xf32, #tpu.memory_space<vmem>>, vector<1x16xf32>,
        %get3A_59 = vector.shape_cast %get3A_58 : vector<1x16xf32> to vector<16xf32>
        %get3A_60 = arith.index_cast %scan3A_55 : i32 to index
        %get3A_61 = arith.constant 0 : index
        %get3A_62 = tpu.vector_load %arg12[%get3A_60, %get3A_61] {strides = array<i32>} : memref<64x128xf32, #tpu.memory_space<vmem>>, vector<1x16xf32>,
        %get3A_63 = vector.shape_cast %get3A_62 : vector<1x16xf32> to vector<16xf32>
        %sub3A = arith.subf %get3A_59, %get3A_63 : vector<16xf32>
        %swap3A = arith.index_cast %scan3A_55 : i32 to index
        %swap3A_64 = arith.constant 0 : index
        %swap3A_65 = tpu.vector_load %arg11[%swap3A, %swap3A_64] {strides = array<i32>} : memref<64x128xf32, #tpu.memory_space<vmem>>, vector<1x16xf32>,
        %swap3A_66 = vector.shape_cast %swap3A_65 : vector<1x16xf32> to vector<16xf32>
        %swap3A_67 = vector.shape_cast %sub3A : vector<16xf32> to vector<1x16xf32>
        tpu.vector_store %arg11[%swap3A, %swap3A_64], %swap3A_67 {strides = array<i32>} : memref<64x128xf32, #tpu.memory_space<vmem>>, vector<1x16xf32>,
        %get3A_68 = arith.index_cast %scan3A_55 : i32 to index
        %get3A_69 = arith.constant 16 : index
        %get3A_70 = tpu.vector_load %arg11[%get3A_68, %get3A_69] {strides = array<i32>} : memref<64x128xf32, #tpu.memory_space<vmem>>, vector<1x16xf32>,
        %get3A_71 = vector.shape_cast %get3A_70 : vector<1x16xf32> to vector<16xf32>
        %get3A_72 = arith.index_cast %scan3A_55 : i32 to index
        %get3A_73 = arith.constant 16 : index
        %get3A_74 = tpu.vector_load %arg12[%get3A_72, %get3A_73] {strides = array<i32>} : memref<64x128xf32, #tpu.memory_space<vmem>>, vector<1x16xf32>,
        %get3A_75 = vector.shape_cast %get3A_74 : vector<1x16xf32> to vector<16xf32>
        %sub3A_76 = arith.subf %get3A_71, %get3A_75 : vector<16xf32>
        %swap3A_77 = arith.index_cast %scan3A_55 : i32 to index
        %swap3A_78 = arith.constant 16 : index
        %swap3A_79 = tpu.vector_load %arg11[%swap3A_77, %swap3A_78] {strides = array<i32>} : memref<64x128xf32, #tpu.memory_space<vmem>>, vector<1x16xf32>,
        %swap3A_80 = vector.shape_cast %swap3A_79 : vector<1x16xf32> to vector<16xf32>
        %swap3A_81 = vector.shape_cast %sub3A_76 : vector<16xf32> to vector<1x16xf32>
        tpu.vector_store %arg11[%swap3A_77, %swap3A_78], %swap3A_81 {strides = array<i32>} : memref<64x128xf32, #tpu.memory_space<vmem>>, vector<1x16xf32>,
        %get3A_82 = arith.index_cast %scan3A_55 : i32 to index
        %get3A_83 = arith.constant 32 : index
        %get3A_84 = tpu.vector_load %arg11[%get3A_82, %get3A_83] {strides = array<i32>} : memref<64x128xf32, #tpu.memory_space<vmem>>, vector<1x16xf32>,
        %get3A_85 = vector.shape_cast %get3A_84 : vector<1x16xf32> to vector<16xf32>
        %get3A_86 = arith.index_cast %scan3A_55 : i32 to index
        %get3A_87 = arith.constant 32 : index
        %get3A_88 = tpu.vector_load %arg12[%get3A_86, %get3A_87] {strides = array<i32>} : memref<64x128xf32, #tpu.memory_space<vmem>>, vector<1x16xf32>,
        %get3A_89 = vector.shape_cast %get3A_88 : vector<1x16xf32> to vector<16xf32>
        %sub3A_90 = arith.subf %get3A_85, %get3A_89 : vector<16xf32>
        %swap3A_91 = arith.index_cast %scan3A_55 : i32 to index
        %swap3A_92 = arith.constant 32 : index
        %swap3A_93 = tpu.vector_load %arg11[%swap3A_91, %swap3A_92] {strides = array<i32>} : memref<64x128xf32, #tpu.memory_space<vmem>>, vector<1x16xf32>,
        %swap3A_94 = vector.shape_cast %swap3A_93 : vector<1x16xf32> to vector<16xf32>
        %swap3A_95 = vector.shape_cast %sub3A_90 : vector<16xf32> to vector<1x16xf32>
        tpu.vector_store %arg11[%swap3A_91, %swap3A_92], %swap3A_95 {strides = array<i32>} : memref<64x128xf32, #tpu.memory_space<vmem>>, vector<1x16xf32>,
        %get3A_96 = arith.index_cast %scan3A_55 : i32 to index
        %get3A_97 = arith.constant 48 : index
        %get3A_98 = tpu.vector_load %arg11[%get3A_96, %get3A_97] {strides = array<i32>} : memref<64x128xf32, #tpu.memory_space<vmem>>, vector<1x16xf32>,
        %get3A_99 = vector.shape_cast %get3A_98 : vector<1x16xf32> to vector<16xf32>
        %get3A_100 = arith.index_cast %scan3A_55 : i32 to index
        %get3A_101 = arith.constant 48 : index
        %get3A_102 = tpu.vector_load %arg12[%get3A_100, %get3A_101] {strides = array<i32>} : memref<64x128xf32, #tpu.memory_space<vmem>>, vector<1x16xf32>,
        %get3A_103 = vector.shape_cast %get3A_102 : vector<1x16xf32> to vector<16xf32>
        %sub3A_104 = arith.subf %get3A_99, %get3A_103 : vector<16xf32>
        %swap3A_105 = arith.index_cast %scan3A_55 : i32 to index
        %swap3A_106 = arith.constant 48 : index
        %swap3A_107 = tpu.vector_load %arg11[%swap3A_105, %swap3A_106] {strides = array<i32>} : memref<64x128xf32, #tpu.memory_space<vmem>>, vector<1x16xf32>,
        %swap3A_108 = vector.shape_cast %swap3A_107 : vector<1x16xf32> to vector<16xf32>
        %swap3A_109 = vector.shape_cast %sub3A_104 : vector<16xf32> to vector<1x16xf32>
        tpu.vector_store %arg11[%swap3A_105, %swap3A_106], %swap3A_109 {strides = array<i32>} : memref<64x128xf32, #tpu.memory_space<vmem>>, vector<1x16xf32>,
        %get3A_110 = arith.index_cast %scan3A_55 : i32 to index
        %get3A_111 = arith.constant 64 : index
        %get3A_112 = tpu.vector_load %arg11[%get3A_110, %get3A_111] {strides = array<i32>} : memref<64x128xf32, #tpu.memory_space<vmem>>, vector<1x16xf32>,
        %get3A_113 = vector.shape_cast %get3A_112 : vector<1x16xf32> to vector<16xf32>
        %get3A_114 = arith.index_cast %scan3A_55 : i32 to index
        %get3A_115 = arith.constant 64 : index
        %get3A_116 = tpu.vector_load %arg12[%get3A_114, %get3A_115] {strides = array<i32>} : memref<64x128xf32, #tpu.memory_space<vmem>>, vector<1x16xf32>,
        %get3A_117 = vector.shape_cast %get3A_116 : vector<1x16xf32> to vector<16xf32>
        %sub3A_118 = arith.subf %get3A_113, %get3A_117 : vector<16xf32>
        %swap3A_119 = arith.index_cast %scan3A_55 : i32 to index
        %swap3A_120 = arith.constant 64 : index
        %swap3A_121 = tpu.vector_load %arg11[%swap3A_119, %swap3A_120] {strides = array<i32>} : memref<64x128xf32, #tpu.memory_space<vmem>>, vector<1x16xf32>,
        %swap3A_122 = vector.shape_cast %swap3A_121 : vector<1x16xf32> to vector<16xf32>
        %swap3A_123 = vector.shape_cast %sub3A_118 : vector<16xf32> to vector<1x16xf32>
        tpu.vector_store %arg11[%swap3A_119, %swap3A_120], %swap3A_123 {strides = array<i32>} : memref<64x128xf32, #tpu.memory_space<vmem>>, vector<1x16xf32>,
        %get3A_124 = arith.index_cast %scan3A_55 : i32 to index
        %get3A_125 = arith.constant 80 : index
        %get3A_126 = tpu.vector_load %arg11[%get3A_124, %get3A_125] {strides = array<i32>} : memref<64x128xf32, #tpu.memory_space<vmem>>, vector<1x16xf32>,
        %get3A_127 = vector.shape_cast %get3A_126 : vector<1x16xf32> to vector<16xf32>
        %get3A_128 = arith.index_cast %scan3A_55 : i32 to index
        %get3A_129 = arith.constant 80 : index
        %get3A_130 = tpu.vector_load %arg12[%get3A_128, %get3A_129] {strides = array<i32>} : memref<64x128xf32, #tpu.memory_space<vmem>>, vector<1x16xf32>,
        %get3A_131 = vector.shape_cast %get3A_130 : vector<1x16xf32> to vector<16xf32>
        %sub3A_132 = arith.subf %get3A_127, %get3A_131 : vector<16xf32>
        %swap3A_133 = arith.index_cast %scan3A_55 : i32 to index
        %swap3A_134 = arith.constant 80 : index
        %swap3A_135 = tpu.vector_load %arg11[%swap3A_133, %swap3A_134] {strides = array<i32>} : memref<64x128xf32, #tpu.memory_space<vmem>>, vector<1x16xf32>,
        %swap3A_136 = vector.shape_cast %swap3A_135 : vector<1x16xf32> to vector<16xf32>
        %swap3A_137 = vector.shape_cast %sub3A_132 : vector<16xf32> to vector<1x16xf32>
        tpu.vector_store %arg11[%swap3A_133, %swap3A_134], %swap3A_137 {strides = array<i32>} : memref<64x128xf32, #tpu.memory_space<vmem>>, vector<1x16xf32>,
        %get3A_138 = arith.index_cast %scan3A_55 : i32 to index
        %get3A_139 = arith.constant 96 : index
        %get3A_140 = tpu.vector_load %arg11[%get3A_138, %get3A_139] {strides = array<i32>} : memref<64x128xf32, #tpu.memory_space<vmem>>, vector<1x16xf32>,
        %get3A_141 = vector.shape_cast %get3A_140 : vector<1x16xf32> to vector<16xf32>
        %get3A_142 = arith.index_cast %scan3A_55 : i32 to index
        %get3A_143 = arith.constant 96 : index
        %get3A_144 = tpu.vector_load %arg12[%get3A_142, %get3A_143] {strides = array<i32>} : memref<64x128xf32, #tpu.memory_space<vmem>>, vector<1x16xf32>,
        %get3A_145 = vector.shape_cast %get3A_144 : vector<1x16xf32> to vector<16xf32>
        %sub3A_146 = arith.subf %get3A_141, %get3A_145 : vector<16xf32>
        %swap3A_147 = arith.index_cast %scan3A_55 : i32 to index
        %swap3A_148 = arith.constant 96 : index
        %swap3A_149 = tpu.vector_load %arg11[%swap3A_147, %swap3A_148] {strides = array<i32>} : memref<64x128xf32, #tpu.memory_space<vmem>>, vector<1x16xf32>,
        %swap3A_150 = vector.shape_cast %swap3A_149 : vector<1x16xf32> to vector<16xf32>
        %swap3A_151 = vector.shape_cast %sub3A_146 : vector<16xf32> to vector<1x16xf32>
        tpu.vector_store %arg11[%swap3A_147, %swap3A_148], %swap3A_151 {strides = array<i32>} : memref<64x128xf32, #tpu.memory_space<vmem>>, vector<1x16xf32>,
        %get3A_152 = arith.index_cast %scan3A_55 : i32 to index
        %get3A_153 = arith.constant 112 : index
        %get3A_154 = tpu.vector_load %arg11[%get3A_152, %get3A_153] {strides = array<i32>} : memref<64x128xf32, #tpu.memory_space<vmem>>, vector<1x16xf32>,
        %get3A_155 = vector.shape_cast %get3A_154 : vector<1x16xf32> to vector<16xf32>
        %get3A_156 = arith.index_cast %scan3A_55 : i32 to index
        %get3A_157 = arith.constant 112 : index
        %get3A_158 = tpu.vector_load %arg12[%get3A_156, %get3A_157] {strides = array<i32>} : memref<64x128xf32, #tpu.memory_space<vmem>>, vector<1x16xf32>,
        %get3A_159 = vector.shape_cast %get3A_158 : vector<1x16xf32> to vector<16xf32>
        %sub3A_160 = arith.subf %get3A_155, %get3A_159 : vector<16xf32>
        %swap3A_161 = arith.index_cast %scan3A_55 : i32 to index
        %swap3A_162 = arith.constant 112 : index
        %swap3A_163 = tpu.vector_load %arg11[%swap3A_161, %swap3A_162] {strides = array<i32>} : memref<64x128xf32, #tpu.memory_space<vmem>>, vector<1x16xf32>,
        %swap3A_164 = vector.shape_cast %swap3A_163 : vector<1x16xf32> to vector<16xf32>
        %swap3A_165 = vector.shape_cast %sub3A_160 : vector<16xf32> to vector<1x16xf32>
        tpu.vector_store %arg11[%swap3A_161, %swap3A_162], %swap3A_165 {strides = array<i32>} : memref<64x128xf32, #tpu.memory_space<vmem>>, vector<1x16xf32>,
        %scan3A_166 = arith.constant 0 : i32
        scf.yield %scan3A_166 : i32
      }
      %scan3A_40 = arith.constant 64 : i32
      "tpu.region"() ({
        %run_scoped3A = tpu.sem_alloc : memref<!tpu.dma_semaphore, #tpu.memory_space<semaphore_mem>>
        %dma_start3A_55 = arith.constant 0 : i32
        %dma_start3A_56 = tpu.memref_slice %arg6[%add3A_15, %dma_start3A_55] : memref<331776x128xf32, #tpu.memory_space<hbm>> -> memref<64x128xf32, #tpu.memory_space<hbm>>
        %dma_start3A_57 = arith.constant 0 : i32
        %dma_start3A_58 = tpu.memref_slice %arg6[%add3A_15, %dma_start3A_57] : memref<331776x128xf32, #tpu.memory_space<hbm>> -> memref<64x128xf32, #tpu.memory_space<hbm>>
        tpu.enqueue_dma source(%arg11 : memref<64x128xf32, #tpu.memory_space<vmem>>) target(%dma_start3A_58 : memref<64x128xf32, #tpu.memory_space<hbm>>) target_semaphore(%run_scoped3A : memref<!tpu.dma_semaphore, #tpu.memory_space<semaphore_mem>>)
        %dma_wait3A_59 = arith.constant 0 : i32
        %dma_wait3A_60 = tpu.memref_slice %arg6[%add3A_15, %dma_wait3A_59] : memref<331776x128xf32, #tpu.memory_space<hbm>> -> memref<64x128xf32, #tpu.memory_space<hbm>>
        %dma_wait3A_61 = arith.constant 0 : i32
        %dma_wait3A_62 = tpu.memref_slice %arg6[%add3A_15, %dma_wait3A_61] : memref<331776x128xf32, #tpu.memory_space<hbm>> -> memref<64x128xf32, #tpu.memory_space<hbm>>
        tpu.wait_dma2 semaphore(%run_scoped3A : memref<!tpu.dma_semaphore, #tpu.memory_space<semaphore_mem>>) src(%arg11 : memref<64x128xf32, #tpu.memory_space<vmem>>) dst(%dma_wait3A_62 : memref<64x128xf32, #tpu.memory_space<hbm>>)
        tpu.yield
      }) : () -> ()
      %dma_wait3A_41 = arith.constant 0 : i32
      %dma_wait3A_42 = arith.constant 0 : i32
      %dma_wait3A_43 = tpu.memref_slice %arg2[%dma_wait3A_41, %dma_wait3A_42] : memref<10240x128xf32, #tpu.memory_space<hbm>> -> memref<10240x128xf32, #tpu.memory_space<hbm>>
      tpu.wait_indirect_dma semaphore(%arg17 : memref<!tpu.dma_semaphore, #tpu.memory_space<semaphore_mem>>) src(%dma_wait3A_43 : memref<10240x128xf32, #tpu.memory_space<hbm>>) dst(%arg13 : memref<64x128xf32, #tpu.memory_space<vmem>>)
      %dma_wait3A_44 = arith.constant 0 : i32
      %dma_wait3A_45 = arith.constant 0 : i32
      %dma_wait3A_46 = tpu.memref_slice %arg3[%dma_wait3A_44, %dma_wait3A_45] : memref<10240x128xf32, #tpu.memory_space<hbm>> -> memref<10240x128xf32, #tpu.memory_space<hbm>>
      tpu.wait_indirect_dma semaphore(%arg18 : memref<!tpu.dma_semaphore, #tpu.memory_space<semaphore_mem>>) src(%dma_wait3A_46 : memref<10240x128xf32, #tpu.memory_space<hbm>>) dst(%arg14 : memref<64x128xf32, #tpu.memory_space<vmem>>)
      %scan3A_47 = arith.constant 0 : i32
      %scan3A_48 = arith.constant 0 : i32
      %scan3A_49 = arith.constant 64 : i32
      %scan3A_50 = arith.addi %scan3A_48, %scan3A_49 : i32
      %scan3A_51 = arith.constant 1 : i32
      %scan3A_52 = scf.for %scan3A_55 = %scan3A_48 to %scan3A_50 step %scan3A_51 iter_args(%scan3A_56 = %scan3A_47) -> (i32)  : i32 {
        %get3A = arith.index_cast %scan3A_55 : i32 to index
        %get3A_57 = arith.constant 0 : index
        %get3A_58 = tpu.vector_load %arg13[%get3A, %get3A_57] {strides = array<i32>} : memref<64x128xf32, #tpu.memory_space<vmem>>, vector<1x16xf32>,
        %get3A_59 = vector.shape_cast %get3A_58 : vector<1x16xf32> to vector<16xf32>
        %get3A_60 = arith.index_cast %scan3A_55 : i32 to index
        %get3A_61 = arith.constant 0 : index
        %get3A_62 = tpu.vector_load %arg14[%get3A_60, %get3A_61] {strides = array<i32>} : memref<64x128xf32, #tpu.memory_space<vmem>>, vector<1x16xf32>,
        %get3A_63 = vector.shape_cast %get3A_62 : vector<1x16xf32> to vector<16xf32>
        %sub3A = arith.subf %get3A_59, %get3A_63 : vector<16xf32>
        %swap3A = arith.index_cast %scan3A_55 : i32 to index
        %swap3A_64 = arith.constant 0 : index
        %swap3A_65 = tpu.vector_load %arg13[%swap3A, %swap3A_64] {strides = array<i32>} : memref<64x128xf32, #tpu.memory_space<vmem>>, vector<1x16xf32>,
        %swap3A_66 = vector.shape_cast %swap3A_65 : vector<1x16xf32> to vector<16xf32>
        %swap3A_67 = vector.shape_cast %sub3A : vector<16xf32> to vector<1x16xf32>
        tpu.vector_store %arg13[%swap3A, %swap3A_64], %swap3A_67 {strides = array<i32>} : memref<64x128xf32, #tpu.memory_space<vmem>>, vector<1x16xf32>,
        %get3A_68 = arith.index_cast %scan3A_55 : i32 to index
        %get3A_69 = arith.constant 16 : index
        %get3A_70 = tpu.vector_load %arg13[%get3A_68, %get3A_69] {strides = array<i32>} : memref<64x128xf32, #tpu.memory_space<vmem>>, vector<1x16xf32>,
        %get3A_71 = vector.shape_cast %get3A_70 : vector<1x16xf32> to vector<16xf32>
        %get3A_72 = arith.index_cast %scan3A_55 : i32 to index
        %get3A_73 = arith.constant 16 : index
        %get3A_74 = tpu.vector_load %arg14[%get3A_72, %get3A_73] {strides = array<i32>} : memref<64x128xf32, #tpu.memory_space<vmem>>, vector<1x16xf32>,
        %get3A_75 = vector.shape_cast %get3A_74 : vector<1x16xf32> to vector<16xf32>
        %sub3A_76 = arith.subf %get3A_71, %get3A_75 : vector<16xf32>
        %swap3A_77 = arith.index_cast %scan3A_55 : i32 to index
        %swap3A_78 = arith.constant 16 : index
        %swap3A_79 = tpu.vector_load %arg13[%swap3A_77, %swap3A_78] {strides = array<i32>} : memref<64x128xf32, #tpu.memory_space<vmem>>, vector<1x16xf32>,
        %swap3A_80 = vector.shape_cast %swap3A_79 : vector<1x16xf32> to vector<16xf32>
        %swap3A_81 = vector.shape_cast %sub3A_76 : vector<16xf32> to vector<1x16xf32>
        tpu.vector_store %arg13[%swap3A_77, %swap3A_78], %swap3A_81 {strides = array<i32>} : memref<64x128xf32, #tpu.memory_space<vmem>>, vector<1x16xf32>,
        %get3A_82 = arith.index_cast %scan3A_55 : i32 to index
        %get3A_83 = arith.constant 32 : index
        %get3A_84 = tpu.vector_load %arg13[%get3A_82, %get3A_83] {strides = array<i32>} : memref<64x128xf32, #tpu.memory_space<vmem>>, vector<1x16xf32>,
        %get3A_85 = vector.shape_cast %get3A_84 : vector<1x16xf32> to vector<16xf32>
        %get3A_86 = arith.index_cast %scan3A_55 : i32 to index
        %get3A_87 = arith.constant 32 : index
        %get3A_88 = tpu.vector_load %arg14[%get3A_86, %get3A_87] {strides = array<i32>} : memref<64x128xf32, #tpu.memory_space<vmem>>, vector<1x16xf32>,
        %get3A_89 = vector.shape_cast %get3A_88 : vector<1x16xf32> to vector<16xf32>
        %sub3A_90 = arith.subf %get3A_85, %get3A_89 : vector<16xf32>
        %swap3A_91 = arith.index_cast %scan3A_55 : i32 to index
        %swap3A_92 = arith.constant 32 : index
        %swap3A_93 = tpu.vector_load %arg13[%swap3A_91, %swap3A_92] {strides = array<i32>} : memref<64x128xf32, #tpu.memory_space<vmem>>, vector<1x16xf32>,
        %swap3A_94 = vector.shape_cast %swap3A_93 : vector<1x16xf32> to vector<16xf32>
        %swap3A_95 = vector.shape_cast %sub3A_90 : vector<16xf32> to vector<1x16xf32>
        tpu.vector_store %arg13[%swap3A_91, %swap3A_92], %swap3A_95 {strides = array<i32>} : memref<64x128xf32, #tpu.memory_space<vmem>>, vector<1x16xf32>,
        %get3A_96 = arith.index_cast %scan3A_55 : i32 to index
        %get3A_97 = arith.constant 48 : index
        %get3A_98 = tpu.vector_load %arg13[%get3A_96, %get3A_97] {strides = array<i32>} : memref<64x128xf32, #tpu.memory_space<vmem>>, vector<1x16xf32>,
        %get3A_99 = vector.shape_cast %get3A_98 : vector<1x16xf32> to vector<16xf32>
        %get3A_100 = arith.index_cast %scan3A_55 : i32 to index
        %get3A_101 = arith.constant 48 : index
        %get3A_102 = tpu.vector_load %arg14[%get3A_100, %get3A_101] {strides = array<i32>} : memref<64x128xf32, #tpu.memory_space<vmem>>, vector<1x16xf32>,
        %get3A_103 = vector.shape_cast %get3A_102 : vector<1x16xf32> to vector<16xf32>
        %sub3A_104 = arith.subf %get3A_99, %get3A_103 : vector<16xf32>
        %swap3A_105 = arith.index_cast %scan3A_55 : i32 to index
        %swap3A_106 = arith.constant 48 : index
        %swap3A_107 = tpu.vector_load %arg13[%swap3A_105, %swap3A_106] {strides = array<i32>} : memref<64x128xf32, #tpu.memory_space<vmem>>, vector<1x16xf32>,
        %swap3A_108 = vector.shape_cast %swap3A_107 : vector<1x16xf32> to vector<16xf32>
        %swap3A_109 = vector.shape_cast %sub3A_104 : vector<16xf32> to vector<1x16xf32>
        tpu.vector_store %arg13[%swap3A_105, %swap3A_106], %swap3A_109 {strides = array<i32>} : memref<64x128xf32, #tpu.memory_space<vmem>>, vector<1x16xf32>,
        %get3A_110 = arith.index_cast %scan3A_55 : i32 to index
        %get3A_111 = arith.constant 64 : index
        %get3A_112 = tpu.vector_load %arg13[%get3A_110, %get3A_111] {strides = array<i32>} : memref<64x128xf32, #tpu.memory_space<vmem>>, vector<1x16xf32>,
        %get3A_113 = vector.shape_cast %get3A_112 : vector<1x16xf32> to vector<16xf32>
        %get3A_114 = arith.index_cast %scan3A_55 : i32 to index
        %get3A_115 = arith.constant 64 : index
        %get3A_116 = tpu.vector_load %arg14[%get3A_114, %get3A_115] {strides = array<i32>} : memref<64x128xf32, #tpu.memory_space<vmem>>, vector<1x16xf32>,
        %get3A_117 = vector.shape_cast %get3A_116 : vector<1x16xf32> to vector<16xf32>
        %sub3A_118 = arith.subf %get3A_113, %get3A_117 : vector<16xf32>
        %swap3A_119 = arith.index_cast %scan3A_55 : i32 to index
        %swap3A_120 = arith.constant 64 : index
        %swap3A_121 = tpu.vector_load %arg13[%swap3A_119, %swap3A_120] {strides = array<i32>} : memref<64x128xf32, #tpu.memory_space<vmem>>, vector<1x16xf32>,
        %swap3A_122 = vector.shape_cast %swap3A_121 : vector<1x16xf32> to vector<16xf32>
        %swap3A_123 = vector.shape_cast %sub3A_118 : vector<16xf32> to vector<1x16xf32>
        tpu.vector_store %arg13[%swap3A_119, %swap3A_120], %swap3A_123 {strides = array<i32>} : memref<64x128xf32, #tpu.memory_space<vmem>>, vector<1x16xf32>,
        %get3A_124 = arith.index_cast %scan3A_55 : i32 to index
        %get3A_125 = arith.constant 80 : index
        %get3A_126 = tpu.vector_load %arg13[%get3A_124, %get3A_125] {strides = array<i32>} : memref<64x128xf32, #tpu.memory_space<vmem>>, vector<1x16xf32>,
        %get3A_127 = vector.shape_cast %get3A_126 : vector<1x16xf32> to vector<16xf32>
        %get3A_128 = arith.index_cast %scan3A_55 : i32 to index
        %get3A_129 = arith.constant 80 : index
        %get3A_130 = tpu.vector_load %arg14[%get3A_128, %get3A_129] {strides = array<i32>} : memref<64x128xf32, #tpu.memory_space<vmem>>, vector<1x16xf32>,
        %get3A_131 = vector.shape_cast %get3A_130 : vector<1x16xf32> to vector<16xf32>
        %sub3A_132 = arith.subf %get3A_127, %get3A_131 : vector<16xf32>
        %swap3A_133 = arith.index_cast %scan3A_55 : i32 to index
        %swap3A_134 = arith.constant 80 : index
        %swap3A_135 = tpu.vector_load %arg13[%swap3A_133, %swap3A_134] {strides = array<i32>} : memref<64x128xf32, #tpu.memory_space<vmem>>, vector<1x16xf32>,
        %swap3A_136 = vector.shape_cast %swap3A_135 : vector<1x16xf32> to vector<16xf32>
        %swap3A_137 = vector.shape_cast %sub3A_132 : vector<16xf32> to vector<1x16xf32>
        tpu.vector_store %arg13[%swap3A_133, %swap3A_134], %swap3A_137 {strides = array<i32>} : memref<64x128xf32, #tpu.memory_space<vmem>>, vector<1x16xf32>,
        %get3A_138 = arith.index_cast %scan3A_55 : i32 to index
        %get3A_139 = arith.constant 96 : index
        %get3A_140 = tpu.vector_load %arg13[%get3A_138, %get3A_139] {strides = array<i32>} : memref<64x128xf32, #tpu.memory_space<vmem>>, vector<1x16xf32>,
        %get3A_141 = vector.shape_cast %get3A_140 : vector<1x16xf32> to vector<16xf32>
        %get3A_142 = arith.index_cast %scan3A_55 : i32 to index
        %get3A_143 = arith.constant 96 : index
        %get3A_144 = tpu.vector_load %arg14[%get3A_142, %get3A_143] {strides = array<i32>} : memref<64x128xf32, #tpu.memory_space<vmem>>, vector<1x16xf32>,
        %get3A_145 = vector.shape_cast %get3A_144 : vector<1x16xf32> to vector<16xf32>
        %sub3A_146 = arith.subf %get3A_141, %get3A_145 : vector<16xf32>
        %swap3A_147 = arith.index_cast %scan3A_55 : i32 to index
        %swap3A_148 = arith.constant 96 : index
        %swap3A_149 = tpu.vector_load %arg13[%swap3A_147, %swap3A_148] {strides = array<i32>} : memref<64x128xf32, #tpu.memory_space<vmem>>, vector<1x16xf32>,
        %swap3A_150 = vector.shape_cast %swap3A_149 : vector<1x16xf32> to vector<16xf32>
        %swap3A_151 = vector.shape_cast %sub3A_146 : vector<16xf32> to vector<1x16xf32>
        tpu.vector_store %arg13[%swap3A_147, %swap3A_148], %swap3A_151 {strides = array<i32>} : memref<64x128xf32, #tpu.memory_space<vmem>>, vector<1x16xf32>,
        %get3A_152 = arith.index_cast %scan3A_55 : i32 to index
        %get3A_153 = arith.constant 112 : index
        %get3A_154 = tpu.vector_load %arg13[%get3A_152, %get3A_153] {strides = array<i32>} : memref<64x128xf32, #tpu.memory_space<vmem>>, vector<1x16xf32>,
        %get3A_155 = vector.shape_cast %get3A_154 : vector<1x16xf32> to vector<16xf32>
        %get3A_156 = arith.index_cast %scan3A_55 : i32 to index
        %get3A_157 = arith.constant 112 : index
        %get3A_158 = tpu.vector_load %arg14[%get3A_156, %get3A_157] {strides = array<i32>} : memref<64x128xf32, #tpu.memory_space<vmem>>, vector<1x16xf32>,
        %get3A_159 = vector.shape_cast %get3A_158 : vector<1x16xf32> to vector<16xf32>
        %sub3A_160 = arith.subf %get3A_155, %get3A_159 : vector<16xf32>
        %swap3A_161 = arith.index_cast %scan3A_55 : i32 to index
        %swap3A_162 = arith.constant 112 : index
        %swap3A_163 = tpu.vector_load %arg13[%swap3A_161, %swap3A_162] {strides = array<i32>} : memref<64x128xf32, #tpu.memory_space<vmem>>, vector<1x16xf32>,
        %swap3A_164 = vector.shape_cast %swap3A_163 : vector<1x16xf32> to vector<16xf32>
        %swap3A_165 = vector.shape_cast %sub3A_160 : vector<16xf32> to vector<1x16xf32>
        tpu.vector_store %arg13[%swap3A_161, %swap3A_162], %swap3A_165 {strides = array<i32>} : memref<64x128xf32, #tpu.memory_space<vmem>>, vector<1x16xf32>,
        %scan3A_166 = arith.constant 0 : i32
        scf.yield %scan3A_166 : i32
      }
      %scan3A_53 = arith.constant 64 : i32
      "tpu.region"() ({
        %run_scoped3A = tpu.sem_alloc : memref<!tpu.dma_semaphore, #tpu.memory_space<semaphore_mem>>
        %dma_start3A_55 = arith.constant 0 : i32
        %dma_start3A_56 = tpu.memref_slice %arg6[%add3A_17, %dma_start3A_55] : memref<331776x128xf32, #tpu.memory_space<hbm>> -> memref<64x128xf32, #tpu.memory_space<hbm>>
        %dma_start3A_57 = arith.constant 0 : i32
        %dma_start3A_58 = tpu.memref_slice %arg6[%add3A_17, %dma_start3A_57] : memref<331776x128xf32, #tpu.memory_space<hbm>> -> memref<64x128xf32, #tpu.memory_space<hbm>>
        tpu.enqueue_dma source(%arg13 : memref<64x128xf32, #tpu.memory_space<vmem>>) target(%dma_start3A_58 : memref<64x128xf32, #tpu.memory_space<hbm>>) target_semaphore(%run_scoped3A : memref<!tpu.dma_semaphore, #tpu.memory_space<semaphore_mem>>)
        %dma_wait3A_59 = arith.constant 0 : i32
        %dma_wait3A_60 = tpu.memref_slice %arg6[%add3A_17, %dma_wait3A_59] : memref<331776x128xf32, #tpu.memory_space<hbm>> -> memref<64x128xf32, #tpu.memory_space<hbm>>
        %dma_wait3A_61 = arith.constant 0 : i32
        %dma_wait3A_62 = tpu.memref_slice %arg6[%add3A_17, %dma_wait3A_61] : memref<331776x128xf32, #tpu.memory_space<hbm>> -> memref<64x128xf32, #tpu.memory_space<hbm>>
        tpu.wait_dma2 semaphore(%run_scoped3A : memref<!tpu.dma_semaphore, #tpu.memory_space<semaphore_mem>>) src(%arg13 : memref<64x128xf32, #tpu.memory_space<vmem>>) dst(%dma_wait3A_62 : memref<64x128xf32, #tpu.memory_space<hbm>>)
        tpu.yield
      }) : () -> ()
      %scan3A_54 = arith.constant 0 : i32
      scf.yield %scan3A_54 : i32
    }
    %scan3A_8 = arith.constant 81 : i32
    return
  }
}

#map = affine_map<(d0, d1) -> (0, 0)>
#map1 = affine_map<(d0, d1) -> (0)>
module attributes {stable_mosaic.version = 14 : i64} {
  func.func @k(%arg0: i32, %arg1: i32, %arg2: memref<331776x128xf32, #tpu.memory_space<hbm>>, %arg3: memref<331776x128xf32, #tpu.memory_space<hbm>>, %arg4: memref<331776xi32, #tpu.memory_space<hbm>>, %arg5: memref<10240x128xf32, #tpu.memory_space<hbm>>, %arg6: memref<10240x128xf32, #tpu.memory_space<hbm>>, %arg7: memref<128xi32, #tpu.memory_space<vmem>>, %arg8: memref<128x128xf32, #tpu.memory_space<vmem>>, %arg9: memref<10240x128xf32, #tpu.memory_space<vmem_shared>>) attributes {dimension_semantics = [#tpu.dimension_semantics<core_parallel>, #tpu.dimension_semantics<subcore_parallel>], iteration_bounds = array<i64: 2, 16>, scalar_prefetch = 0 : i64, scratch_operands = 3 : i64, tpu.core_type = #tpu.core_type<sc_vector_subcore>, window_params = [{transform_indices = #map}, {transform_indices = #map}, {transform_indices = #map1}, {transform_indices = #map}, {transform_indices = #map}]} {
    %scan3A = arith.constant 0 : i32
    %scan3A_0 = arith.constant 0 : i32
    %scan3A_1 = arith.constant 128 : i32
    %scan3A_2 = arith.addi %scan3A_0, %scan3A_1 : i32
    %scan3A_3 = arith.constant 1 : i32
    %scan3A_4 = scf.for %scan3A_31 = %scan3A_0 to %scan3A_2 step %scan3A_3 iter_args(%scan3A_32 = %scan3A) -> (i32)  : i32 {
      %broadcast_in_dim3A = arith.constant 0.000000e+00 : f32
      %broadcast_in_dim3A_33 = vector.broadcast %broadcast_in_dim3A : f32 to vector<16xf32>
      %swap3A = arith.index_cast %scan3A_31 : i32 to index
      %swap3A_34 = arith.constant 0 : index
      %swap3A_35 = tpu.vector_load %arg8[%swap3A, %swap3A_34] {strides = array<i32>} : memref<128x128xf32, #tpu.memory_space<vmem>>, vector<1x16xf32>,
      %swap3A_36 = vector.shape_cast %swap3A_35 : vector<1x16xf32> to vector<16xf32>
      %swap3A_37 = vector.shape_cast %broadcast_in_dim3A_33 : vector<16xf32> to vector<1x16xf32>
      tpu.vector_store %arg8[%swap3A, %swap3A_34], %swap3A_37 {strides = array<i32>} : memref<128x128xf32, #tpu.memory_space<vmem>>, vector<1x16xf32>,
      %broadcast_in_dim3A_38 = arith.constant 0.000000e+00 : f32
      %broadcast_in_dim3A_39 = vector.broadcast %broadcast_in_dim3A_38 : f32 to vector<16xf32>
      %swap3A_40 = arith.index_cast %scan3A_31 : i32 to index
      %swap3A_41 = arith.constant 16 : index
      %swap3A_42 = tpu.vector_load %arg8[%swap3A_40, %swap3A_41] {strides = array<i32>} : memref<128x128xf32, #tpu.memory_space<vmem>>, vector<1x16xf32>,
      %swap3A_43 = vector.shape_cast %swap3A_42 : vector<1x16xf32> to vector<16xf32>
      %swap3A_44 = vector.shape_cast %broadcast_in_dim3A_39 : vector<16xf32> to vector<1x16xf32>
      tpu.vector_store %arg8[%swap3A_40, %swap3A_41], %swap3A_44 {strides = array<i32>} : memref<128x128xf32, #tpu.memory_space<vmem>>, vector<1x16xf32>,
      %broadcast_in_dim3A_45 = arith.constant 0.000000e+00 : f32
      %broadcast_in_dim3A_46 = vector.broadcast %broadcast_in_dim3A_45 : f32 to vector<16xf32>
      %swap3A_47 = arith.index_cast %scan3A_31 : i32 to index
      %swap3A_48 = arith.constant 32 : index
      %swap3A_49 = tpu.vector_load %arg8[%swap3A_47, %swap3A_48] {strides = array<i32>} : memref<128x128xf32, #tpu.memory_space<vmem>>, vector<1x16xf32>,
      %swap3A_50 = vector.shape_cast %swap3A_49 : vector<1x16xf32> to vector<16xf32>
      %swap3A_51 = vector.shape_cast %broadcast_in_dim3A_46 : vector<16xf32> to vector<1x16xf32>
      tpu.vector_store %arg8[%swap3A_47, %swap3A_48], %swap3A_51 {strides = array<i32>} : memref<128x128xf32, #tpu.memory_space<vmem>>, vector<1x16xf32>,
      %broadcast_in_dim3A_52 = arith.constant 0.000000e+00 : f32
      %broadcast_in_dim3A_53 = vector.broadcast %broadcast_in_dim3A_52 : f32 to vector<16xf32>
      %swap3A_54 = arith.index_cast %scan3A_31 : i32 to index
      %swap3A_55 = arith.constant 48 : index
      %swap3A_56 = tpu.vector_load %arg8[%swap3A_54, %swap3A_55] {strides = array<i32>} : memref<128x128xf32, #tpu.memory_space<vmem>>, vector<1x16xf32>,
      %swap3A_57 = vector.shape_cast %swap3A_56 : vector<1x16xf32> to vector<16xf32>
      %swap3A_58 = vector.shape_cast %broadcast_in_dim3A_53 : vector<16xf32> to vector<1x16xf32>
      tpu.vector_store %arg8[%swap3A_54, %swap3A_55], %swap3A_58 {strides = array<i32>} : memref<128x128xf32, #tpu.memory_space<vmem>>, vector<1x16xf32>,
      %broadcast_in_dim3A_59 = arith.constant 0.000000e+00 : f32
      %broadcast_in_dim3A_60 = vector.broadcast %broadcast_in_dim3A_59 : f32 to vector<16xf32>
      %swap3A_61 = arith.index_cast %scan3A_31 : i32 to index
      %swap3A_62 = arith.constant 64 : index
      %swap3A_63 = tpu.vector_load %arg8[%swap3A_61, %swap3A_62] {strides = array<i32>} : memref<128x128xf32, #tpu.memory_space<vmem>>, vector<1x16xf32>,
      %swap3A_64 = vector.shape_cast %swap3A_63 : vector<1x16xf32> to vector<16xf32>
      %swap3A_65 = vector.shape_cast %broadcast_in_dim3A_60 : vector<16xf32> to vector<1x16xf32>
      tpu.vector_store %arg8[%swap3A_61, %swap3A_62], %swap3A_65 {strides = array<i32>} : memref<128x128xf32, #tpu.memory_space<vmem>>, vector<1x16xf32>,
      %broadcast_in_dim3A_66 = arith.constant 0.000000e+00 : f32
      %broadcast_in_dim3A_67 = vector.broadcast %broadcast_in_dim3A_66 : f32 to vector<16xf32>
      %swap3A_68 = arith.index_cast %scan3A_31 : i32 to index
      %swap3A_69 = arith.constant 80 : index
      %swap3A_70 = tpu.vector_load %arg8[%swap3A_68, %swap3A_69] {strides = array<i32>} : memref<128x128xf32, #tpu.memory_space<vmem>>, vector<1x16xf32>,
      %swap3A_71 = vector.shape_cast %swap3A_70 : vector<1x16xf32> to vector<16xf32>
      %swap3A_72 = vector.shape_cast %broadcast_in_dim3A_67 : vector<16xf32> to vector<1x16xf32>
      tpu.vector_store %arg8[%swap3A_68, %swap3A_69], %swap3A_72 {strides = array<i32>} : memref<128x128xf32, #tpu.memory_space<vmem>>, vector<1x16xf32>,
      %broadcast_in_dim3A_73 = arith.constant 0.000000e+00 : f32
      %broadcast_in_dim3A_74 = vector.broadcast %broadcast_in_dim3A_73 : f32 to vector<16xf32>
      %swap3A_75 = arith.index_cast %scan3A_31 : i32 to index
      %swap3A_76 = arith.constant 96 : index
      %swap3A_77 = tpu.vector_load %arg8[%swap3A_75, %swap3A_76] {strides = array<i32>} : memref<128x128xf32, #tpu.memory_space<vmem>>, vector<1x16xf32>,
      %swap3A_78 = vector.shape_cast %swap3A_77 : vector<1x16xf32> to vector<16xf32>
      %swap3A_79 = vector.shape_cast %broadcast_in_dim3A_74 : vector<16xf32> to vector<1x16xf32>
      tpu.vector_store %arg8[%swap3A_75, %swap3A_76], %swap3A_79 {strides = array<i32>} : memref<128x128xf32, #tpu.memory_space<vmem>>, vector<1x16xf32>,
      %broadcast_in_dim3A_80 = arith.constant 0.000000e+00 : f32
      %broadcast_in_dim3A_81 = vector.broadcast %broadcast_in_dim3A_80 : f32 to vector<16xf32>
      %swap3A_82 = arith.index_cast %scan3A_31 : i32 to index
      %swap3A_83 = arith.constant 112 : index
      %swap3A_84 = tpu.vector_load %arg8[%swap3A_82, %swap3A_83] {strides = array<i32>} : memref<128x128xf32, #tpu.memory_space<vmem>>, vector<1x16xf32>,
      %swap3A_85 = vector.shape_cast %swap3A_84 : vector<1x16xf32> to vector<16xf32>
      %swap3A_86 = vector.shape_cast %broadcast_in_dim3A_81 : vector<16xf32> to vector<1x16xf32>
      tpu.vector_store %arg8[%swap3A_82, %swap3A_83], %swap3A_86 {strides = array<i32>} : memref<128x128xf32, #tpu.memory_space<vmem>>, vector<1x16xf32>,
      %scan3A_87 = arith.constant 0 : i32
      scf.yield %scan3A_87 : i32
    }
    %scan3A_5 = arith.constant 128 : i32
    %scan3A_6 = arith.constant 0 : i32
    %scan3A_7 = arith.constant 0 : i32
    %scan3A_8 = arith.constant 5 : i32
    %scan3A_9 = arith.addi %scan3A_7, %scan3A_8 : i32
    %scan3A_10 = arith.constant 1 : i32
    %scan3A_11 = scf.for %scan3A_31 = %scan3A_7 to %scan3A_9 step %scan3A_10 iter_args(%scan3A_32 = %scan3A_6) -> (i32)  : i32 {
      %mul3A = arith.constant 640 : i32
      %mul3A_33 = arith.muli %arg1, %mul3A : i32
      %mul3A_34 = arith.constant 128 : i32
      %mul3A_35 = arith.muli %scan3A_31, %mul3A_34 : i32
      %add3A = arith.addi %mul3A_33, %mul3A_35 : i32
      "tpu.region"() ({
        %run_scoped3A = tpu.sem_alloc : memref<!tpu.dma_semaphore, #tpu.memory_space<semaphore_mem>>
        %dma_start3A = arith.constant 0 : i32
        %dma_start3A_37 = tpu.memref_slice %arg9[%add3A, %dma_start3A] : memref<10240x128xf32, #tpu.memory_space<vmem_shared>> -> memref<128x128xf32, #tpu.memory_space<vmem_shared>>
        %dma_start3A_38 = arith.constant 0 : i32
        %dma_start3A_39 = tpu.memref_slice %arg9[%add3A, %dma_start3A_38] : memref<10240x128xf32, #tpu.memory_space<vmem_shared>> -> memref<128x128xf32, #tpu.memory_space<vmem_shared>>
        tpu.enqueue_dma source(%arg8 : memref<128x128xf32, #tpu.memory_space<vmem>>) target(%dma_start3A_39 : memref<128x128xf32, #tpu.memory_space<vmem_shared>>) target_semaphore(%run_scoped3A : memref<!tpu.dma_semaphore, #tpu.memory_space<semaphore_mem>>)
        %dma_wait3A = arith.constant 0 : i32
        %dma_wait3A_40 = tpu.memref_slice %arg9[%add3A, %dma_wait3A] : memref<10240x128xf32, #tpu.memory_space<vmem_shared>> -> memref<128x128xf32, #tpu.memory_space<vmem_shared>>
        %dma_wait3A_41 = arith.constant 0 : i32
        %dma_wait3A_42 = tpu.memref_slice %arg9[%add3A, %dma_wait3A_41] : memref<10240x128xf32, #tpu.memory_space<vmem_shared>> -> memref<128x128xf32, #tpu.memory_space<vmem_shared>>
        tpu.wait_dma2 semaphore(%run_scoped3A : memref<!tpu.dma_semaphore, #tpu.memory_space<semaphore_mem>>) src(%arg8 : memref<128x128xf32, #tpu.memory_space<vmem>>) dst(%dma_wait3A_42 : memref<128x128xf32, #tpu.memory_space<vmem_shared>>)
        tpu.yield
      }) : () -> ()
      %scan3A_36 = arith.constant 0 : i32
      scf.yield %scan3A_36 : i32
    }
    %scan3A_12 = arith.constant 5 : i32
    %barrier3A = arith.constant 0 : index
    tpu.barrier barrier_id(%barrier3A)
    %eq3A = arith.constant 0 : i32
    %eq3A_13 = arith.cmpi eq, %arg0, %eq3A : i32
    %convert_element_type3A = arith.extui %eq3A_13 : i1 to i32
    %cond3A = arith.constant 0 : i32
    %cond3A_14 = arith.cmpi ne, %convert_element_type3A, %cond3A : i32
    scf.if %cond3A_14 {
      %scan3A_31 = arith.constant 0 : i32
      %scan3A_32 = arith.constant 0 : i32
      %scan3A_33 = arith.constant 162 : i32
      %scan3A_34 = arith.addi %scan3A_32, %scan3A_33 : i32
      %scan3A_35 = arith.constant 1 : i32
      %scan3A_36 = scf.for %scan3A_38 = %scan3A_32 to %scan3A_34 step %scan3A_35 iter_args(%scan3A_39 = %scan3A_31) -> (i32)  : i32 {
        %mul3A = arith.constant 162 : i32
        %mul3A_40 = arith.muli %arg1, %mul3A : i32
        %add3A = arith.addi %mul3A_40, %scan3A_38 : i32
        %mul3A_41 = arith.constant 128 : i32
        %mul3A_42 = arith.muli %add3A, %mul3A_41 : i32
        "tpu.region"() ({
          %run_scoped3A = tpu.sem_alloc : memref<!tpu.dma_semaphore, #tpu.memory_space<semaphore_mem>>
          %dma_start3A = tpu.memref_slice %arg4[%mul3A_42] : memref<331776xi32, #tpu.memory_space<hbm>> -> memref<128xi32, #tpu.memory_space<hbm>>
          %dma_start3A_44 = tpu.memref_slice %arg4[%mul3A_42] : memref<331776xi32, #tpu.memory_space<hbm>> -> memref<128xi32, #tpu.memory_space<hbm>>
          tpu.enqueue_dma source(%dma_start3A_44 : memref<128xi32, #tpu.memory_space<hbm>>) target(%arg7 : memref<128xi32, #tpu.memory_space<vmem>>) target_semaphore(%run_scoped3A : memref<!tpu.dma_semaphore, #tpu.memory_space<semaphore_mem>>)
          %dma_wait3A = tpu.memref_slice %arg4[%mul3A_42] : memref<331776xi32, #tpu.memory_space<hbm>> -> memref<128xi32, #tpu.memory_space<hbm>>
          %dma_wait3A_45 = tpu.memref_slice %arg4[%mul3A_42] : memref<331776xi32, #tpu.memory_space<hbm>> -> memref<128xi32, #tpu.memory_space<hbm>>
          tpu.wait_dma2 semaphore(%run_scoped3A : memref<!tpu.dma_semaphore, #tpu.memory_space<semaphore_mem>>) src(%dma_wait3A_45 : memref<128xi32, #tpu.memory_space<hbm>>) dst(%arg7 : memref<128xi32, #tpu.memory_space<vmem>>)
          tpu.yield
        }) : () -> ()
        "tpu.region"() ({
          %run_scoped3A = tpu.sem_alloc : memref<!tpu.dma_semaphore, #tpu.memory_space<semaphore_mem>>
          %dma_start3A = arith.constant 0 : i32
          %dma_start3A_44 = tpu.memref_slice %arg2[%mul3A_42, %dma_start3A] : memref<331776x128xf32, #tpu.memory_space<hbm>> -> memref<128x128xf32, #tpu.memory_space<hbm>>
          %dma_start3A_45 = arith.constant 0 : i32
          %dma_start3A_46 = tpu.memref_slice %arg2[%mul3A_42, %dma_start3A_45] : memref<331776x128xf32, #tpu.memory_space<hbm>> -> memref<128x128xf32, #tpu.memory_space<hbm>>
          tpu.enqueue_dma source(%dma_start3A_46 : memref<128x128xf32, #tpu.memory_space<hbm>>) target(%arg8 : memref<128x128xf32, #tpu.memory_space<vmem>>) target_semaphore(%run_scoped3A : memref<!tpu.dma_semaphore, #tpu.memory_space<semaphore_mem>>)
          %dma_wait3A = arith.constant 0 : i32
          %dma_wait3A_47 = tpu.memref_slice %arg2[%mul3A_42, %dma_wait3A] : memref<331776x128xf32, #tpu.memory_space<hbm>> -> memref<128x128xf32, #tpu.memory_space<hbm>>
          %dma_wait3A_48 = arith.constant 0 : i32
          %dma_wait3A_49 = tpu.memref_slice %arg2[%mul3A_42, %dma_wait3A_48] : memref<331776x128xf32, #tpu.memory_space<hbm>> -> memref<128x128xf32, #tpu.memory_space<hbm>>
          tpu.wait_dma2 semaphore(%run_scoped3A : memref<!tpu.dma_semaphore, #tpu.memory_space<semaphore_mem>>) src(%dma_wait3A_49 : memref<128x128xf32, #tpu.memory_space<hbm>>) dst(%arg8 : memref<128x128xf32, #tpu.memory_space<vmem>>)
          tpu.yield
        }) : () -> ()
        "tpu.region"() ({
          %run_scoped3A = tpu.sem_alloc : memref<!tpu.dma_semaphore, #tpu.memory_space<semaphore_mem>>
          %dma_start3A = arith.constant 0 : i32
          %dma_start3A_44 = arith.constant 0 : i32
          %dma_start3A_45 = tpu.memref_slice %arg9[%dma_start3A, %dma_start3A_44] : memref<10240x128xf32, #tpu.memory_space<vmem_shared>> -> memref<10240x128xf32, #tpu.memory_space<vmem_shared>>
          tpu.enqueue_indirect_dma source(%arg8 : memref<128x128xf32, #tpu.memory_space<vmem>>) target(%dma_start3A_45 : memref<10240x128xf32, #tpu.memory_space<vmem_shared>>) offsets(%arg7 : memref<128xi32, #tpu.memory_space<vmem>>) semaphore(%run_scoped3A : memref<!tpu.dma_semaphore, #tpu.memory_space<semaphore_mem>>) {add = true}
          %dma_wait3A = arith.constant 0 : i32
          %dma_wait3A_46 = arith.constant 0 : i32
          %dma_wait3A_47 = tpu.memref_slice %arg9[%dma_wait3A, %dma_wait3A_46] : memref<10240x128xf32, #tpu.memory_space<vmem_shared>> -> memref<10240x128xf32, #tpu.memory_space<vmem_shared>>
          tpu.wait_indirect_dma semaphore(%run_scoped3A : memref<!tpu.dma_semaphore, #tpu.memory_space<semaphore_mem>>) src(%arg8 : memref<128x128xf32, #tpu.memory_space<vmem>>) dst(%dma_wait3A_47 : memref<10240x128xf32, #tpu.memory_space<vmem_shared>>)
          tpu.yield
        }) : () -> ()
        %scan3A_43 = arith.constant 0 : i32
        scf.yield %scan3A_43 : i32
      }
      %scan3A_37 = arith.constant 162 : i32
    } else {
    }
    %eq3A_15 = arith.constant 1 : i32
    %eq3A_16 = arith.cmpi eq, %arg0, %eq3A_15 : i32
    %convert_element_type3A_17 = arith.extui %eq3A_16 : i1 to i32
    %cond3A_18 = arith.constant 0 : i32
    %cond3A_19 = arith.cmpi ne, %convert_element_type3A_17, %cond3A_18 : i32
    scf.if %cond3A_19 {
      %scan3A_31 = arith.constant 0 : i32
      %scan3A_32 = arith.constant 0 : i32
      %scan3A_33 = arith.constant 162 : i32
      %scan3A_34 = arith.addi %scan3A_32, %scan3A_33 : i32
      %scan3A_35 = arith.constant 1 : i32
      %scan3A_36 = scf.for %scan3A_38 = %scan3A_32 to %scan3A_34 step %scan3A_35 iter_args(%scan3A_39 = %scan3A_31) -> (i32)  : i32 {
        %mul3A = arith.constant 162 : i32
        %mul3A_40 = arith.muli %arg1, %mul3A : i32
        %add3A = arith.addi %mul3A_40, %scan3A_38 : i32
        %mul3A_41 = arith.constant 128 : i32
        %mul3A_42 = arith.muli %add3A, %mul3A_41 : i32
        "tpu.region"() ({
          %run_scoped3A = tpu.sem_alloc : memref<!tpu.dma_semaphore, #tpu.memory_space<semaphore_mem>>
          %dma_start3A = tpu.memref_slice %arg4[%mul3A_42] : memref<331776xi32, #tpu.memory_space<hbm>> -> memref<128xi32, #tpu.memory_space<hbm>>
          %dma_start3A_44 = tpu.memref_slice %arg4[%mul3A_42] : memref<331776xi32, #tpu.memory_space<hbm>> -> memref<128xi32, #tpu.memory_space<hbm>>
          tpu.enqueue_dma source(%dma_start3A_44 : memref<128xi32, #tpu.memory_space<hbm>>) target(%arg7 : memref<128xi32, #tpu.memory_space<vmem>>) target_semaphore(%run_scoped3A : memref<!tpu.dma_semaphore, #tpu.memory_space<semaphore_mem>>)
          %dma_wait3A = tpu.memref_slice %arg4[%mul3A_42] : memref<331776xi32, #tpu.memory_space<hbm>> -> memref<128xi32, #tpu.memory_space<hbm>>
          %dma_wait3A_45 = tpu.memref_slice %arg4[%mul3A_42] : memref<331776xi32, #tpu.memory_space<hbm>> -> memref<128xi32, #tpu.memory_space<hbm>>
          tpu.wait_dma2 semaphore(%run_scoped3A : memref<!tpu.dma_semaphore, #tpu.memory_space<semaphore_mem>>) src(%dma_wait3A_45 : memref<128xi32, #tpu.memory_space<hbm>>) dst(%arg7 : memref<128xi32, #tpu.memory_space<vmem>>)
          tpu.yield
        }) : () -> ()
        "tpu.region"() ({
          %run_scoped3A = tpu.sem_alloc : memref<!tpu.dma_semaphore, #tpu.memory_space<semaphore_mem>>
          %dma_start3A = arith.constant 0 : i32
          %dma_start3A_44 = tpu.memref_slice %arg3[%mul3A_42, %dma_start3A] : memref<331776x128xf32, #tpu.memory_space<hbm>> -> memref<128x128xf32, #tpu.memory_space<hbm>>
          %dma_start3A_45 = arith.constant 0 : i32
          %dma_start3A_46 = tpu.memref_slice %arg3[%mul3A_42, %dma_start3A_45] : memref<331776x128xf32, #tpu.memory_space<hbm>> -> memref<128x128xf32, #tpu.memory_space<hbm>>
          tpu.enqueue_dma source(%dma_start3A_46 : memref<128x128xf32, #tpu.memory_space<hbm>>) target(%arg8 : memref<128x128xf32, #tpu.memory_space<vmem>>) target_semaphore(%run_scoped3A : memref<!tpu.dma_semaphore, #tpu.memory_space<semaphore_mem>>)
          %dma_wait3A = arith.constant 0 : i32
          %dma_wait3A_47 = tpu.memref_slice %arg3[%mul3A_42, %dma_wait3A] : memref<331776x128xf32, #tpu.memory_space<hbm>> -> memref<128x128xf32, #tpu.memory_space<hbm>>
          %dma_wait3A_48 = arith.constant 0 : i32
          %dma_wait3A_49 = tpu.memref_slice %arg3[%mul3A_42, %dma_wait3A_48] : memref<331776x128xf32, #tpu.memory_space<hbm>> -> memref<128x128xf32, #tpu.memory_space<hbm>>
          tpu.wait_dma2 semaphore(%run_scoped3A : memref<!tpu.dma_semaphore, #tpu.memory_space<semaphore_mem>>) src(%dma_wait3A_49 : memref<128x128xf32, #tpu.memory_space<hbm>>) dst(%arg8 : memref<128x128xf32, #tpu.memory_space<vmem>>)
          tpu.yield
        }) : () -> ()
        "tpu.region"() ({
          %run_scoped3A = tpu.sem_alloc : memref<!tpu.dma_semaphore, #tpu.memory_space<semaphore_mem>>
          %dma_start3A = arith.constant 0 : i32
          %dma_start3A_44 = arith.constant 0 : i32
          %dma_start3A_45 = tpu.memref_slice %arg9[%dma_start3A, %dma_start3A_44] : memref<10240x128xf32, #tpu.memory_space<vmem_shared>> -> memref<10240x128xf32, #tpu.memory_space<vmem_shared>>
          tpu.enqueue_indirect_dma source(%arg8 : memref<128x128xf32, #tpu.memory_space<vmem>>) target(%dma_start3A_45 : memref<10240x128xf32, #tpu.memory_space<vmem_shared>>) offsets(%arg7 : memref<128xi32, #tpu.memory_space<vmem>>) semaphore(%run_scoped3A : memref<!tpu.dma_semaphore, #tpu.memory_space<semaphore_mem>>) {add = true}
          %dma_wait3A = arith.constant 0 : i32
          %dma_wait3A_46 = arith.constant 0 : i32
          %dma_wait3A_47 = tpu.memref_slice %arg9[%dma_wait3A, %dma_wait3A_46] : memref<10240x128xf32, #tpu.memory_space<vmem_shared>> -> memref<10240x128xf32, #tpu.memory_space<vmem_shared>>
          tpu.wait_indirect_dma semaphore(%run_scoped3A : memref<!tpu.dma_semaphore, #tpu.memory_space<semaphore_mem>>) src(%arg8 : memref<128x128xf32, #tpu.memory_space<vmem>>) dst(%dma_wait3A_47 : memref<10240x128xf32, #tpu.memory_space<vmem_shared>>)
          tpu.yield
        }) : () -> ()
        %scan3A_43 = arith.constant 0 : i32
        scf.yield %scan3A_43 : i32
      }
      %scan3A_37 = arith.constant 162 : i32
    } else {
    }
    %barrier3A_20 = arith.constant 0 : index
    tpu.barrier barrier_id(%barrier3A_20)
    %eq3A_21 = arith.constant 0 : i32
    %eq3A_22 = arith.cmpi eq, %arg0, %eq3A_21 : i32
    %convert_element_type3A_23 = arith.extui %eq3A_22 : i1 to i32
    %cond3A_24 = arith.constant 0 : i32
    %cond3A_25 = arith.cmpi ne, %convert_element_type3A_23, %cond3A_24 : i32
    scf.if %cond3A_25 {
      %mul3A = arith.constant 640 : i32
      %mul3A_31 = arith.muli %arg1, %mul3A : i32
      %mul3A_32 = arith.constant 640 : i32
      %mul3A_33 = arith.muli %arg1, %mul3A_32 : i32
      "tpu.region"() ({
        %run_scoped3A = tpu.sem_alloc : memref<!tpu.dma_semaphore, #tpu.memory_space<semaphore_mem>>
        %dma_start3A = arith.constant 0 : i32
        %dma_start3A_34 = tpu.memref_slice %arg5[%mul3A_33, %dma_start3A] : memref<10240x128xf32, #tpu.memory_space<hbm>> -> memref<640x128xf32, #tpu.memory_space<hbm>>
        %dma_start3A_35 = arith.constant 0 : i32
        %dma_start3A_36 = tpu.memref_slice %arg9[%mul3A_31, %dma_start3A_35] : memref<10240x128xf32, #tpu.memory_space<vmem_shared>> -> memref<640x128xf32, #tpu.memory_space<vmem_shared>>
        tpu.enqueue_dma source(%dma_start3A_36 : memref<640x128xf32, #tpu.memory_space<vmem_shared>>) target(%dma_start3A_34 : memref<640x128xf32, #tpu.memory_space<hbm>>) target_semaphore(%run_scoped3A : memref<!tpu.dma_semaphore, #tpu.memory_space<semaphore_mem>>)
        %dma_wait3A = arith.constant 0 : i32
        %dma_wait3A_37 = tpu.memref_slice %arg5[%mul3A_33, %dma_wait3A] : memref<10240x128xf32, #tpu.memory_space<hbm>> -> memref<640x128xf32, #tpu.memory_space<hbm>>
        %dma_wait3A_38 = arith.constant 0 : i32
        %dma_wait3A_39 = tpu.memref_slice %arg9[%mul3A_31, %dma_wait3A_38] : memref<10240x128xf32, #tpu.memory_space<vmem_shared>> -> memref<640x128xf32, #tpu.memory_space<vmem_shared>>
        tpu.wait_dma2 semaphore(%run_scoped3A : memref<!tpu.dma_semaphore, #tpu.memory_space<semaphore_mem>>) src(%dma_wait3A_39 : memref<640x128xf32, #tpu.memory_space<vmem_shared>>) dst(%dma_wait3A_37 : memref<640x128xf32, #tpu.memory_space<hbm>>)
        tpu.yield
      }) : () -> ()
    } else {
    }
    %eq3A_26 = arith.constant 1 : i32
    %eq3A_27 = arith.cmpi eq, %arg0, %eq3A_26 : i32
    %convert_element_type3A_28 = arith.extui %eq3A_27 : i1 to i32
    %cond3A_29 = arith.constant 0 : i32
    %cond3A_30 = arith.cmpi ne, %convert_element_type3A_28, %cond3A_29 : i32
    scf.if %cond3A_30 {
      %mul3A = arith.constant 640 : i32
      %mul3A_31 = arith.muli %arg1, %mul3A : i32
      %mul3A_32 = arith.constant 640 : i32
      %mul3A_33 = arith.muli %arg1, %mul3A_32 : i32
      "tpu.region"() ({
        %run_scoped3A = tpu.sem_alloc : memref<!tpu.dma_semaphore, #tpu.memory_space<semaphore_mem>>
        %dma_start3A = arith.constant 0 : i32
        %dma_start3A_34 = tpu.memref_slice %arg6[%mul3A_33, %dma_start3A] : memref<10240x128xf32, #tpu.memory_space<hbm>> -> memref<640x128xf32, #tpu.memory_space<hbm>>
        %dma_start3A_35 = arith.constant 0 : i32
        %dma_start3A_36 = tpu.memref_slice %arg9[%mul3A_31, %dma_start3A_35] : memref<10240x128xf32, #tpu.memory_space<vmem_shared>> -> memref<640x128xf32, #tpu.memory_space<vmem_shared>>
        tpu.enqueue_dma source(%dma_start3A_36 : memref<640x128xf32, #tpu.memory_space<vmem_shared>>) target(%dma_start3A_34 : memref<640x128xf32, #tpu.memory_space<hbm>>) target_semaphore(%run_scoped3A : memref<!tpu.dma_semaphore, #tpu.memory_space<semaphore_mem>>)
        %dma_wait3A = arith.constant 0 : i32
        %dma_wait3A_37 = tpu.memref_slice %arg6[%mul3A_33, %dma_wait3A] : memref<10240x128xf32, #tpu.memory_space<hbm>> -> memref<640x128xf32, #tpu.memory_space<hbm>>
        %dma_wait3A_38 = arith.constant 0 : i32
        %dma_wait3A_39 = tpu.memref_slice %arg9[%mul3A_31, %dma_wait3A_38] : memref<10240x128xf32, #tpu.memory_space<vmem_shared>> -> memref<640x128xf32, #tpu.memory_space<vmem_shared>>
        tpu.wait_dma2 semaphore(%run_scoped3A : memref<!tpu.dma_semaphore, #tpu.memory_space<semaphore_mem>>) src(%dma_wait3A_39 : memref<640x128xf32, #tpu.memory_space<vmem_shared>>) dst(%dma_wait3A_37 : memref<640x128xf32, #tpu.memory_space<hbm>>)
        tpu.yield
      }) : () -> ()
    } else {
    }
    return
  }
}

#map = affine_map<(d0, d1) -> (0, 0)>
#map1 = affine_map<(d0, d1) -> (0)>
module attributes {stable_mosaic.version = 14 : i64} {
  func.func @k(%arg0: i32, %arg1: i32, %arg2: memref<10240x128xf32, #tpu.memory_space<hbm>>, %arg3: memref<323584xi32, #tpu.memory_space<hbm>>, %arg4: memref<323584x128xf32, #tpu.memory_space<hbm>>, %arg5: memref<128xi32, #tpu.memory_space<vmem>>, %arg6: memref<128xi32, #tpu.memory_space<vmem>>, %arg7: memref<128x128xf32, #tpu.memory_space<vmem>>, %arg8: memref<128x128xf32, #tpu.memory_space<vmem>>, %arg9: memref<!tpu.dma_semaphore, #tpu.memory_space<semaphore_mem>>, %arg10: memref<!tpu.dma_semaphore, #tpu.memory_space<semaphore_mem>>) attributes {dimension_semantics = [#tpu.dimension_semantics<core_parallel>, #tpu.dimension_semantics<subcore_parallel>], iteration_bounds = array<i64: 2, 16>, scalar_prefetch = 0 : i64, scratch_operands = 6 : i64, tpu.core_type = #tpu.core_type<sc_vector_subcore>, window_params = [{transform_indices = #map}, {transform_indices = #map1}, {transform_indices = #map}]} {
    %mul3A = arith.constant 2 : i32
    %mul3A_0 = arith.muli %arg1, %mul3A : i32
    %add3A = arith.addi %mul3A_0, %arg0 : i32
    %mul3A_1 = arith.constant 10112 : i32
    %mul3A_2 = arith.muli %add3A, %mul3A_1 : i32
    "tpu.region"() ({
      %run_scoped3A = tpu.sem_alloc : memref<!tpu.dma_semaphore, #tpu.memory_space<semaphore_mem>>
      %dma_start3A_13 = tpu.memref_slice %arg3[%mul3A_2] : memref<323584xi32, #tpu.memory_space<hbm>> -> memref<128xi32, #tpu.memory_space<hbm>>
      %dma_start3A_14 = tpu.memref_slice %arg3[%mul3A_2] : memref<323584xi32, #tpu.memory_space<hbm>> -> memref<128xi32, #tpu.memory_space<hbm>>
      tpu.enqueue_dma source(%dma_start3A_14 : memref<128xi32, #tpu.memory_space<hbm>>) target(%arg5 : memref<128xi32, #tpu.memory_space<vmem>>) target_semaphore(%run_scoped3A : memref<!tpu.dma_semaphore, #tpu.memory_space<semaphore_mem>>)
      %dma_wait3A_15 = tpu.memref_slice %arg3[%mul3A_2] : memref<323584xi32, #tpu.memory_space<hbm>> -> memref<128xi32, #tpu.memory_space<hbm>>
      %dma_wait3A_16 = tpu.memref_slice %arg3[%mul3A_2] : memref<323584xi32, #tpu.memory_space<hbm>> -> memref<128xi32, #tpu.memory_space<hbm>>
      tpu.wait_dma2 semaphore(%run_scoped3A : memref<!tpu.dma_semaphore, #tpu.memory_space<semaphore_mem>>) src(%dma_wait3A_16 : memref<128xi32, #tpu.memory_space<hbm>>) dst(%arg5 : memref<128xi32, #tpu.memory_space<vmem>>)
      tpu.yield
    }) : () -> ()
    %dma_start3A = arith.constant 0 : i32
    %dma_start3A_3 = arith.constant 0 : i32
    %dma_start3A_4 = tpu.memref_slice %arg2[%dma_start3A, %dma_start3A_3] : memref<10240x128xf32, #tpu.memory_space<hbm>> -> memref<10240x128xf32, #tpu.memory_space<hbm>>
    tpu.enqueue_indirect_dma source(%dma_start3A_4 : memref<10240x128xf32, #tpu.memory_space<hbm>>) target(%arg7 : memref<128x128xf32, #tpu.memory_space<vmem>>) offsets(%arg5 : memref<128xi32, #tpu.memory_space<vmem>>) semaphore(%arg9 : memref<!tpu.dma_semaphore, #tpu.memory_space<semaphore_mem>>)
    %dma_wait3A = arith.constant 0 : i32
    %dma_wait3A_5 = arith.constant 0 : i32
    %dma_wait3A_6 = tpu.memref_slice %arg2[%dma_wait3A, %dma_wait3A_5] : memref<10240x128xf32, #tpu.memory_space<hbm>> -> memref<10240x128xf32, #tpu.memory_space<hbm>>
    tpu.wait_indirect_dma semaphore(%arg9 : memref<!tpu.dma_semaphore, #tpu.memory_space<semaphore_mem>>) src(%dma_wait3A_6 : memref<10240x128xf32, #tpu.memory_space<hbm>>) dst(%arg7 : memref<128x128xf32, #tpu.memory_space<vmem>>)
    "tpu.region"() ({
      %run_scoped3A = tpu.sem_alloc : memref<!tpu.dma_semaphore, #tpu.memory_space<semaphore_mem>>
      %dma_start3A_13 = arith.constant 0 : i32
      %dma_start3A_14 = tpu.memref_slice %arg4[%mul3A_2, %dma_start3A_13] : memref<323584x128xf32, #tpu.memory_space<hbm>> -> memref<128x128xf32, #tpu.memory_space<hbm>>
      %dma_start3A_15 = arith.constant 0 : i32
      %dma_start3A_16 = tpu.memref_slice %arg4[%mul3A_2, %dma_start3A_15] : memref<323584x128xf32, #tpu.memory_space<hbm>> -> memref<128x128xf32, #tpu.memory_space<hbm>>
      tpu.enqueue_dma source(%arg7 : memref<128x128xf32, #tpu.memory_space<vmem>>) target(%dma_start3A_16 : memref<128x128xf32, #tpu.memory_space<hbm>>) target_semaphore(%run_scoped3A : memref<!tpu.dma_semaphore, #tpu.memory_space<semaphore_mem>>)
      %dma_wait3A_17 = arith.constant 0 : i32
      %dma_wait3A_18 = tpu.memref_slice %arg4[%mul3A_2, %dma_wait3A_17] : memref<323584x128xf32, #tpu.memory_space<hbm>> -> memref<128x128xf32, #tpu.memory_space<hbm>>
      %dma_wait3A_19 = arith.constant 0 : i32
      %dma_wait3A_20 = tpu.memref_slice %arg4[%mul3A_2, %dma_wait3A_19] : memref<323584x128xf32, #tpu.memory_space<hbm>> -> memref<128x128xf32, #tpu.memory_space<hbm>>
      tpu.wait_dma2 semaphore(%run_scoped3A : memref<!tpu.dma_semaphore, #tpu.memory_space<semaphore_mem>>) src(%arg7 : memref<128x128xf32, #tpu.memory_space<vmem>>) dst(%dma_wait3A_20 : memref<128x128xf32, #tpu.memory_space<hbm>>)
      tpu.yield
    }) : () -> ()
    %scan3A = arith.constant 0 : i32
    %scan3A_7 = arith.constant 0 : i32
    %scan3A_8 = arith.constant 39 : i32
    %scan3A_9 = arith.addi %scan3A_7, %scan3A_8 : i32
    %scan3A_10 = arith.constant 1 : i32
    %scan3A_11 = scf.for %scan3A_13 = %scan3A_7 to %scan3A_9 step %scan3A_10 iter_args(%scan3A_14 = %scan3A) -> (i32)  : i32 {
      %mul3A_15 = arith.constant 2 : i32
      %mul3A_16 = arith.muli %mul3A_15, %scan3A_13 : i32
      %add3A_17 = arith.constant 1 : i32
      %add3A_18 = arith.addi %add3A_17, %mul3A_16 : i32
      %mul3A_19 = arith.constant 128 : i32
      %mul3A_20 = arith.muli %add3A_18, %mul3A_19 : i32
      %add3A_21 = arith.addi %mul3A_2, %mul3A_20 : i32
      %add3A_22 = arith.constant 128 : i32
      %add3A_23 = arith.addi %add3A_21, %add3A_22 : i32
      "tpu.region"() ({
        %run_scoped3A = tpu.sem_alloc : memref<!tpu.dma_semaphore, #tpu.memory_space<semaphore_mem>>
        %dma_start3A_37 = tpu.memref_slice %arg3[%add3A_21] : memref<323584xi32, #tpu.memory_space<hbm>> -> memref<128xi32, #tpu.memory_space<hbm>>
        %dma_start3A_38 = tpu.memref_slice %arg3[%add3A_21] : memref<323584xi32, #tpu.memory_space<hbm>> -> memref<128xi32, #tpu.memory_space<hbm>>
        tpu.enqueue_dma source(%dma_start3A_38 : memref<128xi32, #tpu.memory_space<hbm>>) target(%arg5 : memref<128xi32, #tpu.memory_space<vmem>>) target_semaphore(%run_scoped3A : memref<!tpu.dma_semaphore, #tpu.memory_space<semaphore_mem>>)
        %dma_wait3A_39 = tpu.memref_slice %arg3[%add3A_21] : memref<323584xi32, #tpu.memory_space<hbm>> -> memref<128xi32, #tpu.memory_space<hbm>>
        %dma_wait3A_40 = tpu.memref_slice %arg3[%add3A_21] : memref<323584xi32, #tpu.memory_space<hbm>> -> memref<128xi32, #tpu.memory_space<hbm>>
        tpu.wait_dma2 semaphore(%run_scoped3A : memref<!tpu.dma_semaphore, #tpu.memory_space<semaphore_mem>>) src(%dma_wait3A_40 : memref<128xi32, #tpu.memory_space<hbm>>) dst(%arg5 : memref<128xi32, #tpu.memory_space<vmem>>)
        tpu.yield
      }) : () -> ()
      %dma_start3A_24 = arith.constant 0 : i32
      %dma_start3A_25 = arith.constant 0 : i32
      %dma_start3A_26 = tpu.memref_slice %arg2[%dma_start3A_24, %dma_start3A_25] : memref<10240x128xf32, #tpu.memory_space<hbm>> -> memref<10240x128xf32, #tpu.memory_space<hbm>>
      tpu.enqueue_indirect_dma source(%dma_start3A_26 : memref<10240x128xf32, #tpu.memory_space<hbm>>) target(%arg7 : memref<128x128xf32, #tpu.memory_space<vmem>>) offsets(%arg5 : memref<128xi32, #tpu.memory_space<vmem>>) semaphore(%arg9 : memref<!tpu.dma_semaphore, #tpu.memory_space<semaphore_mem>>)
      "tpu.region"() ({
        %run_scoped3A = tpu.sem_alloc : memref<!tpu.dma_semaphore, #tpu.memory_space<semaphore_mem>>
        %dma_start3A_37 = tpu.memref_slice %arg3[%add3A_23] : memref<323584xi32, #tpu.memory_space<hbm>> -> memref<128xi32, #tpu.memory_space<hbm>>
        %dma_start3A_38 = tpu.memref_slice %arg3[%add3A_23] : memref<323584xi32, #tpu.memory_space<hbm>> -> memref<128xi32, #tpu.memory_space<hbm>>
        tpu.enqueue_dma source(%dma_start3A_38 : memref<128xi32, #tpu.memory_space<hbm>>) target(%arg6 : memref<128xi32, #tpu.memory_space<vmem>>) target_semaphore(%run_scoped3A : memref<!tpu.dma_semaphore, #tpu.memory_space<semaphore_mem>>)
        %dma_wait3A_39 = tpu.memref_slice %arg3[%add3A_23] : memref<323584xi32, #tpu.memory_space<hbm>> -> memref<128xi32, #tpu.memory_space<hbm>>
        %dma_wait3A_40 = tpu.memref_slice %arg3[%add3A_23] : memref<323584xi32, #tpu.memory_space<hbm>> -> memref<128xi32, #tpu.memory_space<hbm>>
        tpu.wait_dma2 semaphore(%run_scoped3A : memref<!tpu.dma_semaphore, #tpu.memory_space<semaphore_mem>>) src(%dma_wait3A_40 : memref<128xi32, #tpu.memory_space<hbm>>) dst(%arg6 : memref<128xi32, #tpu.memory_space<vmem>>)
        tpu.yield
      }) : () -> ()
      %dma_start3A_27 = arith.constant 0 : i32
      %dma_start3A_28 = arith.constant 0 : i32
      %dma_start3A_29 = tpu.memref_slice %arg2[%dma_start3A_27, %dma_start3A_28] : memref<10240x128xf32, #tpu.memory_space<hbm>> -> memref<10240x128xf32, #tpu.memory_space<hbm>>
      tpu.enqueue_indirect_dma source(%dma_start3A_29 : memref<10240x128xf32, #tpu.memory_space<hbm>>) target(%arg8 : memref<128x128xf32, #tpu.memory_space<vmem>>) offsets(%arg6 : memref<128xi32, #tpu.memory_space<vmem>>) semaphore(%arg10 : memref<!tpu.dma_semaphore, #tpu.memory_space<semaphore_mem>>)
      %dma_wait3A_30 = arith.constant 0 : i32
      %dma_wait3A_31 = arith.constant 0 : i32
      %dma_wait3A_32 = tpu.memref_slice %arg2[%dma_wait3A_30, %dma_wait3A_31] : memref<10240x128xf32, #tpu.memory_space<hbm>> -> memref<10240x128xf32, #tpu.memory_space<hbm>>
      tpu.wait_indirect_dma semaphore(%arg9 : memref<!tpu.dma_semaphore, #tpu.memory_space<semaphore_mem>>) src(%dma_wait3A_32 : memref<10240x128xf32, #tpu.memory_space<hbm>>) dst(%arg7 : memref<128x128xf32, #tpu.memory_space<vmem>>)
      "tpu.region"() ({
        %run_scoped3A = tpu.sem_alloc : memref<!tpu.dma_semaphore, #tpu.memory_space<semaphore_mem>>
        %dma_start3A_37 = arith.constant 0 : i32
        %dma_start3A_38 = tpu.memref_slice %arg4[%add3A_21, %dma_start3A_37] : memref<323584x128xf32, #tpu.memory_space<hbm>> -> memref<128x128xf32, #tpu.memory_space<hbm>>
        %dma_start3A_39 = arith.constant 0 : i32
        %dma_start3A_40 = tpu.memref_slice %arg4[%add3A_21, %dma_start3A_39] : memref<323584x128xf32, #tpu.memory_space<hbm>> -> memref<128x128xf32, #tpu.memory_space<hbm>>
        tpu.enqueue_dma source(%arg7 : memref<128x128xf32, #tpu.memory_space<vmem>>) target(%dma_start3A_40 : memref<128x128xf32, #tpu.memory_space<hbm>>) target_semaphore(%run_scoped3A : memref<!tpu.dma_semaphore, #tpu.memory_space<semaphore_mem>>)
        %dma_wait3A_41 = arith.constant 0 : i32
        %dma_wait3A_42 = tpu.memref_slice %arg4[%add3A_21, %dma_wait3A_41] : memref<323584x128xf32, #tpu.memory_space<hbm>> -> memref<128x128xf32, #tpu.memory_space<hbm>>
        %dma_wait3A_43 = arith.constant 0 : i32
        %dma_wait3A_44 = tpu.memref_slice %arg4[%add3A_21, %dma_wait3A_43] : memref<323584x128xf32, #tpu.memory_space<hbm>> -> memref<128x128xf32, #tpu.memory_space<hbm>>
        tpu.wait_dma2 semaphore(%run_scoped3A : memref<!tpu.dma_semaphore, #tpu.memory_space<semaphore_mem>>) src(%arg7 : memref<128x128xf32, #tpu.memory_space<vmem>>) dst(%dma_wait3A_44 : memref<128x128xf32, #tpu.memory_space<hbm>>)
        tpu.yield
      }) : () -> ()
      %dma_wait3A_33 = arith.constant 0 : i32
      %dma_wait3A_34 = arith.constant 0 : i32
      %dma_wait3A_35 = tpu.memref_slice %arg2[%dma_wait3A_33, %dma_wait3A_34] : memref<10240x128xf32, #tpu.memory_space<hbm>> -> memref<10240x128xf32, #tpu.memory_space<hbm>>
      tpu.wait_indirect_dma semaphore(%arg10 : memref<!tpu.dma_semaphore, #tpu.memory_space<semaphore_mem>>) src(%dma_wait3A_35 : memref<10240x128xf32, #tpu.memory_space<hbm>>) dst(%arg8 : memref<128x128xf32, #tpu.memory_space<vmem>>)
      "tpu.region"() ({
        %run_scoped3A = tpu.sem_alloc : memref<!tpu.dma_semaphore, #tpu.memory_space<semaphore_mem>>
        %dma_start3A_37 = arith.constant 0 : i32
        %dma_start3A_38 = tpu.memref_slice %arg4[%add3A_23, %dma_start3A_37] : memref<323584x128xf32, #tpu.memory_space<hbm>> -> memref<128x128xf32, #tpu.memory_space<hbm>>
        %dma_start3A_39 = arith.constant 0 : i32
        %dma_start3A_40 = tpu.memref_slice %arg4[%add3A_23, %dma_start3A_39] : memref<323584x128xf32, #tpu.memory_space<hbm>> -> memref<128x128xf32, #tpu.memory_space<hbm>>
        tpu.enqueue_dma source(%arg8 : memref<128x128xf32, #tpu.memory_space<vmem>>) target(%dma_start3A_40 : memref<128x128xf32, #tpu.memory_space<hbm>>) target_semaphore(%run_scoped3A : memref<!tpu.dma_semaphore, #tpu.memory_space<semaphore_mem>>)
        %dma_wait3A_41 = arith.constant 0 : i32
        %dma_wait3A_42 = tpu.memref_slice %arg4[%add3A_23, %dma_wait3A_41] : memref<323584x128xf32, #tpu.memory_space<hbm>> -> memref<128x128xf32, #tpu.memory_space<hbm>>
        %dma_wait3A_43 = arith.constant 0 : i32
        %dma_wait3A_44 = tpu.memref_slice %arg4[%add3A_23, %dma_wait3A_43] : memref<323584x128xf32, #tpu.memory_space<hbm>> -> memref<128x128xf32, #tpu.memory_space<hbm>>
        tpu.wait_dma2 semaphore(%run_scoped3A : memref<!tpu.dma_semaphore, #tpu.memory_space<semaphore_mem>>) src(%arg8 : memref<128x128xf32, #tpu.memory_space<vmem>>) dst(%dma_wait3A_44 : memref<128x128xf32, #tpu.memory_space<hbm>>)
        tpu.yield
      }) : () -> ()
      %scan3A_36 = arith.constant 0 : i32
      scf.yield %scan3A_36 : i32
    }
    %scan3A_12 = arith.constant 39 : i32
    return
  }
}

#map = affine_map<(d0, d1) -> (0, 0)>
#map1 = affine_map<(d0, d1) -> (0)>
module attributes {stable_mosaic.version = 14 : i64} {
  func.func @k(%arg0: i32, %arg1: i32, %arg2: memref<10240x128xf32, #tpu.memory_space<hbm>>, %arg3: memref<8192xi32, #tpu.memory_space<hbm>>, %arg4: memref<8192x128xf32, #tpu.memory_space<hbm>>, %arg5: memref<128xi32, #tpu.memory_space<vmem>>, %arg6: memref<128xi32, #tpu.memory_space<vmem>>, %arg7: memref<128x128xf32, #tpu.memory_space<vmem>>, %arg8: memref<128x128xf32, #tpu.memory_space<vmem>>, %arg9: memref<!tpu.dma_semaphore, #tpu.memory_space<semaphore_mem>>, %arg10: memref<!tpu.dma_semaphore, #tpu.memory_space<semaphore_mem>>) attributes {dimension_semantics = [#tpu.dimension_semantics<core_parallel>, #tpu.dimension_semantics<subcore_parallel>], iteration_bounds = array<i64: 2, 16>, scalar_prefetch = 0 : i64, scratch_operands = 6 : i64, tpu.core_type = #tpu.core_type<sc_vector_subcore>, window_params = [{transform_indices = #map}, {transform_indices = #map1}, {transform_indices = #map}]} {
    %mul3A = arith.constant 2 : i32
    %mul3A_0 = arith.muli %arg1, %mul3A : i32
    %add3A = arith.addi %mul3A_0, %arg0 : i32
    %mul3A_1 = arith.constant 256 : i32
    %mul3A_2 = arith.muli %add3A, %mul3A_1 : i32
    %scan3A = arith.constant 0 : i32
    %scan3A_3 = arith.constant 0 : i32
    %mul3A_4 = arith.constant 2 : i32
    %mul3A_5 = arith.muli %mul3A_4, %scan3A_3 : i32
    %add3A_6 = arith.constant 0 : i32
    %add3A_7 = arith.addi %add3A_6, %mul3A_5 : i32
    %mul3A_8 = arith.constant 128 : i32
    %mul3A_9 = arith.muli %add3A_7, %mul3A_8 : i32
    %add3A_10 = arith.addi %mul3A_2, %mul3A_9 : i32
    %add3A_11 = arith.constant 128 : i32
    %add3A_12 = arith.addi %add3A_10, %add3A_11 : i32
    "tpu.region"() ({
      %run_scoped3A = tpu.sem_alloc : memref<!tpu.dma_semaphore, #tpu.memory_space<semaphore_mem>>
      %dma_start3A_25 = tpu.memref_slice %arg3[%add3A_10] : memref<8192xi32, #tpu.memory_space<hbm>> -> memref<128xi32, #tpu.memory_space<hbm>>
      %dma_start3A_26 = tpu.memref_slice %arg3[%add3A_10] : memref<8192xi32, #tpu.memory_space<hbm>> -> memref<128xi32, #tpu.memory_space<hbm>>
      tpu.enqueue_dma source(%dma_start3A_26 : memref<128xi32, #tpu.memory_space<hbm>>) target(%arg5 : memref<128xi32, #tpu.memory_space<vmem>>) target_semaphore(%run_scoped3A : memref<!tpu.dma_semaphore, #tpu.memory_space<semaphore_mem>>)
      %dma_wait3A_27 = tpu.memref_slice %arg3[%add3A_10] : memref<8192xi32, #tpu.memory_space<hbm>> -> memref<128xi32, #tpu.memory_space<hbm>>
      %dma_wait3A_28 = tpu.memref_slice %arg3[%add3A_10] : memref<8192xi32, #tpu.memory_space<hbm>> -> memref<128xi32, #tpu.memory_space<hbm>>
      tpu.wait_dma2 semaphore(%run_scoped3A : memref<!tpu.dma_semaphore, #tpu.memory_space<semaphore_mem>>) src(%dma_wait3A_28 : memref<128xi32, #tpu.memory_space<hbm>>) dst(%arg5 : memref<128xi32, #tpu.memory_space<vmem>>)
      tpu.yield
    }) : () -> ()
    %dma_start3A = arith.constant 0 : i32
    %dma_start3A_13 = arith.constant 0 : i32
    %dma_start3A_14 = tpu.memref_slice %arg2[%dma_start3A, %dma_start3A_13] : memref<10240x128xf32, #tpu.memory_space<hbm>> -> memref<10240x128xf32, #tpu.memory_space<hbm>>
    tpu.enqueue_indirect_dma source(%dma_start3A_14 : memref<10240x128xf32, #tpu.memory_space<hbm>>) target(%arg7 : memref<128x128xf32, #tpu.memory_space<vmem>>) offsets(%arg5 : memref<128xi32, #tpu.memory_space<vmem>>) semaphore(%arg9 : memref<!tpu.dma_semaphore, #tpu.memory_space<semaphore_mem>>)
    "tpu.region"() ({
      %run_scoped3A = tpu.sem_alloc : memref<!tpu.dma_semaphore, #tpu.memory_space<semaphore_mem>>
      %dma_start3A_25 = tpu.memref_slice %arg3[%add3A_12] : memref<8192xi32, #tpu.memory_space<hbm>> -> memref<128xi32, #tpu.memory_space<hbm>>
      %dma_start3A_26 = tpu.memref_slice %arg3[%add3A_12] : memref<8192xi32, #tpu.memory_space<hbm>> -> memref<128xi32, #tpu.memory_space<hbm>>
      tpu.enqueue_dma source(%dma_start3A_26 : memref<128xi32, #tpu.memory_space<hbm>>) target(%arg6 : memref<128xi32, #tpu.memory_space<vmem>>) target_semaphore(%run_scoped3A : memref<!tpu.dma_semaphore, #tpu.memory_space<semaphore_mem>>)
      %dma_wait3A_27 = tpu.memref_slice %arg3[%add3A_12] : memref<8192xi32, #tpu.memory_space<hbm>> -> memref<128xi32, #tpu.memory_space<hbm>>
      %dma_wait3A_28 = tpu.memref_slice %arg3[%add3A_12] : memref<8192xi32, #tpu.memory_space<hbm>> -> memref<128xi32, #tpu.memory_space<hbm>>
      tpu.wait_dma2 semaphore(%run_scoped3A : memref<!tpu.dma_semaphore, #tpu.memory_space<semaphore_mem>>) src(%dma_wait3A_28 : memref<128xi32, #tpu.memory_space<hbm>>) dst(%arg6 : memref<128xi32, #tpu.memory_space<vmem>>)
      tpu.yield
    }) : () -> ()
    %dma_start3A_15 = arith.constant 0 : i32
    %dma_start3A_16 = arith.constant 0 : i32
    %dma_start3A_17 = tpu.memref_slice %arg2[%dma_start3A_15, %dma_start3A_16] : memref<10240x128xf32, #tpu.memory_space<hbm>> -> memref<10240x128xf32, #tpu.memory_space<hbm>>
    tpu.enqueue_indirect_dma source(%dma_start3A_17 : memref<10240x128xf32, #tpu.memory_space<hbm>>) target(%arg8 : memref<128x128xf32, #tpu.memory_space<vmem>>) offsets(%arg6 : memref<128xi32, #tpu.memory_space<vmem>>) semaphore(%arg10 : memref<!tpu.dma_semaphore, #tpu.memory_space<semaphore_mem>>)
    %dma_wait3A = arith.constant 0 : i32
    %dma_wait3A_18 = arith.constant 0 : i32
    %dma_wait3A_19 = tpu.memref_slice %arg2[%dma_wait3A, %dma_wait3A_18] : memref<10240x128xf32, #tpu.memory_space<hbm>> -> memref<10240x128xf32, #tpu.memory_space<hbm>>
    tpu.wait_indirect_dma semaphore(%arg9 : memref<!tpu.dma_semaphore, #tpu.memory_space<semaphore_mem>>) src(%dma_wait3A_19 : memref<10240x128xf32, #tpu.memory_space<hbm>>) dst(%arg7 : memref<128x128xf32, #tpu.memory_space<vmem>>)
    "tpu.region"() ({
      %run_scoped3A = tpu.sem_alloc : memref<!tpu.dma_semaphore, #tpu.memory_space<semaphore_mem>>
      %dma_start3A_25 = arith.constant 0 : i32
      %dma_start3A_26 = tpu.memref_slice %arg4[%add3A_10, %dma_start3A_25] : memref<8192x128xf32, #tpu.memory_space<hbm>> -> memref<128x128xf32, #tpu.memory_space<hbm>>
      %dma_start3A_27 = arith.constant 0 : i32
      %dma_start3A_28 = tpu.memref_slice %arg4[%add3A_10, %dma_start3A_27] : memref<8192x128xf32, #tpu.memory_space<hbm>> -> memref<128x128xf32, #tpu.memory_space<hbm>>
      tpu.enqueue_dma source(%arg7 : memref<128x128xf32, #tpu.memory_space<vmem>>) target(%dma_start3A_28 : memref<128x128xf32, #tpu.memory_space<hbm>>) target_semaphore(%run_scoped3A : memref<!tpu.dma_semaphore, #tpu.memory_space<semaphore_mem>>)
      %dma_wait3A_29 = arith.constant 0 : i32
      %dma_wait3A_30 = tpu.memref_slice %arg4[%add3A_10, %dma_wait3A_29] : memref<8192x128xf32, #tpu.memory_space<hbm>> -> memref<128x128xf32, #tpu.memory_space<hbm>>
      %dma_wait3A_31 = arith.constant 0 : i32
      %dma_wait3A_32 = tpu.memref_slice %arg4[%add3A_10, %dma_wait3A_31] : memref<8192x128xf32, #tpu.memory_space<hbm>> -> memref<128x128xf32, #tpu.memory_space<hbm>>
      tpu.wait_dma2 semaphore(%run_scoped3A : memref<!tpu.dma_semaphore, #tpu.memory_space<semaphore_mem>>) src(%arg7 : memref<128x128xf32, #tpu.memory_space<vmem>>) dst(%dma_wait3A_32 : memref<128x128xf32, #tpu.memory_space<hbm>>)
      tpu.yield
    }) : () -> ()
    %dma_wait3A_20 = arith.constant 0 : i32
    %dma_wait3A_21 = arith.constant 0 : i32
    %dma_wait3A_22 = tpu.memref_slice %arg2[%dma_wait3A_20, %dma_wait3A_21] : memref<10240x128xf32, #tpu.memory_space<hbm>> -> memref<10240x128xf32, #tpu.memory_space<hbm>>
    tpu.wait_indirect_dma semaphore(%arg10 : memref<!tpu.dma_semaphore, #tpu.memory_space<semaphore_mem>>) src(%dma_wait3A_22 : memref<10240x128xf32, #tpu.memory_space<hbm>>) dst(%arg8 : memref<128x128xf32, #tpu.memory_space<vmem>>)
    "tpu.region"() ({
      %run_scoped3A = tpu.sem_alloc : memref<!tpu.dma_semaphore, #tpu.memory_space<semaphore_mem>>
      %dma_start3A_25 = arith.constant 0 : i32
      %dma_start3A_26 = tpu.memref_slice %arg4[%add3A_12, %dma_start3A_25] : memref<8192x128xf32, #tpu.memory_space<hbm>> -> memref<128x128xf32, #tpu.memory_space<hbm>>
      %dma_start3A_27 = arith.constant 0 : i32
      %dma_start3A_28 = tpu.memref_slice %arg4[%add3A_12, %dma_start3A_27] : memref<8192x128xf32, #tpu.memory_space<hbm>> -> memref<128x128xf32, #tpu.memory_space<hbm>>
      tpu.enqueue_dma source(%arg8 : memref<128x128xf32, #tpu.memory_space<vmem>>) target(%dma_start3A_28 : memref<128x128xf32, #tpu.memory_space<hbm>>) target_semaphore(%run_scoped3A : memref<!tpu.dma_semaphore, #tpu.memory_space<semaphore_mem>>)
      %dma_wait3A_29 = arith.constant 0 : i32
      %dma_wait3A_30 = tpu.memref_slice %arg4[%add3A_12, %dma_wait3A_29] : memref<8192x128xf32, #tpu.memory_space<hbm>> -> memref<128x128xf32, #tpu.memory_space<hbm>>
      %dma_wait3A_31 = arith.constant 0 : i32
      %dma_wait3A_32 = tpu.memref_slice %arg4[%add3A_12, %dma_wait3A_31] : memref<8192x128xf32, #tpu.memory_space<hbm>> -> memref<128x128xf32, #tpu.memory_space<hbm>>
      tpu.wait_dma2 semaphore(%run_scoped3A : memref<!tpu.dma_semaphore, #tpu.memory_space<semaphore_mem>>) src(%arg8 : memref<128x128xf32, #tpu.memory_space<vmem>>) dst(%dma_wait3A_32 : memref<128x128xf32, #tpu.memory_space<hbm>>)
      tpu.yield
    }) : () -> ()
    %scan3A_23 = arith.constant 0 : i32
    %scan3A_24 = arith.constant 1 : i32
    return
  }
}

#map = affine_map<(d0, d1) -> (0, 0)>
#map1 = affine_map<(d0, d1) -> (0)>
module attributes {stable_mosaic.version = 14 : i64} {
  func.func @k(%arg0: i32, %arg1: i32, %arg2: memref<10240x128xf32, #tpu.memory_space<hbm>>, %arg3: memref<8192xi32, #tpu.memory_space<hbm>>, %arg4: memref<8192x128xf32, #tpu.memory_space<hbm>>, %arg5: memref<128xi32, #tpu.memory_space<vmem>>, %arg6: memref<128xi32, #tpu.memory_space<vmem>>, %arg7: memref<128x128xf32, #tpu.memory_space<vmem>>, %arg8: memref<128x128xf32, #tpu.memory_space<vmem>>, %arg9: memref<!tpu.dma_semaphore, #tpu.memory_space<semaphore_mem>>, %arg10: memref<!tpu.dma_semaphore, #tpu.memory_space<semaphore_mem>>) attributes {dimension_semantics = [#tpu.dimension_semantics<core_parallel>, #tpu.dimension_semantics<subcore_parallel>], iteration_bounds = array<i64: 2, 16>, scalar_prefetch = 0 : i64, scratch_operands = 6 : i64, tpu.core_type = #tpu.core_type<sc_vector_subcore>, window_params = [{transform_indices = #map}, {transform_indices = #map1}, {transform_indices = #map}]} {
    %mul3A = arith.constant 2 : i32
    %mul3A_0 = arith.muli %arg1, %mul3A : i32
    %add3A = arith.addi %mul3A_0, %arg0 : i32
    %mul3A_1 = arith.constant 256 : i32
    %mul3A_2 = arith.muli %add3A, %mul3A_1 : i32
    %scan3A = arith.constant 0 : i32
    %scan3A_3 = arith.constant 0 : i32
    %mul3A_4 = arith.constant 2 : i32
    %mul3A_5 = arith.muli %mul3A_4, %scan3A_3 : i32
    %add3A_6 = arith.constant 0 : i32
    %add3A_7 = arith.addi %add3A_6, %mul3A_5 : i32
    %mul3A_8 = arith.constant 128 : i32
    %mul3A_9 = arith.muli %add3A_7, %mul3A_8 : i32
    %add3A_10 = arith.addi %mul3A_2, %mul3A_9 : i32
    %add3A_11 = arith.constant 128 : i32
    %add3A_12 = arith.addi %add3A_10, %add3A_11 : i32
    "tpu.region"() ({
      %run_scoped3A = tpu.sem_alloc : memref<!tpu.dma_semaphore, #tpu.memory_space<semaphore_mem>>
      %dma_start3A_25 = tpu.memref_slice %arg3[%add3A_10] : memref<8192xi32, #tpu.memory_space<hbm>> -> memref<128xi32, #tpu.memory_space<hbm>>
      %dma_start3A_26 = tpu.memref_slice %arg3[%add3A_10] : memref<8192xi32, #tpu.memory_space<hbm>> -> memref<128xi32, #tpu.memory_space<hbm>>
      tpu.enqueue_dma source(%dma_start3A_26 : memref<128xi32, #tpu.memory_space<hbm>>) target(%arg5 : memref<128xi32, #tpu.memory_space<vmem>>) target_semaphore(%run_scoped3A : memref<!tpu.dma_semaphore, #tpu.memory_space<semaphore_mem>>)
      %dma_wait3A_27 = tpu.memref_slice %arg3[%add3A_10] : memref<8192xi32, #tpu.memory_space<hbm>> -> memref<128xi32, #tpu.memory_space<hbm>>
      %dma_wait3A_28 = tpu.memref_slice %arg3[%add3A_10] : memref<8192xi32, #tpu.memory_space<hbm>> -> memref<128xi32, #tpu.memory_space<hbm>>
      tpu.wait_dma2 semaphore(%run_scoped3A : memref<!tpu.dma_semaphore, #tpu.memory_space<semaphore_mem>>) src(%dma_wait3A_28 : memref<128xi32, #tpu.memory_space<hbm>>) dst(%arg5 : memref<128xi32, #tpu.memory_space<vmem>>)
      tpu.yield
    }) : () -> ()
    %dma_start3A = arith.constant 0 : i32
    %dma_start3A_13 = arith.constant 0 : i32
    %dma_start3A_14 = tpu.memref_slice %arg2[%dma_start3A, %dma_start3A_13] : memref<10240x128xf32, #tpu.memory_space<hbm>> -> memref<10240x128xf32, #tpu.memory_space<hbm>>
    tpu.enqueue_indirect_dma source(%dma_start3A_14 : memref<10240x128xf32, #tpu.memory_space<hbm>>) target(%arg7 : memref<128x128xf32, #tpu.memory_space<vmem>>) offsets(%arg5 : memref<128xi32, #tpu.memory_space<vmem>>) semaphore(%arg9 : memref<!tpu.dma_semaphore, #tpu.memory_space<semaphore_mem>>)
    "tpu.region"() ({
      %run_scoped3A = tpu.sem_alloc : memref<!tpu.dma_semaphore, #tpu.memory_space<semaphore_mem>>
      %dma_start3A_25 = tpu.memref_slice %arg3[%add3A_12] : memref<8192xi32, #tpu.memory_space<hbm>> -> memref<128xi32, #tpu.memory_space<hbm>>
      %dma_start3A_26 = tpu.memref_slice %arg3[%add3A_12] : memref<8192xi32, #tpu.memory_space<hbm>> -> memref<128xi32, #tpu.memory_space<hbm>>
      tpu.enqueue_dma source(%dma_start3A_26 : memref<128xi32, #tpu.memory_space<hbm>>) target(%arg6 : memref<128xi32, #tpu.memory_space<vmem>>) target_semaphore(%run_scoped3A : memref<!tpu.dma_semaphore, #tpu.memory_space<semaphore_mem>>)
      %dma_wait3A_27 = tpu.memref_slice %arg3[%add3A_12] : memref<8192xi32, #tpu.memory_space<hbm>> -> memref<128xi32, #tpu.memory_space<hbm>>
      %dma_wait3A_28 = tpu.memref_slice %arg3[%add3A_12] : memref<8192xi32, #tpu.memory_space<hbm>> -> memref<128xi32, #tpu.memory_space<hbm>>
      tpu.wait_dma2 semaphore(%run_scoped3A : memref<!tpu.dma_semaphore, #tpu.memory_space<semaphore_mem>>) src(%dma_wait3A_28 : memref<128xi32, #tpu.memory_space<hbm>>) dst(%arg6 : memref<128xi32, #tpu.memory_space<vmem>>)
      tpu.yield
    }) : () -> ()
    %dma_start3A_15 = arith.constant 0 : i32
    %dma_start3A_16 = arith.constant 0 : i32
    %dma_start3A_17 = tpu.memref_slice %arg2[%dma_start3A_15, %dma_start3A_16] : memref<10240x128xf32, #tpu.memory_space<hbm>> -> memref<10240x128xf32, #tpu.memory_space<hbm>>
    tpu.enqueue_indirect_dma source(%dma_start3A_17 : memref<10240x128xf32, #tpu.memory_space<hbm>>) target(%arg8 : memref<128x128xf32, #tpu.memory_space<vmem>>) offsets(%arg6 : memref<128xi32, #tpu.memory_space<vmem>>) semaphore(%arg10 : memref<!tpu.dma_semaphore, #tpu.memory_space<semaphore_mem>>)
    %dma_wait3A = arith.constant 0 : i32
    %dma_wait3A_18 = arith.constant 0 : i32
    %dma_wait3A_19 = tpu.memref_slice %arg2[%dma_wait3A, %dma_wait3A_18] : memref<10240x128xf32, #tpu.memory_space<hbm>> -> memref<10240x128xf32, #tpu.memory_space<hbm>>
    tpu.wait_indirect_dma semaphore(%arg9 : memref<!tpu.dma_semaphore, #tpu.memory_space<semaphore_mem>>) src(%dma_wait3A_19 : memref<10240x128xf32, #tpu.memory_space<hbm>>) dst(%arg7 : memref<128x128xf32, #tpu.memory_space<vmem>>)
    "tpu.region"() ({
      %run_scoped3A = tpu.sem_alloc : memref<!tpu.dma_semaphore, #tpu.memory_space<semaphore_mem>>
      %dma_start3A_25 = arith.constant 0 : i32
      %dma_start3A_26 = tpu.memref_slice %arg4[%add3A_10, %dma_start3A_25] : memref<8192x128xf32, #tpu.memory_space<hbm>> -> memref<128x128xf32, #tpu.memory_space<hbm>>
      %dma_start3A_27 = arith.constant 0 : i32
      %dma_start3A_28 = tpu.memref_slice %arg4[%add3A_10, %dma_start3A_27] : memref<8192x128xf32, #tpu.memory_space<hbm>> -> memref<128x128xf32, #tpu.memory_space<hbm>>
      tpu.enqueue_dma source(%arg7 : memref<128x128xf32, #tpu.memory_space<vmem>>) target(%dma_start3A_28 : memref<128x128xf32, #tpu.memory_space<hbm>>) target_semaphore(%run_scoped3A : memref<!tpu.dma_semaphore, #tpu.memory_space<semaphore_mem>>)
      %dma_wait3A_29 = arith.constant 0 : i32
      %dma_wait3A_30 = tpu.memref_slice %arg4[%add3A_10, %dma_wait3A_29] : memref<8192x128xf32, #tpu.memory_space<hbm>> -> memref<128x128xf32, #tpu.memory_space<hbm>>
      %dma_wait3A_31 = arith.constant 0 : i32
      %dma_wait3A_32 = tpu.memref_slice %arg4[%add3A_10, %dma_wait3A_31] : memref<8192x128xf32, #tpu.memory_space<hbm>> -> memref<128x128xf32, #tpu.memory_space<hbm>>
      tpu.wait_dma2 semaphore(%run_scoped3A : memref<!tpu.dma_semaphore, #tpu.memory_space<semaphore_mem>>) src(%arg7 : memref<128x128xf32, #tpu.memory_space<vmem>>) dst(%dma_wait3A_32 : memref<128x128xf32, #tpu.memory_space<hbm>>)
      tpu.yield
    }) : () -> ()
    %dma_wait3A_20 = arith.constant 0 : i32
    %dma_wait3A_21 = arith.constant 0 : i32
    %dma_wait3A_22 = tpu.memref_slice %arg2[%dma_wait3A_20, %dma_wait3A_21] : memref<10240x128xf32, #tpu.memory_space<hbm>> -> memref<10240x128xf32, #tpu.memory_space<hbm>>
    tpu.wait_indirect_dma semaphore(%arg10 : memref<!tpu.dma_semaphore, #tpu.memory_space<semaphore_mem>>) src(%dma_wait3A_22 : memref<10240x128xf32, #tpu.memory_space<hbm>>) dst(%arg8 : memref<128x128xf32, #tpu.memory_space<vmem>>)
    "tpu.region"() ({
      %run_scoped3A = tpu.sem_alloc : memref<!tpu.dma_semaphore, #tpu.memory_space<semaphore_mem>>
      %dma_start3A_25 = arith.constant 0 : i32
      %dma_start3A_26 = tpu.memref_slice %arg4[%add3A_12, %dma_start3A_25] : memref<8192x128xf32, #tpu.memory_space<hbm>> -> memref<128x128xf32, #tpu.memory_space<hbm>>
      %dma_start3A_27 = arith.constant 0 : i32
      %dma_start3A_28 = tpu.memref_slice %arg4[%add3A_12, %dma_start3A_27] : memref<8192x128xf32, #tpu.memory_space<hbm>> -> memref<128x128xf32, #tpu.memory_space<hbm>>
      tpu.enqueue_dma source(%arg8 : memref<128x128xf32, #tpu.memory_space<vmem>>) target(%dma_start3A_28 : memref<128x128xf32, #tpu.memory_space<hbm>>) target_semaphore(%run_scoped3A : memref<!tpu.dma_semaphore, #tpu.memory_space<semaphore_mem>>)
      %dma_wait3A_29 = arith.constant 0 : i32
      %dma_wait3A_30 = tpu.memref_slice %arg4[%add3A_12, %dma_wait3A_29] : memref<8192x128xf32, #tpu.memory_space<hbm>> -> memref<128x128xf32, #tpu.memory_space<hbm>>
      %dma_wait3A_31 = arith.constant 0 : i32
      %dma_wait3A_32 = tpu.memref_slice %arg4[%add3A_12, %dma_wait3A_31] : memref<8192x128xf32, #tpu.memory_space<hbm>> -> memref<128x128xf32, #tpu.memory_space<hbm>>
      tpu.wait_dma2 semaphore(%run_scoped3A : memref<!tpu.dma_semaphore, #tpu.memory_space<semaphore_mem>>) src(%arg8 : memref<128x128xf32, #tpu.memory_space<vmem>>) dst(%dma_wait3A_32 : memref<128x128xf32, #tpu.memory_space<hbm>>)
      tpu.yield
    }) : () -> ()
    %scan3A_23 = arith.constant 0 : i32
    %scan3A_24 = arith.constant 1 : i32
    return
  }
}

module attributes {stable_mosaic.version = 14 : i64} {
  func.func @_nodemm_k(%arg0: i32, %arg1: memref<512x128xf32, #tpu.memory_space<vmem>>, %arg2: memref<512x128xf32, #tpu.memory_space<vmem>>, %arg3: memref<128x128xf32, #tpu.memory_space<vmem>>, %arg4: memref<128x128xf32, #tpu.memory_space<vmem>>, %arg5: memref<128x128xf32, #tpu.memory_space<vmem>>, %arg6: memref<128x256xf32, #tpu.memory_space<vmem>>, %arg7: memref<512x128xf32, #tpu.memory_space<vmem>>, %arg8: memref<512x128xf32, #tpu.memory_space<vmem>>, %arg9: memref<512x128xf32, #tpu.memory_space<vmem>>, %arg10: memref<512x256xf32, #tpu.memory_space<vmem>>) attributes {dimension_semantics = [#tpu.dimension_semantics<arbitrary>], iteration_bounds = array<i64: 20>, scalar_prefetch = 0 : i64, scratch_operands = 0 : i64, tpu.core_type = #tpu.core_type<tc>, window_params = [{transform_indices = @transform_0, window_bounds = array<i64: 512, 128>}, {transform_indices = @transform_1, window_bounds = array<i64: 512, 128>}, {pipeline_mode = #tpu.pipeline_mode<synchronous>, transform_indices = @transform_2, window_bounds = array<i64: 128, 128>}, {pipeline_mode = #tpu.pipeline_mode<synchronous>, transform_indices = @transform_3, window_bounds = array<i64: 128, 128>}, {pipeline_mode = #tpu.pipeline_mode<synchronous>, transform_indices = @transform_4, window_bounds = array<i64: 128, 128>}, {pipeline_mode = #tpu.pipeline_mode<synchronous>, transform_indices = @transform_5, window_bounds = array<i64: 128, 256>}, {transform_indices = @transform_6, window_bounds = array<i64: 512, 128>}, {transform_indices = @transform_7, window_bounds = array<i64: 512, 128>}, {transform_indices = @transform_8, window_bounds = array<i64: 512, 128>}, {transform_indices = @transform_9, window_bounds = array<i64: 512, 256>}]} {
    %get3A = arith.constant 0 : index
    %get3A_0 = arith.constant 0 : index
    %get3A_1 = vector.load %arg1[%get3A, %get3A_0] : memref<512x128xf32, #tpu.memory_space<vmem>>, vector<512x128xf32>
    %get3A_2 = arith.constant 0 : index
    %get3A_3 = arith.constant 0 : index
    %get3A_4 = vector.load %arg3[%get3A_2, %get3A_3] : memref<128x128xf32, #tpu.memory_space<vmem>>, vector<128x128xf32>
    %dot_general3A = arith.constant dense<0.000000e+00> : vector<512x128xf32>
    %dot_general3A_5 = tpu.matmul %get3A_1, %get3A_4, %dot_general3A {dimension_numbers = #tpu.dot_dimension_numbers<[1], [0], [0], [1], [0, 0, 1, 1], [], []>, transpose_lhs_hint = false} : vector<512x128xf32>, vector<128x128xf32>, vector<512x128xf32> -> vector<512x128xf32>
    %swap3A = arith.constant 0 : index
    %swap3A_6 = arith.constant 0 : index
    %swap3A_7 = vector.load %arg7[%swap3A, %swap3A_6] : memref<512x128xf32, #tpu.memory_space<vmem>>, vector<512x128xf32>
    tpu.vector_store %arg7[%swap3A, %swap3A_6], %dot_general3A_5 {strides = array<i32>} : memref<512x128xf32, #tpu.memory_space<vmem>>, vector<512x128xf32>,
    %get3A_8 = arith.constant 0 : index
    %get3A_9 = arith.constant 0 : index
    %get3A_10 = vector.load %arg4[%get3A_8, %get3A_9] : memref<128x128xf32, #tpu.memory_space<vmem>>, vector<128x128xf32>
    %dot_general3A_11 = arith.constant dense<0.000000e+00> : vector<512x128xf32>
    %dot_general3A_12 = tpu.matmul %get3A_1, %get3A_10, %dot_general3A_11 {dimension_numbers = #tpu.dot_dimension_numbers<[1], [0], [0], [1], [0, 0, 1, 1], [], []>, transpose_lhs_hint = false} : vector<512x128xf32>, vector<128x128xf32>, vector<512x128xf32> -> vector<512x128xf32>
    %swap3A_13 = arith.constant 0 : index
    %swap3A_14 = arith.constant 0 : index
    %swap3A_15 = vector.load %arg8[%swap3A_13, %swap3A_14] : memref<512x128xf32, #tpu.memory_space<vmem>>, vector<512x128xf32>
    tpu.vector_store %arg8[%swap3A_13, %swap3A_14], %dot_general3A_12 {strides = array<i32>} : memref<512x128xf32, #tpu.memory_space<vmem>>, vector<512x128xf32>,
    %get3A_16 = arith.constant 0 : index
    %get3A_17 = arith.constant 0 : index
    %get3A_18 = vector.load %arg5[%get3A_16, %get3A_17] : memref<128x128xf32, #tpu.memory_space<vmem>>, vector<128x128xf32>
    %dot_general3A_19 = arith.constant dense<0.000000e+00> : vector<512x128xf32>
    %dot_general3A_20 = tpu.matmul %get3A_1, %get3A_18, %dot_general3A_19 {dimension_numbers = #tpu.dot_dimension_numbers<[1], [0], [0], [1], [0, 0, 1, 1], [], []>, transpose_lhs_hint = false} : vector<512x128xf32>, vector<128x128xf32>, vector<512x128xf32> -> vector<512x128xf32>
    %swap3A_21 = arith.constant 0 : index
    %swap3A_22 = arith.constant 0 : index
    %swap3A_23 = vector.load %arg9[%swap3A_21, %swap3A_22] : memref<512x128xf32, #tpu.memory_space<vmem>>, vector<512x128xf32>
    tpu.vector_store %arg9[%swap3A_21, %swap3A_22], %dot_general3A_20 {strides = array<i32>} : memref<512x128xf32, #tpu.memory_space<vmem>>, vector<512x128xf32>,
    %get3A_24 = arith.constant 0 : index
    %get3A_25 = arith.constant 0 : index
    %get3A_26 = vector.load %arg2[%get3A_24, %get3A_25] : memref<512x128xf32, #tpu.memory_space<vmem>>, vector<512x128xf32>
    %get3A_27 = arith.constant 0 : index
    %get3A_28 = arith.constant 0 : index
    %get3A_29 = vector.load %arg6[%get3A_27, %get3A_28] : memref<128x256xf32, #tpu.memory_space<vmem>>, vector<128x256xf32>
    %dot_general3A_30 = arith.constant dense<0.000000e+00> : vector<512x256xf32>
    %dot_general3A_31 = tpu.matmul %get3A_26, %get3A_29, %dot_general3A_30 {dimension_numbers = #tpu.dot_dimension_numbers<[1], [0], [0], [1], [0, 0, 1, 1], [], []>, transpose_lhs_hint = false} : vector<512x128xf32>, vector<128x256xf32>, vector<512x256xf32> -> vector<512x256xf32>
    %swap3A_32 = arith.constant 0 : index
    %swap3A_33 = arith.constant 0 : index
    %swap3A_34 = vector.load %arg10[%swap3A_32, %swap3A_33] : memref<512x256xf32, #tpu.memory_space<vmem>>, vector<512x256xf32>
    tpu.vector_store %arg10[%swap3A_32, %swap3A_33], %dot_general3A_31 {strides = array<i32>} : memref<512x256xf32, #tpu.memory_space<vmem>>, vector<512x256xf32>,
    return
  }
  func.func @transform_0(%arg0: i32) -> (i32, i32) {
    %c0_i32 = arith.constant 0 : i32
    %c0_i32_0 = arith.constant 0 : i32
    return %arg0, %c0_i32 : i32, i32
  }
  func.func @transform_1(%arg0: i32) -> (i32, i32) {
    %c0_i32 = arith.constant 0 : i32
    %c0_i32_0 = arith.constant 0 : i32
    return %arg0, %c0_i32 : i32, i32
  }
  func.func @transform_2(%arg0: i32) -> (i32, i32) {
    %c0_i32 = arith.constant 0 : i32
    %c0_i32_0 = arith.constant 0 : i32
    %c0_i32_1 = arith.constant 0 : i32
    return %c0_i32, %c0_i32_0 : i32, i32
  }
  func.func @transform_3(%arg0: i32) -> (i32, i32) {
    %c0_i32 = arith.constant 0 : i32
    %c0_i32_0 = arith.constant 0 : i32
    %c0_i32_1 = arith.constant 0 : i32
    return %c0_i32, %c0_i32_0 : i32, i32
  }
  func.func @transform_4(%arg0: i32) -> (i32, i32) {
    %c0_i32 = arith.constant 0 : i32
    %c0_i32_0 = arith.constant 0 : i32
    %c0_i32_1 = arith.constant 0 : i32
    return %c0_i32, %c0_i32_0 : i32, i32
  }
  func.func @transform_5(%arg0: i32) -> (i32, i32) {
    %c0_i32 = arith.constant 0 : i32
    %c0_i32_0 = arith.constant 0 : i32
    %c0_i32_1 = arith.constant 0 : i32
    return %c0_i32, %c0_i32_0 : i32, i32
  }
  func.func @transform_6(%arg0: i32) -> (i32, i32) {
    %c0_i32 = arith.constant 0 : i32
    %c0_i32_0 = arith.constant 0 : i32
    return %arg0, %c0_i32 : i32, i32
  }
  func.func @transform_7(%arg0: i32) -> (i32, i32) {
    %c0_i32 = arith.constant 0 : i32
    %c0_i32_0 = arith.constant 0 : i32
    return %arg0, %c0_i32 : i32, i32
  }
  func.func @transform_8(%arg0: i32) -> (i32, i32) {
    %c0_i32 = arith.constant 0 : i32
    %c0_i32_0 = arith.constant 0 : i32
    return %arg0, %c0_i32 : i32, i32
  }
  func.func @transform_9(%arg0: i32) -> (i32, i32) {
    %c0_i32 = arith.constant 0 : i32
    %c0_i32_0 = arith.constant 0 : i32
    return %arg0, %c0_i32 : i32, i32
  }
}

module attributes {stable_mosaic.version = 14 : i64} {
  func.func @_stats1_k(%arg0: i32, %arg1: memref<256x256xf32, #tpu.memory_space<vmem>>, %arg2: memref<1x1x256xi32, #tpu.memory_space<vmem>>, %arg3: memref<1x1x256xi32, #tpu.memory_space<vmem>>, %arg4: memref<1x256xf32, #tpu.memory_space<vmem>>, %arg5: memref<4x256xf32, #tpu.memory_space<vmem>>, %arg6: memref<4x256xf32, #tpu.memory_space<vmem>>) attributes {dimension_semantics = [#tpu.dimension_semantics<arbitrary>], iteration_bounds = array<i64: 1296>, scalar_prefetch = 0 : i64, scratch_operands = 1 : i64, tpu.core_type = #tpu.core_type<tc>, window_params = [{transform_indices = @transform_0, window_bounds = array<i64: 256, 256>}, {transform_indices = @transform_1, window_bounds = array<i64: 1, 1, 256>}, {transform_indices = @transform_2, window_bounds = array<i64: 1, 1, 256>}, {pipeline_mode = #tpu.pipeline_mode<synchronous>, transform_indices = @transform_3, window_bounds = array<i64: 1, 256>}, {pipeline_mode = #tpu.pipeline_mode<synchronous>, transform_indices = @transform_4, window_bounds = array<i64: 4, 256>}]} {
    %eq3A = arith.constant 0 : i32
    %eq3A_0 = arith.cmpi eq, %arg0, %eq3A : i32
    %convert_element_type3A = arith.extui %eq3A_0 : i1 to i32
    %cond3A = arith.constant 0 : i32
    %cond3A_1 = arith.cmpi ne, %convert_element_type3A, %cond3A : i32
    scf.if %cond3A_1 {
      %broadcast_in_dim3A_70 = arith.constant 0.000000e+00 : f32
      %broadcast_in_dim3A_71 = vector.broadcast %broadcast_in_dim3A_70 : f32 to vector<4x256xf32>
      %swap3A_72 = arith.constant 0 : index
      %swap3A_73 = arith.constant 0 : index
      %swap3A_74 = vector.load %arg6[%swap3A_72, %swap3A_73] : memref<4x256xf32, #tpu.memory_space<vmem>>, vector<4x256xf32>
      tpu.vector_store %arg6[%swap3A_72, %swap3A_73], %broadcast_in_dim3A_71 {strides = array<i32>} : memref<4x256xf32, #tpu.memory_space<vmem>>, vector<4x256xf32>,
    } else {
    }
    %get3A = arith.constant 0 : index
    %get3A_2 = arith.constant 0 : index
    %get3A_3 = arith.constant 0 : index
    %get3A_4 = vector.load %arg2[%get3A, %get3A_2, %get3A_3] : memref<1x1x256xi32, #tpu.memory_space<vmem>>, vector<1x1x256xi32>
    %get3A_5 = vector.shape_cast %get3A_4 : vector<1x1x256xi32> to vector<256xi32>
    %reshape3A = vector.shape_cast %get3A_5 : vector<256xi32> to vector<256x1xi32>
    %get3A_6 = arith.constant 0 : index
    %get3A_7 = arith.constant 0 : index
    %get3A_8 = arith.constant 0 : index
    %get3A_9 = vector.load %arg3[%get3A_6, %get3A_7, %get3A_8] : memref<1x1x256xi32, #tpu.memory_space<vmem>>, vector<1x1x256xi32>
    %get3A_10 = vector.shape_cast %get3A_9 : vector<1x1x256xi32> to vector<256xi32>
    %reshape3A_11 = vector.shape_cast %get3A_10 : vector<256xi32> to vector<256x1xi32>
    %mul3A = arith.constant 256 : i32
    %mul3A_12 = arith.muli %arg0, %mul3A : i32
    %iota3A = tpu.iota {dimensions = array<i32: 0>} : vector<256x1xi32>
    %add3A = vector.broadcast %mul3A_12 : i32 to vector<256x1xi32>
    %add3A_13 = arith.addi %add3A, %iota3A : vector<256x1xi32>
    %ne3A = arith.cmpi ne, %reshape3A, %reshape3A_11 : vector<256x1xi32>
    %ge3A = arith.constant 320000 : i32
    %ge3A_14 = vector.broadcast %ge3A : i32 to vector<256x1xi32>
    %ge3A_15 = arith.cmpi sge, %add3A_13, %ge3A_14 : vector<256x1xi32>
    %or3A = arith.ori %ne3A, %ge3A_15 : vector<256x1xi1>
    %lt3A = arith.constant 330000 : i32
    %lt3A_16 = vector.broadcast %lt3A : i32 to vector<256x1xi32>
    %lt3A_17 = arith.cmpi slt, %add3A_13, %lt3A_16 : vector<256x1xi32>
    %and3A = arith.andi %or3A, %lt3A_17 : vector<256x1xi1>
    %jit3A = arith.constant 1.000000e+00 : f32
    %jit3A_18 = arith.constant 0.000000e+00 : f32
    %broadcast_in_dim3A = vector.broadcast %jit3A : f32 to vector<256x1xf32>
    %broadcast_in_dim3A_19 = vector.broadcast %jit3A_18 : f32 to vector<256x1xf32>
    %select_n3A = arith.select %and3A, %broadcast_in_dim3A, %broadcast_in_dim3A_19 : vector<256x1xi1>, vector<256x1xf32>
    %get3A_20 = arith.constant 0 : index
    %get3A_21 = arith.constant 0 : index
    %get3A_22 = vector.load %arg1[%get3A_20, %get3A_21] : memref<256x256xf32, #tpu.memory_space<vmem>>, vector<256x256xf32>
    %get3A_23 = arith.constant 0 : index
    %get3A_24 = arith.constant 0 : index
    %get3A_25 = vector.load %arg4[%get3A_23, %get3A_24] : memref<1x256xf32, #tpu.memory_space<vmem>>, vector<1x256xf32>
    %add3A_26 = vector.broadcast %get3A_25 : vector<1x256xf32> to vector<256x256xf32>
    %add3A_27 = arith.addf %get3A_22, %add3A_26 : vector<256x256xf32>
    %get3A_28 = arith.constant 0 : index
    %get3A_29 = arith.constant 0 : index
    %get3A_30 = vector.load %arg6[%get3A_28, %get3A_29] : memref<4x256xf32, #tpu.memory_space<vmem>>, vector<1x256xf32>
    %mul3A_31 = vector.broadcast %select_n3A : vector<256x1xf32> to vector<256x256xf32>
    %mul3A_32 = arith.mulf %mul3A_31, %add3A_27 : vector<256x256xf32>
    %reduce_sum3A = arith.constant dense<0.000000e+00> : vector<256xf32>
    %reduce_sum3A_33 = vector.multi_reduction <add>, %mul3A_32, %reduce_sum3A [0] : vector<256x256xf32> to vector<256xf32>
    %broadcast_in_dim3A_34 = vector.shape_cast %reduce_sum3A_33 : vector<256xf32> to vector<1x256xf32>
    %add3A_35 = arith.addf %get3A_30, %broadcast_in_dim3A_34 : vector<1x256xf32>
    %swap3A = arith.constant 0 : index
    %swap3A_36 = arith.constant 0 : index
    %swap3A_37 = vector.load %arg6[%swap3A, %swap3A_36] : memref<4x256xf32, #tpu.memory_space<vmem>>, vector<1x256xf32>
    tpu.vector_store %arg6[%swap3A, %swap3A_36], %add3A_35 {strides = array<i32>} : memref<4x256xf32, #tpu.memory_space<vmem>>, vector<1x256xf32>,
    %get3A_38 = arith.constant 1 : index
    %get3A_39 = arith.constant 0 : index
    %get3A_40 = vector.load %arg6[%get3A_38, %get3A_39] : memref<4x256xf32, #tpu.memory_space<vmem>>, vector<1x256xf32>
    %mul3A_41 = vector.broadcast %select_n3A : vector<256x1xf32> to vector<256x256xf32>
    %mul3A_42 = arith.mulf %mul3A_41, %add3A_27 : vector<256x256xf32>
    %mul3A_43 = arith.mulf %mul3A_42, %add3A_27 : vector<256x256xf32>
    %reduce_sum3A_44 = arith.constant dense<0.000000e+00> : vector<256xf32>
    %reduce_sum3A_45 = vector.multi_reduction <add>, %mul3A_43, %reduce_sum3A_44 [0] : vector<256x256xf32> to vector<256xf32>
    %broadcast_in_dim3A_46 = vector.shape_cast %reduce_sum3A_45 : vector<256xf32> to vector<1x256xf32>
    %add3A_47 = arith.addf %get3A_40, %broadcast_in_dim3A_46 : vector<1x256xf32>
    %swap3A_48 = arith.constant 1 : index
    %swap3A_49 = arith.constant 0 : index
    %swap3A_50 = vector.load %arg6[%swap3A_48, %swap3A_49] : memref<4x256xf32, #tpu.memory_space<vmem>>, vector<1x256xf32>
    tpu.vector_store %arg6[%swap3A_48, %swap3A_49], %add3A_47 {strides = array<i32>} : memref<4x256xf32, #tpu.memory_space<vmem>>, vector<1x256xf32>,
    %get3A_51 = arith.constant 2 : index
    %get3A_52 = arith.constant 0 : index
    %get3A_53 = vector.load %arg6[%get3A_51, %get3A_52] : memref<4x256xf32, #tpu.memory_space<vmem>>, vector<1x256xf32>
    %reduce_sum3A_54 = arith.constant dense<0.000000e+00> : vector<1xf32>
    %reduce_sum3A_55 = vector.multi_reduction <add>, %select_n3A, %reduce_sum3A_54 [0] : vector<256x1xf32> to vector<1xf32>
    %broadcast_in_dim3A_56 = vector.shape_cast %reduce_sum3A_55 : vector<1xf32> to vector<1x1xf32>
    %broadcast_in_dim3A_57 = arith.constant 1.000000e+00 : f32
    %broadcast_in_dim3A_58 = vector.broadcast %broadcast_in_dim3A_57 : f32 to vector<1x256xf32>
    %mul3A_59 = vector.broadcast %broadcast_in_dim3A_56 : vector<1x1xf32> to vector<1x256xf32>
    %mul3A_60 = arith.mulf %mul3A_59, %broadcast_in_dim3A_58 : vector<1x256xf32>
    %add3A_61 = arith.addf %get3A_53, %mul3A_60 : vector<1x256xf32>
    %swap3A_62 = arith.constant 2 : index
    %swap3A_63 = arith.constant 0 : index
    %swap3A_64 = vector.load %arg6[%swap3A_62, %swap3A_63] : memref<4x256xf32, #tpu.memory_space<vmem>>, vector<1x256xf32>
    tpu.vector_store %arg6[%swap3A_62, %swap3A_63], %add3A_61 {strides = array<i32>} : memref<4x256xf32, #tpu.memory_space<vmem>>, vector<1x256xf32>,
    %eq3A_65 = arith.constant 1295 : i32
    %eq3A_66 = arith.cmpi eq, %arg0, %eq3A_65 : i32
    %convert_element_type3A_67 = arith.extui %eq3A_66 : i1 to i32
    %cond3A_68 = arith.constant 0 : i32
    %cond3A_69 = arith.cmpi ne, %convert_element_type3A_67, %cond3A_68 : i32
    scf.if %cond3A_69 {
      %get3A_70 = arith.constant 0 : index
      %get3A_71 = arith.constant 0 : index
      %get3A_72 = vector.load %arg6[%get3A_70, %get3A_71] : memref<4x256xf32, #tpu.memory_space<vmem>>, vector<4x256xf32>
      %swap3A_73 = arith.constant 0 : index
      %swap3A_74 = arith.constant 0 : index
      %swap3A_75 = vector.load %arg5[%swap3A_73, %swap3A_74] : memref<4x256xf32, #tpu.memory_space<vmem>>, vector<4x256xf32>
      tpu.vector_store %arg5[%swap3A_73, %swap3A_74], %get3A_72 {strides = array<i32>} : memref<4x256xf32, #tpu.memory_space<vmem>>, vector<4x256xf32>,
    } else {
    }
    return
  }
  func.func @transform_0(%arg0: i32) -> (i32, i32) {
    %c0_i32 = arith.constant 0 : i32
    %c0_i32_0 = arith.constant 0 : i32
    return %arg0, %c0_i32 : i32, i32
  }
  func.func @transform_1(%arg0: i32) -> (i32, i32, i32) {
    %c0_i32 = arith.constant 0 : i32
    %c0_i32_0 = arith.constant 0 : i32
    %c0_i32_1 = arith.constant 0 : i32
    return %arg0, %c0_i32, %c0_i32_0 : i32, i32, i32
  }
  func.func @transform_2(%arg0: i32) -> (i32, i32, i32) {
    %c0_i32 = arith.constant 0 : i32
    %c0_i32_0 = arith.constant 0 : i32
    %c0_i32_1 = arith.constant 0 : i32
    return %arg0, %c0_i32, %c0_i32_0 : i32, i32, i32
  }
  func.func @transform_3(%arg0: i32) -> (i32, i32) {
    %c0_i32 = arith.constant 0 : i32
    %c0_i32_0 = arith.constant 0 : i32
    %c0_i32_1 = arith.constant 0 : i32
    return %c0_i32, %c0_i32_0 : i32, i32
  }
  func.func @transform_4(%arg0: i32) -> (i32, i32) {
    %c0_i32 = arith.constant 0 : i32
    %c0_i32_0 = arith.constant 0 : i32
    %c0_i32_1 = arith.constant 0 : i32
    return %c0_i32, %c0_i32_0 : i32, i32
  }
}

module attributes {stable_mosaic.version = 14 : i64} {
  func.func @_stageB_k(%arg0: i32, %arg1: memref<256x256xf32, #tpu.memory_space<vmem>>, %arg2: memref<256x128xf32, #tpu.memory_space<vmem>>, %arg3: memref<1x1x256xi32, #tpu.memory_space<vmem>>, %arg4: memref<1x1x256xi32, #tpu.memory_space<vmem>>, %arg5: memref<1x256xf32, #tpu.memory_space<vmem>>, %arg6: memref<1x256xf32, #tpu.memory_space<vmem>>, %arg7: memref<1x256xf32, #tpu.memory_space<vmem>>, %arg8: memref<256x128xf32, #tpu.memory_space<vmem>>, %arg9: memref<1x128xf32, #tpu.memory_space<vmem>>, %arg10: memref<128x256xf32, #tpu.memory_space<vmem>>, %arg11: memref<1x256xf32, #tpu.memory_space<vmem>>, %arg12: memref<256x128xf32, #tpu.memory_space<vmem>>, %arg13: memref<4x256xf32, #tpu.memory_space<vmem>>, %arg14: memref<4x256xf32, #tpu.memory_space<vmem>>) attributes {dimension_semantics = [#tpu.dimension_semantics<arbitrary>], iteration_bounds = array<i64: 1296>, scalar_prefetch = 0 : i64, scratch_operands = 1 : i64, tpu.core_type = #tpu.core_type<tc>, window_params = [{transform_indices = @transform_0, window_bounds = array<i64: 256, 256>}, {transform_indices = @transform_1, window_bounds = array<i64: 256, 128>}, {transform_indices = @transform_2, window_bounds = array<i64: 1, 1, 256>}, {transform_indices = @transform_3, window_bounds = array<i64: 1, 1, 256>}, {pipeline_mode = #tpu.pipeline_mode<synchronous>, transform_indices = @transform_4, window_bounds = array<i64: 1, 256>}, {pipeline_mode = #tpu.pipeline_mode<synchronous>, transform_indices = @transform_5, window_bounds = array<i64: 1, 256>}, {pipeline_mode = #tpu.pipeline_mode<synchronous>, transform_indices = @transform_6, window_bounds = array<i64: 1, 256>}, {pipeline_mode = #tpu.pipeline_mode<synchronous>, transform_indices = @transform_7, window_bounds = array<i64: 256, 128>}, {pipeline_mode = #tpu.pipeline_mode<synchronous>, transform_indices = @transform_8, window_bounds = array<i64: 1, 128>}, {pipeline_mode = #tpu.pipeline_mode<synchronous>, transform_indices = @transform_9, window_bounds = array<i64: 128, 256>}, {pipeline_mode = #tpu.pipeline_mode<synchronous>, transform_indices = @transform_10, window_bounds = array<i64: 1, 256>}, {transform_indices = @transform_11, window_bounds = array<i64: 256, 128>}, {pipeline_mode = #tpu.pipeline_mode<synchronous>, transform_indices = @transform_12, window_bounds = array<i64: 4, 256>}]} {
    %eq3A = arith.constant 0 : i32
    %eq3A_0 = arith.cmpi eq, %arg0, %eq3A : i32
    %convert_element_type3A = arith.extui %eq3A_0 : i1 to i32
    %cond3A = arith.constant 0 : i32
    %cond3A_1 = arith.cmpi ne, %convert_element_type3A, %cond3A : i32
    scf.if %cond3A_1 {
      %broadcast_in_dim3A_108 = arith.constant 0.000000e+00 : f32
      %broadcast_in_dim3A_109 = vector.broadcast %broadcast_in_dim3A_108 : f32 to vector<4x256xf32>
      %swap3A_110 = arith.constant 0 : index
      %swap3A_111 = arith.constant 0 : index
      %swap3A_112 = vector.load %arg14[%swap3A_110, %swap3A_111] : memref<4x256xf32, #tpu.memory_space<vmem>>, vector<4x256xf32>
      tpu.vector_store %arg14[%swap3A_110, %swap3A_111], %broadcast_in_dim3A_109 {strides = array<i32>} : memref<4x256xf32, #tpu.memory_space<vmem>>, vector<4x256xf32>,
    } else {
    }
    %get3A = arith.constant 0 : index
    %get3A_2 = arith.constant 0 : index
    %get3A_3 = arith.constant 0 : index
    %get3A_4 = vector.load %arg3[%get3A, %get3A_2, %get3A_3] : memref<1x1x256xi32, #tpu.memory_space<vmem>>, vector<1x1x256xi32>
    %get3A_5 = vector.shape_cast %get3A_4 : vector<1x1x256xi32> to vector<256xi32>
    %reshape3A = vector.shape_cast %get3A_5 : vector<256xi32> to vector<256x1xi32>
    %get3A_6 = arith.constant 0 : index
    %get3A_7 = arith.constant 0 : index
    %get3A_8 = arith.constant 0 : index
    %get3A_9 = vector.load %arg4[%get3A_6, %get3A_7, %get3A_8] : memref<1x1x256xi32, #tpu.memory_space<vmem>>, vector<1x1x256xi32>
    %get3A_10 = vector.shape_cast %get3A_9 : vector<1x1x256xi32> to vector<256xi32>
    %reshape3A_11 = vector.shape_cast %get3A_10 : vector<256xi32> to vector<256x1xi32>
    %mul3A = arith.constant 256 : i32
    %mul3A_12 = arith.muli %arg0, %mul3A : i32
    %iota3A = tpu.iota {dimensions = array<i32: 0>} : vector<256x1xi32>
    %add3A = vector.broadcast %mul3A_12 : i32 to vector<256x1xi32>
    %add3A_13 = arith.addi %add3A, %iota3A : vector<256x1xi32>
    %ne3A = arith.cmpi ne, %reshape3A, %reshape3A_11 : vector<256x1xi32>
    %ge3A = arith.constant 320000 : i32
    %ge3A_14 = vector.broadcast %ge3A : i32 to vector<256x1xi32>
    %ge3A_15 = arith.cmpi sge, %add3A_13, %ge3A_14 : vector<256x1xi32>
    %or3A = arith.ori %ne3A, %ge3A_15 : vector<256x1xi1>
    %lt3A = arith.constant 330000 : i32
    %lt3A_16 = vector.broadcast %lt3A : i32 to vector<256x1xi32>
    %lt3A_17 = arith.cmpi slt, %add3A_13, %lt3A_16 : vector<256x1xi32>
    %and3A = arith.andi %or3A, %lt3A_17 : vector<256x1xi1>
    %jit3A = arith.constant 1.000000e+00 : f32
    %jit3A_18 = arith.constant 0.000000e+00 : f32
    %broadcast_in_dim3A = vector.broadcast %jit3A : f32 to vector<256x1xf32>
    %broadcast_in_dim3A_19 = vector.broadcast %jit3A_18 : f32 to vector<256x1xf32>
    %select_n3A = arith.select %and3A, %broadcast_in_dim3A, %broadcast_in_dim3A_19 : vector<256x1xi1>, vector<256x1xf32>
    %get3A_20 = arith.constant 0 : index
    %get3A_21 = arith.constant 0 : index
    %get3A_22 = vector.load %arg1[%get3A_20, %get3A_21] : memref<256x256xf32, #tpu.memory_space<vmem>>, vector<256x256xf32>
    %get3A_23 = arith.constant 0 : index
    %get3A_24 = arith.constant 0 : index
    %get3A_25 = vector.load %arg5[%get3A_23, %get3A_24] : memref<1x256xf32, #tpu.memory_space<vmem>>, vector<1x256xf32>
    %add3A_26 = vector.broadcast %get3A_25 : vector<1x256xf32> to vector<256x256xf32>
    %add3A_27 = arith.addf %get3A_22, %add3A_26 : vector<256x256xf32>
    %get3A_28 = arith.constant 0 : index
    %get3A_29 = arith.constant 0 : index
    %get3A_30 = vector.load %arg6[%get3A_28, %get3A_29] : memref<1x256xf32, #tpu.memory_space<vmem>>, vector<1x256xf32>
    %mul3A_31 = vector.broadcast %get3A_30 : vector<1x256xf32> to vector<256x256xf32>
    %mul3A_32 = arith.mulf %add3A_27, %mul3A_31 : vector<256x256xf32>
    %get3A_33 = arith.constant 0 : index
    %get3A_34 = arith.constant 0 : index
    %get3A_35 = vector.load %arg7[%get3A_33, %get3A_34] : memref<1x256xf32, #tpu.memory_space<vmem>>, vector<1x256xf32>
    %add3A_36 = vector.broadcast %get3A_35 : vector<1x256xf32> to vector<256x256xf32>
    %add3A_37 = arith.addf %mul3A_32, %add3A_36 : vector<256x256xf32>
    %max3A = arith.constant 0.000000e+00 : f32
    %max3A_38 = vector.broadcast %max3A : f32 to vector<256x256xf32>
    %max3A_39 = arith.maximumf %add3A_37, %max3A_38 : vector<256x256xf32>
    %get3A_40 = arith.constant 0 : index
    %get3A_41 = arith.constant 0 : index
    %get3A_42 = vector.load %arg8[%get3A_40, %get3A_41] : memref<256x128xf32, #tpu.memory_space<vmem>>, vector<256x128xf32>
    %dot_general3A = arith.constant dense<0.000000e+00> : vector<256x128xf32>
    %dot_general3A_43 = tpu.matmul %max3A_39, %get3A_42, %dot_general3A {dimension_numbers = #tpu.dot_dimension_numbers<[1], [0], [0], [1], [0, 0, 1, 1], [], []>, transpose_lhs_hint = false} : vector<256x256xf32>, vector<256x128xf32>, vector<256x128xf32> -> vector<256x128xf32>
    %get3A_44 = arith.constant 0 : index
    %get3A_45 = arith.constant 0 : index
    %get3A_46 = vector.load %arg9[%get3A_44, %get3A_45] : memref<1x128xf32, #tpu.memory_space<vmem>>, vector<1x128xf32>
    %add3A_47 = vector.broadcast %get3A_46 : vector<1x128xf32> to vector<256x128xf32>
    %add3A_48 = arith.addf %dot_general3A_43, %add3A_47 : vector<256x128xf32>
    %swap3A = arith.constant 0 : index
    %swap3A_49 = arith.constant 0 : index
    %swap3A_50 = vector.load %arg12[%swap3A, %swap3A_49] : memref<256x128xf32, #tpu.memory_space<vmem>>, vector<256x128xf32>
    tpu.vector_store %arg12[%swap3A, %swap3A_49], %add3A_48 {strides = array<i32>} : memref<256x128xf32, #tpu.memory_space<vmem>>, vector<256x128xf32>,
    %get3A_51 = arith.constant 0 : index
    %get3A_52 = arith.constant 0 : index
    %get3A_53 = vector.load %arg2[%get3A_51, %get3A_52] : memref<256x128xf32, #tpu.memory_space<vmem>>, vector<256x128xf32>
    %add3A_54 = arith.addf %get3A_53, %add3A_48 : vector<256x128xf32>
    %get3A_55 = arith.constant 0 : index
    %get3A_56 = arith.constant 0 : index
    %get3A_57 = vector.load %arg10[%get3A_55, %get3A_56] : memref<128x256xf32, #tpu.memory_space<vmem>>, vector<128x256xf32>
    %dot_general3A_58 = arith.constant dense<0.000000e+00> : vector<256x256xf32>
    %dot_general3A_59 = tpu.matmul %add3A_54, %get3A_57, %dot_general3A_58 {dimension_numbers = #tpu.dot_dimension_numbers<[1], [0], [0], [1], [0, 0, 1, 1], [], []>, transpose_lhs_hint = false} : vector<256x128xf32>, vector<128x256xf32>, vector<256x256xf32> -> vector<256x256xf32>
    %get3A_60 = arith.constant 0 : index
    %get3A_61 = arith.constant 0 : index
    %get3A_62 = vector.load %arg11[%get3A_60, %get3A_61] : memref<1x256xf32, #tpu.memory_space<vmem>>, vector<1x256xf32>
    %add3A_63 = vector.broadcast %get3A_62 : vector<1x256xf32> to vector<256x256xf32>
    %add3A_64 = arith.addf %dot_general3A_59, %add3A_63 : vector<256x256xf32>
    %get3A_65 = arith.constant 0 : index
    %get3A_66 = arith.constant 0 : index
    %get3A_67 = vector.load %arg14[%get3A_65, %get3A_66] : memref<4x256xf32, #tpu.memory_space<vmem>>, vector<1x256xf32>
    %mul3A_68 = vector.broadcast %select_n3A : vector<256x1xf32> to vector<256x256xf32>
    %mul3A_69 = arith.mulf %mul3A_68, %add3A_64 : vector<256x256xf32>
    %reduce_sum3A = arith.constant dense<0.000000e+00> : vector<256xf32>
    %reduce_sum3A_70 = vector.multi_reduction <add>, %mul3A_69, %reduce_sum3A [0] : vector<256x256xf32> to vector<256xf32>
    %broadcast_in_dim3A_71 = vector.shape_cast %reduce_sum3A_70 : vector<256xf32> to vector<1x256xf32>
    %add3A_72 = arith.addf %get3A_67, %broadcast_in_dim3A_71 : vector<1x256xf32>
    %swap3A_73 = arith.constant 0 : index
    %swap3A_74 = arith.constant 0 : index
    %swap3A_75 = vector.load %arg14[%swap3A_73, %swap3A_74] : memref<4x256xf32, #tpu.memory_space<vmem>>, vector<1x256xf32>
    tpu.vector_store %arg14[%swap3A_73, %swap3A_74], %add3A_72 {strides = array<i32>} : memref<4x256xf32, #tpu.memory_space<vmem>>, vector<1x256xf32>,
    %get3A_76 = arith.constant 1 : index
    %get3A_77 = arith.constant 0 : index
    %get3A_78 = vector.load %arg14[%get3A_76, %get3A_77] : memref<4x256xf32, #tpu.memory_space<vmem>>, vector<1x256xf32>
    %mul3A_79 = vector.broadcast %select_n3A : vector<256x1xf32> to vector<256x256xf32>
    %mul3A_80 = arith.mulf %mul3A_79, %add3A_64 : vector<256x256xf32>
    %mul3A_81 = arith.mulf %mul3A_80, %add3A_64 : vector<256x256xf32>
    %reduce_sum3A_82 = arith.constant dense<0.000000e+00> : vector<256xf32>
    %reduce_sum3A_83 = vector.multi_reduction <add>, %mul3A_81, %reduce_sum3A_82 [0] : vector<256x256xf32> to vector<256xf32>
    %broadcast_in_dim3A_84 = vector.shape_cast %reduce_sum3A_83 : vector<256xf32> to vector<1x256xf32>
    %add3A_85 = arith.addf %get3A_78, %broadcast_in_dim3A_84 : vector<1x256xf32>
    %swap3A_86 = arith.constant 1 : index
    %swap3A_87 = arith.constant 0 : index
    %swap3A_88 = vector.load %arg14[%swap3A_86, %swap3A_87] : memref<4x256xf32, #tpu.memory_space<vmem>>, vector<1x256xf32>
    tpu.vector_store %arg14[%swap3A_86, %swap3A_87], %add3A_85 {strides = array<i32>} : memref<4x256xf32, #tpu.memory_space<vmem>>, vector<1x256xf32>,
    %get3A_89 = arith.constant 2 : index
    %get3A_90 = arith.constant 0 : index
    %get3A_91 = vector.load %arg14[%get3A_89, %get3A_90] : memref<4x256xf32, #tpu.memory_space<vmem>>, vector<1x256xf32>
    %reduce_sum3A_92 = arith.constant dense<0.000000e+00> : vector<1xf32>
    %reduce_sum3A_93 = vector.multi_reduction <add>, %select_n3A, %reduce_sum3A_92 [0] : vector<256x1xf32> to vector<1xf32>
    %broadcast_in_dim3A_94 = vector.shape_cast %reduce_sum3A_93 : vector<1xf32> to vector<1x1xf32>
    %broadcast_in_dim3A_95 = arith.constant 1.000000e+00 : f32
    %broadcast_in_dim3A_96 = vector.broadcast %broadcast_in_dim3A_95 : f32 to vector<1x256xf32>
    %mul3A_97 = vector.broadcast %broadcast_in_dim3A_94 : vector<1x1xf32> to vector<1x256xf32>
    %mul3A_98 = arith.mulf %mul3A_97, %broadcast_in_dim3A_96 : vector<1x256xf32>
    %add3A_99 = arith.addf %get3A_91, %mul3A_98 : vector<1x256xf32>
    %swap3A_100 = arith.constant 2 : index
    %swap3A_101 = arith.constant 0 : index
    %swap3A_102 = vector.load %arg14[%swap3A_100, %swap3A_101] : memref<4x256xf32, #tpu.memory_space<vmem>>, vector<1x256xf32>
    tpu.vector_store %arg14[%swap3A_100, %swap3A_101], %add3A_99 {strides = array<i32>} : memref<4x256xf32, #tpu.memory_space<vmem>>, vector<1x256xf32>,
    %eq3A_103 = arith.constant 1295 : i32
    %eq3A_104 = arith.cmpi eq, %arg0, %eq3A_103 : i32
    %convert_element_type3A_105 = arith.extui %eq3A_104 : i1 to i32
    %cond3A_106 = arith.constant 0 : i32
    %cond3A_107 = arith.cmpi ne, %convert_element_type3A_105, %cond3A_106 : i32
    scf.if %cond3A_107 {
      %get3A_108 = arith.constant 0 : index
      %get3A_109 = arith.constant 0 : index
      %get3A_110 = vector.load %arg14[%get3A_108, %get3A_109] : memref<4x256xf32, #tpu.memory_space<vmem>>, vector<4x256xf32>
      %swap3A_111 = arith.constant 0 : index
      %swap3A_112 = arith.constant 0 : index
      %swap3A_113 = vector.load %arg13[%swap3A_111, %swap3A_112] : memref<4x256xf32, #tpu.memory_space<vmem>>, vector<4x256xf32>
      tpu.vector_store %arg13[%swap3A_111, %swap3A_112], %get3A_110 {strides = array<i32>} : memref<4x256xf32, #tpu.memory_space<vmem>>, vector<4x256xf32>,
    } else {
    }
    return
  }
  func.func @transform_0(%arg0: i32) -> (i32, i32) {
    %c0_i32 = arith.constant 0 : i32
    %c0_i32_0 = arith.constant 0 : i32
    return %arg0, %c0_i32 : i32, i32
  }
  func.func @transform_1(%arg0: i32) -> (i32, i32) {
    %c0_i32 = arith.constant 0 : i32
    %c0_i32_0 = arith.constant 0 : i32
    return %arg0, %c0_i32 : i32, i32
  }
  func.func @transform_2(%arg0: i32) -> (i32, i32, i32) {
    %c0_i32 = arith.constant 0 : i32
    %c0_i32_0 = arith.constant 0 : i32
    %c0_i32_1 = arith.constant 0 : i32
    return %arg0, %c0_i32, %c0_i32_0 : i32, i32, i32
  }
  func.func @transform_3(%arg0: i32) -> (i32, i32, i32) {
    %c0_i32 = arith.constant 0 : i32
    %c0_i32_0 = arith.constant 0 : i32
    %c0_i32_1 = arith.constant 0 : i32
    return %arg0, %c0_i32, %c0_i32_0 : i32, i32, i32
  }
  func.func @transform_4(%arg0: i32) -> (i32, i32) {
    %c0_i32 = arith.constant 0 : i32
    %c0_i32_0 = arith.constant 0 : i32
    %c0_i32_1 = arith.constant 0 : i32
    return %c0_i32, %c0_i32_0 : i32, i32
  }
  func.func @transform_5(%arg0: i32) -> (i32, i32) {
    %c0_i32 = arith.constant 0 : i32
    %c0_i32_0 = arith.constant 0 : i32
    %c0_i32_1 = arith.constant 0 : i32
    return %c0_i32, %c0_i32_0 : i32, i32
  }
  func.func @transform_6(%arg0: i32) -> (i32, i32) {
    %c0_i32 = arith.constant 0 : i32
    %c0_i32_0 = arith.constant 0 : i32
    %c0_i32_1 = arith.constant 0 : i32
    return %c0_i32, %c0_i32_0 : i32, i32
  }
  func.func @transform_7(%arg0: i32) -> (i32, i32) {
    %c0_i32 = arith.constant 0 : i32
    %c0_i32_0 = arith.constant 0 : i32
    %c0_i32_1 = arith.constant 0 : i32
    return %c0_i32, %c0_i32_0 : i32, i32
  }
  func.func @transform_8(%arg0: i32) -> (i32, i32) {
    %c0_i32 = arith.constant 0 : i32
    %c0_i32_0 = arith.constant 0 : i32
    %c0_i32_1 = arith.constant 0 : i32
    return %c0_i32, %c0_i32_0 : i32, i32
  }
  func.func @transform_9(%arg0: i32) -> (i32, i32) {
    %c0_i32 = arith.constant 0 : i32
    %c0_i32_0 = arith.constant 0 : i32
    %c0_i32_1 = arith.constant 0 : i32
    return %c0_i32, %c0_i32_0 : i32, i32
  }
  func.func @transform_10(%arg0: i32) -> (i32, i32) {
    %c0_i32 = arith.constant 0 : i32
    %c0_i32_0 = arith.constant 0 : i32
    %c0_i32_1 = arith.constant 0 : i32
    return %c0_i32, %c0_i32_0 : i32, i32
  }
  func.func @transform_11(%arg0: i32) -> (i32, i32) {
    %c0_i32 = arith.constant 0 : i32
    %c0_i32_0 = arith.constant 0 : i32
    return %arg0, %c0_i32 : i32, i32
  }
  func.func @transform_12(%arg0: i32) -> (i32, i32) {
    %c0_i32 = arith.constant 0 : i32
    %c0_i32_0 = arith.constant 0 : i32
    %c0_i32_1 = arith.constant 0 : i32
    return %c0_i32, %c0_i32_0 : i32, i32
  }
}

module attributes {stable_mosaic.version = 14 : i64} {
  func.func @_stageC_k(%arg0: i32, %arg1: memref<256x128xf32, #tpu.memory_space<vmem>>, %arg2: memref<256x128xf32, #tpu.memory_space<vmem>>, %arg3: memref<256x128xf32, #tpu.memory_space<vmem>>, %arg4: memref<128x256xf32, #tpu.memory_space<vmem>>, %arg5: memref<1x256xf32, #tpu.memory_space<vmem>>, %arg6: memref<1x256xf32, #tpu.memory_space<vmem>>, %arg7: memref<1x256xf32, #tpu.memory_space<vmem>>, %arg8: memref<256x128xf32, #tpu.memory_space<vmem>>, %arg9: memref<1x128xf32, #tpu.memory_space<vmem>>, %arg10: memref<256x128xf32, #tpu.memory_space<vmem>>, %arg11: memref<256x128xf32, #tpu.memory_space<vmem>>) attributes {dimension_semantics = [#tpu.dimension_semantics<arbitrary>], iteration_bounds = array<i64: 1296>, scalar_prefetch = 0 : i64, scratch_operands = 0 : i64, tpu.core_type = #tpu.core_type<tc>, window_params = [{transform_indices = @transform_0, window_bounds = array<i64: 256, 128>}, {transform_indices = @transform_1, window_bounds = array<i64: 256, 128>}, {transform_indices = @transform_2, window_bounds = array<i64: 256, 128>}, {pipeline_mode = #tpu.pipeline_mode<synchronous>, transform_indices = @transform_3, window_bounds = array<i64: 128, 256>}, {pipeline_mode = #tpu.pipeline_mode<synchronous>, transform_indices = @transform_4, window_bounds = array<i64: 1, 256>}, {pipeline_mode = #tpu.pipeline_mode<synchronous>, transform_indices = @transform_5, window_bounds = array<i64: 1, 256>}, {pipeline_mode = #tpu.pipeline_mode<synchronous>, transform_indices = @transform_6, window_bounds = array<i64: 1, 256>}, {pipeline_mode = #tpu.pipeline_mode<synchronous>, transform_indices = @transform_7, window_bounds = array<i64: 256, 128>}, {pipeline_mode = #tpu.pipeline_mode<synchronous>, transform_indices = @transform_8, window_bounds = array<i64: 1, 128>}, {transform_indices = @transform_9, window_bounds = array<i64: 256, 128>}, {transform_indices = @transform_10, window_bounds = array<i64: 256, 128>}]} {
    %get3A = arith.constant 0 : index
    %get3A_0 = arith.constant 0 : index
    %get3A_1 = vector.load %arg2[%get3A, %get3A_0] : memref<256x128xf32, #tpu.memory_space<vmem>>, vector<256x128xf32>
    %get3A_2 = arith.constant 0 : index
    %get3A_3 = arith.constant 0 : index
    %get3A_4 = vector.load %arg1[%get3A_2, %get3A_3] : memref<256x128xf32, #tpu.memory_space<vmem>>, vector<256x128xf32>
    %add3A = arith.addf %get3A_4, %get3A_1 : vector<256x128xf32>
    %get3A_5 = arith.constant 0 : index
    %get3A_6 = arith.constant 0 : index
    %get3A_7 = vector.load %arg4[%get3A_5, %get3A_6] : memref<128x256xf32, #tpu.memory_space<vmem>>, vector<128x256xf32>
    %dot_general3A = arith.constant dense<0.000000e+00> : vector<256x256xf32>
    %dot_general3A_8 = tpu.matmul %add3A, %get3A_7, %dot_general3A {dimension_numbers = #tpu.dot_dimension_numbers<[1], [0], [0], [1], [0, 0, 1, 1], [], []>, transpose_lhs_hint = false} : vector<256x128xf32>, vector<128x256xf32>, vector<256x256xf32> -> vector<256x256xf32>
    %get3A_9 = arith.constant 0 : index
    %get3A_10 = arith.constant 0 : index
    %get3A_11 = vector.load %arg5[%get3A_9, %get3A_10] : memref<1x256xf32, #tpu.memory_space<vmem>>, vector<1x256xf32>
    %add3A_12 = vector.broadcast %get3A_11 : vector<1x256xf32> to vector<256x256xf32>
    %add3A_13 = arith.addf %dot_general3A_8, %add3A_12 : vector<256x256xf32>
    %get3A_14 = arith.constant 0 : index
    %get3A_15 = arith.constant 0 : index
    %get3A_16 = vector.load %arg6[%get3A_14, %get3A_15] : memref<1x256xf32, #tpu.memory_space<vmem>>, vector<1x256xf32>
    %mul3A = vector.broadcast %get3A_16 : vector<1x256xf32> to vector<256x256xf32>
    %mul3A_17 = arith.mulf %add3A_13, %mul3A : vector<256x256xf32>
    %get3A_18 = arith.constant 0 : index
    %get3A_19 = arith.constant 0 : index
    %get3A_20 = vector.load %arg7[%get3A_18, %get3A_19] : memref<1x256xf32, #tpu.memory_space<vmem>>, vector<1x256xf32>
    %add3A_21 = vector.broadcast %get3A_20 : vector<1x256xf32> to vector<256x256xf32>
    %add3A_22 = arith.addf %mul3A_17, %add3A_21 : vector<256x256xf32>
    %max3A = arith.constant 0.000000e+00 : f32
    %max3A_23 = vector.broadcast %max3A : f32 to vector<256x256xf32>
    %max3A_24 = arith.maximumf %add3A_22, %max3A_23 : vector<256x256xf32>
    %get3A_25 = arith.constant 0 : index
    %get3A_26 = arith.constant 0 : index
    %get3A_27 = vector.load %arg8[%get3A_25, %get3A_26] : memref<256x128xf32, #tpu.memory_space<vmem>>, vector<256x128xf32>
    %dot_general3A_28 = arith.constant dense<0.000000e+00> : vector<256x128xf32>
    %dot_general3A_29 = tpu.matmul %max3A_24, %get3A_27, %dot_general3A_28 {dimension_numbers = #tpu.dot_dimension_numbers<[1], [0], [0], [1], [0, 0, 1, 1], [], []>, transpose_lhs_hint = false} : vector<256x256xf32>, vector<256x128xf32>, vector<256x128xf32> -> vector<256x128xf32>
    %get3A_30 = arith.constant 0 : index
    %get3A_31 = arith.constant 0 : index
    %get3A_32 = vector.load %arg9[%get3A_30, %get3A_31] : memref<1x128xf32, #tpu.memory_space<vmem>>, vector<1x128xf32>
    %add3A_33 = vector.broadcast %get3A_32 : vector<1x128xf32> to vector<256x128xf32>
    %add3A_34 = arith.addf %dot_general3A_29, %add3A_33 : vector<256x128xf32>
    %exp3A = math.exp %add3A_34 : vector<256x128xf32>
    %swap3A = arith.constant 0 : index
    %swap3A_35 = arith.constant 0 : index
    %swap3A_36 = vector.load %arg10[%swap3A, %swap3A_35] : memref<256x128xf32, #tpu.memory_space<vmem>>, vector<256x128xf32>
    tpu.vector_store %arg10[%swap3A, %swap3A_35], %exp3A {strides = array<i32>} : memref<256x128xf32, #tpu.memory_space<vmem>>, vector<256x128xf32>,
    %get3A_37 = arith.constant 0 : index
    %get3A_38 = arith.constant 0 : index
    %get3A_39 = vector.load %arg3[%get3A_37, %get3A_38] : memref<256x128xf32, #tpu.memory_space<vmem>>, vector<256x128xf32>
    %add3A_40 = arith.addf %get3A_39, %get3A_1 : vector<256x128xf32>
    %mul3A_41 = arith.mulf %exp3A, %add3A_40 : vector<256x128xf32>
    %swap3A_42 = arith.constant 0 : index
    %swap3A_43 = arith.constant 0 : index
    %swap3A_44 = vector.load %arg11[%swap3A_42, %swap3A_43] : memref<256x128xf32, #tpu.memory_space<vmem>>, vector<256x128xf32>
    tpu.vector_store %arg11[%swap3A_42, %swap3A_43], %mul3A_41 {strides = array<i32>} : memref<256x128xf32, #tpu.memory_space<vmem>>, vector<256x128xf32>,
    return
  }
  func.func @transform_0(%arg0: i32) -> (i32, i32) {
    %c0_i32 = arith.constant 0 : i32
    %c0_i32_0 = arith.constant 0 : i32
    return %arg0, %c0_i32 : i32, i32
  }
  func.func @transform_1(%arg0: i32) -> (i32, i32) {
    %c0_i32 = arith.constant 0 : i32
    %c0_i32_0 = arith.constant 0 : i32
    return %arg0, %c0_i32 : i32, i32
  }
  func.func @transform_2(%arg0: i32) -> (i32, i32) {
    %c0_i32 = arith.constant 0 : i32
    %c0_i32_0 = arith.constant 0 : i32
    return %arg0, %c0_i32 : i32, i32
  }
  func.func @transform_3(%arg0: i32) -> (i32, i32) {
    %c0_i32 = arith.constant 0 : i32
    %c0_i32_0 = arith.constant 0 : i32
    %c0_i32_1 = arith.constant 0 : i32
    return %c0_i32, %c0_i32_0 : i32, i32
  }
  func.func @transform_4(%arg0: i32) -> (i32, i32) {
    %c0_i32 = arith.constant 0 : i32
    %c0_i32_0 = arith.constant 0 : i32
    %c0_i32_1 = arith.constant 0 : i32
    return %c0_i32, %c0_i32_0 : i32, i32
  }
  func.func @transform_5(%arg0: i32) -> (i32, i32) {
    %c0_i32 = arith.constant 0 : i32
    %c0_i32_0 = arith.constant 0 : i32
    %c0_i32_1 = arith.constant 0 : i32
    return %c0_i32, %c0_i32_0 : i32, i32
  }
  func.func @transform_6(%arg0: i32) -> (i32, i32) {
    %c0_i32 = arith.constant 0 : i32
    %c0_i32_0 = arith.constant 0 : i32
    %c0_i32_1 = arith.constant 0 : i32
    return %c0_i32, %c0_i32_0 : i32, i32
  }
  func.func @transform_7(%arg0: i32) -> (i32, i32) {
    %c0_i32 = arith.constant 0 : i32
    %c0_i32_0 = arith.constant 0 : i32
    %c0_i32_1 = arith.constant 0 : i32
    return %c0_i32, %c0_i32_0 : i32, i32
  }
  func.func @transform_8(%arg0: i32) -> (i32, i32) {
    %c0_i32 = arith.constant 0 : i32
    %c0_i32_0 = arith.constant 0 : i32
    %c0_i32_1 = arith.constant 0 : i32
    return %c0_i32, %c0_i32_0 : i32, i32
  }
  func.func @transform_9(%arg0: i32) -> (i32, i32) {
    %c0_i32 = arith.constant 0 : i32
    %c0_i32_0 = arith.constant 0 : i32
    return %arg0, %c0_i32 : i32, i32
  }
  func.func @transform_10(%arg0: i32) -> (i32, i32) {
    %c0_i32 = arith.constant 0 : i32
    %c0_i32_0 = arith.constant 0 : i32
    return %arg0, %c0_i32 : i32, i32
  }
}

module attributes {stable_mosaic.version = 14 : i64} {
  func.func @_down_k(%arg0: i32, %arg1: memref<512x128xf32, #tpu.memory_space<vmem>>, %arg2: memref<512x128xf32, #tpu.memory_space<vmem>>, %arg3: memref<128x128xf32, #tpu.memory_space<vmem>>, %arg4: memref<1x128xf32, #tpu.memory_space<vmem>>, %arg5: memref<512x128xf32, #tpu.memory_space<vmem>>) attributes {dimension_semantics = [#tpu.dimension_semantics<arbitrary>], iteration_bounds = array<i64: 20>, scalar_prefetch = 0 : i64, scratch_operands = 0 : i64, tpu.core_type = #tpu.core_type<tc>, window_params = [{transform_indices = @transform_0, window_bounds = array<i64: 512, 128>}, {transform_indices = @transform_1, window_bounds = array<i64: 512, 128>}, {pipeline_mode = #tpu.pipeline_mode<synchronous>, transform_indices = @transform_2, window_bounds = array<i64: 128, 128>}, {pipeline_mode = #tpu.pipeline_mode<synchronous>, transform_indices = @transform_3, window_bounds = array<i64: 1, 128>}, {transform_indices = @transform_4, window_bounds = array<i64: 512, 128>}]} {
    %get3A = arith.constant 0 : index
    %get3A_0 = arith.constant 0 : index
    %get3A_1 = vector.load %arg1[%get3A, %get3A_0] : memref<512x128xf32, #tpu.memory_space<vmem>>, vector<512x128xf32>
    %get3A_2 = arith.constant 0 : index
    %get3A_3 = arith.constant 0 : index
    %get3A_4 = vector.load %arg2[%get3A_2, %get3A_3] : memref<512x128xf32, #tpu.memory_space<vmem>>, vector<512x128xf32>
    %add3A = arith.constant 1.000000e-16 : f32
    %add3A_5 = vector.broadcast %add3A : f32 to vector<512x128xf32>
    %add3A_6 = arith.addf %get3A_4, %add3A_5 : vector<512x128xf32>
    %div3A = arith.divf %get3A_1, %add3A_6 : vector<512x128xf32>
    %get3A_7 = arith.constant 0 : index
    %get3A_8 = arith.constant 0 : index
    %get3A_9 = vector.load %arg3[%get3A_7, %get3A_8] : memref<128x128xf32, #tpu.memory_space<vmem>>, vector<128x128xf32>
    %dot_general3A = arith.constant dense<0.000000e+00> : vector<512x128xf32>
    %dot_general3A_10 = tpu.matmul %div3A, %get3A_9, %dot_general3A {dimension_numbers = #tpu.dot_dimension_numbers<[1], [0], [0], [1], [0, 0, 1, 1], [], []>, transpose_lhs_hint = false} : vector<512x128xf32>, vector<128x128xf32>, vector<512x128xf32> -> vector<512x128xf32>
    %get3A_11 = arith.constant 0 : index
    %get3A_12 = arith.constant 0 : index
    %get3A_13 = vector.load %arg4[%get3A_11, %get3A_12] : memref<1x128xf32, #tpu.memory_space<vmem>>, vector<1x128xf32>
    %add3A_14 = vector.broadcast %get3A_13 : vector<1x128xf32> to vector<512x128xf32>
    %add3A_15 = arith.addf %dot_general3A_10, %add3A_14 : vector<512x128xf32>
    %swap3A = arith.constant 0 : index
    %swap3A_16 = arith.constant 0 : index
    %swap3A_17 = vector.load %arg5[%swap3A, %swap3A_16] : memref<512x128xf32, #tpu.memory_space<vmem>>, vector<512x128xf32>
    tpu.vector_store %arg5[%swap3A, %swap3A_16], %add3A_15 {strides = array<i32>} : memref<512x128xf32, #tpu.memory_space<vmem>>, vector<512x128xf32>,
    return
  }
  func.func @transform_0(%arg0: i32) -> (i32, i32) {
    %c0_i32 = arith.constant 0 : i32
    %c0_i32_0 = arith.constant 0 : i32
    return %arg0, %c0_i32 : i32, i32
  }
  func.func @transform_1(%arg0: i32) -> (i32, i32) {
    %c0_i32 = arith.constant 0 : i32
    %c0_i32_0 = arith.constant 0 : i32
    return %arg0, %c0_i32 : i32, i32
  }
  func.func @transform_2(%arg0: i32) -> (i32, i32) {
    %c0_i32 = arith.constant 0 : i32
    %c0_i32_0 = arith.constant 0 : i32
    %c0_i32_1 = arith.constant 0 : i32
    return %c0_i32, %c0_i32_0 : i32, i32
  }
  func.func @transform_3(%arg0: i32) -> (i32, i32) {
    %c0_i32 = arith.constant 0 : i32
    %c0_i32_0 = arith.constant 0 : i32
    %c0_i32_1 = arith.constant 0 : i32
    return %c0_i32, %c0_i32_0 : i32, i32
  }
  func.func @transform_4(%arg0: i32) -> (i32, i32) {
    %c0_i32 = arith.constant 0 : i32
    %c0_i32_0 = arith.constant 0 : i32
    return %arg0, %c0_i32 : i32, i32
  }
}

module attributes {stable_mosaic.version = 14 : i64} {
  func.func @_pool_k(%arg0: i32, %arg1: memref<1x1x128xi32, #tpu.memory_space<smem>>, %arg2: memref<128x128xf32, #tpu.memory_space<vmem>>, %arg3: memref<10240x128xf32, #tpu.memory_space<vmem>>, %arg4: memref<10240x128xf32, #tpu.memory_space<vmem>>, %arg5: memref<10240x128xf32, #tpu.memory_space<vmem>>) attributes {dimension_semantics = [#tpu.dimension_semantics<arbitrary>], iteration_bounds = array<i64: 2528>, scalar_prefetch = 0 : i64, scratch_operands = 1 : i64, tpu.core_type = #tpu.core_type<tc>, window_params = [{transform_indices = @transform_0, window_bounds = array<i64: 1, 1, 128>}, {transform_indices = @transform_1, window_bounds = array<i64: 128, 128>}, {pipeline_mode = #tpu.pipeline_mode<synchronous>, transform_indices = @transform_2, window_bounds = array<i64: 10240, 128>}, {pipeline_mode = #tpu.pipeline_mode<synchronous>, transform_indices = @transform_3, window_bounds = array<i64: 10240, 128>}]} {
    %eq3A = arith.constant 0 : i32
    %eq3A_0 = arith.cmpi eq, %arg0, %eq3A : i32
    %convert_element_type3A = arith.extui %eq3A_0 : i1 to i32
    %cond3A = arith.constant 0 : i32
    %cond3A_1 = arith.cmpi ne, %convert_element_type3A, %cond3A : i32
    scf.if %cond3A_1 {
      %get3A = arith.constant 0 : index
      %get3A_11 = arith.constant 0 : index
      %get3A_12 = vector.load %arg3[%get3A, %get3A_11] : memref<10240x128xf32, #tpu.memory_space<vmem>>, vector<10240x128xf32>
      %swap3A = arith.constant 0 : index
      %swap3A_13 = arith.constant 0 : index
      %swap3A_14 = vector.load %arg5[%swap3A, %swap3A_13] : memref<10240x128xf32, #tpu.memory_space<vmem>>, vector<10240x128xf32>
      tpu.vector_store %arg5[%swap3A, %swap3A_13], %get3A_12 {strides = array<i32>} : memref<10240x128xf32, #tpu.memory_space<vmem>>, vector<10240x128xf32>,
    } else {
    }
    %scan3A = arith.constant 0 : i32
    %scan3A_2 = arith.constant 128 : i32
    %scan3A_3 = arith.addi %scan3A, %scan3A_2 : i32
    %scan3A_4 = arith.constant 1 : i32
    scf.for %scan3A_11 = %scan3A to %scan3A_3 step %scan3A_4  : i32 {
      %get3A = arith.constant 0 : index
      %get3A_12 = arith.constant 0 : index
      %get3A_13 = arith.index_cast %scan3A_11 : i32 to index
      %get3A_14 = memref.load %arg1[%get3A, %get3A_12, %get3A_13] : memref<1x1x128xi32, #tpu.memory_space<smem>>
      %get3A_15 = arith.index_cast %get3A_14 : i32 to index
      %get3A_16 = arith.constant 0 : index
      %get3A_17 = vector.load %arg5[%get3A_15, %get3A_16] : memref<10240x128xf32, #tpu.memory_space<vmem>>, vector<1x128xf32>
      %get3A_18 = arith.index_cast %scan3A_11 : i32 to index
      %get3A_19 = arith.constant 0 : index
      %get3A_20 = vector.load %arg2[%get3A_18, %get3A_19] : memref<128x128xf32, #tpu.memory_space<vmem>>, vector<1x128xf32>
      %max3A = arith.maximumf %get3A_17, %get3A_20 : vector<1x128xf32>
      %swap3A = arith.index_cast %get3A_14 : i32 to index
      %swap3A_21 = arith.constant 0 : index
      %swap3A_22 = vector.load %arg5[%swap3A, %swap3A_21] : memref<10240x128xf32, #tpu.memory_space<vmem>>, vector<1x128xf32>
      tpu.vector_store %arg5[%swap3A, %swap3A_21], %max3A {strides = array<i32>} : memref<10240x128xf32, #tpu.memory_space<vmem>>, vector<1x128xf32>,
    }
    %scan3A_5 = arith.constant 128 : i32
    %eq3A_6 = arith.constant 2527 : i32
    %eq3A_7 = arith.cmpi eq, %arg0, %eq3A_6 : i32
    %convert_element_type3A_8 = arith.extui %eq3A_7 : i1 to i32
    %cond3A_9 = arith.constant 0 : i32
    %cond3A_10 = arith.cmpi ne, %convert_element_type3A_8, %cond3A_9 : i32
    scf.if %cond3A_10 {
      %get3A = arith.constant 0 : index
      %get3A_11 = arith.constant 0 : index
      %get3A_12 = vector.load %arg5[%get3A, %get3A_11] : memref<10240x128xf32, #tpu.memory_space<vmem>>, vector<10240x128xf32>
      %swap3A = arith.constant 0 : index
      %swap3A_13 = arith.constant 0 : index
      %swap3A_14 = vector.load %arg4[%swap3A, %swap3A_13] : memref<10240x128xf32, #tpu.memory_space<vmem>>, vector<10240x128xf32>
      tpu.vector_store %arg4[%swap3A, %swap3A_13], %get3A_12 {strides = array<i32>} : memref<10240x128xf32, #tpu.memory_space<vmem>>, vector<10240x128xf32>,
    } else {
    }
    return
  }
  func.func @transform_0(%arg0: i32) -> (i32, i32, i32) {
    %c0_i32 = arith.constant 0 : i32
    %c0_i32_0 = arith.constant 0 : i32
    %c0_i32_1 = arith.constant 0 : i32
    return %arg0, %c0_i32, %c0_i32_0 : i32, i32, i32
  }
  func.func @transform_1(%arg0: i32) -> (i32, i32) {
    %c0_i32 = arith.constant 0 : i32
    %c0_i32_0 = arith.constant 0 : i32
    return %arg0, %c0_i32 : i32, i32
  }
  func.func @transform_2(%arg0: i32) -> (i32, i32) {
    %c0_i32 = arith.constant 0 : i32
    %c0_i32_0 = arith.constant 0 : i32
    %c0_i32_1 = arith.constant 0 : i32
    return %c0_i32, %c0_i32_0 : i32, i32
  }
  func.func @transform_3(%arg0: i32) -> (i32, i32) {
    %c0_i32 = arith.constant 0 : i32
    %c0_i32_0 = arith.constant 0 : i32
    %c0_i32_1 = arith.constant 0 : i32
    return %c0_i32, %c0_i32_0 : i32, i32
  }
}

</mosaic_0001>

<sc_bundles>
// kernel: kernel.15.cloned.1.call-start
scs
__scs_entry_jumppad:
0x0: {  	(pc) =	sbr.rel $0x88, $3  }
0x1: {  	(tag) =	ssettag $0x0;
	lr =	simm.s32 $0x1  }
0x2: {  	[smem:$0x3F8C] =	sst lr;
	_ =	strace $0xD0000000  }
0x3: {  	_ = 	snop  }
0x4: {  	_ = 	snop  }
0x5: {  	_ = 	snop  }
0x6: {  	_ = 	snop  }
0x7: {  	_ = 	snop  }
__scs_overlays_trampoline_lowered:
0x8: {  	[smem:$0x3F9B] =	sst s0  }
0x9: {  	[smem:$0x3F9C] =	sst s1  }
0xa: {  	[smem:$0x3F9D] =	sst s2  }
0xb: {  	[smem:$0x3F9E] =	sst s3  }
0xc: {  	[smem:$0x3F9F] =	sst s4  }
0xd: {  	[smem:$0x3FA0] =	sst s5  }
0xe: {  	[smem:$0x3FA1] =	sst s6  }
0xf: {  	[smem:$0x3FA2] =	sst s7  }
0x10: {  	[smem:$0x3FA3] =	sst s8  }
0x11: {  	[smem:$0x3FA4] =	sst s9;
	s0 =	simm.s32 @!p0 $0x0  }
0x12: {  	s1 =	sld [smem:$0x3F8A];
	s0 =	simm.s32 @p0 $0x1  }
0x13: {  	[smem:$0x3FA5] =	sst s0;
	s0 =	simm.s32 @!p1 $0x0  }
0x14: {  	s2 =	sld [smem:$0x3F89];
	s0 =	simm.s32 @p1 $0x1  }
0x15: {  	[smem:$0x3FA6] =	sst s0;
	s0 =	simm.s32 @!p2 $0x0  }
0x16: {  	s3 =	sld [smem:$0x3FDB];
	s0 =	simm.s32 @p2 $0x1  }
0x17: {  	s4 =	simm.s32 $0x1BF5;
	[smem:$0x3FA8] =	sst s0  }
0x18: {  	s0 =	sld [smem:$0x3F8B];
	_ =	swait.ge [sflag:s4], $0x0  }
0x19: {  	s7 =	sld [smem:$0x3F8C]  }
0x1a: {  	s8 =	sadd.s32 $0xFFFFE003, lr  }
0x1b: {  	s9 =	sadd.s32 $0xFFFFFEF7, lr;
	s5 =	simm.s32 $0xFFFFFFFF;
	p2 =	slt.u32 s8, $0xFFFFF086  }
0x1c: {  	p1 =	slt.u32 s9, $0xF7A;
	s5 =	simm.s32 @!p2 $0x0  }
0x1d: {  	s5 =	simm.s32 @p1 $0x1;
	p0 =	seq.s32 s7, s2  }
0x1e: {  	s7 =	smul.u32 @!p0 $0xF7A, s2;
	p2 =	seq.s32 @!p0 s5, $0x0  }
0x1f: {  	s9 =	smul.u32 $0xF7A, s1;
	s8 =	simm.s32 @!p0 $0x1BF5;
	p2 =	por !p2, p0  }
0x20: {  	[sflag:s8] =	ssyncset.s32 @!p0 $0xFFFFF086;
	s6 =	sadd.s32 @!p0 s3, s7;
	s7 =	simm.s32 @!p0 $0x108  }
0x21: {  	s3 =	sadd.s32 s3, s9;
	s6 =	sadd.s32 @!p0 $0x88, s6;
	s7 =	simm.s32 @p2 $0x1082  }
0x22: {  	[simem:s7], [sflag:s8] =	dma.local @!p0 [hbm:s6], $0xF7A  }
0x23: {  	s9 =	sor.u32 $0xD0000000, s2;
	s6 =	simm.s32 $0x108;
	_ =	swait.ge @!p0 [sflag:s8], $0x0  }
0x24: {  	s3 =	sadd.s32 $0x88, s3;
	s6 =	simm.s32 @!p1 $0x1082;
	[sflag:s4] =	ssyncset.s32 $0xFFFFF086  }
0x25: {  	[simem:s6], [sflag:s4] =	dma.local [hbm:s3], $0xF7A  }
0x26: {  	[smem:$0x3F8C] =	sst s1;
	(tag) =	ssettag s2;
	_ =	strace s9  }
0x27: {  	s1 =	sld [smem:$0x3F9C]  }
0x28: {  	s2 =	sld [smem:$0x3F9D]  }
0x29: {  	s4 =	sld [smem:$0x3F9F]  }
0x2a: {  	p0 =	seq.s32 s5, $0x0;
	s5 =	sld [smem:$0x3FA0]  }
0x2b: {  	s6 =	sld [smem:$0x3FA1]  }
0x2c: {  	s7 =	sld [smem:$0x3FA2]  }
0x2d: {  	s3 =	simm.s32 $0x108;
	s8 =	sld [smem:$0x3FA3]  }
0x2e: {  	s3 =	simm.s32 @!p0 $0x1082;
	s9 =	sld [smem:$0x3FA4]  }
0x2f: {  	lr =	sadd.s32 s0, s3;
	s0 =	sld [smem:$0x3F9B]  }
0x30: {  	s3 =	sld [smem:$0x3F9E]  }
0x31: {  	[smem:$0x3FA7] =	sst s10  }
0x32: {  	s10 =	sld [smem:$0x3FA5];
	_ =	sdelay $0x3  }
0x33: {  	p0 =	seq.s32 s10, $0x1;
	s10 =	sld [smem:$0x3FA7];
	_ =	sdelay $0x3  }
0x34: {  	[smem:$0x3FA7] =	sst s10  }
0x35: {  	s10 =	sld [smem:$0x3FA6];
	_ =	sdelay $0x3  }
0x36: {  	p1 =	seq.s32 s10, $0x1;
	s10 =	sld [smem:$0x3FA7];
	_ =	sdelay $0x3  }
0x37: {  	[smem:$0x3FA7] =	sst s10  }
0x38: {  	s10 =	sld [smem:$0x3FA8]  }
0x39: {  	_ = 	snop;
	(pc) =	sbr.ind lr, $3  }
0x3a: {  	_ = 	snop  }
0x3b: {  	_ = 	snop  }
0x3c: {  	p2 =	seq.s32 s10, $0x1;
	s10 =	sld [smem:$0x3FA7]  }
0x3d: {  	_ =	shalt  }
0x3e: {  	_ =	shalt  }
0x3f: {  	_ =	shalt  }
0x40: {  	_ =	shalt  }
0x41: {  	_ =	shalt  }
0x42: {  	_ =	shalt  }
0x43: {  	_ =	shalt  }
0x44: {  	_ =	shalt  }
0x45: {  	_ =	shalt  }
0x46: {  	_ =	shalt  }
0x47: {  	_ =	shalt  }
0x48: {  	_ =	shalt  }
0x49: {  	_ =	shalt  }
0x4a: {  	_ =	shalt  }
0x4b: {  	_ =	shalt  }
0x4c: {  	_ =	shalt  }
0x4d: {  	_ =	shalt  }
0x4e: {  	_ =	shalt  }
0x4f: {  	_ =	shalt  }
0x50: {  	_ =	shalt  }
0x51: {  	_ =	shalt  }
0x52: {  	_ =	shalt  }
0x53: {  	_ =	shalt  }
0x54: {  	_ =	shalt  }
0x55: {  	_ =	shalt  }
0x56: {  	_ =	shalt  }
0x57: {  	_ =	shalt  }
0x58: {  	_ =	shalt  }
0x59: {  	_ =	shalt  }
0x5a: {  	_ =	shalt  }
0x5b: {  	_ =	shalt  }
0x5c: {  	_ =	shalt  }
0x5d: {  	_ =	shalt  }
0x5e: {  	_ =	shalt  }
0x5f: {  	_ =	shalt  }
0x60: {  	_ =	shalt  }
0x61: {  	_ =	shalt  }
0x62: {  	_ =	shalt  }
0x63: {  	_ =	shalt  }
0x64: {  	_ =	shalt  }
0x65: {  	_ =	shalt  }
0x66: {  	_ =	shalt  }
0x67: {  	_ =	shalt  }
0x68: {  	_ =	shalt  }
0x69: {  	_ =	shalt  }
0x6a: {  	_ =	shalt  }
0x6b: {  	_ =	shalt  }
0x6c: {  	_ =	shalt  }
0x6d: {  	_ =	shalt  }
0x6e: {  	_ =	shalt  }
0x6f: {  	_ =	shalt  }
0x70: {  	_ =	shalt  }
0x71: {  	_ =	shalt  }
0x72: {  	_ =	shalt  }
0x73: {  	_ =	shalt  }
0x74: {  	_ =	shalt  }
0x75: {  	_ =	shalt  }
0x76: {  	_ =	shalt  }
0x77: {  	_ =	shalt  }
0x78: {  	_ =	shalt  }
0x79: {  	_ =	shalt  }
0x7a: {  	_ =	shalt  }
0x7b: {  	_ =	shalt  }
0x7c: {  	_ =	shalt  }
0x7d: {  	_ =	shalt  }
0x7e: {  	_ =	shalt  }
0x7f: {  	_ =	shalt  }
0x80: {  	_ =	shalt  }
0x81: {  	_ =	shalt  }
0x82: {  	_ =	shalt  }
0x83: {  	_ =	shalt  }
0x84: {  	_ =	shalt  }
0x85: {  	_ =	shalt  }
0x86: {  	_ =	shalt  }
0x87: {  	_ =	shalt  }
.Lfunc_end0:
.L_simem_size_0:
called_computation_lowered:
.L_overlay_start_0:
0x88: {  	s2 =	sld [smem:$0x3FD9]  }
0x89: {  	s3 =	sld [smem:$0x3FFE];
	_ =	sdelay $0x1  }
0x8a: {  	s1 =	srdreg.scid  }
0x8b: {  	s0 =	sand.u32 $0x1, s1  }
0x8c: {  	s14 =	sshll.u32 s0, $0xA;
	s2 =	sadd.s32 s3, s2  }
0x8d: {  	s2 =	sadd.s32 s2, s14  }
0x8e: {  	[smem:$0x3FB3] =	sst s2  }
0x8f: {  	_ = 	snop  }
0x90: {  	s2 =	sld [smem:$0x3FD0];
	_ =	sdelay $0x2  }
0x91: {  	s15 =	simm.s32 $0xC;
	s4 =	simm.s32 $0x10  }
0x92: {  	[smem:s4], [sflag:s15] =	dma.local [hbm:s2], $0x1  }
0x93: {  	_ =	swait.eq [sflag:s15], $0x1  }
0x94: {  	[sflag:s15] =	ssyncset.done $0x0  }
0x95: {  	[sflag:s15] =	ssyncadd.s32 $0xFFFFFFFF  }
0x96: {  	s16 =	sld [smem:$0x10];
	(tm) =	ssettm $0x1  }
0x97: {  	s17 =	sld [smem:$0x3FFB];
	_ =	sdelay $0x3  }
0x98: {  	_ =	strace s17  }
0x99: {  	s3 =	sld [smem:$0x3FFC];
	_ =	sdelay $0x3  }
0x9a: {  	_ =	strace s3  }
0x9b: {  	s3 =	sld [smem:$0x3FFD];
	_ =	sdelay $0x3  }
0x9c: {  	_ =	strace s3  }
0x9d: {  	_ =	strace $0x8FFFFFFF  }
0x9e: {  	s18 =	sld [smem:$0x3FDB];
	_ =	sdelay $0x1  }
0x9f: {  	s19 =	simm.s32 $_scs_section_size  }
0xa0: {  	s5 =	simm.s32 $_size__tile_overlayer_lowered;
	s6 =	simm.s32 $_tile_overlayer_lowered  }
0xa1: {  	s22 =	simm.s32 $0x1BFF;
	s21 =	sshll.u32 s6, $0x1;
	s3 =	sadd.s32 s19, s18  }
0xa2: {  	s7 =	simm.s32 $0x0;
	s20 =	sshll.u32 s5, $0x1;
	s5 =	sadd.s32 s21, s3  }
0xa3: {  	[timem:s7], [sflag:s22] =	dma.local [hbm:s5], s20  }
0xa4: {  	_ =	swait.ge [sflag:s22], s20  }
0xa5: {  	s4 =	ssub.s32 $0x0, s20;
	[sflag:s22] =	ssyncset.done $0x0  }
0xa6: {  	[sflag:s22] =	ssyncadd.s32 s4;
	_ =	sdelay $0x1  }
0xa7: {  	s23 =	simm.s32 $0x1B8B  }
0xa8: {  	_ =	swait.ge [sflag:s23], $0x1  }
0xa9: {  	[sflag:s23] =	ssyncset.done $0x0  }
0xaa: {  	s25 =	simm.s32 $0x1B8E;
	s24 =	sld [smem:$0x3FFE];
	[sflag:s23] =	ssyncadd.s32 $0xFFFFFFFF  }
0xab: {  	s26 =	simm.s32 $execute0_lowered;
	[smem:$0x3FD2] =	sst s25  }
0xac: {  	s5 =	sshll.u32 s26, $0x1;
	_ =	strace $0x80000046;
	[dreg:$0x1] =	wrdreg $0xFFFFFFFF  }
0xad: {  	s28 =	simm.s32 $_size_execute0_lowered;
	s3 =	sadd.s32 s3, s5;
	[dreg:$0x0] =	wrdreg $0x0  }
0xae: {  	s5 =	sshll.u32 s28, $0x1;
	[dreg:$0x2] =	wrdreg s3  }
0xaf: {  	[dreg:$0x3] =	wrdreg s5  }
0xb0: {  	[dreg:$0x4] =	wrdreg $0xC0  }
0xb1: {  	_ =	task [dreg:s7], $0x5FFFF  }
0xb2: {  	[dreg:$0x1] =	wrdreg $0xFFFFFFFF  }
0xb3: {  	[dreg:$0x0] =	wrdreg $0x60  }
0xb4: {  	[dreg:$0x2] =	wrdreg s24  }
0xb5: {  	[dreg:$0x3] =	wrdreg s16  }
0xb6: {  	[dreg:$0x4] =	wrdreg $0x9  }
0xb7: {  	_ =	task.clear_ibuf [dreg:s7], $0x5FFFF;
	_ =	strace $0x90000046  }
0xb8: {  	s29 =	simm.s32 $0x9;
	_ =	strace $0x80000048  }
0xb9: {  	_ =	swait.ge [sflag:s29], $0x1  }
0xba: {  	[sflag:s29] =	ssyncadd.s32 $0xFFFFFFFF  }
0xbb: {  	_ =	strace $0x90000048  }
0xbc: {  	_ =	sfence  }
0xbd: {  	s30 =	sld [smem:$0x0];
	_ =	sdelay $0x2  }
0xbe: {  	s31 =	sshll.u32 s1, $0xD;
	s1 =	sshrl.u32 s1, $0x2  }
0xbf: {  	s3 =	sand.u32 $0x4000, s31;
	s1 =	sadd.s32 s1, s30  }
0xc0: {  	s0 =	sor.u32 s3, s0;
	s1 =	sshll.u32 s1, $0x11  }
0xc1: {  	s0 =	sor.u32 s1, s0  }
0xc2: {  	s0 =	sadd.s32 $0x8F2B, s0  }
0xc3: {  	[sflag:s0] =	ssyncadd.remote.s32 $0x1  }
0xc4: {  	_ =	sfence.sel $0xFFFF  }
0xc5: {  	[dreg:$0x0] =	wrdreg $0xFFFFFFFF;
	(pc) =	sbr.abs _section_cstart, $3  }
0xc6: {  	[dreg:$0x1] =	wrdreg $0xFFFFFFFF  }
0xc7: {  	_ =	task.clear_ibuf [dreg:s7], $0x2FFFF;
	_ =	strace $0x9FFFFFFF  }
0xc8: {  	(tm) =	ssettm $0x7FFFFFFF  }
0xc9: {  	_ =	shalt  }
tec
execute0_lowered:
.L_overlay_start_1:
0x0: {  	(tag) =	ssettag $0x1  }
0x1: {  	s0 =	rddreg [dreg:$0x0]  }
0x2: {  	s1 =	rddreg [dreg:$0x1]  }
0x3: {  	s2 =	simm.s32 $0x0;
	s29 =	srdreg.scid;
	s5 =	stileid.u32  }
0x4: {  	s9 =	simm.s32 $0x5;
	s11 =	simm.s32 $0x200;
	s30 =	simm.s32 $0x8200  }
0x5: {  	s10 =	simm.s32 $0xB200;
	s12 =	simm.s32 $0xBA00;
	s13 =	simm.s32 $0xC200  }
0x6: {  	s14 =	simm.s32 $0xCA00;
	s15 =	simm.s32 $0xD200;
	s16 =	simm.s32 $0xDA00  }
0x7: {  	s17 =	simm.s32 $0xE200;
	s18 =	simm.s32 $0xEA00;
	s19 =	simm.s32 $0xF200  }
0x8: {  	s20 =	simm.s32 $0xFA00;
	s21 =	simm.s32 $0x1;
	s22 =	simm.s32 $0x2  }
0x9: {  	s23 =	simm.s32 $0x3;
	[smem:$0x7FF] =	sst s2;
	s2 =	sand.u32 $0x1, s29  }
0xa: {  	s24 =	simm.s32 $0x4;
	s4 =	sadd.s32 $0x4D600, s0;
	s3 =	ssub.s32 $0x2, s2  }
0xb: {  	s6 =	sshll.u32 s5, $0x1;
	s5 =	sadd.s32 $0x43400, s0;
	s7 =	sshrl.u32 s3, $0x1  }
0xc: {  	v2 =	vlaneseq.u32;
	_ =	strace $0x80000047;
	s2 =	sor.u32 s2, s6;
	s31 =	ssub.s32 s3, s7  }
0xd: {  	vm0 =	vmmov $0xffff;
	v1 =	vshrl.u32 v2, $0x3;
	s6 =	sadd.s32 $0x115600, s0;
	s7 =	smul.u32 $0x2880, s2;
	s0 =	smax.u32 s31, $0x1  }
0xe: {  	v0 =	vand.u32 $0x7, v2;
	v2 =	vor.u32 $0x8, v2;
	v1 =	vmul.u32 $0x8, v1;
	s3 =	simm.s32 $0xAA00;
	s2 =	simm.s32 $0x0;
	[dreg:$0x3] =	wrdreg s0  }
.LBB2_1:
0xf: {  	[dreg:$0x4] =	wrdreg s2;
	s25 =	simm.s32 $0x0  }
.LBB2_2:
0x10: {  	s0 =	sshll.u32 s25, $0x7  }
0x11: {  	s28 =	sadd.s32 s7, s0  }
0x12: {  	s0 =	sshrl.u32 s28, $0x3  }
0x13: {  	s29 =	simm.s32 $0x0;
	s26 =	sadd.s32 s1, s0  }
0x14: {  	[tilespmem:s29], [sflag:$0x5] =	stream.linear.gather [hbm4b:s26+s29], $0x40, $0x38;
	[tilespmem:$0x10200] =	vst v63  }
0x15: {  	_ =	swait.ge [sflag:s9], $0x40  }
0x16: {  	[sflag:s9] =	ssyncset.done $0x0  }
0x17: {  	s2 =	simm.s32 $0x80;
	s0 =	sadd.s32 s5, s0;
	[sflag:s9] =	ssyncadd.s32 $0xFFFFFFC0  }
0x18: {  	[tilespmem:s2], [sflag:$0x5] =	stream.linear.gather [hbm4b:s0+s29], $0x40, $0x38;
	[tilespmem:$0x10200] =	vst v63  }
0x19: {  	_ =	swait.ge [sflag:s9], $0x40  }
0x1a: {  	[sflag:s9] =	ssyncset.done $0x0  }
0x1b: {  	[sflag:s9] =	ssyncadd.s32 $0xFFFFFFC0  }
0x1c: {  	v3 =	vld [tilespmem:$0x0];
	_ =	sdelay $0x4  }
0x1d: {  	v4 =	vshll.u32 v3, $0x1  }
0x1e: {  	v3 =	vand.u32 $0x7, v3;
	v4 =	vand.u32 $0xFFFFFFF0, v4  }
0x1f: {  	v3 =	vor.u32 v3, v4  }
0x20: {  	v4 =	vperm.xlane v3, v0;
	_ =	sdelay $0x1  }
0x21: {  	v3 =	vperm.xlane v3, v2;
	v4 =	vadd.s32 v1, v4;
	_ =	sdelay $0x1  }
0x22: {  	v3 =	vadd.s32 v1, v3;
	_ =	sdelay $0x2  }
0x23: {  	[tilespmem:s11], [sflag:$0x1] =	stream.indirect_vreg.gather [hbm4b:s4+s29], $0x80, v4, vm0, $0xb8;
	[tilespmem:$0x10200] =	vst v63  }
0x24: {  	s8 =	simm.s32 $0xA00  }
0x25: {  	[tilespmem:s8], [sflag:$0x1] =	stream.indirect_vreg.gather [hbm4b:s4+s29], $0x80, v3, vm0, $0xb8;
	[tilespmem:$0x10200] =	vst v63  }
0x26: {  	v3 =	vld [tilespmem:$0x10];
	_ =	sdelay $0x4  }
0x27: {  	v4 =	vshll.u32 v3, $0x1  }
0x28: {  	v3 =	vand.u32 $0x7, v3;
	v4 =	vand.u32 $0xFFFFFFF0, v4  }
0x29: {  	v3 =	vor.u32 v3, v4  }
0x2a: {  	v4 =	vperm.xlane v3, v0;
	_ =	sdelay $0x1  }
0x2b: {  	v3 =	vperm.xlane v3, v2;
	v4 =	vadd.s32 v1, v4;
	_ =	sdelay $0x1  }
0x2c: {  	v3 =	vadd.s32 v1, v3;
	_ =	sdelay $0x1  }
0x2d: {  	s26 =	simm.s32 $0x1200  }
0x2e: {  	[tilespmem:s26], [sflag:$0x1] =	stream.indirect_vreg.gather [hbm4b:s4+s29], $0x80, v4, vm0, $0xb8;
	[tilespmem:$0x10200] =	vst v63  }
0x2f: {  	s2 =	simm.s32 $0x1A00  }
0x30: {  	[tilespmem:s2], [sflag:$0x1] =	stream.indirect_vreg.gather [hbm4b:s4+s29], $0x80, v3, vm0, $0xb8;
	[tilespmem:$0x10200] =	vst v63  }
0x31: {  	v3 =	vld [tilespmem:$0x20];
	_ =	sdelay $0x4  }
0x32: {  	v4 =	vshll.u32 v3, $0x1  }
0x33: {  	v3 =	vand.u32 $0x7, v3;
	v4 =	vand.u32 $0xFFFFFFF0, v4  }
0x34: {  	v3 =	vor.u32 v3, v4  }
0x35: {  	v4 =	vperm.xlane v3, v0;
	_ =	sdelay $0x1  }
0x36: {  	v3 =	vperm.xlane v3, v2;
	v4 =	vadd.s32 v1, v4;
	_ =	sdelay $0x1  }
0x37: {  	v3 =	vadd.s32 v1, v3;
	_ =	sdelay $0x1  }
0x38: {  	s8 =	simm.s32 $0x2200  }
0x39: {  	[tilespmem:s8], [sflag:$0x1] =	stream.indirect_vreg.gather [hbm4b:s4+s29], $0x80, v4, vm0, $0xb8;
	[tilespmem:$0x10200] =	vst v63  }
0x3a: {  	s26 =	simm.s32 $0x2A00  }
0x3b: {  	[tilespmem:s26], [sflag:$0x1] =	stream.indirect_vreg.gather [hbm4b:s4+s29], $0x80, v3, vm0, $0xb8;
	[tilespmem:$0x10200] =	vst v63  }
0x3c: {  	v3 =	vld [tilespmem:$0x30];
	_ =	sdelay $0x4  }
0x3d: {  	v4 =	vshll.u32 v3, $0x1  }
0x3e: {  	v3 =	vand.u32 $0x7, v3;
	v4 =	vand.u32 $0xFFFFFFF0, v4  }
0x3f: {  	v3 =	vor.u32 v3, v4  }
0x40: {  	v4 =	vperm.xlane v3, v0;
	_ =	sdelay $0x1  }
0x41: {  	v3 =	vperm.xlane v3, v2;
	v4 =	vadd.s32 v1, v4;
	_ =	sdelay $0x1  }
0x42: {  	v3 =	vadd.s32 v1, v3;
	_ =	sdelay $0x1  }
0x43: {  	s2 =	simm.s32 $0x3200  }
0x44: {  	[tilespmem:s2], [sflag:$0x1] =	stream.indirect_vreg.gather [hbm4b:s4+s29], $0x80, v4, vm0, $0xb8;
	[tilespmem:$0x10200] =	vst v63  }
0x45: {  	s8 =	simm.s32 $0x3A00  }
0x46: {  	[tilespmem:s8], [sflag:$0x1] =	stream.indirect_vreg.gather [hbm4b:s4+s29], $0x80, v3, vm0, $0xb8;
	[tilespmem:$0x10200] =	vst v63  }
0x47: {  	v3 =	vld [tilespmem:$0x80];
	_ =	sdelay $0x4  }
0x48: {  	v4 =	vshll.u32 v3, $0x1  }
0x49: {  	v3 =	vand.u32 $0x7, v3;
	v4 =	vand.u32 $0xFFFFFFF0, v4  }
0x4a: {  	v3 =	vor.u32 v3, v4  }
0x4b: {  	v4 =	vperm.xlane v3, v0;
	_ =	sdelay $0x1  }
0x4c: {  	v3 =	vperm.xlane v3, v2;
	v4 =	vadd.s32 v1, v4;
	_ =	sdelay $0x1  }
0x4d: {  	v3 =	vadd.s32 v1, v3;
	_ =	sdelay $0x1  }
0x4e: {  	s26 =	simm.s32 $0x4200  }
0x4f: {  	[tilespmem:s26], [sflag:$0x2] =	stream.indirect_vreg.gather [hbm4b:s4+s29], $0x80, v4, vm0, $0xb8;
	[tilespmem:$0x10200] =	vst v63  }
0x50: {  	s2 =	simm.s32 $0x4A00  }
0x51: {  	[tilespmem:s2], [sflag:$0x2] =	stream.indirect_vreg.gather [hbm4b:s4+s29], $0x80, v3, vm0, $0xb8;
	[tilespmem:$0x10200] =	vst v63  }
0x52: {  	v3 =	vld [tilespmem:$0x90];
	_ =	sdelay $0x4  }
0x53: {  	v4 =	vshll.u32 v3, $0x1  }
0x54: {  	v3 =	vand.u32 $0x7, v3;
	v4 =	vand.u32 $0xFFFFFFF0, v4  }
0x55: {  	v3 =	vor.u32 v3, v4  }
0x56: {  	v4 =	vperm.xlane v3, v0;
	_ =	sdelay $0x1  }
0x57: {  	v3 =	vperm.xlane v3, v2;
	v4 =	vadd.s32 v1, v4;
	_ =	sdelay $0x1  }
0x58: {  	v3 =	vadd.s32 v1, v3;
	_ =	sdelay $0x1  }
0x59: {  	s8 =	simm.s32 $0x5200  }
0x5a: {  	[tilespmem:s8], [sflag:$0x2] =	stream.indirect_vreg.gather [hbm4b:s4+s29], $0x80, v4, vm0, $0xb8;
	[tilespmem:$0x10200] =	vst v63  }
0x5b: {  	s26 =	simm.s32 $0x5A00  }
0x5c: {  	[tilespmem:s26], [sflag:$0x2] =	stream.indirect_vreg.gather [hbm4b:s4+s29], $0x80, v3, vm0, $0xb8;
	[tilespmem:$0x10200] =	vst v63  }
0x5d: {  	v3 =	vld [tilespmem:$0xA0];
	_ =	sdelay $0x4  }
0x5e: {  	v4 =	vshll.u32 v3, $0x1  }
0x5f: {  	v3 =	vand.u32 $0x7, v3;
	v4 =	vand.u32 $0xFFFFFFF0, v4  }
0x60: {  	v3 =	vor.u32 v3, v4  }
0x61: {  	v4 =	vperm.xlane v3, v0;
	_ =	sdelay $0x1  }
0x62: {  	v3 =	vperm.xlane v3, v2;
	v4 =	vadd.s32 v1, v4;
	_ =	sdelay $0x1  }
0x63: {  	v3 =	vadd.s32 v1, v3;
	_ =	sdelay $0x1  }
0x64: {  	s2 =	simm.s32 $0x6200  }
0x65: {  	[tilespmem:s2], [sflag:$0x2] =	stream.indirect_vreg.gather [hbm4b:s4+s29], $0x80, v4, vm0, $0xb8;
	[tilespmem:$0x10200] =	vst v63  }
0x66: {  	s8 =	simm.s32 $0x6A00  }
0x67: {  	[tilespmem:s8], [sflag:$0x2] =	stream.indirect_vreg.gather [hbm4b:s4+s29], $0x80, v3, vm0, $0xb8;
	[tilespmem:$0x10200] =	vst v63  }
0x68: {  	v3 =	vld [tilespmem:$0xB0];
	_ =	sdelay $0x4  }
0x69: {  	v4 =	vshll.u32 v3, $0x1  }
0x6a: {  	v3 =	vand.u32 $0x7, v3;
	v4 =	vand.u32 $0xFFFFFFF0, v4  }
0x6b: {  	v3 =	vor.u32 v3, v4  }
0x6c: {  	v4 =	vperm.xlane v3, v0;
	_ =	sdelay $0x1  }
0x6d: {  	v4 =	vadd.s32 v1, v4  }
0x6e: {  	v3 =	vperm.xlane v3, v2;
	_ =	sdelay $0x1  }
0x6f: {  	v3 =	vadd.s32 v1, v3  }
0x70: {  	s26 =	simm.s32 $0x7200  }
0x71: {  	[tilespmem:s26], [sflag:$0x2] =	stream.indirect_vreg.gather [hbm4b:s4+s29], $0x80, v4, vm0, $0xb8;
	[tilespmem:$0x10200] =	vst v63  }
0x72: {  	s26 =	sor.u32 $0x40, s28  }
0x73: {  	s2 =	simm.s32 $0x7A00;
	s0 =	sshrl.u32 s26, $0x3  }
0x74: {  	[tilespmem:s2], [sflag:$0x2] =	stream.indirect_vreg.gather [hbm4b:s4+s29], $0x80, v3, vm0, $0xb8;
	[tilespmem:$0x10200] =	vst v63  }
0x75: {  	s8 =	simm.s32 $0x100;
	s31 =	sadd.s32 s1, s0  }
0x76: {  	[tilespmem:s8], [sflag:$0x5] =	stream.linear.gather [hbm4b:s31+s29], $0x40, $0x38;
	[tilespmem:$0x10200] =	vst v63  }
0x77: {  	_ =	swait.ge [sflag:s9], $0x40  }
0x78: {  	[sflag:s9] =	ssyncset.done $0x0  }
0x79: {  	s0 =	sadd.s32 s5, s0;
	s8 =	simm.s32 $0x180;
	[sflag:s9] =	ssyncadd.s32 $0xFFFFFFC0  }
0x7a: {  	[tilespmem:s8], [sflag:$0x5] =	stream.linear.gather [hbm4b:s0+s29], $0x40, $0x38;
	[tilespmem:$0x10200] =	vst v63  }
0x7b: {  	_ =	swait.ge [sflag:s9], $0x40  }
0x7c: {  	[sflag:s9] =	ssyncset.done $0x0  }
0x7d: {  	[sflag:s9] =	ssyncadd.s32 $0xFFFFFFC0  }
0x7e: {  	v3 =	vld [tilespmem:$0x100];
	_ =	sdelay $0x4  }
0x7f: {  	v4 =	vshll.u32 v3, $0x1  }
0x80: {  	v3 =	vand.u32 $0x7, v3;
	v4 =	vand.u32 $0xFFFFFFF0, v4  }
0x81: {  	v3 =	vor.u32 v3, v4  }
0x82: {  	v4 =	vperm.xlane v3, v0;
	_ =	sdelay $0x1  }
0x83: {  	v3 =	vperm.xlane v3, v2;
	v4 =	vadd.s32 v1, v4;
	_ =	sdelay $0x1  }
0x84: {  	v3 =	vadd.s32 v1, v3;
	_ =	sdelay $0x2  }
0x85: {  	[tilespmem:s30], [sflag:$0x3] =	stream.indirect_vreg.gather [hbm4b:s4+s29], $0x80, v4, vm0, $0xb8;
	[tilespmem:$0x10200] =	vst v63  }
0x86: {  	s8 =	simm.s32 $0x8A00  }
0x87: {  	[tilespmem:s8], [sflag:$0x3] =	stream.indirect_vreg.gather [hbm4b:s4+s29], $0x80, v3, vm0, $0xb8;
	[tilespmem:$0x10200] =	vst v63  }
0x88: {  	v3 =	vld [tilespmem:$0x110];
	_ =	sdelay $0x4  }
0x89: {  	v4 =	vshll.u32 v3, $0x1  }
0x8a: {  	v3 =	vand.u32 $0x7, v3;
	v4 =	vand.u32 $0xFFFFFFF0, v4  }
0x8b: {  	v3 =	vor.u32 v3, v4  }
0x8c: {  	v4 =	vperm.xlane v3, v0;
	_ =	sdelay $0x1  }
0x8d: {  	v3 =	vperm.xlane v3, v2;
	v4 =	vadd.s32 v1, v4;
	_ =	sdelay $0x1  }
0x8e: {  	v3 =	vadd.s32 v1, v3;
	_ =	sdelay $0x1  }
0x8f: {  	s2 =	simm.s32 $0x9200  }
0x90: {  	[tilespmem:s2], [sflag:$0x3] =	stream.indirect_vreg.gather [hbm4b:s4+s29], $0x80, v4, vm0, $0xb8;
	[tilespmem:$0x10200] =	vst v63  }
0x91: {  	s8 =	simm.s32 $0x9A00  }
0x92: {  	[tilespmem:s8], [sflag:$0x3] =	stream.indirect_vreg.gather [hbm4b:s4+s29], $0x80, v3, vm0, $0xb8;
	[tilespmem:$0x10200] =	vst v63  }
0x93: {  	v3 =	vld [tilespmem:$0x120];
	_ =	sdelay $0x4  }
0x94: {  	v4 =	vshll.u32 v3, $0x1  }
0x95: {  	v3 =	vand.u32 $0x7, v3;
	v4 =	vand.u32 $0xFFFFFFF0, v4  }
0x96: {  	v3 =	vor.u32 v3, v4  }
0x97: {  	v4 =	vperm.xlane v3, v0;
	_ =	sdelay $0x1  }
0x98: {  	v3 =	vperm.xlane v3, v2;
	v4 =	vadd.s32 v1, v4;
	_ =	sdelay $0x1  }
0x99: {  	v3 =	vadd.s32 v1, v3;
	_ =	sdelay $0x1  }
0x9a: {  	s2 =	simm.s32 $0xA200  }
0x9b: {  	[tilespmem:s2], [sflag:$0x3] =	stream.indirect_vreg.gather [hbm4b:s4+s29], $0x80, v4, vm0, $0xb8;
	[tilespmem:$0x10200] =	vst v63  }
0x9c: {  	_ = 	snop  }
0x9d: {  	[tilespmem:s3], [sflag:$0x3] =	stream.indirect_vreg.gather [hbm4b:s4+s29], $0x80, v3, vm0, $0xb8;
	[tilespmem:$0x10200] =	vst v63  }
0x9e: {  	v3 =	vld [tilespmem:$0x130];
	_ =	sdelay $0x4  }
0x9f: {  	v4 =	vshll.u32 v3, $0x1  }
0xa0: {  	v3 =	vand.u32 $0x7, v3;
	v4 =	vand.u32 $0xFFFFFFF0, v4  }
0xa1: {  	v3 =	vor.u32 v3, v4  }
0xa2: {  	v4 =	vperm.xlane v3, v0;
	_ =	sdelay $0x1  }
0xa3: {  	v3 =	vperm.xlane v3, v2;
	v4 =	vadd.s32 v1, v4;
	_ =	sdelay $0x1  }
0xa4: {  	v3 =	vadd.s32 v1, v3;
	_ =	sdelay $0x2  }
0xa5: {  	[tilespmem:s10], [sflag:$0x3] =	stream.indirect_vreg.gather [hbm4b:s4+s29], $0x80, v4, vm0, $0xb8;
	[tilespmem:$0x10200] =	vst v63  }
0xa6: {  	_ = 	snop  }
0xa7: {  	[tilespmem:s12], [sflag:$0x3] =	stream.indirect_vreg.gather [hbm4b:s4+s29], $0x80, v3, vm0, $0xb8;
	[tilespmem:$0x10200] =	vst v63  }
0xa8: {  	v3 =	vld [tilespmem:$0x180];
	_ =	sdelay $0x4  }
0xa9: {  	v4 =	vshll.u32 v3, $0x1  }
0xaa: {  	v3 =	vand.u32 $0x7, v3;
	v4 =	vand.u32 $0xFFFFFFF0, v4  }
0xab: {  	v3 =	vor.u32 v3, v4  }
0xac: {  	v4 =	vperm.xlane v3, v0;
	_ =	sdelay $0x1  }
0xad: {  	v3 =	vperm.xlane v3, v2;
	v4 =	vadd.s32 v1, v4;
	_ =	sdelay $0x1  }
0xae: {  	v3 =	vadd.s32 v1, v3;
	_ =	sdelay $0x2  }
0xaf: {  	[tilespmem:s13], [sflag:$0x4] =	stream.indirect_vreg.gather [hbm4b:s4+s29], $0x80, v4, vm0, $0xb8;
	[tilespmem:$0x10200] =	vst v63  }
0xb0: {  	_ = 	snop  }
0xb1: {  	[tilespmem:s14], [sflag:$0x4] =	stream.indirect_vreg.gather [hbm4b:s4+s29], $0x80, v3, vm0, $0xb8;
	[tilespmem:$0x10200] =	vst v63  }
0xb2: {  	v3 =	vld [tilespmem:$0x190];
	_ =	sdelay $0x4  }
0xb3: {  	v4 =	vshll.u32 v3, $0x1  }
0xb4: {  	v3 =	vand.u32 $0x7, v3;
	v4 =	vand.u32 $0xFFFFFFF0, v4  }
0xb5: {  	v3 =	vor.u32 v3, v4  }
0xb6: {  	v4 =	vperm.xlane v3, v0;
	_ =	sdelay $0x1  }
0xb7: {  	v3 =	vperm.xlane v3, v2;
	v4 =	vadd.s32 v1, v4;
	_ =	sdelay $0x1  }
0xb8: {  	v3 =	vadd.s32 v1, v3;
	_ =	sdelay $0x2  }
0xb9: {  	[tilespmem:s15], [sflag:$0x4] =	stream.indirect_vreg.gather [hbm4b:s4+s29], $0x80, v4, vm0, $0xb8;
	[tilespmem:$0x10200] =	vst v63  }
0xba: {  	_ = 	snop  }
0xbb: {  	[tilespmem:s16], [sflag:$0x4] =	stream.indirect_vreg.gather [hbm4b:s4+s29], $0x80, v3, vm0, $0xb8;
	[tilespmem:$0x10200] =	vst v63  }
0xbc: {  	v3 =	vld [tilespmem:$0x1A0];
	_ =	sdelay $0x4  }
0xbd: {  	v4 =	vshll.u32 v3, $0x1  }
0xbe: {  	v3 =	vand.u32 $0x7, v3;
	v4 =	vand.u32 $0xFFFFFFF0, v4  }
0xbf: {  	v3 =	vor.u32 v3, v4  }
0xc0: {  	v4 =	vperm.xlane v3, v0;
	_ =	sdelay $0x1  }
0xc1: {  	v3 =	vperm.xlane v3, v2;
	v4 =	vadd.s32 v1, v4;
	_ =	sdelay $0x1  }
0xc2: {  	v3 =	vadd.s32 v1, v3;
	_ =	sdelay $0x2  }
0xc3: {  	[tilespmem:s17], [sflag:$0x4] =	stream.indirect_vreg.gather [hbm4b:s4+s29], $0x80, v4, vm0, $0xb8;
	[tilespmem:$0x10200] =	vst v63  }
0xc4: {  	_ = 	snop  }
0xc5: {  	[tilespmem:s18], [sflag:$0x4] =	stream.indirect_vreg.gather [hbm4b:s4+s29], $0x80, v3, vm0, $0xb8;
	[tilespmem:$0x10200] =	vst v63  }
0xc6: {  	v3 =	vld [tilespmem:$0x1B0];
	_ =	sdelay $0x4  }
0xc7: {  	v4 =	vshll.u32 v3, $0x1  }
0xc8: {  	v3 =	vand.u32 $0x7, v3;
	v4 =	vand.u32 $0xFFFFFFF0, v4  }
0xc9: {  	v3 =	vor.u32 v3, v4  }
0xca: {  	v4 =	vperm.xlane v3, v0;
	_ =	sdelay $0x1  }
0xcb: {  	v3 =	vperm.xlane v3, v2;
	v4 =	vadd.s32 v1, v4;
	_ =	sdelay $0x1  }
0xcc: {  	v3 =	vadd.s32 v1, v3;
	_ =	sdelay $0x2  }
0xcd: {  	[tilespmem:s19], [sflag:$0x4] =	stream.indirect_vreg.gather [hbm4b:s4+s29], $0x80, v4, vm0, $0xb8;
	[tilespmem:$0x10200] =	vst v63  }
0xce: {  	_ = 	snop  }
0xcf: {  	[tilespmem:s20], [sflag:$0x4] =	stream.indirect_vreg.gather [hbm4b:s4+s29], $0x80, v3, vm0, $0xb8;
	[tilespmem:$0x10200] =	vst v63  }
0xd0: {  	_ =	swait.ge [sflag:s21], $0x4000  }
0xd1: {  	[sflag:s21] =	ssyncset.done $0x0  }
0xd2: {  	[sflag:s21] =	ssyncadd.s32 $0xFFFFC000  }
0xd3: {  	_ =	swait.ge [sflag:s22], $0x4000  }
0xd4: {  	s8 =	sand.u32 $0x3800, s29;
	s29 =	sand.u32 $0x380, s29;
	[sflag:s22] =	ssyncset.done $0x0  }
0xd5: {  	s29 =	sor.u32 s29, s8;
	[sflag:s22] =	ssyncadd.s32 $0xFFFFC000  }
0xd6: {  	v10 =	vld [tilespmem:s29+$0x4200]  }
0xd7: {  	v11 =	vld [tilespmem:s29+$0x4210]  }
0xd8: {  	v12 =	vld [tilespmem:s29+$0x4220]  }
0xd9: {  	v13 =	vld [tilespmem:s29+$0x4230]  }
0xda: {  	v14 =	vld [tilespmem:s29+$0x4240]  }
0xdb: {  	v15 =	vld [tilespmem:s29+$0x4250]  }
0xdc: {  	v16 =	vld [tilespmem:s29+$0x4260]  }
0xdd: {  	v17 =	vld [tilespmem:s29+$0x4270]  }
0xde: {  	v18 =	vld [tilespmem:s29+$0x4600]  }
0xdf: {  	v9 =	vld [tilespmem:s29+$0x4610]  }
0xe0: {  	v8 =	vld [tilespmem:s29+$0x4620]  }
0xe1: {  	v7 =	vld [tilespmem:s29+$0x4630]  }
0xe2: {  	v6 =	vld [tilespmem:s29+$0x4640]  }
0xe3: {  	v5 =	vld [tilespmem:s29+$0x4650]  }
0xe4: {  	v4 =	vld [tilespmem:s29+$0x4660]  }
0xe5: {  	v3 =	vld [tilespmem:s29+$0x4670]  }
0xe6: {  	v19 =	vld [tilespmem:s29+$0x200]  }
0xe7: {  	v20 =	vld [tilespmem:s29+$0x210]  }
0xe8: {  	v21 =	vld [tilespmem:s29+$0x220]  }
0xe9: {  	v22 =	vld [tilespmem:s29+$0x230]  }
0xea: {  	v23 =	vld [tilespmem:s29+$0x240]  }
0xeb: {  	v10 =	vsub.f32 v19, v10;
	v19 =	vld [tilespmem:s29+$0x250]  }
0xec: {  	v61 =	vld [tilespmem:s29+$0x260];
	v11 =	vsub.f32 v20, v11  }
0xed: {  	v62 =	vld [tilespmem:s29+$0x270];
	[tilespmem:s29+$0x200] =	vst v10;
	v10 =	vsub.f32 v21, v12  }
0xee: {  	v63 =	vld [tilespmem:s29+$0x600];
	[tilespmem:s29+$0x210] =	vst v11;
	v11 =	vsub.f32 v22, v13  }
0xef: {  	v13 =	vld [tilespmem:s29+$0x610];
	[tilespmem:s29+$0x220] =	vst v10;
	v10 =	vsub.f32 v23, v14  }
0xf0: {  	v12 =	vld [tilespmem:s29+$0x620];
	[tilespmem:s29+$0x230] =	vst v11;
	v11 =	vsub.f32 v19, v15  }
0xf1: {  	v14 =	vsub.f32 v61, v16;
	[tilespmem:s29+$0x240] =	vst v10;
	v10 =	vld [tilespmem:s29+$0x630]  }
0xf2: {  	v16 =	vsub.f32 v62, v17;
	[tilespmem:s29+$0x250] =	vst v11;
	v11 =	vld [tilespmem:s29+$0x640]  }
0xf3: {  	s31 =	simm.s32 $0x80;
	s0 =	simm.s32 $0x100;
	v15 =	vsub.f32 v63, v18;
	[tilespmem:s29+$0x260] =	vst v14;
	v14 =	vld [tilespmem:s29+$0x650]  }
.LBB2_3:
0xf4: {  	s2 =	sand.u32 $0x3800, s0;
	s8 =	sand.u32 $0x380, s31;
	p0 =	sne.s32 s0, $0x3F00;
	[tilespmem:s29+$0x270] =	vst v16;
	v9 =	vsub.f32 v13, v9;
	v13 =	vld [tilespmem:s29+$0x660]  }
0xf5: {  	s2 =	sor.u32 s8, s2;
	[tilespmem:s29+$0x600] =	vst v15;
	v8 =	vsub.f32 v12, v8;
	v12 =	vld [tilespmem:s29+$0x670]  }
0xf6: {  	v15 =	vld [tilespmem:s2+$0x4200];
	[tilespmem:s29+$0x610] =	vst v9;
	v7 =	vsub.f32 v10, v7  }
0xf7: {  	v10 =	vld [tilespmem:s2+$0x4210];
	[tilespmem:s29+$0x620] =	vst v8;
	v6 =	vsub.f32 v11, v6  }
0xf8: {  	v11 =	vld [tilespmem:s2+$0x4220];
	[tilespmem:s29+$0x630] =	vst v7;
	v5 =	vsub.f32 v14, v5  }
0xf9: {  	v14 =	vld [tilespmem:s2+$0x4230];
	[tilespmem:s29+$0x640] =	vst v6;
	v4 =	vsub.f32 v13, v4  }
0xfa: {  	v13 =	vld [tilespmem:s2+$0x4240];
	[tilespmem:s29+$0x650] =	vst v5;
	v3 =	vsub.f32 v12, v3  }
0xfb: {  	v12 =	vld [tilespmem:s2+$0x4250];
	[tilespmem:s29+$0x660] =	vst v4  }
0xfc: {  	v16 =	vld [tilespmem:s2+$0x4260];
	[tilespmem:s29+$0x670] =	vst v3;
	s29 =	smov.u32 s2  }
0xfd: {  	v17 =	vld [tilespmem:s29+$0x4270]  }
0xfe: {  	v18 =	vld [tilespmem:s29+$0x4600]  }
0xff: {  	v9 =	vld [tilespmem:s29+$0x4610]  }
0x100: {  	v8 =	vld [tilespmem:s29+$0x4620]  }
0x101: {  	v7 =	vld [tilespmem:s29+$0x4630]  }
0x102: {  	v6 =	vld [tilespmem:s29+$0x4640]  }
0x103: {  	v5 =	vld [tilespmem:s29+$0x4650]  }
0x104: {  	v4 =	vld [tilespmem:s29+$0x4660]  }
0x105: {  	v3 =	vld [tilespmem:s29+$0x4670]  }
0x106: {  	v19 =	vld [tilespmem:s29+$0x200]  }
0x107: {  	v20 =	vld [tilespmem:s29+$0x210]  }
0x108: {  	v21 =	vld [tilespmem:s29+$0x220]  }
0x109: {  	v22 =	vld [tilespmem:s29+$0x230]  }
0x10a: {  	v23 =	vld [tilespmem:s29+$0x240]  }
0x10b: {  	v15 =	vsub.f32 v19, v15;
	v19 =	vld [tilespmem:s29+$0x250]  }
0x10c: {  	v10 =	vsub.f32 v20, v10;
	v20 =	vld [tilespmem:s29+$0x260]  }
0x10d: {  	[tilespmem:s29+$0x200] =	vst v15;
	v11 =	vsub.f32 v21, v11;
	v15 =	vld [tilespmem:s29+$0x270]  }
0x10e: {  	[tilespmem:s29+$0x210] =	vst v10;
	v10 =	vsub.f32 v22, v14;
	v14 =	vld [tilespmem:s29+$0x600]  }
.Ltmp0:
0x10f: {  	[tilespmem:s29+$0x220] =	vst v11;
	v11 =	vsub.f32 v23, v13;
	v13 =	vld [tilespmem:s29+$0x610];
	(pc) =	sbr.rel @p0 .LBB2_3-.Ltmp0, $4  }
0x110: {  	[tilespmem:s29+$0x230] =	vst v10;
	v19 =	vsub.f32 v19, v12;
	v12 =	vld [tilespmem:s29+$0x620]  }
0x111: {  	[tilespmem:s29+$0x240] =	vst v11;
	v20 =	vsub.f32 v20, v16;
	v10 =	vld [tilespmem:s29+$0x630]  }
0x112: {  	[tilespmem:s29+$0x250] =	vst v19;
	v16 =	vsub.f32 v15, v17;
	v11 =	vld [tilespmem:s29+$0x640]  }
0x113: {  	s31 =	sadd.s32 $0x80, s31;
	s0 =	sadd.s32 $0x100, s0;
	[tilespmem:s29+$0x260] =	vst v20;
	v15 =	vsub.f32 v14, v18;
	v14 =	vld [tilespmem:s29+$0x650]  }
0x114: {  	[tilespmem:s29+$0x270] =	vst v16;
	v9 =	vsub.f32 v13, v9;
	v13 =	vld [tilespmem:s29+$0x660]  }
0x115: {  	[tilespmem:s29+$0x600] =	vst v15;
	v8 =	vsub.f32 v12, v8;
	v12 =	vld [tilespmem:s29+$0x670]  }
0x116: {  	[tilespmem:s29+$0x610] =	vst v9;
	v7 =	vsub.f32 v10, v7  }
0x117: {  	[tilespmem:s29+$0x620] =	vst v8;
	v6 =	vsub.f32 v11, v6  }
0x118: {  	[tilespmem:s29+$0x630] =	vst v7;
	v5 =	vsub.f32 v14, v5  }
0x119: {  	[tilespmem:s29+$0x640] =	vst v6;
	v4 =	vsub.f32 v13, v4  }
0x11a: {  	[tilespmem:s29+$0x650] =	vst v5;
	v3 =	vsub.f32 v12, v3  }
0x11b: {  	s0 =	sshll.u32 s28, $0x5;
	[tilespmem:s29+$0x660] =	vst v4  }
0x11c: {  	s2 =	simm.s32 $0x0;
	s0 =	sadd.s32 s6, s0;
	[tilespmem:s29+$0x670] =	vst v3  }
0x11d: {  	[hbm4b:s0+s2] =	stream.linear.scatter [tilespmem:s11], [sflag:$0x5], $0x4000, $0x38;
	[tilespmem:$0x10200] =	vst v63  }
0x11e: {  	_ =	swait.ge [sflag:s9], $0x4000  }
0x11f: {  	[sflag:s9] =	ssyncset.done $0x0  }
0x120: {  	[sflag:s9] =	ssyncadd.s32 $0xFFFFC000  }
0x121: {  	_ =	swait.ge [sflag:s23], $0x4000  }
0x122: {  	[sflag:s23] =	ssyncset.done $0x0  }
0x123: {  	[sflag:s23] =	ssyncadd.s32 $0xFFFFC000  }
0x124: {  	_ =	swait.ge [sflag:s24], $0x4000  }
0x125: {  	s31 =	sand.u32 $0x3800, s2;
	s2 =	sand.u32 $0x380, s2;
	[sflag:s24] =	ssyncset.done $0x0  }
0x126: {  	s28 =	sor.u32 s2, s31;
	[sflag:s24] =	ssyncadd.s32 $0xFFFFC000  }
0x127: {  	v10 =	vld [tilespmem:s28+$0xC200]  }
0x128: {  	v11 =	vld [tilespmem:s28+$0xC210]  }
0x129: {  	v12 =	vld [tilespmem:s28+$0xC220]  }
0x12a: {  	v13 =	vld [tilespmem:s28+$0xC230]  }
0x12b: {  	v14 =	vld [tilespmem:s28+$0xC240]  }
0x12c: {  	v15 =	vld [tilespmem:s28+$0xC250]  }
0x12d: {  	v16 =	vld [tilespmem:s28+$0xC260]  }
0x12e: {  	v17 =	vld [tilespmem:s28+$0xC270]  }
0x12f: {  	v18 =	vld [tilespmem:s28+$0xC600]  }
0x130: {  	v9 =	vld [tilespmem:s28+$0xC610]  }
0x131: {  	v8 =	vld [tilespmem:s28+$0xC620]  }
0x132: {  	v7 =	vld [tilespmem:s28+$0xC630]  }
0x133: {  	v6 =	vld [tilespmem:s28+$0xC640]  }
0x134: {  	v5 =	vld [tilespmem:s28+$0xC650]  }
0x135: {  	v4 =	vld [tilespmem:s28+$0xC660]  }
0x136: {  	v3 =	vld [tilespmem:s28+$0xC670]  }
0x137: {  	v19 =	vld [tilespmem:s28+$0x8200]  }
0x138: {  	v20 =	vld [tilespmem:s28+$0x8210]  }
0x139: {  	v21 =	vld [tilespmem:s28+$0x8220]  }
0x13a: {  	v22 =	vld [tilespmem:s28+$0x8230]  }
0x13b: {  	v23 =	vld [tilespmem:s28+$0x8240]  }
0x13c: {  	v10 =	vsub.f32 v19, v10;
	v19 =	vld [tilespmem:s28+$0x8250]  }
0x13d: {  	v61 =	vld [tilespmem:s28+$0x8260];
	v11 =	vsub.f32 v20, v11  }
0x13e: {  	v62 =	vld [tilespmem:s28+$0x8270];
	[tilespmem:s28+$0x8200] =	vst v10;
	v10 =	vsub.f32 v21, v12  }
0x13f: {  	v63 =	vld [tilespmem:s28+$0x8600];
	[tilespmem:s28+$0x8210] =	vst v11;
	v11 =	vsub.f32 v22, v13  }
0x140: {  	v13 =	vld [tilespmem:s28+$0x8610];
	[tilespmem:s28+$0x8220] =	vst v10;
	v10 =	vsub.f32 v23, v14  }
0x141: {  	v12 =	vld [tilespmem:s28+$0x8620];
	[tilespmem:s28+$0x8230] =	vst v11;
	v11 =	vsub.f32 v19, v15  }
0x142: {  	v14 =	vsub.f32 v61, v16;
	[tilespmem:s28+$0x8240] =	vst v10;
	v10 =	vld [tilespmem:s28+$0x8630]  }
0x143: {  	v16 =	vsub.f32 v62, v17;
	[tilespmem:s28+$0x8250] =	vst v11;
	v11 =	vld [tilespmem:s28+$0x8640]  }
0x144: {  	s29 =	simm.s32 $0x80;
	s0 =	simm.s32 $0x100;
	v15 =	vsub.f32 v63, v18;
	[tilespmem:s28+$0x8260] =	vst v14;
	v14 =	vld [tilespmem:s28+$0x8650]  }
.LBB2_5:
0x145: {  	s2 =	sand.u32 $0x3800, s0;
	s8 =	sand.u32 $0x380, s29;
	p0 =	sne.s32 s0, $0x3F00;
	[tilespmem:s28+$0x8270] =	vst v16;
	v9 =	vsub.f32 v13, v9;
	v13 =	vld [tilespmem:s28+$0x8660]  }
0x146: {  	s2 =	sor.u32 s8, s2;
	[tilespmem:s28+$0x8600] =	vst v15;
	v8 =	vsub.f32 v12, v8;
	v12 =	vld [tilespmem:s28+$0x8670]  }
0x147: {  	v15 =	vld [tilespmem:s2+$0xC200];
	[tilespmem:s28+$0x8610] =	vst v9;
	v7 =	vsub.f32 v10, v7  }
0x148: {  	v10 =	vld [tilespmem:s2+$0xC210];
	[tilespmem:s28+$0x8620] =	vst v8;
	v6 =	vsub.f32 v11, v6  }
0x149: {  	v11 =	vld [tilespmem:s2+$0xC220];
	[tilespmem:s28+$0x8630] =	vst v7;
	v5 =	vsub.f32 v14, v5  }
0x14a: {  	v14 =	vld [tilespmem:s2+$0xC230];
	[tilespmem:s28+$0x8640] =	vst v6;
	v4 =	vsub.f32 v13, v4  }
0x14b: {  	v13 =	vld [tilespmem:s2+$0xC240];
	[tilespmem:s28+$0x8650] =	vst v5;
	v3 =	vsub.f32 v12, v3  }
0x14c: {  	v12 =	vld [tilespmem:s2+$0xC250];
	[tilespmem:s28+$0x8660] =	vst v4  }
0x14d: {  	v16 =	vld [tilespmem:s2+$0xC260];
	[tilespmem:s28+$0x8670] =	vst v3;
	s28 =	smov.u32 s2  }
0x14e: {  	v17 =	vld [tilespmem:s28+$0xC270]  }
0x14f: {  	v18 =	vld [tilespmem:s28+$0xC600]  }
0x150: {  	v9 =	vld [tilespmem:s28+$0xC610]  }
0x151: {  	v8 =	vld [tilespmem:s28+$0xC620]  }
0x152: {  	v7 =	vld [tilespmem:s28+$0xC630]  }
0x153: {  	v6 =	vld [tilespmem:s28+$0xC640]  }
0x154: {  	v5 =	vld [tilespmem:s28+$0xC650]  }
0x155: {  	v4 =	vld [tilespmem:s28+$0xC660]  }
0x156: {  	v3 =	vld [tilespmem:s28+$0xC670]  }
0x157: {  	v19 =	vld [tilespmem:s28+$0x8200]  }
0x158: {  	v20 =	vld [tilespmem:s28+$0x8210]  }
0x159: {  	v21 =	vld [tilespmem:s28+$0x8220]  }
0x15a: {  	v22 =	vld [tilespmem:s28+$0x8230]  }
0x15b: {  	v23 =	vld [tilespmem:s28+$0x8240]  }
0x15c: {  	v15 =	vsub.f32 v19, v15;
	v19 =	vld [tilespmem:s28+$0x8250]  }
0x15d: {  	v10 =	vsub.f32 v20, v10;
	v20 =	vld [tilespmem:s28+$0x8260]  }
0x15e: {  	[tilespmem:s28+$0x8200] =	vst v15;
	v11 =	vsub.f32 v21, v11;
	v15 =	vld [tilespmem:s28+$0x8270]  }
0x15f: {  	[tilespmem:s28+$0x8210] =	vst v10;
	v10 =	vsub.f32 v22, v14;
	v14 =	vld [tilespmem:s28+$0x8600]  }
.Ltmp1:
0x160: {  	[tilespmem:s28+$0x8220] =	vst v11;
	v11 =	vsub.f32 v23, v13;
	v13 =	vld [tilespmem:s28+$0x8610];
	(pc) =	sbr.rel @p0 .LBB2_5-.Ltmp1, $4  }
0x161: {  	[tilespmem:s28+$0x8230] =	vst v10;
	v19 =	vsub.f32 v19, v12;
	v12 =	vld [tilespmem:s28+$0x8620]  }
0x162: {  	[tilespmem:s28+$0x8240] =	vst v11;
	v20 =	vsub.f32 v20, v16;
	v10 =	vld [tilespmem:s28+$0x8630]  }
0x163: {  	[tilespmem:s28+$0x8250] =	vst v19;
	v16 =	vsub.f32 v15, v17;
	v11 =	vld [tilespmem:s28+$0x8640]  }
0x164: {  	s29 =	sadd.s32 $0x80, s29;
	s0 =	sadd.s32 $0x100, s0;
	[tilespmem:s28+$0x8260] =	vst v20;
	v15 =	vsub.f32 v14, v18;
	v14 =	vld [tilespmem:s28+$0x8650]  }
0x165: {  	[tilespmem:s28+$0x8270] =	vst v16;
	v9 =	vsub.f32 v13, v9;
	v62 =	vld [tilespmem:s28+$0x8660]  }
0x166: {  	v63 =	vld [tilespmem:s28+$0x8670];
	[tilespmem:s28+$0x8600] =	vst v15;
	v8 =	vsub.f32 v12, v8  }
0x167: {  	[tilespmem:s28+$0x8610] =	vst v9;
	v7 =	vsub.f32 v10, v7  }
0x168: {  	[tilespmem:s28+$0x8620] =	vst v8;
	v6 =	vsub.f32 v11, v6  }
0x169: {  	[tilespmem:s28+$0x8630] =	vst v7;
	v5 =	vsub.f32 v14, v5  }
0x16a: {  	[tilespmem:s28+$0x8640] =	vst v6;
	v4 =	vsub.f32 v62, v4  }
0x16b: {  	s25 =	sadd.s32 $0x1, s25;
	v3 =	vsub.f32 v63, v3;
	[tilespmem:s28+$0x8650] =	vst v5  }
0x16c: {  	s0 =	sshll.u32 s26, $0x5;
	p0 =	sne.s32 s25, $0x51;
	[tilespmem:s28+$0x8660] =	vst v4  }
.Ltmp2:
0x16d: {  	s2 =	simm.s32 $0x0;
	s0 =	sadd.s32 s6, s0;
	[tilespmem:s28+$0x8670] =	vst v3;
	(pc) =	sbr.rel @p0 .LBB2_2-.Ltmp2, $4  }
0x16e: {  	[hbm4b:s0+s2] =	stream.linear.scatter [tilespmem:s30], [sflag:$0x5], $0x4000, $0x38;
	[tilespmem:$0x10200] =	vst v63  }
0x16f: {  	_ =	swait.ge [sflag:s9], $0x4000  }
0x170: {  	[sflag:s9] =	ssyncset.done $0x0  }
0x171: {  	[sflag:s9] =	ssyncadd.s32 $0xFFFFC000  }
0x172: {  	s2 =	rddreg [dreg:$0x4]  }
0x173: {  	s0 =	rddreg [dreg:$0x3];
	s2 =	sadd.s32 $0x1, s2  }
0x174: {  	p0 =	sne.s32 s2, s0  }
.Ltmp3:
0x175: {  	_ = 	snop;
	(pc) =	sbr.rel @p0 .LBB2_1-.Ltmp3, $1  }
0x176: {  	_ =	sdelay $0x3  }
0x177: {  	_ =	sfence.sel $0x180000  }
0x178: {  	[bflag:$0x0] =	sbarrier.arrive $0xFFFF  }
0x179: {  	_ =	strace $0x90000047  }
0x17a: {  	s0 =	stileid.u32;
	[bflag:$0x2] =	sbarrier.arrive $0xFFFF  }
0x17b: {  	p0 =	sne.s32 s0, $0x0;
	s0 =	rddreg [dreg:$0x2]  }
0x17c: {  	s0 =	sadd.s32 @!p0 $0x100000, s0  }
0x17d: {  	[sflag:s0] =	ssyncadd.tile.s32 @!p0 $0x1;
	_ =	shalt  }
.Lfunc_end2:
_tile_overlayer_lowered:
.L_overlay_start_2:
0x17e: {  	(tag) =	ssettag $0x2  }
0x17f: {  	s0 =	rddreg [dreg:$0x0];
	s2 =	stileid.u32  }
0x180: {  	s1 =	rddreg [dreg:$0x1];
	p0 =	sne.s32 s2, $0x0  }
0x181: {  	s3 =	rddreg [dreg:$0x2];
	[bflag:$0x3] =	sbarrier.arrive $0xFFFF;
	s2 =	simm.s32 @!p0 $0x1C05  }
0x182: {  	[timem:s3], [sflag:s2] =	dma.local @!p0 [hbm:s0], s1  }
0x183: {  	s0 =	simm.s32 @!p0 $0x5  }
0x184: {  	_ =	swait.ge @!p0 [sflag:s0], s1  }
0x185: {  	s1 =	ssub.s32 @!p0 $0x0, s1;
	[sflag:s0] =	ssyncset.done @!p0 $0x0  }
0x186: {  	[sflag:s0] =	ssyncadd.s32 @!p0 s1  }
0x187: {  	[bflag:$0x3] =	sbarrier.arrive $0xFFFF  }
0x188: {  	_ =	shalt  }

// kernel: kernel.18.cloned.1.call-start
scs
__scs_entry_jumppad:
0x0: {  	(pc) =	sbr.rel $0x88, $3  }
0x1: {  	(tag) =	ssettag $0x0;
	lr =	simm.s32 $0x1  }
0x2: {  	[smem:$0x3F8C] =	sst lr;
	_ =	strace $0xD0000000  }
0x3: {  	_ = 	snop  }
0x4: {  	_ = 	snop  }
0x5: {  	_ = 	snop  }
0x6: {  	_ = 	snop  }
0x7: {  	_ = 	snop  }
__scs_overlays_trampoline_lowered:
0x8: {  	[smem:$0x3F9B] =	sst s0  }
0x9: {  	[smem:$0x3F9C] =	sst s1  }
0xa: {  	[smem:$0x3F9D] =	sst s2  }
0xb: {  	[smem:$0x3F9E] =	sst s3  }
0xc: {  	[smem:$0x3F9F] =	sst s4  }
0xd: {  	[smem:$0x3FA0] =	sst s5  }
0xe: {  	[smem:$0x3FA1] =	sst s6  }
0xf: {  	[smem:$0x3FA2] =	sst s7  }
0x10: {  	[smem:$0x3FA3] =	sst s8  }
0x11: {  	[smem:$0x3FA4] =	sst s9;
	s0 =	simm.s32 @!p0 $0x0  }
0x12: {  	s1 =	sld [smem:$0x3F8A];
	s0 =	simm.s32 @p0 $0x1  }
0x13: {  	[smem:$0x3FA5] =	sst s0;
	s0 =	simm.s32 @!p1 $0x0  }
0x14: {  	s2 =	sld [smem:$0x3F89];
	s0 =	simm.s32 @p1 $0x1  }
0x15: {  	[smem:$0x3FA6] =	sst s0;
	s0 =	simm.s32 @!p2 $0x0  }
0x16: {  	s3 =	sld [smem:$0x3FDB];
	s0 =	simm.s32 @p2 $0x1  }
0x17: {  	s4 =	simm.s32 $0x1BF5;
	[smem:$0x3FA8] =	sst s0  }
0x18: {  	s0 =	sld [smem:$0x3F8B];
	_ =	swait.ge [sflag:s4], $0x0  }
0x19: {  	s7 =	sld [smem:$0x3F8C]  }
0x1a: {  	s8 =	sadd.s32 $0xFFFFE003, lr  }
0x1b: {  	s9 =	sadd.s32 $0xFFFFFEF7, lr;
	s5 =	simm.s32 $0xFFFFFFFF;
	p2 =	slt.u32 s8, $0xFFFFF086  }
0x1c: {  	p1 =	slt.u32 s9, $0xF7A;
	s5 =	simm.s32 @!p2 $0x0  }
0x1d: {  	s5 =	simm.s32 @p1 $0x1;
	p0 =	seq.s32 s7, s2  }
0x1e: {  	s7 =	smul.u32 @!p0 $0xF7A, s2;
	p2 =	seq.s32 @!p0 s5, $0x0  }
0x1f: {  	s9 =	smul.u32 $0xF7A, s1;
	s8 =	simm.s32 @!p0 $0x1BF5;
	p2 =	por !p2, p0  }
0x20: {  	[sflag:s8] =	ssyncset.s32 @!p0 $0xFFFFF086;
	s6 =	sadd.s32 @!p0 s3, s7;
	s7 =	simm.s32 @!p0 $0x108  }
0x21: {  	s3 =	sadd.s32 s3, s9;
	s6 =	sadd.s32 @!p0 $0x88, s6;
	s7 =	simm.s32 @p2 $0x1082  }
0x22: {  	[simem:s7], [sflag:s8] =	dma.local @!p0 [hbm:s6], $0xF7A  }
0x23: {  	s9 =	sor.u32 $0xD0000000, s2;
	s6 =	simm.s32 $0x108;
	_ =	swait.ge @!p0 [sflag:s8], $0x0  }
0x24: {  	s3 =	sadd.s32 $0x88, s3;
	s6 =	simm.s32 @!p1 $0x1082;
	[sflag:s4] =	ssyncset.s32 $0xFFFFF086  }
0x25: {  	[simem:s6], [sflag:s4] =	dma.local [hbm:s3], $0xF7A  }
0x26: {  	[smem:$0x3F8C] =	sst s1;
	(tag) =	ssettag s2;
	_ =	strace s9  }
0x27: {  	s1 =	sld [smem:$0x3F9C]  }
0x28: {  	s2 =	sld [smem:$0x3F9D]  }
0x29: {  	s4 =	sld [smem:$0x3F9F]  }
0x2a: {  	p0 =	seq.s32 s5, $0x0;
	s5 =	sld [smem:$0x3FA0]  }
0x2b: {  	s6 =	sld [smem:$0x3FA1]  }
0x2c: {  	s7 =	sld [smem:$0x3FA2]  }
0x2d: {  	s3 =	simm.s32 $0x108;
	s8 =	sld [smem:$0x3FA3]  }
0x2e: {  	s3 =	simm.s32 @!p0 $0x1082;
	s9 =	sld [smem:$0x3FA4]  }
0x2f: {  	lr =	sadd.s32 s0, s3;
	s0 =	sld [smem:$0x3F9B]  }
0x30: {  	s3 =	sld [smem:$0x3F9E]  }
0x31: {  	[smem:$0x3FA7] =	sst s10  }
0x32: {  	s10 =	sld [smem:$0x3FA5];
	_ =	sdelay $0x3  }
0x33: {  	p0 =	seq.s32 s10, $0x1;
	s10 =	sld [smem:$0x3FA7];
	_ =	sdelay $0x3  }
0x34: {  	[smem:$0x3FA7] =	sst s10  }
0x35: {  	s10 =	sld [smem:$0x3FA6];
	_ =	sdelay $0x3  }
0x36: {  	p1 =	seq.s32 s10, $0x1;
	s10 =	sld [smem:$0x3FA7];
	_ =	sdelay $0x3  }
0x37: {  	[smem:$0x3FA7] =	sst s10  }
0x38: {  	s10 =	sld [smem:$0x3FA8]  }
0x39: {  	_ = 	snop;
	(pc) =	sbr.ind lr, $3  }
0x3a: {  	_ = 	snop  }
0x3b: {  	_ = 	snop  }
0x3c: {  	p2 =	seq.s32 s10, $0x1;
	s10 =	sld [smem:$0x3FA7]  }
0x3d: {  	_ =	shalt  }
0x3e: {  	_ =	shalt  }
0x3f: {  	_ =	shalt  }
0x40: {  	_ =	shalt  }
0x41: {  	_ =	shalt  }
0x42: {  	_ =	shalt  }
0x43: {  	_ =	shalt  }
0x44: {  	_ =	shalt  }
0x45: {  	_ =	shalt  }
0x46: {  	_ =	shalt  }
0x47: {  	_ =	shalt  }
0x48: {  	_ =	shalt  }
0x49: {  	_ =	shalt  }
0x4a: {  	_ =	shalt  }
0x4b: {  	_ =	shalt  }
0x4c: {  	_ =	shalt  }
0x4d: {  	_ =	shalt  }
0x4e: {  	_ =	shalt  }
0x4f: {  	_ =	shalt  }
0x50: {  	_ =	shalt  }
0x51: {  	_ =	shalt  }
0x52: {  	_ =	shalt  }
0x53: {  	_ =	shalt  }
0x54: {  	_ =	shalt  }
0x55: {  	_ =	shalt  }
0x56: {  	_ =	shalt  }
0x57: {  	_ =	shalt  }
0x58: {  	_ =	shalt  }
0x59: {  	_ =	shalt  }
0x5a: {  	_ =	shalt  }
0x5b: {  	_ =	shalt  }
0x5c: {  	_ =	shalt  }
0x5d: {  	_ =	shalt  }
0x5e: {  	_ =	shalt  }
0x5f: {  	_ =	shalt  }
0x60: {  	_ =	shalt  }
0x61: {  	_ =	shalt  }
0x62: {  	_ =	shalt  }
0x63: {  	_ =	shalt  }
0x64: {  	_ =	shalt  }
0x65: {  	_ =	shalt  }
0x66: {  	_ =	shalt  }
0x67: {  	_ =	shalt  }
0x68: {  	_ =	shalt  }
0x69: {  	_ =	shalt  }
0x6a: {  	_ =	shalt  }
0x6b: {  	_ =	shalt  }
0x6c: {  	_ =	shalt  }
0x6d: {  	_ =	shalt  }
0x6e: {  	_ =	shalt  }
0x6f: {  	_ =	shalt  }
0x70: {  	_ =	shalt  }
0x71: {  	_ =	shalt  }
0x72: {  	_ =	shalt  }
0x73: {  	_ =	shalt  }
0x74: {  	_ =	shalt  }
0x75: {  	_ =	shalt  }
0x76: {  	_ =	shalt  }
0x77: {  	_ =	shalt  }
0x78: {  	_ =	shalt  }
0x79: {  	_ =	shalt  }
0x7a: {  	_ =	shalt  }
0x7b: {  	_ =	shalt  }
0x7c: {  	_ =	shalt  }
0x7d: {  	_ =	shalt  }
0x7e: {  	_ =	shalt  }
0x7f: {  	_ =	shalt  }
0x80: {  	_ =	shalt  }
0x81: {  	_ =	shalt  }
0x82: {  	_ =	shalt  }
0x83: {  	_ =	shalt  }
0x84: {  	_ =	shalt  }
0x85: {  	_ =	shalt  }
0x86: {  	_ =	shalt  }
0x87: {  	_ =	shalt  }
.Lfunc_end0:
.L_simem_size_0:
called_computation.1_lowered:
.L_overlay_start_0:
0x88: {  	s2 =	sld [smem:$0x3FD9]  }
0x89: {  	s3 =	sld [smem:$0x3FFE];
	_ =	sdelay $0x1  }
0x8a: {  	s1 =	srdreg.scid  }
0x8b: {  	s0 =	sand.u32 $0x1, s1  }
0x8c: {  	s15 =	sshll.u32 s0, $0xA;
	s2 =	sadd.s32 s3, s2  }
0x8d: {  	s2 =	sadd.s32 s2, s15  }
0x8e: {  	[smem:$0x3FB3] =	sst s2  }
0x8f: {  	_ = 	snop  }
0x90: {  	s2 =	sld [smem:$0x3FD0];
	_ =	sdelay $0x2  }
0x91: {  	s16 =	simm.s32 $0xC;
	s4 =	simm.s32 $0x10  }
0x92: {  	[smem:s4], [sflag:s16] =	dma.local [hbm:s2], $0x1  }
0x93: {  	_ =	swait.eq [sflag:s16], $0x1  }
0x94: {  	[sflag:s16] =	ssyncset.done $0x0  }
0x95: {  	[sflag:s16] =	ssyncadd.s32 $0xFFFFFFFF  }
0x96: {  	s17 =	sld [smem:$0x10];
	(tm) =	ssettm $0x1  }
0x97: {  	s18 =	sld [smem:$0x3FFB];
	_ =	sdelay $0x3  }
0x98: {  	_ =	strace s18  }
0x99: {  	s2 =	sld [smem:$0x3FFC];
	_ =	sdelay $0x3  }
0x9a: {  	_ =	strace s2  }
0x9b: {  	s2 =	sld [smem:$0x3FFD];
	_ =	sdelay $0x3  }
0x9c: {  	_ =	strace s2  }
0x9d: {  	_ =	strace $0x8FFFFFFF  }
0x9e: {  	s19 =	sld [smem:$0x3FDB];
	_ =	sdelay $0x1  }
0x9f: {  	s20 =	simm.s32 $_scs_section_size  }
0xa0: {  	s5 =	simm.s32 $_size__tile_overlayer_lowered;
	s6 =	simm.s32 $_tile_overlayer_lowered  }
0xa1: {  	s7 =	simm.s32 $0x1BFF;
	s21 =	sshll.u32 s6, $0x1;
	s4 =	sadd.s32 s20, s19  }
0xa2: {  	s22 =	simm.s32 $0x0;
	s5 =	sshll.u32 s5, $0x1;
	s6 =	sadd.s32 s21, s4  }
0xa3: {  	[timem:s22], [sflag:s7] =	dma.local [hbm:s6], s5  }
0xa4: {  	_ =	swait.ge [sflag:s7], s5  }
0xa5: {  	s5 =	ssub.s32 $0x0, s5;
	[sflag:s7] =	ssyncset.done $0x0  }
0xa6: {  	[sflag:s7] =	ssyncadd.s32 s5;
	_ =	sdelay $0x1  }
0xa7: {  	s23 =	simm.s32 $0x1B8B  }
0xa8: {  	_ =	swait.ge [sflag:s23], $0x1  }
0xa9: {  	[sflag:s23] =	ssyncset.done $0x0  }
0xaa: {  	[sflag:s23] =	ssyncadd.s32 $0xFFFFFFFF  }
0xab: {  	s5 =	sld [smem:$0x0]  }
0xac: {  	s6 =	sand.u32 $0xFFFFFFFE, s1  }
0xad: {  	p0 =	sne.s32 s1, s6  }
0xae: {  	s6 =	sshll.u32 @p0 s6, $0xE  }
0xaf: {  	s6 =	sadd.s32 @p0 $0x11B8D, s6;
	s7 =	sshll.u32 @p0 s5, $0x11  }
0xb0: {  	s6 =	sor.u32 @p0 s7, s6  }
0xb1: {  	[sflag:s6] =	ssyncadd.remote.s32 @p0 $0x1;
	_ =	sdelay $0x1  }
0xb2: {  	s6 =	simm.s32 @p0 $0x1B8D  }
0xb3: {  	_ =	swait.eq @p0 [sflag:s6], $0x1  }
0xb4: {  	[sflag:s6] =	ssyncadd.s32 @p0 $0xFFFFFFFF  }
0xb5: {  	s7 =	sshll.u32 @!p0 s1, $0xE  }
0xb6: {  	s7 =	sor.u32 @!p0 $0x4000, s7;
	s6 =	simm.s32 @!p0 $0x1B8D  }
0xb7: {  	s5 =	sshll.u32 @!p0 s5, $0x11;
	s7 =	sadd.s32 @!p0 $0x11B8D, s7;
	_ =	swait.eq @!p0 [sflag:s6], $0x1  }
0xb8: {  	s5 =	sor.u32 @!p0 s5, s7;
	[sflag:s6] =	ssyncadd.s32 @!p0 $0xFFFFFFFF  }
0xb9: {  	s25 =	simm.s32 $0x1B8E;
	s24 =	sld [smem:$0x3FFE];
	[sflag:s5] =	ssyncadd.remote.s32 @!p0 $0x1  }
0xba: {  	s26 =	simm.s32 $execute0_lowered;
	[smem:$0x3FD2] =	sst s25  }
0xbb: {  	s6 =	sshll.u32 s26, $0x1;
	_ =	strace $0x80000049;
	[dreg:$0x1] =	wrdreg $0xFFFFFFFF  }
0xbc: {  	s28 =	simm.s32 $_size_execute0_lowered;
	s4 =	sadd.s32 s4, s6;
	[dreg:$0x0] =	wrdreg $0x0  }
0xbd: {  	s6 =	sshll.u32 s28, $0x1;
	[dreg:$0x2] =	wrdreg s4  }
0xbe: {  	[dreg:$0x3] =	wrdreg s6  }
0xbf: {  	[dreg:$0x4] =	wrdreg $0xC0  }
0xc0: {  	_ =	task [dreg:s22], $0x5FFFF  }
0xc1: {  	[dreg:$0x1] =	wrdreg $0xFFFFFFFF  }
0xc2: {  	[dreg:$0x0] =	wrdreg $0x60  }
0xc3: {  	[dreg:$0x2] =	wrdreg s24  }
0xc4: {  	[dreg:$0x3] =	wrdreg s17  }
0xc5: {  	[dreg:$0x4] =	wrdreg $0xA  }
0xc6: {  	_ =	task.clear_ibuf [dreg:s22], $0x5FFFF;
	_ =	strace $0x90000049  }
0xc7: {  	s29 =	simm.s32 $0xA;
	_ =	strace $0x8000004B  }
0xc8: {  	_ =	swait.ge [sflag:s29], $0x1  }
0xc9: {  	[sflag:s29] =	ssyncadd.s32 $0xFFFFFFFF  }
0xca: {  	_ =	strace $0x9000004B  }
0xcb: {  	_ =	sfence  }
0xcc: {  	s30 =	sld [smem:$0x0];
	_ =	sdelay $0x2  }
0xcd: {  	s31 =	sshll.u32 s1, $0xD;
	s1 =	sshrl.u32 s1, $0x2  }
0xce: {  	s4 =	sand.u32 $0x4000, s31;
	s1 =	sadd.s32 s1, s30  }
0xcf: {  	s0 =	sor.u32 s4, s0;
	s1 =	sshll.u32 s1, $0x11  }
0xd0: {  	s0 =	sor.u32 s1, s0  }
0xd1: {  	s0 =	sadd.s32 $0x8F2B, s0  }
0xd2: {  	[sflag:s0] =	ssyncadd.remote.s32 $0x1  }
0xd3: {  	_ =	sfence.sel $0xFFFF  }
0xd4: {  	[dreg:$0x0] =	wrdreg $0xFFFFFFFF;
	(pc) =	sbr.abs _section_cstart, $3  }
0xd5: {  	[dreg:$0x1] =	wrdreg $0xFFFFFFFF  }
0xd6: {  	_ =	task.clear_ibuf [dreg:s22], $0x2FFFF;
	_ =	strace $0x9FFFFFFF  }
0xd7: {  	(tm) =	ssettm $0x7FFFFFFF  }
tec
execute0_lowered:
.L_overlay_start_1:
0x0: {  	(tag) =	ssettag $0x1  }
0x1: {  	s7 =	rddreg [dreg:$0x0]  }
0x2: {  	s1 =	rddreg [dreg:$0x1]  }
0x3: {  	s0 =	rddreg [dreg:$0x2];
	s2 =	simm.s32 $0x0  }
0x4: {  	s5 =	srdreg.scid;
	s3 =	stileid.u32;
	s12 =	simm.s32 $0x40  }
0x5: {  	s13 =	simm.s32 $0x200;
	s14 =	simm.s32 $0x2200;
	s15 =	simm.s32 $0x100  }
0x6: {  	s16 =	simm.s32 $0x180;
	s17 =	simm.s32 $0x4200;
	s18 =	simm.s32 $0x6200  }
0x7: {  	s19 =	simm.s32 $0x1;
	s20 =	simm.s32 $0x2;
	s21 =	simm.s32 $0x3  }
0x8: {  	s22 =	simm.s32 $0x4;
	s23 =	simm.s32 $0x0;
	[smem:$0x7FF] =	sst s2  }
0x9: {  	s4 =	sadd.s32 $0xC5600, s7;
	s8 =	sand.u32 $0x1, s5;
	s5 =	sadd.s32 $0xED600, s7  }
0xa: {  	s10 =	sshll.u32 s3, $0x1;
	s6 =	sadd.s32 $0x43400, s7;
	s9 =	ssub.s32 $0x2, s8  }
0xb: {  	s7 =	sadd.s32 $0xB35600, s7;
	_ =	strace $0x8000004A;
	s11 =	sshrl.u32 s9, $0x1  }
0xc: {  	s8 =	sor.u32 s8, s10;
	s10 =	simm.s32 $0x5;
	s9 =	ssub.s32 s9, s11  }
0xd: {  	s8 =	smul.u32 $0x2880, s8;
	s11 =	simm.s32 $0x80;
	s9 =	smax.u32 s9, $0x1  }
.LBB2_1:
0xe: {  	s24 =	simm.s32 $0x0  }
.LBB2_2:
0xf: {  	s25 =	sshll.u32 s24, $0x7  }
0x10: {  	s26 =	sadd.s32 s8, s25  }
0x11: {  	s25 =	sshrl.u32 s26, $0x3  }
0x12: {  	s29 =	simm.s32 $0x0;
	s28 =	sadd.s32 s1, s25  }
0x13: {  	[tilespmem:s29], [sflag:$0x5] =	stream.linear.gather [hbm4b:s28+s29], $0x40, $0x38;
	[tilespmem:$0x8200] =	vst v63  }
0x14: {  	_ =	swait.ge [sflag:s10], $0x40  }
0x15: {  	[sflag:s10] =	ssyncset.done $0x0  }
0x16: {  	s25 =	sadd.s32 s6, s25;
	[sflag:s10] =	ssyncadd.s32 $0xFFFFFFC0  }
0x17: {  	[tilespmem:s11], [sflag:$0x5] =	stream.linear.gather [hbm4b:s25+s29], $0x40, $0x38;
	[tilespmem:$0x8200] =	vst v63  }
0x18: {  	_ =	swait.ge [sflag:s10], $0x40  }
0x19: {  	[sflag:s10] =	ssyncset.done $0x0  }
0x1a: {  	s25 =	sor.u32 $0x40, s26;
	[sflag:s10] =	ssyncadd.s32 $0xFFFFFFC0  }
0x1b: {  	[tilespmem:s13], [sflag:$0x1] =	stream.indirect.gather [hbm4b:s4+s12], $0x80, s29, s12, $0xb8;
	[tilespmem:$0x8200] =	vst v63  }
0x1c: {  	s28 =	sshrl.u32 s25, $0x3  }
0x1d: {  	[tilespmem:s14], [sflag:$0x2] =	stream.indirect.gather [hbm4b:s5+s12], $0x80, s11, s12, $0xb8;
	[tilespmem:$0x8200] =	vst v63  }
0x1e: {  	s30 =	sadd.s32 s1, s28  }
0x1f: {  	[tilespmem:s15], [sflag:$0x5] =	stream.linear.gather [hbm4b:s30+s29], $0x40, $0x38;
	[tilespmem:$0x8200] =	vst v63  }
0x20: {  	_ =	swait.ge [sflag:s10], $0x40  }
0x21: {  	[sflag:s10] =	ssyncset.done $0x0  }
0x22: {  	s28 =	sadd.s32 s6, s28;
	[sflag:s10] =	ssyncadd.s32 $0xFFFFFFC0  }
0x23: {  	[tilespmem:s16], [sflag:$0x5] =	stream.linear.gather [hbm4b:s28+s29], $0x40, $0x38;
	[tilespmem:$0x8200] =	vst v63  }
0x24: {  	_ =	swait.ge [sflag:s10], $0x40  }
0x25: {  	[sflag:s10] =	ssyncset.done $0x0  }
0x26: {  	[sflag:s10] =	ssyncadd.s32 $0xFFFFFFC0  }
0x27: {  	[tilespmem:s17], [sflag:$0x3] =	stream.indirect.gather [hbm4b:s4+s12], $0x80, s15, s12, $0xb8;
	[tilespmem:$0x8200] =	vst v63  }
0x28: {  	_ = 	snop  }
0x29: {  	[tilespmem:s18], [sflag:$0x4] =	stream.indirect.gather [hbm4b:s5+s12], $0x80, s16, s12, $0xb8;
	[tilespmem:$0x8200] =	vst v63  }
0x2a: {  	_ =	swait.ge [sflag:s19], $0x2000  }
0x2b: {  	[sflag:s19] =	ssyncset.done $0x0  }
0x2c: {  	[sflag:s19] =	ssyncadd.s32 $0xFFFFE000  }
0x2d: {  	_ =	swait.ge [sflag:s20], $0x2000  }
0x2e: {  	[sflag:s20] =	ssyncset.done $0x0  }
0x2f: {  	s28 =	simm.s32 $0x0;
	[sflag:s20] =	ssyncadd.s32 $0xFFFFE000  }
0x30: {  	v7 =	vld [tilespmem:s28+$0x2200]  }
0x31: {  	v11 =	vld [tilespmem:s28+$0x2210]  }
0x32: {  	v5 =	vld [tilespmem:s28+$0x2220]  }
0x33: {  	v4 =	vld [tilespmem:s28+$0x2230]  }
0x34: {  	v3 =	vld [tilespmem:s28+$0x2240]  }
0x35: {  	v2 =	vld [tilespmem:s28+$0x2250]  }
0x36: {  	v1 =	vld [tilespmem:s28+$0x2260]  }
0x37: {  	v0 =	vld [tilespmem:s28+$0x2270]  }
0x38: {  	v12 =	vld [tilespmem:s28+$0x200]  }
0x39: {  	v13 =	vld [tilespmem:s28+$0x210]  }
0x3a: {  	v10 =	vld [tilespmem:s28+$0x220]  }
0x3b: {  	v9 =	vld [tilespmem:s28+$0x230]  }
0x3c: {  	v8 =	vld [tilespmem:s28+$0x240]  }
0x3d: {  	v6 =	vld [tilespmem:s28+$0x250];
	v12 =	vsub.f32 v12, v7  }
0x3e: {  	s29 =	simm.s32 $0x200;
	v11 =	vsub.f32 v13, v11;
	v7 =	vld [tilespmem:s28+$0x260]  }
.LBB2_3:
0x3f: {  	s30 =	sshra.s32 s29, $0x2;
	p0 =	sne.s32 s29, $0x7E00;
	[tilespmem:s28+$0x200] =	vst v12;
	v5 =	vsub.f32 v10, v5;
	v10 =	vld [tilespmem:s28+$0x270]  }
0x40: {  	v12 =	vld [tilespmem:s30+$0x2200];
	[tilespmem:s28+$0x210] =	vst v11;
	v4 =	vsub.f32 v9, v4  }
0x41: {  	v11 =	vld [tilespmem:s30+$0x2210];
	[tilespmem:s28+$0x220] =	vst v5;
	v3 =	vsub.f32 v8, v3  }
0x42: {  	v5 =	vld [tilespmem:s30+$0x2220];
	[tilespmem:s28+$0x230] =	vst v4;
	v2 =	vsub.f32 v6, v2  }
0x43: {  	v4 =	vld [tilespmem:s30+$0x2230];
	[tilespmem:s28+$0x240] =	vst v3;
	v1 =	vsub.f32 v7, v1  }
0x44: {  	v3 =	vld [tilespmem:s30+$0x2240];
	[tilespmem:s28+$0x250] =	vst v2;
	v0 =	vsub.f32 v10, v0  }
0x45: {  	v2 =	vld [tilespmem:s30+$0x2250];
	[tilespmem:s28+$0x260] =	vst v1  }
0x46: {  	v1 =	vld [tilespmem:s30+$0x2260];
	[tilespmem:s28+$0x270] =	vst v0;
	s28 =	smov.u32 s30  }
0x47: {  	v0 =	vld [tilespmem:s28+$0x2270]  }
0x48: {  	v6 =	vld [tilespmem:s28+$0x200]  }
0x49: {  	v7 =	vld [tilespmem:s28+$0x210]  }
.Ltmp0:
0x4a: {  	v10 =	vld [tilespmem:s28+$0x220];
	(pc) =	sbr.rel @p0 .LBB2_3-.Ltmp0, $4  }
0x4b: {  	v9 =	vld [tilespmem:s28+$0x230]  }
0x4c: {  	v8 =	vld [tilespmem:s28+$0x240]  }
0x4d: {  	v12 =	vsub.f32 v6, v12;
	v6 =	vld [tilespmem:s28+$0x250]  }
0x4e: {  	s29 =	sadd.s32 $0x200, s29;
	v11 =	vsub.f32 v7, v11;
	v7 =	vld [tilespmem:s28+$0x260]  }
0x4f: {  	[tilespmem:s28+$0x200] =	vst v12;
	v5 =	vsub.f32 v10, v5;
	v10 =	vld [tilespmem:s28+$0x270]  }
0x50: {  	[tilespmem:s28+$0x210] =	vst v11;
	v4 =	vsub.f32 v9, v4  }
0x51: {  	[tilespmem:s28+$0x220] =	vst v5;
	v3 =	vsub.f32 v8, v3  }
0x52: {  	[tilespmem:s28+$0x230] =	vst v4;
	v2 =	vsub.f32 v6, v2  }
0x53: {  	[tilespmem:s28+$0x240] =	vst v3;
	v1 =	vsub.f32 v7, v1  }
0x54: {  	[tilespmem:s28+$0x250] =	vst v2;
	v0 =	vsub.f32 v10, v0  }
0x55: {  	s26 =	sshll.u32 s26, $0x4;
	[tilespmem:s28+$0x260] =	vst v1  }
0x56: {  	s26 =	sadd.s32 s7, s26;
	[tilespmem:s28+$0x270] =	vst v0;
	s28 =	simm.s32 $0x0  }
0x57: {  	[hbm4b:s26+s28] =	stream.linear.scatter [tilespmem:s13], [sflag:$0x5], $0x2000, $0x38;
	[tilespmem:$0x8200] =	vst v63  }
0x58: {  	_ =	swait.ge [sflag:s10], $0x2000  }
0x59: {  	[sflag:s10] =	ssyncset.done $0x0  }
0x5a: {  	[sflag:s10] =	ssyncadd.s32 $0xFFFFE000  }
0x5b: {  	_ =	swait.ge [sflag:s21], $0x2000  }
0x5c: {  	[sflag:s21] =	ssyncset.done $0x0  }
0x5d: {  	[sflag:s21] =	ssyncadd.s32 $0xFFFFE000  }
0x5e: {  	_ =	swait.ge [sflag:s22], $0x2000  }
0x5f: {  	[sflag:s22] =	ssyncset.done $0x0  }
0x60: {  	s26 =	simm.s32 $0x0;
	[sflag:s22] =	ssyncadd.s32 $0xFFFFE000  }
0x61: {  	v7 =	vld [tilespmem:s26+$0x6200]  }
0x62: {  	v11 =	vld [tilespmem:s26+$0x6210]  }
0x63: {  	v5 =	vld [tilespmem:s26+$0x6220]  }
0x64: {  	v4 =	vld [tilespmem:s26+$0x6230]  }
0x65: {  	v3 =	vld [tilespmem:s26+$0x6240]  }
0x66: {  	v2 =	vld [tilespmem:s26+$0x6250]  }
0x67: {  	v1 =	vld [tilespmem:s26+$0x6260]  }
0x68: {  	v0 =	vld [tilespmem:s26+$0x6270]  }
0x69: {  	v12 =	vld [tilespmem:s26+$0x4200]  }
0x6a: {  	v13 =	vld [tilespmem:s26+$0x4210]  }
0x6b: {  	v10 =	vld [tilespmem:s26+$0x4220]  }
0x6c: {  	v9 =	vld [tilespmem:s26+$0x4230]  }
0x6d: {  	v8 =	vld [tilespmem:s26+$0x4240]  }
0x6e: {  	v6 =	vld [tilespmem:s26+$0x4250];
	v12 =	vsub.f32 v12, v7  }
0x6f: {  	s28 =	simm.s32 $0x200;
	v11 =	vsub.f32 v13, v11;
	v7 =	vld [tilespmem:s26+$0x4260]  }
.LBB2_5:
0x70: {  	s29 =	sshra.s32 s28, $0x2;
	p0 =	sne.s32 s28, $0x7E00;
	[tilespmem:s26+$0x4200] =	vst v12;
	v5 =	vsub.f32 v10, v5;
	v10 =	vld [tilespmem:s26+$0x4270]  }
0x71: {  	v12 =	vld [tilespmem:s29+$0x6200];
	[tilespmem:s26+$0x4210] =	vst v11;
	v4 =	vsub.f32 v9, v4  }
0x72: {  	v11 =	vld [tilespmem:s29+$0x6210];
	[tilespmem:s26+$0x4220] =	vst v5;
	v3 =	vsub.f32 v8, v3  }
0x73: {  	v5 =	vld [tilespmem:s29+$0x6220];
	[tilespmem:s26+$0x4230] =	vst v4;
	v2 =	vsub.f32 v6, v2  }
0x74: {  	v4 =	vld [tilespmem:s29+$0x6230];
	[tilespmem:s26+$0x4240] =	vst v3;
	v1 =	vsub.f32 v7, v1  }
0x75: {  	v3 =	vld [tilespmem:s29+$0x6240];
	[tilespmem:s26+$0x4250] =	vst v2;
	v0 =	vsub.f32 v10, v0  }
0x76: {  	v2 =	vld [tilespmem:s29+$0x6250];
	[tilespmem:s26+$0x4260] =	vst v1  }
0x77: {  	v1 =	vld [tilespmem:s29+$0x6260];
	[tilespmem:s26+$0x4270] =	vst v0;
	s26 =	smov.u32 s29  }
0x78: {  	v0 =	vld [tilespmem:s26+$0x6270]  }
0x79: {  	v6 =	vld [tilespmem:s26+$0x4200]  }
0x7a: {  	v7 =	vld [tilespmem:s26+$0x4210]  }
.Ltmp1:
0x7b: {  	v10 =	vld [tilespmem:s26+$0x4220];
	(pc) =	sbr.rel @p0 .LBB2_5-.Ltmp1, $4  }
0x7c: {  	v9 =	vld [tilespmem:s26+$0x4230]  }
0x7d: {  	v8 =	vld [tilespmem:s26+$0x4240]  }
0x7e: {  	v12 =	vsub.f32 v6, v12;
	v6 =	vld [tilespmem:s26+$0x4250]  }
0x7f: {  	s28 =	sadd.s32 $0x200, s28;
	v11 =	vsub.f32 v7, v11;
	v7 =	vld [tilespmem:s26+$0x4260]  }
0x80: {  	[tilespmem:s26+$0x4200] =	vst v12;
	v5 =	vsub.f32 v10, v5;
	v63 =	vld [tilespmem:s26+$0x4270]  }
0x81: {  	[tilespmem:s26+$0x4210] =	vst v11;
	v4 =	vsub.f32 v9, v4  }
0x82: {  	[tilespmem:s26+$0x4220] =	vst v5;
	v3 =	vsub.f32 v8, v3  }
0x83: {  	[tilespmem:s26+$0x4230] =	vst v4;
	v2 =	vsub.f32 v6, v2  }
0x84: {  	[tilespmem:s26+$0x4240] =	vst v3;
	v1 =	vsub.f32 v7, v1  }
0x85: {  	s24 =	sadd.s32 $0x1, s24;
	[tilespmem:s26+$0x4250] =	vst v2;
	v0 =	vsub.f32 v63, v0  }
0x86: {  	s25 =	sshll.u32 s25, $0x4;
	p0 =	sne.s32 s24, $0x51;
	[tilespmem:s26+$0x4260] =	vst v1  }
.Ltmp2:
0x87: {  	s25 =	sadd.s32 s7, s25;
	[tilespmem:s26+$0x4270] =	vst v0;
	(pc) =	sbr.rel @p0 .LBB2_2-.Ltmp2, $4  }
0x88: {  	[hbm4b:s25+s2] =	stream.linear.scatter [tilespmem:s17], [sflag:$0x5], $0x2000, $0x38;
	[tilespmem:$0x8200] =	vst v63  }
0x89: {  	_ =	swait.ge [sflag:s10], $0x2000  }
0x8a: {  	[sflag:s10] =	ssyncset.done $0x0  }
0x8b: {  	[sflag:s10] =	ssyncadd.s32 $0xFFFFE000  }
0x8c: {  	s23 =	sadd.s32 $0x1, s23  }
0x8d: {  	p0 =	sne.s32 s23, s9  }
.Ltmp3:
0x8e: {  	_ = 	snop;
	(pc) =	sbr.rel @p0 .LBB2_1-.Ltmp3, $1  }
0x8f: {  	_ =	sdelay $0x3  }
0x90: {  	_ =	sfence.sel $0x180000  }
0x91: {  	[bflag:$0x0] =	sbarrier.arrive $0xFFFF  }
0x92: {  	p0 =	sne.s32 s3, $0x0;
	_ =	strace $0x9000004A  }
0x93: {  	s0 =	sadd.s32 @!p0 $0x100000, s0;
	[bflag:$0x2] =	sbarrier.arrive $0xFFFF  }
0x94: {  	[sflag:s0] =	ssyncadd.tile.s32 @!p0 $0x1;
	_ =	shalt  }
.Lfunc_end2:
_tile_overlayer_lowered:
.L_overlay_start_2:
0x95: {  	(tag) =	ssettag $0x2  }
0x96: {  	s0 =	rddreg [dreg:$0x0];
	s2 =	stileid.u32  }
0x97: {  	s1 =	rddreg [dreg:$0x1];
	p0 =	sne.s32 s2, $0x0  }
0x98: {  	s3 =	rddreg [dreg:$0x2];
	[bflag:$0x3] =	sbarrier.arrive $0xFFFF;
	s2 =	simm.s32 @!p0 $0x1C05  }
0x99: {  	[timem:s3], [sflag:s2] =	dma.local @!p0 [hbm:s0], s1  }
0x9a: {  	s0 =	simm.s32 @!p0 $0x5  }
0x9b: {  	_ =	swait.ge @!p0 [sflag:s0], s1  }
0x9c: {  	s1 =	ssub.s32 @!p0 $0x0, s1;
	[sflag:s0] =	ssyncset.done @!p0 $0x0  }
0x9d: {  	[sflag:s0] =	ssyncadd.s32 @!p0 s1  }
0x9e: {  	[bflag:$0x3] =	sbarrier.arrive $0xFFFF  }
0x9f: {  	_ =	shalt  }

// kernel: kernel.21.cloned.1.call-start
scs
__scs_entry_jumppad:
0x0: {  	(pc) =	sbr.rel $0x88, $3  }
0x1: {  	(tag) =	ssettag $0x0;
	lr =	simm.s32 $0x1  }
0x2: {  	[smem:$0x3F8C] =	sst lr;
	_ =	strace $0xD0000000  }
0x3: {  	_ = 	snop  }
0x4: {  	_ = 	snop  }
0x5: {  	_ = 	snop  }
0x6: {  	_ = 	snop  }
0x7: {  	_ = 	snop  }
__scs_overlays_trampoline_lowered:
0x8: {  	[smem:$0x3F9B] =	sst s0  }
0x9: {  	[smem:$0x3F9C] =	sst s1  }
0xa: {  	[smem:$0x3F9D] =	sst s2  }
0xb: {  	[smem:$0x3F9E] =	sst s3  }
0xc: {  	[smem:$0x3F9F] =	sst s4  }
0xd: {  	[smem:$0x3FA0] =	sst s5  }
0xe: {  	[smem:$0x3FA1] =	sst s6  }
0xf: {  	[smem:$0x3FA2] =	sst s7  }
0x10: {  	[smem:$0x3FA3] =	sst s8  }
0x11: {  	[smem:$0x3FA4] =	sst s9;
	s0 =	simm.s32 @!p0 $0x0  }
0x12: {  	s1 =	sld [smem:$0x3F8A];
	s0 =	simm.s32 @p0 $0x1  }
0x13: {  	[smem:$0x3FA5] =	sst s0;
	s0 =	simm.s32 @!p1 $0x0  }
0x14: {  	s2 =	sld [smem:$0x3F89];
	s0 =	simm.s32 @p1 $0x1  }
0x15: {  	[smem:$0x3FA6] =	sst s0;
	s0 =	simm.s32 @!p2 $0x0  }
0x16: {  	s3 =	sld [smem:$0x3FDB];
	s0 =	simm.s32 @p2 $0x1  }
0x17: {  	s4 =	simm.s32 $0x1BF5;
	[smem:$0x3FA8] =	sst s0  }
0x18: {  	s0 =	sld [smem:$0x3F8B];
	_ =	swait.ge [sflag:s4], $0x0  }
0x19: {  	s7 =	sld [smem:$0x3F8C]  }
0x1a: {  	s8 =	sadd.s32 $0xFFFFE003, lr  }
0x1b: {  	s9 =	sadd.s32 $0xFFFFFEF7, lr;
	s5 =	simm.s32 $0xFFFFFFFF;
	p2 =	slt.u32 s8, $0xFFFFF086  }
0x1c: {  	p1 =	slt.u32 s9, $0xF7A;
	s5 =	simm.s32 @!p2 $0x0  }
0x1d: {  	s5 =	simm.s32 @p1 $0x1;
	p0 =	seq.s32 s7, s2  }
0x1e: {  	s7 =	smul.u32 @!p0 $0xF7A, s2;
	p2 =	seq.s32 @!p0 s5, $0x0  }
0x1f: {  	s9 =	smul.u32 $0xF7A, s1;
	s8 =	simm.s32 @!p0 $0x1BF5;
	p2 =	por !p2, p0  }
0x20: {  	[sflag:s8] =	ssyncset.s32 @!p0 $0xFFFFF086;
	s6 =	sadd.s32 @!p0 s3, s7;
	s7 =	simm.s32 @!p0 $0x108  }
0x21: {  	s3 =	sadd.s32 s3, s9;
	s6 =	sadd.s32 @!p0 $0x88, s6;
	s7 =	simm.s32 @p2 $0x1082  }
0x22: {  	[simem:s7], [sflag:s8] =	dma.local @!p0 [hbm:s6], $0xF7A  }
0x23: {  	s9 =	sor.u32 $0xD0000000, s2;
	s6 =	simm.s32 $0x108;
	_ =	swait.ge @!p0 [sflag:s8], $0x0  }
0x24: {  	s3 =	sadd.s32 $0x88, s3;
	s6 =	simm.s32 @!p1 $0x1082;
	[sflag:s4] =	ssyncset.s32 $0xFFFFF086  }
0x25: {  	[simem:s6], [sflag:s4] =	dma.local [hbm:s3], $0xF7A  }
0x26: {  	[smem:$0x3F8C] =	sst s1;
	(tag) =	ssettag s2;
	_ =	strace s9  }
0x27: {  	s1 =	sld [smem:$0x3F9C]  }
0x28: {  	s2 =	sld [smem:$0x3F9D]  }
0x29: {  	s4 =	sld [smem:$0x3F9F]  }
0x2a: {  	p0 =	seq.s32 s5, $0x0;
	s5 =	sld [smem:$0x3FA0]  }
0x2b: {  	s6 =	sld [smem:$0x3FA1]  }
0x2c: {  	s7 =	sld [smem:$0x3FA2]  }
0x2d: {  	s3 =	simm.s32 $0x108;
	s8 =	sld [smem:$0x3FA3]  }
0x2e: {  	s3 =	simm.s32 @!p0 $0x1082;
	s9 =	sld [smem:$0x3FA4]  }
0x2f: {  	lr =	sadd.s32 s0, s3;
	s0 =	sld [smem:$0x3F9B]  }
0x30: {  	s3 =	sld [smem:$0x3F9E]  }
0x31: {  	[smem:$0x3FA7] =	sst s10  }
0x32: {  	s10 =	sld [smem:$0x3FA5];
	_ =	sdelay $0x3  }
0x33: {  	p0 =	seq.s32 s10, $0x1;
	s10 =	sld [smem:$0x3FA7];
	_ =	sdelay $0x3  }
0x34: {  	[smem:$0x3FA7] =	sst s10  }
0x35: {  	s10 =	sld [smem:$0x3FA6];
	_ =	sdelay $0x3  }
0x36: {  	p1 =	seq.s32 s10, $0x1;
	s10 =	sld [smem:$0x3FA7];
	_ =	sdelay $0x3  }
0x37: {  	[smem:$0x3FA7] =	sst s10  }
0x38: {  	s10 =	sld [smem:$0x3FA8]  }
0x39: {  	_ = 	snop;
	(pc) =	sbr.ind lr, $3  }
0x3a: {  	_ = 	snop  }
0x3b: {  	_ = 	snop  }
0x3c: {  	p2 =	seq.s32 s10, $0x1;
	s10 =	sld [smem:$0x3FA7]  }
0x3d: {  	_ =	shalt  }
0x3e: {  	_ =	shalt  }
0x3f: {  	_ =	shalt  }
0x40: {  	_ =	shalt  }
0x41: {  	_ =	shalt  }
0x42: {  	_ =	shalt  }
0x43: {  	_ =	shalt  }
0x44: {  	_ =	shalt  }
0x45: {  	_ =	shalt  }
0x46: {  	_ =	shalt  }
0x47: {  	_ =	shalt  }
0x48: {  	_ =	shalt  }
0x49: {  	_ =	shalt  }
0x4a: {  	_ =	shalt  }
0x4b: {  	_ =	shalt  }
0x4c: {  	_ =	shalt  }
0x4d: {  	_ =	shalt  }
0x4e: {  	_ =	shalt  }
0x4f: {  	_ =	shalt  }
0x50: {  	_ =	shalt  }
0x51: {  	_ =	shalt  }
0x52: {  	_ =	shalt  }
0x53: {  	_ =	shalt  }
0x54: {  	_ =	shalt  }
0x55: {  	_ =	shalt  }
0x56: {  	_ =	shalt  }
0x57: {  	_ =	shalt  }
0x58: {  	_ =	shalt  }
0x59: {  	_ =	shalt  }
0x5a: {  	_ =	shalt  }
0x5b: {  	_ =	shalt  }
0x5c: {  	_ =	shalt  }
0x5d: {  	_ =	shalt  }
0x5e: {  	_ =	shalt  }
0x5f: {  	_ =	shalt  }
0x60: {  	_ =	shalt  }
0x61: {  	_ =	shalt  }
0x62: {  	_ =	shalt  }
0x63: {  	_ =	shalt  }
0x64: {  	_ =	shalt  }
0x65: {  	_ =	shalt  }
0x66: {  	_ =	shalt  }
0x67: {  	_ =	shalt  }
0x68: {  	_ =	shalt  }
0x69: {  	_ =	shalt  }
0x6a: {  	_ =	shalt  }
0x6b: {  	_ =	shalt  }
0x6c: {  	_ =	shalt  }
0x6d: {  	_ =	shalt  }
0x6e: {  	_ =	shalt  }
0x6f: {  	_ =	shalt  }
0x70: {  	_ =	shalt  }
0x71: {  	_ =	shalt  }
0x72: {  	_ =	shalt  }
0x73: {  	_ =	shalt  }
0x74: {  	_ =	shalt  }
0x75: {  	_ =	shalt  }
0x76: {  	_ =	shalt  }
0x77: {  	_ =	shalt  }
0x78: {  	_ =	shalt  }
0x79: {  	_ =	shalt  }
0x7a: {  	_ =	shalt  }
0x7b: {  	_ =	shalt  }
0x7c: {  	_ =	shalt  }
0x7d: {  	_ =	shalt  }
0x7e: {  	_ =	shalt  }
0x7f: {  	_ =	shalt  }
0x80: {  	_ =	shalt  }
0x81: {  	_ =	shalt  }
0x82: {  	_ =	shalt  }
0x83: {  	_ =	shalt  }
0x84: {  	_ =	shalt  }
0x85: {  	_ =	shalt  }
0x86: {  	_ =	shalt  }
0x87: {  	_ =	shalt  }
.Lfunc_end0:
.L_simem_size_0:
called_computation.2_lowered:
.L_overlay_start_0:
0x88: {  	s2 =	sld [smem:$0x3FD9]  }
0x89: {  	s3 =	sld [smem:$0x3FFE];
	_ =	sdelay $0x1  }
0x8a: {  	s1 =	srdreg.scid  }
0x8b: {  	s0 =	sand.u32 $0x1, s1  }
0x8c: {  	s17 =	sshll.u32 s0, $0xA;
	s2 =	sadd.s32 s3, s2  }
0x8d: {  	s2 =	sadd.s32 s2, s17  }
0x8e: {  	[smem:$0x3FB3] =	sst s2  }
0x8f: {  	_ = 	snop  }
0x90: {  	(tm) =	ssettm $0x1  }
0x91: {  	s18 =	sld [smem:$0x3FFB];
	_ =	sdelay $0x3  }
0x92: {  	_ =	strace s18  }
0x93: {  	s2 =	sld [smem:$0x3FFC];
	_ =	sdelay $0x3  }
0x94: {  	_ =	strace s2  }
0x95: {  	s2 =	sld [smem:$0x3FFD];
	_ =	sdelay $0x3  }
0x96: {  	_ =	strace s2  }
0x97: {  	_ =	strace $0x8FFFFFFF  }
0x98: {  	s19 =	sld [smem:$0x3FDB];
	_ =	sdelay $0x1  }
0x99: {  	s20 =	simm.s32 $_scs_section_size  }
0x9a: {  	s4 =	simm.s32 $_size__tile_overlayer_lowered;
	s5 =	simm.s32 $_tile_overlayer_lowered  }
0x9b: {  	s6 =	simm.s32 $0x1BFF;
	s21 =	sshll.u32 s5, $0x1;
	s3 =	sadd.s32 s20, s19  }
0x9c: {  	s22 =	simm.s32 $0x0;
	s4 =	sshll.u32 s4, $0x1;
	s5 =	sadd.s32 s21, s3  }
0x9d: {  	[timem:s22], [sflag:s6] =	dma.local [hbm:s5], s4  }
0x9e: {  	_ =	swait.ge [sflag:s6], s4  }
0x9f: {  	s4 =	ssub.s32 $0x0, s4;
	[sflag:s6] =	ssyncset.done $0x0  }
0xa0: {  	[sflag:s6] =	ssyncadd.s32 s4;
	_ =	sdelay $0x1  }
0xa1: {  	s23 =	simm.s32 $0x1B8B  }
0xa2: {  	_ =	swait.ge [sflag:s23], $0x1  }
0xa3: {  	[sflag:s23] =	ssyncset.done $0x0  }
0xa4: {  	[sflag:s23] =	ssyncadd.s32 $0xFFFFFFFF  }
0xa5: {  	s4 =	sld [smem:$0x0]  }
0xa6: {  	s5 =	sand.u32 $0xFFFFFFFE, s1  }
0xa7: {  	p0 =	sne.s32 s1, s5  }
0xa8: {  	s5 =	sshll.u32 @p0 s5, $0xE  }
0xa9: {  	s5 =	sadd.s32 @p0 $0x11B8D, s5;
	s6 =	sshll.u32 @p0 s4, $0x11  }
0xaa: {  	s5 =	sor.u32 @p0 s6, s5  }
0xab: {  	[sflag:s5] =	ssyncadd.remote.s32 @p0 $0x1;
	_ =	sdelay $0x1  }
0xac: {  	s5 =	simm.s32 @p0 $0x1B8D  }
0xad: {  	_ =	swait.eq @p0 [sflag:s5], $0x1  }
0xae: {  	[sflag:s5] =	ssyncadd.s32 @p0 $0xFFFFFFFF  }
0xaf: {  	s6 =	sshll.u32 @!p0 s1, $0xE  }
0xb0: {  	s6 =	sor.u32 @!p0 $0x4000, s6;
	s5 =	simm.s32 @!p0 $0x1B8D  }
0xb1: {  	s4 =	sshll.u32 @!p0 s4, $0x11;
	s6 =	sadd.s32 @!p0 $0x11B8D, s6;
	_ =	swait.eq @!p0 [sflag:s5], $0x1  }
0xb2: {  	s4 =	sor.u32 @!p0 s4, s6;
	[sflag:s5] =	ssyncadd.s32 @!p0 $0xFFFFFFFF  }
0xb3: {  	s25 =	simm.s32 $0x1B8E;
	s24 =	sld [smem:$0x3FFE];
	[sflag:s4] =	ssyncadd.remote.s32 @!p0 $0x1  }
0xb4: {  	s26 =	simm.s32 $execute0_lowered;
	[smem:$0x3FD2] =	sst s25  }
0xb5: {  	s5 =	sshll.u32 s26, $0x1;
	_ =	strace $0x8000004C;
	[dreg:$0x1] =	wrdreg $0xFFFFFFFF  }
0xb6: {  	s28 =	simm.s32 $_size_execute0_lowered;
	s3 =	sadd.s32 s3, s5;
	[dreg:$0x0] =	wrdreg $0x0  }
0xb7: {  	s5 =	sshll.u32 s28, $0x1;
	[dreg:$0x2] =	wrdreg s3  }
0xb8: {  	[dreg:$0x3] =	wrdreg s5  }
0xb9: {  	[dreg:$0x4] =	wrdreg $0xC0  }
0xba: {  	_ =	task [dreg:s22], $0x5FFFF  }
0xbb: {  	[dreg:$0x1] =	wrdreg $0xFFFFFFFF  }
0xbc: {  	[dreg:$0x0] =	wrdreg $0x60  }
0xbd: {  	[dreg:$0x2] =	wrdreg s24  }
0xbe: {  	[dreg:$0x3] =	wrdreg $0xB  }
0xbf: {  	_ =	task.clear_ibuf [dreg:s22], $0x4FFFF;
	_ =	strace $0x9000004C  }
0xc0: {  	s29 =	simm.s32 $0xB;
	_ =	strace $0x8000004E  }
0xc1: {  	_ =	swait.ge [sflag:s29], $0x1  }
0xc2: {  	[sflag:s29] =	ssyncadd.s32 $0xFFFFFFFF  }
0xc3: {  	_ =	strace $0x9000004E  }
0xc4: {  	_ =	sfence  }
0xc5: {  	s30 =	sld [smem:$0x0];
	_ =	sdelay $0x2  }
0xc6: {  	s31 =	sshll.u32 s1, $0xD;
	s1 =	sshrl.u32 s1, $0x2  }
0xc7: {  	s4 =	sand.u32 $0x4000, s31;
	s1 =	sadd.s32 s1, s30  }
0xc8: {  	s0 =	sor.u32 s4, s0;
	s1 =	sshll.u32 s1, $0x11  }
0xc9: {  	s0 =	sor.u32 s1, s0  }
0xca: {  	s0 =	sadd.s32 $0x8F2B, s0  }
0xcb: {  	[sflag:s0] =	ssyncadd.remote.s32 $0x1  }
0xcc: {  	_ =	sfence.sel $0xFFFF  }
0xcd: {  	[dreg:$0x0] =	wrdreg $0xFFFFFFFF;
	(pc) =	sbr.abs _section_cstart, $3  }
0xce: {  	[dreg:$0x1] =	wrdreg $0xFFFFFFFF  }
0xcf: {  	_ =	task.clear_ibuf [dreg:s22], $0x2FFFF;
	_ =	strace $0x9FFFFFFF  }
0xd0: {  	(tm) =	ssettm $0x7FFFFFFF  }
0xd1: {  	_ =	shalt  }
tec
execute0_lowered:
.L_overlay_start_1:
0x0: {  	(tag) =	ssettag $0x1  }
0x1: {  	s1 =	srdreg.scid;
	s0 =	stileid.u32  }
0x2: {  	s6 =	rddreg [dreg:$0x0];
	s2 =	simm.s32 $0x0;
	s14 =	simm.s32 $0x1  }
0x3: {  	s15 =	simm.s32 $0x4100;
	s16 =	simm.s32 $0x2;
	s9 =	smul.u32 $0x51000, s0  }
0x4: {  	s17 =	simm.s32 $0x0;
	s5 =	sand.u32 $0x1, s1;
	s11 =	smul.u32 $0x5100, s0  }
0x5: {  	s26 =	sshll.u32 s0, $0x1;
	s1 =	rddreg [dreg:$0x1];
	s13 =	smul.u32 $0x2880, s5  }
0x6: {  	[smem:$0x7FF] =	sst s2;
	s3 =	sor.u32 s5, s26;
	s28 =	smul.u32 $0x28800, s5  }
0x7: {  	s4 =	sadd.s32 $0x43400, s6;
	s10 =	ssub.s32 $0x2, s5;
	s7 =	smul.u32 $0x2880, s3  }
0x8: {  	_ =	strace $0x8000004D;
	s8 =	smul.u32 $0x28800, s3;
	s12 =	sshrl.u32 s10, $0x1  }
0x9: {  	s3 =	sadd.s32 $0x9D600, s6;
	s6 =	sadd.s32 $0x1045600, s6;
	s10 =	ssub.s32 s10, s12  }
0xa: {  	s29 =	sadd.s32 s9, s6;
	s11 =	sadd.s32 s13, s11;
	s12 =	simm.s32 $0x80  }
0xb: {  	s13 =	simm.s32 $0x100;
	s7 =	sshrl.u32 s7, $0x3;
	s6 =	sadd.s32 s6, s8  }
0xc: {  	s30 =	sadd.s32 s28, s29;
	s31 =	sadd.s32 $0x80, s11;
	s5 =	sadd.s32 s4, s7  }
0xd: {  	s7 =	smax.u32 s10, $0x1;
	s8 =	sadd.s32 $0x800, s30;
	s9 =	sshrl.u32 s31, $0x3  }
0xe: {  	s10 =	sadd.s32 $0x100, s11;
	s11 =	simm.s32 $0x3;
	s9 =	sadd.s32 s9, s4  }
.LBB2_1:
0xf: {  	[tilespmem:s2], [sflag:$0x3] =	stream.linear.gather [hbm4b:s5+s2], $0x80, $0x38;
	[tilespmem:$0x8100] =	vst v63  }
0x10: {  	_ =	swait.ge [sflag:s11], $0x80  }
0x11: {  	[sflag:s11] =	ssyncset.done $0x0  }
0x12: {  	[sflag:s11] =	ssyncadd.s32 $0xFFFFFF80  }
0x13: {  	[tilespmem:s13], [sflag:$0x1] =	stream.indirect.gather [hbm4b:s3+s12], $0x80, s2, s12, $0xb8;
	[tilespmem:$0x8100] =	vst v63  }
0x14: {  	_ =	swait.ge [sflag:s14], $0x4000  }
0x15: {  	[sflag:s14] =	ssyncset.done $0x0  }
0x16: {  	[sflag:s14] =	ssyncadd.s32 $0xFFFFC000  }
0x17: {  	[hbm4b:s6+s2] =	stream.linear.scatter [tilespmem:s13], [sflag:$0x3], $0x4000, $0x38;
	[tilespmem:$0x8100] =	vst v63  }
0x18: {  	_ =	swait.ge [sflag:s11], $0x4000  }
0x19: {  	[sflag:s11] =	ssyncset.done $0x0  }
0x1a: {  	s18 =	sadd.s32 $0x0, s9;
	[sflag:s11] =	ssyncadd.s32 $0xFFFFC000  }
0x1b: {  	[tilespmem:s2], [sflag:$0x3] =	stream.linear.gather [hbm4b:s18+s2], $0x80, $0x38;
	[tilespmem:$0x8100] =	vst v63  }
0x1c: {  	_ =	swait.ge [sflag:s11], $0x80  }
0x1d: {  	[sflag:s11] =	ssyncset.done $0x0  }
0x1e: {  	s30 =	sshrl.u32 s10, $0x3;
	[sflag:s11] =	ssyncadd.s32 $0xFFFFFF80  }
0x1f: {  	[tilespmem:s13], [sflag:$0x1] =	stream.indirect.gather [hbm4b:s3+s12], $0x80, s2, s12, $0xb8;
	[tilespmem:$0x8100] =	vst v63  }
0x20: {  	s18 =	sadd.s32 s4, s30  }
0x21: {  	[tilespmem:s12], [sflag:$0x3] =	stream.linear.gather [hbm4b:s18+s2], $0x80, $0x38;
	[tilespmem:$0x8100] =	vst v63  }
0x22: {  	_ =	swait.ge [sflag:s11], $0x80  }
0x23: {  	[sflag:s11] =	ssyncset.done $0x0  }
0x24: {  	[sflag:s11] =	ssyncadd.s32 $0xFFFFFF80  }
0x25: {  	[tilespmem:s15], [sflag:$0x2] =	stream.indirect.gather [hbm4b:s3+s12], $0x80, s12, s12, $0xb8;
	[tilespmem:$0x8100] =	vst v63  }
0x26: {  	_ =	swait.ge [sflag:s14], $0x4000  }
0x27: {  	[sflag:s14] =	ssyncset.done $0x0  }
0x28: {  	[sflag:s14] =	ssyncadd.s32 $0xFFFFC000  }
0x29: {  	[hbm4b:s8+s2] =	stream.linear.scatter [tilespmem:s13], [sflag:$0x3], $0x4000, $0x38;
	[tilespmem:$0x8100] =	vst v63  }
0x2a: {  	_ =	swait.ge [sflag:s11], $0x4000  }
0x2b: {  	[sflag:s11] =	ssyncset.done $0x0  }
0x2c: {  	[sflag:s11] =	ssyncadd.s32 $0xFFFFC000  }
0x2d: {  	_ =	swait.ge [sflag:s16], $0x4000  }
0x2e: {  	[sflag:s16] =	ssyncset.done $0x0  }
0x2f: {  	s31 =	sadd.s32 $0x800, s8;
	[sflag:s16] =	ssyncadd.s32 $0xFFFFC000  }
0x30: {  	[hbm4b:s31+s2] =	stream.linear.scatter [tilespmem:s15], [sflag:$0x3], $0x4000, $0x38;
	[tilespmem:$0x8100] =	vst v63  }
0x31: {  	s20 =	simm.s32 $0x20;
	s21 =	simm.s32 $0x40;
	_ =	swait.ge [sflag:s11], $0x4000  }
0x32: {  	s19 =	sadd.s32 $0x100, s10;
	s18 =	sadd.s32 $0x1000, s8;
	[sflag:s11] =	ssyncset.done $0x0  }
.LBB2_2:
0x33: {  	s22 =	sadd.s32 s20, s9  }
0x34: {  	[sflag:s11] =	ssyncadd.s32 $0xFFFFC000;
	s20 =	smov.u32 s21;
	s23 =	sadd.s32 $0x20, s21  }
0x35: {  	[tilespmem:s2], [sflag:$0x3] =	stream.linear.gather [hbm4b:s22+s2], $0x80, $0x38;
	[tilespmem:$0x8100] =	vst v63  }
0x36: {  	p0 =	sne.s32 s21, $0x4E0;
	_ =	swait.ge [sflag:s11], $0x80  }
0x37: {  	[sflag:s11] =	ssyncset.done $0x0  }
0x38: {  	s21 =	sshrl.u32 s19, $0x3;
	[sflag:s11] =	ssyncadd.s32 $0xFFFFFF80  }
0x39: {  	[tilespmem:s13], [sflag:$0x1] =	stream.indirect.gather [hbm4b:s3+s12], $0x80, s2, s12, $0xb8;
	[tilespmem:$0x8100] =	vst v63  }
0x3a: {  	s21 =	sadd.s32 s4, s21  }
0x3b: {  	[tilespmem:s12], [sflag:$0x3] =	stream.linear.gather [hbm4b:s21+s2], $0x80, $0x38;
	[tilespmem:$0x8100] =	vst v63  }
0x3c: {  	_ =	swait.ge [sflag:s11], $0x80  }
0x3d: {  	[sflag:s11] =	ssyncset.done $0x0  }
0x3e: {  	[sflag:s11] =	ssyncadd.s32 $0xFFFFFF80  }
0x3f: {  	[tilespmem:s15], [sflag:$0x2] =	stream.indirect.gather [hbm4b:s3+s12], $0x80, s12, s12, $0xb8;
	[tilespmem:$0x8100] =	vst v63  }
0x40: {  	_ =	swait.ge [sflag:s14], $0x4000  }
0x41: {  	[sflag:s14] =	ssyncset.done $0x0  }
0x42: {  	[sflag:s14] =	ssyncadd.s32 $0xFFFFC000  }
0x43: {  	[hbm4b:s18+s2] =	stream.linear.scatter [tilespmem:s13], [sflag:$0x3], $0x4000, $0x38;
	[tilespmem:$0x8100] =	vst v63  }
0x44: {  	_ =	swait.ge [sflag:s11], $0x4000  }
0x45: {  	[sflag:s11] =	ssyncset.done $0x0  }
0x46: {  	[sflag:s11] =	ssyncadd.s32 $0xFFFFC000  }
0x47: {  	_ =	swait.ge [sflag:s16], $0x4000  }
.Ltmp0:
0x48: {  	[sflag:s16] =	ssyncset.done $0x0;
	(pc) =	sbr.rel @p0 .LBB2_2-.Ltmp0, $4  }
0x49: {  	s21 =	sadd.s32 $0x800, s18;
	[sflag:s16] =	ssyncadd.s32 $0xFFFFC000  }
0x4a: {  	[hbm4b:s21+s2] =	stream.linear.scatter [tilespmem:s15], [sflag:$0x3], $0x4000, $0x38;
	[tilespmem:$0x8100] =	vst v63  }
0x4b: {  	s19 =	sadd.s32 $0x100, s19;
	_ =	swait.ge [sflag:s11], $0x4000  }
0x4c: {  	s18 =	sadd.s32 $0x1000, s18;
	s21 =	smov.u32 s23;
	[sflag:s11] =	ssyncset.done $0x0  }
0x4d: {  	s20 =	sadd.s32 s20, s9;
	[sflag:s11] =	ssyncadd.s32 $0xFFFFC000  }
0x4e: {  	[tilespmem:s2], [sflag:$0x3] =	stream.linear.gather [hbm4b:s20+s2], $0x80, $0x38;
	[tilespmem:$0x8100] =	vst v63  }
0x4f: {  	_ =	swait.ge [sflag:s11], $0x80  }
0x50: {  	[sflag:s11] =	ssyncset.done $0x0  }
0x51: {  	s19 =	sshrl.u32 s19, $0x3;
	[sflag:s11] =	ssyncadd.s32 $0xFFFFFF80  }
0x52: {  	[tilespmem:s13], [sflag:$0x1] =	stream.indirect.gather [hbm4b:s3+s12], $0x80, s2, s12, $0xb8;
	[tilespmem:$0x8100] =	vst v63  }
0x53: {  	s19 =	sadd.s32 s4, s19  }
0x54: {  	[tilespmem:s12], [sflag:$0x3] =	stream.linear.gather [hbm4b:s19+s2], $0x80, $0x38;
	[tilespmem:$0x8100] =	vst v63  }
0x55: {  	_ =	swait.ge [sflag:s11], $0x80  }
0x56: {  	[sflag:s11] =	ssyncset.done $0x0  }
0x57: {  	[sflag:s11] =	ssyncadd.s32 $0xFFFFFF80  }
0x58: {  	[tilespmem:s15], [sflag:$0x2] =	stream.indirect.gather [hbm4b:s3+s12], $0x80, s12, s12, $0xb8;
	[tilespmem:$0x8100] =	vst v63  }
0x59: {  	_ =	swait.ge [sflag:s14], $0x4000  }
0x5a: {  	[sflag:s14] =	ssyncset.done $0x0  }
0x5b: {  	[sflag:s14] =	ssyncadd.s32 $0xFFFFC000  }
0x5c: {  	[hbm4b:s18+s2] =	stream.linear.scatter [tilespmem:s13], [sflag:$0x3], $0x4000, $0x38;
	[tilespmem:$0x8100] =	vst v63  }
0x5d: {  	_ =	swait.ge [sflag:s11], $0x4000  }
0x5e: {  	[sflag:s11] =	ssyncset.done $0x0  }
0x5f: {  	[sflag:s11] =	ssyncadd.s32 $0xFFFFC000  }
0x60: {  	s17 =	sadd.s32 $0x1, s17;
	_ =	swait.ge [sflag:s16], $0x4000  }
0x61: {  	p0 =	sne.s32 s17, s7;
	[sflag:s16] =	ssyncset.done $0x0  }
.Ltmp1:
0x62: {  	s31 =	sadd.s32 $0x800, s18;
	[sflag:s16] =	ssyncadd.s32 $0xFFFFC000;
	(pc) =	sbr.rel @p0 .LBB2_1-.Ltmp1, $4  }
0x63: {  	[hbm4b:s31+s2] =	stream.linear.scatter [tilespmem:s15], [sflag:$0x3], $0x4000, $0x38;
	[tilespmem:$0x8100] =	vst v63  }
0x64: {  	_ =	swait.ge [sflag:s11], $0x4000  }
0x65: {  	[sflag:s11] =	ssyncset.done $0x0  }
0x66: {  	[sflag:s11] =	ssyncadd.s32 $0xFFFFC000  }
0x67: {  	_ =	sfence.sel $0x180000  }
0x68: {  	[bflag:$0x0] =	sbarrier.arrive $0xFFFF  }
0x69: {  	p0 =	sne.s32 s0, $0x0;
	_ =	strace $0x9000004D  }
0x6a: {  	s0 =	sadd.s32 @!p0 $0x100000, s1;
	[bflag:$0x2] =	sbarrier.arrive $0xFFFF  }
0x6b: {  	[sflag:s0] =	ssyncadd.tile.s32 @!p0 $0x1;
	_ =	shalt  }
.Lfunc_end2:
_tile_overlayer_lowered:
.L_overlay_start_2:
0x6c: {  	(tag) =	ssettag $0x2  }
0x6d: {  	s0 =	rddreg [dreg:$0x0];
	s2 =	stileid.u32  }
0x6e: {  	s1 =	rddreg [dreg:$0x1];
	p0 =	sne.s32 s2, $0x0  }
0x6f: {  	s3 =	rddreg [dreg:$0x2];
	[bflag:$0x3] =	sbarrier.arrive $0xFFFF;
	s2 =	simm.s32 @!p0 $0x1C03  }
0x70: {  	[timem:s3], [sflag:s2] =	dma.local @!p0 [hbm:s0], s1  }
0x71: {  	s0 =	simm.s32 @!p0 $0x3  }
0x72: {  	_ =	swait.ge @!p0 [sflag:s0], s1  }
0x73: {  	s1 =	ssub.s32 @!p0 $0x0, s1;
	[sflag:s0] =	ssyncset.done @!p0 $0x0  }
0x74: {  	[sflag:s0] =	ssyncadd.s32 @!p0 s1  }
0x75: {  	[bflag:$0x3] =	sbarrier.arrive $0xFFFF  }
0x76: {  	_ =	shalt  }

// kernel: kernel.24.cloned.1.call-start
scs
__scs_entry_jumppad:
0x0: {  	(pc) =	sbr.rel $0x88, $3  }
0x1: {  	(tag) =	ssettag $0x0;
	lr =	simm.s32 $0x1  }
0x2: {  	[smem:$0x3F8C] =	sst lr;
	_ =	strace $0xD0000000  }
0x3: {  	_ = 	snop  }
0x4: {  	_ = 	snop  }
0x5: {  	_ = 	snop  }
0x6: {  	_ = 	snop  }
0x7: {  	_ = 	snop  }
__scs_overlays_trampoline_lowered:
0x8: {  	[smem:$0x3F9B] =	sst s0  }
0x9: {  	[smem:$0x3F9C] =	sst s1  }
0xa: {  	[smem:$0x3F9D] =	sst s2  }
0xb: {  	[smem:$0x3F9E] =	sst s3  }
0xc: {  	[smem:$0x3F9F] =	sst s4  }
0xd: {  	[smem:$0x3FA0] =	sst s5  }
0xe: {  	[smem:$0x3FA1] =	sst s6  }
0xf: {  	[smem:$0x3FA2] =	sst s7  }
0x10: {  	[smem:$0x3FA3] =	sst s8  }
0x11: {  	[smem:$0x3FA4] =	sst s9;
	s0 =	simm.s32 @!p0 $0x0  }
0x12: {  	s1 =	sld [smem:$0x3F8A];
	s0 =	simm.s32 @p0 $0x1  }
0x13: {  	[smem:$0x3FA5] =	sst s0;
	s0 =	simm.s32 @!p1 $0x0  }
0x14: {  	s2 =	sld [smem:$0x3F89];
	s0 =	simm.s32 @p1 $0x1  }
0x15: {  	[smem:$0x3FA6] =	sst s0;
	s0 =	simm.s32 @!p2 $0x0  }
0x16: {  	s3 =	sld [smem:$0x3FDB];
	s0 =	simm.s32 @p2 $0x1  }
0x17: {  	s4 =	simm.s32 $0x1BF5;
	[smem:$0x3FA8] =	sst s0  }
0x18: {  	s0 =	sld [smem:$0x3F8B];
	_ =	swait.ge [sflag:s4], $0x0  }
0x19: {  	s7 =	sld [smem:$0x3F8C]  }
0x1a: {  	s8 =	sadd.s32 $0xFFFFE003, lr  }
0x1b: {  	s9 =	sadd.s32 $0xFFFFFEF7, lr;
	s5 =	simm.s32 $0xFFFFFFFF;
	p2 =	slt.u32 s8, $0xFFFFF086  }
0x1c: {  	p1 =	slt.u32 s9, $0xF7A;
	s5 =	simm.s32 @!p2 $0x0  }
0x1d: {  	s5 =	simm.s32 @p1 $0x1;
	p0 =	seq.s32 s7, s2  }
0x1e: {  	s7 =	smul.u32 @!p0 $0xF7A, s2;
	p2 =	seq.s32 @!p0 s5, $0x0  }
0x1f: {  	s9 =	smul.u32 $0xF7A, s1;
	s8 =	simm.s32 @!p0 $0x1BF5;
	p2 =	por !p2, p0  }
0x20: {  	[sflag:s8] =	ssyncset.s32 @!p0 $0xFFFFF086;
	s6 =	sadd.s32 @!p0 s3, s7;
	s7 =	simm.s32 @!p0 $0x108  }
0x21: {  	s3 =	sadd.s32 s3, s9;
	s6 =	sadd.s32 @!p0 $0x88, s6;
	s7 =	simm.s32 @p2 $0x1082  }
0x22: {  	[simem:s7], [sflag:s8] =	dma.local @!p0 [hbm:s6], $0xF7A  }
0x23: {  	s9 =	sor.u32 $0xD0000000, s2;
	s6 =	simm.s32 $0x108;
	_ =	swait.ge @!p0 [sflag:s8], $0x0  }
0x24: {  	s3 =	sadd.s32 $0x88, s3;
	s6 =	simm.s32 @!p1 $0x1082;
	[sflag:s4] =	ssyncset.s32 $0xFFFFF086  }
0x25: {  	[simem:s6], [sflag:s4] =	dma.local [hbm:s3], $0xF7A  }
0x26: {  	[smem:$0x3F8C] =	sst s1;
	(tag) =	ssettag s2;
	_ =	strace s9  }
0x27: {  	s1 =	sld [smem:$0x3F9C]  }
0x28: {  	s2 =	sld [smem:$0x3F9D]  }
0x29: {  	s4 =	sld [smem:$0x3F9F]  }
0x2a: {  	p0 =	seq.s32 s5, $0x0;
	s5 =	sld [smem:$0x3FA0]  }
0x2b: {  	s6 =	sld [smem:$0x3FA1]  }
0x2c: {  	s7 =	sld [smem:$0x3FA2]  }
0x2d: {  	s3 =	simm.s32 $0x108;
	s8 =	sld [smem:$0x3FA3]  }
0x2e: {  	s3 =	simm.s32 @!p0 $0x1082;
	s9 =	sld [smem:$0x3FA4]  }
0x2f: {  	lr =	sadd.s32 s0, s3;
	s0 =	sld [smem:$0x3F9B]  }
0x30: {  	s3 =	sld [smem:$0x3F9E]  }
0x31: {  	[smem:$0x3FA7] =	sst s10  }
0x32: {  	s10 =	sld [smem:$0x3FA5];
	_ =	sdelay $0x3  }
0x33: {  	p0 =	seq.s32 s10, $0x1;
	s10 =	sld [smem:$0x3FA7];
	_ =	sdelay $0x3  }
0x34: {  	[smem:$0x3FA7] =	sst s10  }
0x35: {  	s10 =	sld [smem:$0x3FA6];
	_ =	sdelay $0x3  }
0x36: {  	p1 =	seq.s32 s10, $0x1;
	s10 =	sld [smem:$0x3FA7];
	_ =	sdelay $0x3  }
0x37: {  	[smem:$0x3FA7] =	sst s10  }
0x38: {  	s10 =	sld [smem:$0x3FA8]  }
0x39: {  	_ = 	snop;
	(pc) =	sbr.ind lr, $3  }
0x3a: {  	_ = 	snop  }
0x3b: {  	_ = 	snop  }
0x3c: {  	p2 =	seq.s32 s10, $0x1;
	s10 =	sld [smem:$0x3FA7]  }
0x3d: {  	_ =	shalt  }
0x3e: {  	_ =	shalt  }
0x3f: {  	_ =	shalt  }
0x40: {  	_ =	shalt  }
0x41: {  	_ =	shalt  }
0x42: {  	_ =	shalt  }
0x43: {  	_ =	shalt  }
0x44: {  	_ =	shalt  }
0x45: {  	_ =	shalt  }
0x46: {  	_ =	shalt  }
0x47: {  	_ =	shalt  }
0x48: {  	_ =	shalt  }
0x49: {  	_ =	shalt  }
0x4a: {  	_ =	shalt  }
0x4b: {  	_ =	shalt  }
0x4c: {  	_ =	shalt  }
0x4d: {  	_ =	shalt  }
0x4e: {  	_ =	shalt  }
0x4f: {  	_ =	shalt  }
0x50: {  	_ =	shalt  }
0x51: {  	_ =	shalt  }
0x52: {  	_ =	shalt  }
0x53: {  	_ =	shalt  }
0x54: {  	_ =	shalt  }
0x55: {  	_ =	shalt  }
0x56: {  	_ =	shalt  }
0x57: {  	_ =	shalt  }
0x58: {  	_ =	shalt  }
0x59: {  	_ =	shalt  }
0x5a: {  	_ =	shalt  }
0x5b: {  	_ =	shalt  }
0x5c: {  	_ =	shalt  }
0x5d: {  	_ =	shalt  }
0x5e: {  	_ =	shalt  }
0x5f: {  	_ =	shalt  }
0x60: {  	_ =	shalt  }
0x61: {  	_ =	shalt  }
0x62: {  	_ =	shalt  }
0x63: {  	_ =	shalt  }
0x64: {  	_ =	shalt  }
0x65: {  	_ =	shalt  }
0x66: {  	_ =	shalt  }
0x67: {  	_ =	shalt  }
0x68: {  	_ =	shalt  }
0x69: {  	_ =	shalt  }
0x6a: {  	_ =	shalt  }
0x6b: {  	_ =	shalt  }
0x6c: {  	_ =	shalt  }
0x6d: {  	_ =	shalt  }
0x6e: {  	_ =	shalt  }
0x6f: {  	_ =	shalt  }
0x70: {  	_ =	shalt  }
0x71: {  	_ =	shalt  }
0x72: {  	_ =	shalt  }
0x73: {  	_ =	shalt  }
0x74: {  	_ =	shalt  }
0x75: {  	_ =	shalt  }
0x76: {  	_ =	shalt  }
0x77: {  	_ =	shalt  }
0x78: {  	_ =	shalt  }
0x79: {  	_ =	shalt  }
0x7a: {  	_ =	shalt  }
0x7b: {  	_ =	shalt  }
0x7c: {  	_ =	shalt  }
0x7d: {  	_ =	shalt  }
0x7e: {  	_ =	shalt  }
0x7f: {  	_ =	shalt  }
0x80: {  	_ =	shalt  }
0x81: {  	_ =	shalt  }
0x82: {  	_ =	shalt  }
0x83: {  	_ =	shalt  }
0x84: {  	_ =	shalt  }
0x85: {  	_ =	shalt  }
0x86: {  	_ =	shalt  }
0x87: {  	_ =	shalt  }
.Lfunc_end0:
.L_simem_size_0:
called_computation.3_lowered:
.L_overlay_start_0:
0x88: {  	s2 =	sld [smem:$0x3FD9]  }
0x89: {  	s3 =	sld [smem:$0x3FFE];
	_ =	sdelay $0x1  }
0x8a: {  	s1 =	srdreg.scid  }
0x8b: {  	s0 =	sand.u32 $0x1, s1  }
0x8c: {  	s14 =	sshll.u32 s0, $0xA;
	s2 =	sadd.s32 s3, s2  }
0x8d: {  	s2 =	sadd.s32 s2, s14  }
0x8e: {  	[smem:$0x3FB3] =	sst s2  }
0x8f: {  	_ = 	snop  }
0x90: {  	s2 =	sld [smem:$0x3FD0];
	_ =	sdelay $0x2  }
0x91: {  	s15 =	simm.s32 $0xC;
	s4 =	simm.s32 $0x10  }
0x92: {  	[smem:s4], [sflag:s15] =	dma.local [hbm:s2], $0x1  }
0x93: {  	_ =	swait.eq [sflag:s15], $0x1  }
0x94: {  	[sflag:s15] =	ssyncset.done $0x0  }
0x95: {  	[sflag:s15] =	ssyncadd.s32 $0xFFFFFFFF  }
0x96: {  	s16 =	sld [smem:$0x10];
	(tm) =	ssettm $0x1  }
0x97: {  	s17 =	sld [smem:$0x3FFB];
	_ =	sdelay $0x3  }
0x98: {  	_ =	strace s17  }
0x99: {  	s3 =	sld [smem:$0x3FFC];
	_ =	sdelay $0x3  }
0x9a: {  	_ =	strace s3  }
0x9b: {  	s3 =	sld [smem:$0x3FFD];
	_ =	sdelay $0x3  }
0x9c: {  	_ =	strace s3  }
0x9d: {  	_ =	strace $0x8FFFFFFF  }
0x9e: {  	s18 =	sld [smem:$0x3FDB];
	_ =	sdelay $0x1  }
0x9f: {  	s19 =	simm.s32 $_scs_section_size  }
0xa0: {  	s5 =	simm.s32 $_size__tile_overlayer_lowered;
	s6 =	simm.s32 $_tile_overlayer_lowered  }
0xa1: {  	s22 =	simm.s32 $0x1BFF;
	s21 =	sshll.u32 s6, $0x1;
	s3 =	sadd.s32 s19, s18  }
0xa2: {  	s7 =	simm.s32 $0x0;
	s20 =	sshll.u32 s5, $0x1;
	s5 =	sadd.s32 s21, s3  }
0xa3: {  	[timem:s7], [sflag:s22] =	dma.local [hbm:s5], s20  }
0xa4: {  	_ =	swait.ge [sflag:s22], s20  }
0xa5: {  	s4 =	ssub.s32 $0x0, s20;
	[sflag:s22] =	ssyncset.done $0x0  }
0xa6: {  	[sflag:s22] =	ssyncadd.s32 s4;
	_ =	sdelay $0x1  }
0xa7: {  	s23 =	simm.s32 $0x1B8B  }
0xa8: {  	_ =	swait.ge [sflag:s23], $0x1  }
0xa9: {  	[sflag:s23] =	ssyncset.done $0x0  }
0xaa: {  	s25 =	simm.s32 $0x1B8E;
	s24 =	sld [smem:$0x3FFE];
	[sflag:s23] =	ssyncadd.s32 $0xFFFFFFFF  }
0xab: {  	s26 =	simm.s32 $execute0_lowered;
	[smem:$0x3FD2] =	sst s25  }
0xac: {  	s5 =	sshll.u32 s26, $0x1;
	_ =	strace $0x8000004F;
	[dreg:$0x1] =	wrdreg $0xFFFFFFFF  }
0xad: {  	s28 =	simm.s32 $_size_execute0_lowered;
	s3 =	sadd.s32 s3, s5;
	[dreg:$0x0] =	wrdreg $0x0  }
0xae: {  	s5 =	sshll.u32 s28, $0x1;
	[dreg:$0x2] =	wrdreg s3  }
0xaf: {  	[dreg:$0x3] =	wrdreg s5  }
0xb0: {  	[dreg:$0x4] =	wrdreg $0xC0  }
0xb1: {  	_ =	task [dreg:s7], $0x5FFFF  }
0xb2: {  	[dreg:$0x1] =	wrdreg $0xFFFFFFFF  }
0xb3: {  	[dreg:$0x0] =	wrdreg $0x60  }
0xb4: {  	[dreg:$0x2] =	wrdreg s24  }
0xb5: {  	[dreg:$0x3] =	wrdreg s16  }
0xb6: {  	[dreg:$0x4] =	wrdreg $0x40800  }
0xb7: {  	[dreg:$0x5] =	wrdreg $0x9  }
0xb8: {  	_ =	task.clear_ibuf [dreg:s7], $0x6FFFF;
	_ =	strace $0x9000004F  }
0xb9: {  	s29 =	simm.s32 $0x9;
	_ =	strace $0x80000051  }
0xba: {  	_ =	swait.ge [sflag:s29], $0x1  }
0xbb: {  	[sflag:s29] =	ssyncadd.s32 $0xFFFFFFFF  }
0xbc: {  	_ =	strace $0x90000051  }
0xbd: {  	_ =	sfence  }
0xbe: {  	s30 =	sld [smem:$0x0];
	_ =	sdelay $0x2  }
0xbf: {  	s31 =	sshll.u32 s1, $0xD;
	s1 =	sshrl.u32 s1, $0x2  }
0xc0: {  	s3 =	sand.u32 $0x4000, s31;
	s1 =	sadd.s32 s1, s30  }
0xc1: {  	s0 =	sor.u32 s3, s0;
	s1 =	sshll.u32 s1, $0x11  }
0xc2: {  	s0 =	sor.u32 s1, s0  }
0xc3: {  	s0 =	sadd.s32 $0x8F2B, s0  }
0xc4: {  	[sflag:s0] =	ssyncadd.remote.s32 $0x1  }
0xc5: {  	_ =	sfence.sel $0xFFFF  }
0xc6: {  	[dreg:$0x0] =	wrdreg $0xFFFFFFFF;
	(pc) =	sbr.abs _section_cstart, $3  }
0xc7: {  	[dreg:$0x1] =	wrdreg $0xFFFFFFFF  }
0xc8: {  	_ =	task.clear_ibuf [dreg:s7], $0x2FFFF;
	_ =	strace $0x9FFFFFFF  }
0xc9: {  	(tm) =	ssettm $0x7FFFFFFF  }
tec
execute0_lowered:
.L_overlay_start_1:
0x0: {  	(tag) =	ssettag $0x1  }
0x1: {  	s5 =	rddreg [dreg:$0x0]  }
0x2: {  	s14 =	rddreg [dreg:$0x1]  }
0x3: {  	s2 =	rddreg [dreg:$0x2]  }
0x4: {  	s0 =	rddreg [dreg:$0x3];
	s1 =	stileid.u32  }
0x5: {  	s3 =	simm.s32 $0x0;
	s4 =	srdreg.scid;
	s6 =	smul.u32 $0x51000, s1  }
0x6: {  	s20 =	simm.s32 $0x0;
	[smem:$0x7FF] =	sst s3;
	s8 =	smul.u32 $0x50000, s1  }
0x7: {  	s16 =	sand.u32 $0x1, s4;
	s4 =	sadd.s32 $0xA63400, s5;
	s17 =	smul.u32 $0xA20, s1  }
0x8: {  	s18 =	sshll.u32 s1, $0x6;
	_ =	strace $0x80000050;
	s7 =	ssub.s32 $0x2, s16  }
0x9: {  	p0 =	sne.s32 s16, $0x0;
	s16 =	simm.s32 $0x80;
	s18 =	sor.u32 $0x1C01, s18  }
0xa: {  	s15 =	sadd.s32 s6, s5;
	s30 =	sshrl.u32 s7, $0x1;
	s5 =	sadd.s32 $0xA8B400, s5  }
.Ltmp0:
0xb: {  	s31 =	sshrl.u32 s8, $0x2;
	s14 =	sadd.s32 s17, s14;
	(pc) =	sbr.rel .LBB2_1-.Ltmp0, $4  }
0xc: {  	s17 =	simm.s32 $0x1;
	s9 =	ssub.s32 s7, s30;
	s6 =	sadd.s32 s31, s2  }
0xd: {  	s7 =	smul.u32 $0x2800, s1;
	s13 =	sadd.s32 $0x43400, s15;
	s15 =	sadd.s32 $0x553400, s15  }
0xe: {  	s8 =	smax.u32 s9, $0x1;
	s9 =	sadd.s32 $0x4000, s6;
	s10 =	sadd.s32 $0x8000, s6  }
0xf: {  	v0 =	vimm.f32 $0.0e+00;
	s11 =	sadd.s32 $0xC000, s6;
	s12 =	sadd.s32 $0x10000, s6;
	s19 =	sshrl.u32 s6, $0x3  }
.LBB2_9:
0x10: {  	s22 =	sadd.s32 s22, s14;
	[sflag:s17] =	ssyncadd.s32 $0xFFFFC000  }
0x11: {  	[tilespmem:s3], [sflag:$0x1] =	stream.linear.gather [hbm4b:s22+s3], $0x80, $0x38;
	[tilespmem:$0x18080] =	vst v63  }
0x12: {  	_ =	swait.ge [sflag:s17], $0x80  }
0x13: {  	[sflag:s17] =	ssyncset.done $0x0  }
0x14: {  	[sflag:s17] =	ssyncadd.s32 $0xFFFFFF80  }
0x15: {  	[tilespmem:s16], [sflag:$0x1] =	stream.linear.gather [hbm4b:s21+s3], $0x4000, $0x38;
	[tilespmem:$0x18080] =	vst v63  }
0x16: {  	_ =	swait.ge [sflag:s17], $0x4000  }
0x17: {  	[sflag:s17] =	ssyncset.done $0x0  }
0x18: {  	[sflag:s17] =	ssyncadd.s32 $0xFFFFC000  }
0x19: {  	[spmem:s2] =	stream.indirect.scatter.add.f32 [tilespmem:s16], [sflag:$0x1], $0x80, s3, s16, $0xb8;
	[tilespmem:$0x18080] =	vst v63  }
0x1a: {  	_ =	swait.ge [sflag:s17], $0x4000  }
0x1b: {  	[sflag:s17] =	ssyncset.done $0x0  }
0x1c: {  	s21 =	smov.u32 s5;
	[sflag:s17] =	ssyncadd.s32 $0xFFFFC000  }
.LBB2_10:
0x1d: {  	s20 =	sadd.s32 $0x1, s20  }
0x1e: {  	p1 =	sne.s32 s20, s8  }
.Ltmp1:
0x1f: {  	s21 =	sadd.s32 s21, s7;
	[bflag:$0x0] =	sbarrier.arrive $0xFFFF;
	(pc) =	sbr.rel @!p1 .LBB2_11-.Ltmp1, $4  }
0x20: {  	[hbm:s21], [sflag:s18] =	dma.local [spmem:s19], $0x2800  }
0x21: {  	_ =	swait.ge [sflag:s17], $0x2800  }
0x22: {  	[sflag:s17] =	ssyncset.done $0x0  }
0x23: {  	[sflag:s17] =	ssyncadd.s32 $0xFFFFD800  }
.LBB2_1:
0x24: {  	s21 =	simm.s32 $0x0;
	s22 =	simm.s32 $0x200  }
.LBB2_2:
0x25: {  	p1 =	sne.s32 s22, $0xFE00;
	[tilespmem:s21+$0xF0] =	vst v0  }
0x26: {  	[tilespmem:s21+$0x80] =	vst v0  }
0x27: {  	[tilespmem:s21+$0x90] =	vst v0  }
.Ltmp2:
0x28: {  	[tilespmem:s21+$0xA0] =	vst v0;
	(pc) =	sbr.rel @p1 .LBB2_2-.Ltmp2, $4  }
0x29: {  	[tilespmem:s21+$0xB0] =	vst v0  }
0x2a: {  	[tilespmem:s21+$0xC0] =	vst v0  }
0x2b: {  	[tilespmem:s21+$0xD0] =	vst v0  }
0x2c: {  	[tilespmem:s21+$0xE0] =	vst v0;
	s21 =	sshra.s32 s22, $0x2;
	s22 =	sadd.s32 $0x200, s22  }
0x2d: {  	[tilespmem:s21+$0xF0] =	vst v0  }
0x2e: {  	[tilespmem:s21+$0x80] =	vst v0  }
0x2f: {  	[tilespmem:s21+$0x90] =	vst v0  }
0x30: {  	[tilespmem:s21+$0xA0] =	vst v0  }
0x31: {  	[tilespmem:s21+$0xB0] =	vst v0  }
0x32: {  	[tilespmem:s21+$0xC0] =	vst v0  }
0x33: {  	[tilespmem:s21+$0xD0] =	vst v0  }
0x34: {  	[tilespmem:s21+$0xE0] =	vst v0  }
0x35: {  	[spmem:s6] =	stream.linear.scatter [tilespmem:s16], [sflag:$0x1], $0x4000, $0x38;
	[tilespmem:$0x18080] =	vst v63  }
0x36: {  	_ =	swait.ge [sflag:s17], $0x4000  }
0x37: {  	[sflag:s17] =	ssyncset.done $0x0  }
0x38: {  	[sflag:s17] =	ssyncadd.s32 $0xFFFFC000  }
0x39: {  	[spmem:s9] =	stream.linear.scatter [tilespmem:s16], [sflag:$0x1], $0x4000, $0x38;
	[tilespmem:$0x18080] =	vst v63  }
0x3a: {  	_ =	swait.ge [sflag:s17], $0x4000  }
0x3b: {  	[sflag:s17] =	ssyncset.done $0x0  }
0x3c: {  	[sflag:s17] =	ssyncadd.s32 $0xFFFFC000  }
0x3d: {  	[spmem:s10] =	stream.linear.scatter [tilespmem:s16], [sflag:$0x1], $0x4000, $0x38;
	[tilespmem:$0x18080] =	vst v63  }
0x3e: {  	_ =	swait.ge [sflag:s17], $0x4000  }
0x3f: {  	[sflag:s17] =	ssyncset.done $0x0  }
0x40: {  	[sflag:s17] =	ssyncadd.s32 $0xFFFFC000  }
0x41: {  	[spmem:s11] =	stream.linear.scatter [tilespmem:s16], [sflag:$0x1], $0x4000, $0x38;
	[tilespmem:$0x18080] =	vst v63  }
0x42: {  	_ =	swait.ge [sflag:s17], $0x4000  }
0x43: {  	[sflag:s17] =	ssyncset.done $0x0  }
0x44: {  	[sflag:s17] =	ssyncadd.s32 $0xFFFFC000  }
0x45: {  	[spmem:s12] =	stream.linear.scatter [tilespmem:s16], [sflag:$0x1], $0x4000, $0x38;
	[tilespmem:$0x18080] =	vst v63  }
.Ltmp3:
0x46: {  	_ =	swait.ge [sflag:s17], $0x4000;
	(pc) =	sbr.rel @p0 .LBB2_7-.Ltmp3, $4  }
0x47: {  	[sflag:s17] =	ssyncset.done $0x0  }
0x48: {  	[sflag:s17] =	ssyncadd.s32 $0xFFFFC000  }
0x49: {  	[bflag:$0x0] =	sbarrier.arrive $0xFFFF  }
0x4a: {  	s21 =	sadd.s32 $0x0, s14  }
0x4b: {  	[tilespmem:s3], [sflag:$0x1] =	stream.linear.gather [hbm4b:s21+s3], $0x80, $0x38;
	[tilespmem:$0x18080] =	vst v63  }
0x4c: {  	_ =	swait.ge [sflag:s17], $0x80  }
0x4d: {  	[sflag:s17] =	ssyncset.done $0x0  }
0x4e: {  	[sflag:s17] =	ssyncadd.s32 $0xFFFFFF80  }
0x4f: {  	[tilespmem:s16], [sflag:$0x1] =	stream.linear.gather [hbm4b:s15+s3], $0x4000, $0x38;
	[tilespmem:$0x18080] =	vst v63  }
0x50: {  	_ =	swait.ge [sflag:s17], $0x4000  }
0x51: {  	[sflag:s17] =	ssyncset.done $0x0  }
0x52: {  	[sflag:s17] =	ssyncadd.s32 $0xFFFFC000  }
0x53: {  	[spmem:s2] =	stream.indirect.scatter.add.f32 [tilespmem:s16], [sflag:$0x1], $0x80, s3, s16, $0xb8;
	[tilespmem:$0x18080] =	vst v63  }
0x54: {  	s22 =	simm.s32 $0x10;
	_ =	swait.ge [sflag:s17], $0x4000  }
0x55: {  	s23 =	simm.s32 $0x20;
	s21 =	sadd.s32 $0x800, s15;
	[sflag:s17] =	ssyncset.done $0x0  }
.LBB2_5:
0x56: {  	s24 =	sadd.s32 s22, s14  }
0x57: {  	[sflag:s17] =	ssyncadd.s32 $0xFFFFC000;
	s22 =	smov.u32 s23;
	s25 =	sadd.s32 $0x10, s23  }
0x58: {  	[tilespmem:s3], [sflag:$0x1] =	stream.linear.gather [hbm4b:s24+s3], $0x80, $0x38;
	[tilespmem:$0x18080] =	vst v63  }
0x59: {  	p1 =	seq.s32 s23, $0xA10;
	_ =	swait.ge [sflag:s17], $0x80  }
0x5a: {  	[sflag:s17] =	ssyncset.done $0x0  }
0x5b: {  	[sflag:s17] =	ssyncadd.s32 $0xFFFFFF80  }
0x5c: {  	[tilespmem:s16], [sflag:$0x1] =	stream.linear.gather [hbm4b:s21+s3], $0x4000, $0x38;
	[tilespmem:$0x18080] =	vst v63  }
0x5d: {  	_ =	swait.ge [sflag:s17], $0x4000  }
.Ltmp4:
0x5e: {  	[sflag:s17] =	ssyncset.done $0x0;
	(pc) =	sbr.rel @!p1 .LBB2_5-.Ltmp4, $4  }
0x5f: {  	[sflag:s17] =	ssyncadd.s32 $0xFFFFC000  }
0x60: {  	[spmem:s2] =	stream.indirect.scatter.add.f32 [tilespmem:s16], [sflag:$0x1], $0x80, s3, s16, $0xb8;
	[tilespmem:$0x18080] =	vst v63  }
0x61: {  	_ =	swait.ge [sflag:s17], $0x4000  }
0x62: {  	s23 =	smov.u32 s25;
	s21 =	sadd.s32 $0x800, s21;
	[sflag:s17] =	ssyncset.done $0x0  }
0x63: {  	s22 =	sadd.s32 s22, s14;
	[sflag:s17] =	ssyncadd.s32 $0xFFFFC000  }
0x64: {  	[tilespmem:s3], [sflag:$0x1] =	stream.linear.gather [hbm4b:s22+s3], $0x80, $0x38;
	[tilespmem:$0x18080] =	vst v63  }
0x65: {  	_ =	swait.ge [sflag:s17], $0x80  }
0x66: {  	[sflag:s17] =	ssyncset.done $0x0  }
0x67: {  	[sflag:s17] =	ssyncadd.s32 $0xFFFFFF80  }
0x68: {  	[tilespmem:s16], [sflag:$0x1] =	stream.linear.gather [hbm4b:s21+s3], $0x4000, $0x38;
	[tilespmem:$0x18080] =	vst v63  }
0x69: {  	_ =	swait.ge [sflag:s17], $0x4000  }
0x6a: {  	[sflag:s17] =	ssyncset.done $0x0  }
.Ltmp5:
0x6b: {  	[sflag:s17] =	ssyncadd.s32 $0xFFFFC000;
	(pc) =	sbr.rel .LBB2_10-.Ltmp5, $4  }
0x6c: {  	[spmem:s2] =	stream.indirect.scatter.add.f32 [tilespmem:s16], [sflag:$0x1], $0x80, s3, s16, $0xb8;
	[tilespmem:$0x18080] =	vst v63  }
0x6d: {  	_ =	swait.ge [sflag:s17], $0x4000  }
0x6e: {  	[sflag:s17] =	ssyncset.done $0x0  }
0x6f: {  	s21 =	smov.u32 s4;
	[sflag:s17] =	ssyncadd.s32 $0xFFFFC000  }
.LBB2_7:
0x70: {  	[tilespmem:s3], [sflag:$0x1] =	stream.linear.gather [hbm4b:s21+s3], $0x80, $0x38;
	[tilespmem:$0x18080] =	vst v63  }
0x71: {  	_ =	swait.ge [sflag:s17], $0x80  }
0x72: {  	[sflag:s17] =	ssyncset.done $0x0  }
0x73: {  	[sflag:s17] =	ssyncadd.s32 $0xFFFFFF80  }
0x74: {  	[tilespmem:s16], [sflag:$0x1] =	stream.linear.gather [hbm4b:s13+s3], $0x4000, $0x38;
	[tilespmem:$0x18080] =	vst v63  }
0x75: {  	_ =	swait.ge [sflag:s17], $0x4000  }
0x76: {  	[sflag:s17] =	ssyncset.done $0x0  }
0x77: {  	[sflag:s17] =	ssyncadd.s32 $0xFFFFC000  }
0x78: {  	[spmem:s2] =	stream.indirect.scatter.add.f32 [tilespmem:s16], [sflag:$0x1], $0x80, s3, s16, $0xb8;
	[tilespmem:$0x18080] =	vst v63  }
0x79: {  	s22 =	simm.s32 $0x10;
	_ =	swait.ge [sflag:s17], $0x4000  }
0x7a: {  	s23 =	simm.s32 $0x20;
	s21 =	sadd.s32 $0x800, s13;
	[sflag:s17] =	ssyncset.done $0x0  }
.LBB2_8:
0x7b: {  	s24 =	sadd.s32 s22, s14  }
0x7c: {  	[sflag:s17] =	ssyncadd.s32 $0xFFFFC000;
	s22 =	smov.u32 s23;
	s25 =	sadd.s32 $0x10, s23  }
0x7d: {  	[tilespmem:s3], [sflag:$0x1] =	stream.linear.gather [hbm4b:s24+s3], $0x80, $0x38;
	[tilespmem:$0x18080] =	vst v63  }
0x7e: {  	p1 =	sne.s32 s23, $0xA10;
	_ =	swait.ge [sflag:s17], $0x80  }
0x7f: {  	[sflag:s17] =	ssyncset.done $0x0  }
0x80: {  	[sflag:s17] =	ssyncadd.s32 $0xFFFFFF80  }
0x81: {  	[tilespmem:s16], [sflag:$0x1] =	stream.linear.gather [hbm4b:s21+s3], $0x4000, $0x38;
	[tilespmem:$0x18080] =	vst v63  }
0x82: {  	_ =	swait.ge [sflag:s17], $0x4000  }
.Ltmp6:
0x83: {  	[sflag:s17] =	ssyncset.done $0x0;
	(pc) =	sbr.rel @p1 .LBB2_8-.Ltmp6, $4  }
0x84: {  	[sflag:s17] =	ssyncadd.s32 $0xFFFFC000  }
0x85: {  	[spmem:s2] =	stream.indirect.scatter.add.f32 [tilespmem:s16], [sflag:$0x1], $0x80, s3, s16, $0xb8;
	[tilespmem:$0x18080] =	vst v63  }
0x86: {  	_ =	swait.ge [sflag:s17], $0x4000  }
0x87: {  	s23 =	smov.u32 s25;
	s21 =	sadd.s32 $0x800, s21;
	[sflag:s17] =	ssyncset.done $0x0  }
.Ltmp7:
0x88: {  	_ = 	snop;
	(pc) =	sbr.rel .LBB2_9-.Ltmp7, $1  }
0x89: {  	_ =	sdelay $0x3  }
.LBB2_11:
0x8a: {  	_ =	sfence.sel $0x180000  }
0x8b: {  	[bflag:$0x0] =	sbarrier.arrive $0xFFFF  }
0x8c: {  	p0 =	sne.s32 s1, $0x0;
	_ =	strace $0x90000050  }
0x8d: {  	s0 =	sadd.s32 @!p0 $0x100000, s0;
	[bflag:$0x2] =	sbarrier.arrive $0xFFFF  }
0x8e: {  	[sflag:s0] =	ssyncadd.tile.s32 @!p0 $0x1;
	_ =	shalt  }
.Lfunc_end2:
_tile_overlayer_lowered:
.L_overlay_start_2:
0x8f: {  	(tag) =	ssettag $0x2  }
0x90: {  	s0 =	rddreg [dreg:$0x0];
	s2 =	stileid.u32  }
0x91: {  	s1 =	rddreg [dreg:$0x1];
	p0 =	sne.s32 s2, $0x0  }
0x92: {  	s3 =	rddreg [dreg:$0x2];
	[bflag:$0x3] =	sbarrier.arrive $0xFFFF;
	s2 =	simm.s32 @!p0 $0x1C01  }
0x93: {  	[timem:s3], [sflag:s2] =	dma.local @!p0 [hbm:s0], s1  }
0x94: {  	s0 =	simm.s32 @!p0 $0x1  }
0x95: {  	_ =	swait.ge @!p0 [sflag:s0], s1  }
0x96: {  	s1 =	ssub.s32 @!p0 $0x0, s1;
	[sflag:s0] =	ssyncset.done @!p0 $0x0  }
0x97: {  	[sflag:s0] =	ssyncadd.s32 @!p0 s1  }
0x98: {  	[bflag:$0x3] =	sbarrier.arrive $0xFFFF  }
0x99: {  	_ =	shalt  }

// kernel: kernel.27.cloned.1.call-start
scs
__scs_entry_jumppad:
0x0: {  	(pc) =	sbr.rel $0x88, $3  }
0x1: {  	(tag) =	ssettag $0x0;
	lr =	simm.s32 $0x1  }
0x2: {  	[smem:$0x3F8C] =	sst lr;
	_ =	strace $0xD0000000  }
0x3: {  	_ = 	snop  }
0x4: {  	_ = 	snop  }
0x5: {  	_ = 	snop  }
0x6: {  	_ = 	snop  }
0x7: {  	_ = 	snop  }
__scs_overlays_trampoline_lowered:
0x8: {  	[smem:$0x3F9B] =	sst s0  }
0x9: {  	[smem:$0x3F9C] =	sst s1  }
0xa: {  	[smem:$0x3F9D] =	sst s2  }
0xb: {  	[smem:$0x3F9E] =	sst s3  }
0xc: {  	[smem:$0x3F9F] =	sst s4  }
0xd: {  	[smem:$0x3FA0] =	sst s5  }
0xe: {  	[smem:$0x3FA1] =	sst s6  }
0xf: {  	[smem:$0x3FA2] =	sst s7  }
0x10: {  	[smem:$0x3FA3] =	sst s8  }
0x11: {  	[smem:$0x3FA4] =	sst s9;
	s0 =	simm.s32 @!p0 $0x0  }
0x12: {  	s1 =	sld [smem:$0x3F8A];
	s0 =	simm.s32 @p0 $0x1  }
0x13: {  	[smem:$0x3FA5] =	sst s0;
	s0 =	simm.s32 @!p1 $0x0  }
0x14: {  	s2 =	sld [smem:$0x3F89];
	s0 =	simm.s32 @p1 $0x1  }
0x15: {  	[smem:$0x3FA6] =	sst s0;
	s0 =	simm.s32 @!p2 $0x0  }
0x16: {  	s3 =	sld [smem:$0x3FDB];
	s0 =	simm.s32 @p2 $0x1  }
0x17: {  	s4 =	simm.s32 $0x1BF5;
	[smem:$0x3FA8] =	sst s0  }
0x18: {  	s0 =	sld [smem:$0x3F8B];
	_ =	swait.ge [sflag:s4], $0x0  }
0x19: {  	s7 =	sld [smem:$0x3F8C]  }
0x1a: {  	s8 =	sadd.s32 $0xFFFFE003, lr  }
0x1b: {  	s9 =	sadd.s32 $0xFFFFFEF7, lr;
	s5 =	simm.s32 $0xFFFFFFFF;
	p2 =	slt.u32 s8, $0xFFFFF086  }
0x1c: {  	p1 =	slt.u32 s9, $0xF7A;
	s5 =	simm.s32 @!p2 $0x0  }
0x1d: {  	s5 =	simm.s32 @p1 $0x1;
	p0 =	seq.s32 s7, s2  }
0x1e: {  	s7 =	smul.u32 @!p0 $0xF7A, s2;
	p2 =	seq.s32 @!p0 s5, $0x0  }
0x1f: {  	s9 =	smul.u32 $0xF7A, s1;
	s8 =	simm.s32 @!p0 $0x1BF5;
	p2 =	por !p2, p0  }
0x20: {  	[sflag:s8] =	ssyncset.s32 @!p0 $0xFFFFF086;
	s6 =	sadd.s32 @!p0 s3, s7;
	s7 =	simm.s32 @!p0 $0x108  }
0x21: {  	s3 =	sadd.s32 s3, s9;
	s6 =	sadd.s32 @!p0 $0x88, s6;
	s7 =	simm.s32 @p2 $0x1082  }
0x22: {  	[simem:s7], [sflag:s8] =	dma.local @!p0 [hbm:s6], $0xF7A  }
0x23: {  	s9 =	sor.u32 $0xD0000000, s2;
	s6 =	simm.s32 $0x108;
	_ =	swait.ge @!p0 [sflag:s8], $0x0  }
0x24: {  	s3 =	sadd.s32 $0x88, s3;
	s6 =	simm.s32 @!p1 $0x1082;
	[sflag:s4] =	ssyncset.s32 $0xFFFFF086  }
0x25: {  	[simem:s6], [sflag:s4] =	dma.local [hbm:s3], $0xF7A  }
0x26: {  	[smem:$0x3F8C] =	sst s1;
	(tag) =	ssettag s2;
	_ =	strace s9  }
0x27: {  	s1 =	sld [smem:$0x3F9C]  }
0x28: {  	s2 =	sld [smem:$0x3F9D]  }
0x29: {  	s4 =	sld [smem:$0x3F9F]  }
0x2a: {  	p0 =	seq.s32 s5, $0x0;
	s5 =	sld [smem:$0x3FA0]  }
0x2b: {  	s6 =	sld [smem:$0x3FA1]  }
0x2c: {  	s7 =	sld [smem:$0x3FA2]  }
0x2d: {  	s3 =	simm.s32 $0x108;
	s8 =	sld [smem:$0x3FA3]  }
0x2e: {  	s3 =	simm.s32 @!p0 $0x1082;
	s9 =	sld [smem:$0x3FA4]  }
0x2f: {  	lr =	sadd.s32 s0, s3;
	s0 =	sld [smem:$0x3F9B]  }
0x30: {  	s3 =	sld [smem:$0x3F9E]  }
0x31: {  	[smem:$0x3FA7] =	sst s10  }
0x32: {  	s10 =	sld [smem:$0x3FA5];
	_ =	sdelay $0x3  }
0x33: {  	p0 =	seq.s32 s10, $0x1;
	s10 =	sld [smem:$0x3FA7];
	_ =	sdelay $0x3  }
0x34: {  	[smem:$0x3FA7] =	sst s10  }
0x35: {  	s10 =	sld [smem:$0x3FA6];
	_ =	sdelay $0x3  }
0x36: {  	p1 =	seq.s32 s10, $0x1;
	s10 =	sld [smem:$0x3FA7];
	_ =	sdelay $0x3  }
0x37: {  	[smem:$0x3FA7] =	sst s10  }
0x38: {  	s10 =	sld [smem:$0x3FA8]  }
0x39: {  	_ = 	snop;
	(pc) =	sbr.ind lr, $3  }
0x3a: {  	_ = 	snop  }
0x3b: {  	_ = 	snop  }
0x3c: {  	p2 =	seq.s32 s10, $0x1;
	s10 =	sld [smem:$0x3FA7]  }
0x3d: {  	_ =	shalt  }
0x3e: {  	_ =	shalt  }
0x3f: {  	_ =	shalt  }
0x40: {  	_ =	shalt  }
0x41: {  	_ =	shalt  }
0x42: {  	_ =	shalt  }
0x43: {  	_ =	shalt  }
0x44: {  	_ =	shalt  }
0x45: {  	_ =	shalt  }
0x46: {  	_ =	shalt  }
0x47: {  	_ =	shalt  }
0x48: {  	_ =	shalt  }
0x49: {  	_ =	shalt  }
0x4a: {  	_ =	shalt  }
0x4b: {  	_ =	shalt  }
0x4c: {  	_ =	shalt  }
0x4d: {  	_ =	shalt  }
0x4e: {  	_ =	shalt  }
0x4f: {  	_ =	shalt  }
0x50: {  	_ =	shalt  }
0x51: {  	_ =	shalt  }
0x52: {  	_ =	shalt  }
0x53: {  	_ =	shalt  }
0x54: {  	_ =	shalt  }
0x55: {  	_ =	shalt  }
0x56: {  	_ =	shalt  }
0x57: {  	_ =	shalt  }
0x58: {  	_ =	shalt  }
0x59: {  	_ =	shalt  }
0x5a: {  	_ =	shalt  }
0x5b: {  	_ =	shalt  }
0x5c: {  	_ =	shalt  }
0x5d: {  	_ =	shalt  }
0x5e: {  	_ =	shalt  }
0x5f: {  	_ =	shalt  }
0x60: {  	_ =	shalt  }
0x61: {  	_ =	shalt  }
0x62: {  	_ =	shalt  }
0x63: {  	_ =	shalt  }
0x64: {  	_ =	shalt  }
0x65: {  	_ =	shalt  }
0x66: {  	_ =	shalt  }
0x67: {  	_ =	shalt  }
0x68: {  	_ =	shalt  }
0x69: {  	_ =	shalt  }
0x6a: {  	_ =	shalt  }
0x6b: {  	_ =	shalt  }
0x6c: {  	_ =	shalt  }
0x6d: {  	_ =	shalt  }
0x6e: {  	_ =	shalt  }
0x6f: {  	_ =	shalt  }
0x70: {  	_ =	shalt  }
0x71: {  	_ =	shalt  }
0x72: {  	_ =	shalt  }
0x73: {  	_ =	shalt  }
0x74: {  	_ =	shalt  }
0x75: {  	_ =	shalt  }
0x76: {  	_ =	shalt  }
0x77: {  	_ =	shalt  }
0x78: {  	_ =	shalt  }
0x79: {  	_ =	shalt  }
0x7a: {  	_ =	shalt  }
0x7b: {  	_ =	shalt  }
0x7c: {  	_ =	shalt  }
0x7d: {  	_ =	shalt  }
0x7e: {  	_ =	shalt  }
0x7f: {  	_ =	shalt  }
0x80: {  	_ =	shalt  }
0x81: {  	_ =	shalt  }
0x82: {  	_ =	shalt  }
0x83: {  	_ =	shalt  }
0x84: {  	_ =	shalt  }
0x85: {  	_ =	shalt  }
0x86: {  	_ =	shalt  }
0x87: {  	_ =	shalt  }
.Lfunc_end0:
.L_simem_size_0:
called_computation.4_lowered:
.L_overlay_start_0:
0x88: {  	s2 =	sld [smem:$0x3FD9]  }
0x89: {  	s3 =	sld [smem:$0x3FFE];
	_ =	sdelay $0x1  }
0x8a: {  	s1 =	srdreg.scid  }
0x8b: {  	s0 =	sand.u32 $0x1, s1  }
0x8c: {  	s16 =	sshll.u32 s0, $0xA;
	s2 =	sadd.s32 s3, s2  }
0x8d: {  	s2 =	sadd.s32 s2, s16  }
0x8e: {  	[smem:$0x3FB3] =	sst s2  }
0x8f: {  	_ = 	snop  }
0x90: {  	(tm) =	ssettm $0x1  }
0x91: {  	s17 =	sld [smem:$0x3FFB];
	_ =	sdelay $0x3  }
0x92: {  	_ =	strace s17  }
0x93: {  	s2 =	sld [smem:$0x3FFC];
	_ =	sdelay $0x3  }
0x94: {  	_ =	strace s2  }
0x95: {  	s2 =	sld [smem:$0x3FFD];
	_ =	sdelay $0x3  }
0x96: {  	_ =	strace s2  }
0x97: {  	_ =	strace $0x8FFFFFFF  }
0x98: {  	s18 =	sld [smem:$0x3FDB];
	_ =	sdelay $0x1  }
0x99: {  	s19 =	simm.s32 $_scs_section_size  }
0x9a: {  	s4 =	simm.s32 $_size__tile_overlayer_lowered;
	s5 =	simm.s32 $_tile_overlayer_lowered  }
0x9b: {  	s22 =	simm.s32 $0x1BFF;
	s21 =	sshll.u32 s5, $0x1;
	s2 =	sadd.s32 s19, s18  }
0x9c: {  	s6 =	simm.s32 $0x0;
	s20 =	sshll.u32 s4, $0x1;
	s4 =	sadd.s32 s21, s2  }
0x9d: {  	[timem:s6], [sflag:s22] =	dma.local [hbm:s4], s20  }
0x9e: {  	_ =	swait.ge [sflag:s22], s20  }
0x9f: {  	s3 =	ssub.s32 $0x0, s20;
	[sflag:s22] =	ssyncset.done $0x0  }
0xa0: {  	[sflag:s22] =	ssyncadd.s32 s3;
	_ =	sdelay $0x1  }
0xa1: {  	s23 =	simm.s32 $0x1B8B  }
0xa2: {  	_ =	swait.ge [sflag:s23], $0x1  }
0xa3: {  	[sflag:s23] =	ssyncset.done $0x0  }
0xa4: {  	s25 =	simm.s32 $0x1B8E;
	s24 =	sld [smem:$0x3FFE];
	[sflag:s23] =	ssyncadd.s32 $0xFFFFFFFF  }
0xa5: {  	s26 =	simm.s32 $execute0_lowered;
	[smem:$0x3FD2] =	sst s25  }
0xa6: {  	s4 =	sshll.u32 s26, $0x1;
	_ =	strace $0x80000052;
	[dreg:$0x1] =	wrdreg $0xFFFFFFFF  }
0xa7: {  	s28 =	simm.s32 $_size_execute0_lowered;
	s2 =	sadd.s32 s2, s4;
	[dreg:$0x0] =	wrdreg $0x0  }
0xa8: {  	s4 =	sshll.u32 s28, $0x1;
	[dreg:$0x2] =	wrdreg s2  }
0xa9: {  	[dreg:$0x3] =	wrdreg s4  }
0xaa: {  	[dreg:$0x4] =	wrdreg $0xC0  }
0xab: {  	_ =	task [dreg:s6], $0x5FFFF  }
0xac: {  	[dreg:$0x1] =	wrdreg $0xFFFFFFFF  }
0xad: {  	[dreg:$0x0] =	wrdreg $0x60  }
0xae: {  	[dreg:$0x2] =	wrdreg s24  }
0xaf: {  	[dreg:$0x3] =	wrdreg $0xA  }
0xb0: {  	_ =	task.clear_ibuf [dreg:s6], $0x4FFFF;
	_ =	strace $0x90000052  }
0xb1: {  	s29 =	simm.s32 $0xA;
	_ =	strace $0x80000054  }
0xb2: {  	_ =	swait.ge [sflag:s29], $0x1  }
0xb3: {  	[sflag:s29] =	ssyncadd.s32 $0xFFFFFFFF  }
0xb4: {  	_ =	strace $0x90000054  }
0xb5: {  	_ =	sfence  }
0xb6: {  	s30 =	sld [smem:$0x0];
	_ =	sdelay $0x2  }
0xb7: {  	s31 =	sshll.u32 s1, $0xD;
	s1 =	sshrl.u32 s1, $0x2  }
0xb8: {  	s3 =	sand.u32 $0x4000, s31;
	s1 =	sadd.s32 s1, s30  }
0xb9: {  	s0 =	sor.u32 s3, s0;
	s1 =	sshll.u32 s1, $0x11  }
0xba: {  	s0 =	sor.u32 s1, s0  }
0xbb: {  	s0 =	sadd.s32 $0x8F2B, s0  }
0xbc: {  	[sflag:s0] =	ssyncadd.remote.s32 $0x1  }
0xbd: {  	_ =	sfence.sel $0xFFFF  }
0xbe: {  	[dreg:$0x0] =	wrdreg $0xFFFFFFFF;
	(pc) =	sbr.abs _section_cstart, $3  }
0xbf: {  	[dreg:$0x1] =	wrdreg $0xFFFFFFFF  }
0xc0: {  	_ =	task.clear_ibuf [dreg:s6], $0x2FFFF;
	_ =	strace $0x9FFFFFFF  }
0xc1: {  	(tm) =	ssettm $0x7FFFFFFF  }
tec
execute0_lowered:
.L_overlay_start_1:
0x0: {  	(tag) =	ssettag $0x1  }
0x1: {  	s1 =	srdreg.scid;
	s0 =	stileid.u32  }
0x2: {  	s6 =	rddreg [dreg:$0x0];
	s2 =	simm.s32 $0x0;
	s14 =	simm.s32 $0x1  }
0x3: {  	s15 =	simm.s32 $0x4100;
	s16 =	simm.s32 $0x2;
	s9 =	smul.u32 $0x4F000, s0  }
0x4: {  	s17 =	simm.s32 $0x0;
	s5 =	sand.u32 $0x1, s1;
	s11 =	smul.u32 $0x4F00, s0  }
0x5: {  	s26 =	sshll.u32 s0, $0x1;
	s1 =	rddreg [dreg:$0x1];
	s13 =	smul.u32 $0x2780, s5  }
0x6: {  	[smem:$0x7FF] =	sst s2;
	s3 =	sor.u32 s5, s26;
	s28 =	smul.u32 $0x27800, s5  }
0x7: {  	s4 =	sadd.s32 $0xAB3400, s6;
	s10 =	ssub.s32 $0x2, s5;
	s7 =	smul.u32 $0x2780, s3  }
0x8: {  	_ =	strace $0x80000053;
	s8 =	smul.u32 $0x27800, s3;
	s12 =	sshrl.u32 s10, $0x1  }
0x9: {  	s3 =	sadd.s32 $0x43400, s6;
	s6 =	sadd.s32 $0x6B400, s6;
	s10 =	ssub.s32 s10, s12  }
0xa: {  	s29 =	sadd.s32 s9, s6;
	s11 =	sadd.s32 s13, s11;
	s12 =	simm.s32 $0x80  }
0xb: {  	s13 =	simm.s32 $0x100;
	s7 =	sshrl.u32 s7, $0x3;
	s6 =	sadd.s32 s6, s8  }
0xc: {  	s30 =	sadd.s32 s28, s29;
	s31 =	sadd.s32 $0x80, s11;
	s5 =	sadd.s32 s4, s7  }
0xd: {  	s7 =	smax.u32 s10, $0x1;
	s8 =	sadd.s32 $0x800, s30;
	s9 =	sshrl.u32 s31, $0x3  }
0xe: {  	s10 =	sadd.s32 $0x100, s11;
	s11 =	simm.s32 $0x3;
	s9 =	sadd.s32 s9, s4  }
.LBB2_1:
0xf: {  	[tilespmem:s2], [sflag:$0x3] =	stream.linear.gather [hbm4b:s5+s2], $0x80, $0x38;
	[tilespmem:$0x8100] =	vst v63  }
0x10: {  	_ =	swait.ge [sflag:s11], $0x80  }
0x11: {  	[sflag:s11] =	ssyncset.done $0x0  }
0x12: {  	[sflag:s11] =	ssyncadd.s32 $0xFFFFFF80  }
0x13: {  	[tilespmem:s13], [sflag:$0x1] =	stream.indirect.gather [hbm4b:s3+s12], $0x80, s2, s12, $0xb8;
	[tilespmem:$0x8100] =	vst v63  }
0x14: {  	_ =	swait.ge [sflag:s14], $0x4000  }
0x15: {  	[sflag:s14] =	ssyncset.done $0x0  }
0x16: {  	[sflag:s14] =	ssyncadd.s32 $0xFFFFC000  }
0x17: {  	[hbm4b:s6+s2] =	stream.linear.scatter [tilespmem:s13], [sflag:$0x3], $0x4000, $0x38;
	[tilespmem:$0x8100] =	vst v63  }
0x18: {  	_ =	swait.ge [sflag:s11], $0x4000  }
0x19: {  	[sflag:s11] =	ssyncset.done $0x0  }
0x1a: {  	s18 =	sadd.s32 $0x0, s9;
	[sflag:s11] =	ssyncadd.s32 $0xFFFFC000  }
0x1b: {  	[tilespmem:s2], [sflag:$0x3] =	stream.linear.gather [hbm4b:s18+s2], $0x80, $0x38;
	[tilespmem:$0x8100] =	vst v63  }
0x1c: {  	_ =	swait.ge [sflag:s11], $0x80  }
0x1d: {  	[sflag:s11] =	ssyncset.done $0x0  }
0x1e: {  	s30 =	sshrl.u32 s10, $0x3;
	[sflag:s11] =	ssyncadd.s32 $0xFFFFFF80  }
0x1f: {  	[tilespmem:s13], [sflag:$0x1] =	stream.indirect.gather [hbm4b:s3+s12], $0x80, s2, s12, $0xb8;
	[tilespmem:$0x8100] =	vst v63  }
0x20: {  	s18 =	sadd.s32 s4, s30  }
0x21: {  	[tilespmem:s12], [sflag:$0x3] =	stream.linear.gather [hbm4b:s18+s2], $0x80, $0x38;
	[tilespmem:$0x8100] =	vst v63  }
0x22: {  	_ =	swait.ge [sflag:s11], $0x80  }
0x23: {  	[sflag:s11] =	ssyncset.done $0x0  }
0x24: {  	[sflag:s11] =	ssyncadd.s32 $0xFFFFFF80  }
0x25: {  	[tilespmem:s15], [sflag:$0x2] =	stream.indirect.gather [hbm4b:s3+s12], $0x80, s12, s12, $0xb8;
	[tilespmem:$0x8100] =	vst v63  }
0x26: {  	_ =	swait.ge [sflag:s14], $0x4000  }
0x27: {  	[sflag:s14] =	ssyncset.done $0x0  }
0x28: {  	[sflag:s14] =	ssyncadd.s32 $0xFFFFC000  }
0x29: {  	[hbm4b:s8+s2] =	stream.linear.scatter [tilespmem:s13], [sflag:$0x3], $0x4000, $0x38;
	[tilespmem:$0x8100] =	vst v63  }
0x2a: {  	_ =	swait.ge [sflag:s11], $0x4000  }
0x2b: {  	[sflag:s11] =	ssyncset.done $0x0  }
0x2c: {  	[sflag:s11] =	ssyncadd.s32 $0xFFFFC000  }
0x2d: {  	_ =	swait.ge [sflag:s16], $0x4000  }
0x2e: {  	[sflag:s16] =	ssyncset.done $0x0  }
0x2f: {  	s31 =	sadd.s32 $0x800, s8;
	[sflag:s16] =	ssyncadd.s32 $0xFFFFC000  }
0x30: {  	[hbm4b:s31+s2] =	stream.linear.scatter [tilespmem:s15], [sflag:$0x3], $0x4000, $0x38;
	[tilespmem:$0x8100] =	vst v63  }
0x31: {  	s20 =	simm.s32 $0x20;
	s21 =	simm.s32 $0x40;
	_ =	swait.ge [sflag:s11], $0x4000  }
0x32: {  	s19 =	sadd.s32 $0x100, s10;
	s18 =	sadd.s32 $0x1000, s8;
	[sflag:s11] =	ssyncset.done $0x0  }
.LBB2_2:
0x33: {  	s22 =	sadd.s32 s20, s9  }
0x34: {  	[sflag:s11] =	ssyncadd.s32 $0xFFFFC000;
	s20 =	smov.u32 s21;
	s23 =	sadd.s32 $0x20, s21  }
0x35: {  	[tilespmem:s2], [sflag:$0x3] =	stream.linear.gather [hbm4b:s22+s2], $0x80, $0x38;
	[tilespmem:$0x8100] =	vst v63  }
0x36: {  	p0 =	sne.s32 s21, $0x4C0;
	_ =	swait.ge [sflag:s11], $0x80  }
0x37: {  	[sflag:s11] =	ssyncset.done $0x0  }
0x38: {  	s21 =	sshrl.u32 s19, $0x3;
	[sflag:s11] =	ssyncadd.s32 $0xFFFFFF80  }
0x39: {  	[tilespmem:s13], [sflag:$0x1] =	stream.indirect.gather [hbm4b:s3+s12], $0x80, s2, s12, $0xb8;
	[tilespmem:$0x8100] =	vst v63  }
0x3a: {  	s21 =	sadd.s32 s4, s21  }
0x3b: {  	[tilespmem:s12], [sflag:$0x3] =	stream.linear.gather [hbm4b:s21+s2], $0x80, $0x38;
	[tilespmem:$0x8100] =	vst v63  }
0x3c: {  	_ =	swait.ge [sflag:s11], $0x80  }
0x3d: {  	[sflag:s11] =	ssyncset.done $0x0  }
0x3e: {  	[sflag:s11] =	ssyncadd.s32 $0xFFFFFF80  }
0x3f: {  	[tilespmem:s15], [sflag:$0x2] =	stream.indirect.gather [hbm4b:s3+s12], $0x80, s12, s12, $0xb8;
	[tilespmem:$0x8100] =	vst v63  }
0x40: {  	_ =	swait.ge [sflag:s14], $0x4000  }
0x41: {  	[sflag:s14] =	ssyncset.done $0x0  }
0x42: {  	[sflag:s14] =	ssyncadd.s32 $0xFFFFC000  }
0x43: {  	[hbm4b:s18+s2] =	stream.linear.scatter [tilespmem:s13], [sflag:$0x3], $0x4000, $0x38;
	[tilespmem:$0x8100] =	vst v63  }
0x44: {  	_ =	swait.ge [sflag:s11], $0x4000  }
0x45: {  	[sflag:s11] =	ssyncset.done $0x0  }
0x46: {  	[sflag:s11] =	ssyncadd.s32 $0xFFFFC000  }
0x47: {  	_ =	swait.ge [sflag:s16], $0x4000  }
.Ltmp0:
0x48: {  	[sflag:s16] =	ssyncset.done $0x0;
	(pc) =	sbr.rel @p0 .LBB2_2-.Ltmp0, $4  }
0x49: {  	s21 =	sadd.s32 $0x800, s18;
	[sflag:s16] =	ssyncadd.s32 $0xFFFFC000  }
0x4a: {  	[hbm4b:s21+s2] =	stream.linear.scatter [tilespmem:s15], [sflag:$0x3], $0x4000, $0x38;
	[tilespmem:$0x8100] =	vst v63  }
0x4b: {  	s19 =	sadd.s32 $0x100, s19;
	_ =	swait.ge [sflag:s11], $0x4000  }
0x4c: {  	s18 =	sadd.s32 $0x1000, s18;
	s21 =	smov.u32 s23;
	[sflag:s11] =	ssyncset.done $0x0  }
0x4d: {  	s20 =	sadd.s32 s20, s9;
	[sflag:s11] =	ssyncadd.s32 $0xFFFFC000  }
0x4e: {  	[tilespmem:s2], [sflag:$0x3] =	stream.linear.gather [hbm4b:s20+s2], $0x80, $0x38;
	[tilespmem:$0x8100] =	vst v63  }
0x4f: {  	_ =	swait.ge [sflag:s11], $0x80  }
0x50: {  	[sflag:s11] =	ssyncset.done $0x0  }
0x51: {  	s19 =	sshrl.u32 s19, $0x3;
	[sflag:s11] =	ssyncadd.s32 $0xFFFFFF80  }
0x52: {  	[tilespmem:s13], [sflag:$0x1] =	stream.indirect.gather [hbm4b:s3+s12], $0x80, s2, s12, $0xb8;
	[tilespmem:$0x8100] =	vst v63  }
0x53: {  	s19 =	sadd.s32 s4, s19  }
0x54: {  	[tilespmem:s12], [sflag:$0x3] =	stream.linear.gather [hbm4b:s19+s2], $0x80, $0x38;
	[tilespmem:$0x8100] =	vst v63  }
0x55: {  	_ =	swait.ge [sflag:s11], $0x80  }
0x56: {  	[sflag:s11] =	ssyncset.done $0x0  }
0x57: {  	[sflag:s11] =	ssyncadd.s32 $0xFFFFFF80  }
0x58: {  	[tilespmem:s15], [sflag:$0x2] =	stream.indirect.gather [hbm4b:s3+s12], $0x80, s12, s12, $0xb8;
	[tilespmem:$0x8100] =	vst v63  }
0x59: {  	_ =	swait.ge [sflag:s14], $0x4000  }
0x5a: {  	[sflag:s14] =	ssyncset.done $0x0  }
0x5b: {  	[sflag:s14] =	ssyncadd.s32 $0xFFFFC000  }
0x5c: {  	[hbm4b:s18+s2] =	stream.linear.scatter [tilespmem:s13], [sflag:$0x3], $0x4000, $0x38;
	[tilespmem:$0x8100] =	vst v63  }
0x5d: {  	_ =	swait.ge [sflag:s11], $0x4000  }
0x5e: {  	[sflag:s11] =	ssyncset.done $0x0  }
0x5f: {  	[sflag:s11] =	ssyncadd.s32 $0xFFFFC000  }
0x60: {  	s17 =	sadd.s32 $0x1, s17;
	_ =	swait.ge [sflag:s16], $0x4000  }
0x61: {  	p0 =	sne.s32 s17, s7;
	[sflag:s16] =	ssyncset.done $0x0  }
.Ltmp1:
0x62: {  	s31 =	sadd.s32 $0x800, s18;
	[sflag:s16] =	ssyncadd.s32 $0xFFFFC000;
	(pc) =	sbr.rel @p0 .LBB2_1-.Ltmp1, $4  }
0x63: {  	[hbm4b:s31+s2] =	stream.linear.scatter [tilespmem:s15], [sflag:$0x3], $0x4000, $0x38;
	[tilespmem:$0x8100] =	vst v63  }
0x64: {  	_ =	swait.ge [sflag:s11], $0x4000  }
0x65: {  	[sflag:s11] =	ssyncset.done $0x0  }
0x66: {  	[sflag:s11] =	ssyncadd.s32 $0xFFFFC000  }
0x67: {  	_ =	sfence.sel $0x180000  }
0x68: {  	[bflag:$0x0] =	sbarrier.arrive $0xFFFF  }
0x69: {  	p0 =	sne.s32 s0, $0x0;
	_ =	strace $0x90000053  }
0x6a: {  	s0 =	sadd.s32 @!p0 $0x100000, s1;
	[bflag:$0x2] =	sbarrier.arrive $0xFFFF  }
0x6b: {  	[sflag:s0] =	ssyncadd.tile.s32 @!p0 $0x1;
	_ =	shalt  }
.Lfunc_end2:
_tile_overlayer_lowered:
.L_overlay_start_2:
0x6c: {  	(tag) =	ssettag $0x2  }
0x6d: {  	s0 =	rddreg [dreg:$0x0];
	s2 =	stileid.u32  }
0x6e: {  	s1 =	rddreg [dreg:$0x1];
	p0 =	sne.s32 s2, $0x0  }
0x6f: {  	s3 =	rddreg [dreg:$0x2];
	[bflag:$0x3] =	sbarrier.arrive $0xFFFF;
	s2 =	simm.s32 @!p0 $0x1C03  }
0x70: {  	[timem:s3], [sflag:s2] =	dma.local @!p0 [hbm:s0], s1  }
0x71: {  	s0 =	simm.s32 @!p0 $0x3  }
0x72: {  	_ =	swait.ge @!p0 [sflag:s0], s1  }
0x73: {  	s1 =	ssub.s32 @!p0 $0x0, s1;
	[sflag:s0] =	ssyncset.done @!p0 $0x0  }
0x74: {  	[sflag:s0] =	ssyncadd.s32 @!p0 s1  }
0x75: {  	[bflag:$0x3] =	sbarrier.arrive $0xFFFF  }
0x76: {  	_ =	shalt  }

// kernel: kernel.30.cloned.1.call-start
scs
__scs_entry_jumppad:
0x0: {  	(pc) =	sbr.rel $0x88, $3  }
0x1: {  	(tag) =	ssettag $0x0;
	lr =	simm.s32 $0x1  }
0x2: {  	[smem:$0x3F8C] =	sst lr;
	_ =	strace $0xD0000000  }
0x3: {  	_ = 	snop  }
0x4: {  	_ = 	snop  }
0x5: {  	_ = 	snop  }
0x6: {  	_ = 	snop  }
0x7: {  	_ = 	snop  }
__scs_overlays_trampoline_lowered:
0x8: {  	[smem:$0x3F9B] =	sst s0  }
0x9: {  	[smem:$0x3F9C] =	sst s1  }
0xa: {  	[smem:$0x3F9D] =	sst s2  }
0xb: {  	[smem:$0x3F9E] =	sst s3  }
0xc: {  	[smem:$0x3F9F] =	sst s4  }
0xd: {  	[smem:$0x3FA0] =	sst s5  }
0xe: {  	[smem:$0x3FA1] =	sst s6  }
0xf: {  	[smem:$0x3FA2] =	sst s7  }
0x10: {  	[smem:$0x3FA3] =	sst s8  }
0x11: {  	[smem:$0x3FA4] =	sst s9;
	s0 =	simm.s32 @!p0 $0x0  }
0x12: {  	s1 =	sld [smem:$0x3F8A];
	s0 =	simm.s32 @p0 $0x1  }
0x13: {  	[smem:$0x3FA5] =	sst s0;
	s0 =	simm.s32 @!p1 $0x0  }
0x14: {  	s2 =	sld [smem:$0x3F89];
	s0 =	simm.s32 @p1 $0x1  }
0x15: {  	[smem:$0x3FA6] =	sst s0;
	s0 =	simm.s32 @!p2 $0x0  }
0x16: {  	s3 =	sld [smem:$0x3FDB];
	s0 =	simm.s32 @p2 $0x1  }
0x17: {  	s4 =	simm.s32 $0x1BF5;
	[smem:$0x3FA8] =	sst s0  }
0x18: {  	s0 =	sld [smem:$0x3F8B];
	_ =	swait.ge [sflag:s4], $0x0  }
0x19: {  	s7 =	sld [smem:$0x3F8C]  }
0x1a: {  	s8 =	sadd.s32 $0xFFFFE003, lr  }
0x1b: {  	s9 =	sadd.s32 $0xFFFFFEF7, lr;
	s5 =	simm.s32 $0xFFFFFFFF;
	p2 =	slt.u32 s8, $0xFFFFF086  }
0x1c: {  	p1 =	slt.u32 s9, $0xF7A;
	s5 =	simm.s32 @!p2 $0x0  }
0x1d: {  	s5 =	simm.s32 @p1 $0x1;
	p0 =	seq.s32 s7, s2  }
0x1e: {  	s7 =	smul.u32 @!p0 $0xF7A, s2;
	p2 =	seq.s32 @!p0 s5, $0x0  }
0x1f: {  	s9 =	smul.u32 $0xF7A, s1;
	s8 =	simm.s32 @!p0 $0x1BF5;
	p2 =	por !p2, p0  }
0x20: {  	[sflag:s8] =	ssyncset.s32 @!p0 $0xFFFFF086;
	s6 =	sadd.s32 @!p0 s3, s7;
	s7 =	simm.s32 @!p0 $0x108  }
0x21: {  	s3 =	sadd.s32 s3, s9;
	s6 =	sadd.s32 @!p0 $0x88, s6;
	s7 =	simm.s32 @p2 $0x1082  }
0x22: {  	[simem:s7], [sflag:s8] =	dma.local @!p0 [hbm:s6], $0xF7A  }
0x23: {  	s9 =	sor.u32 $0xD0000000, s2;
	s6 =	simm.s32 $0x108;
	_ =	swait.ge @!p0 [sflag:s8], $0x0  }
0x24: {  	s3 =	sadd.s32 $0x88, s3;
	s6 =	simm.s32 @!p1 $0x1082;
	[sflag:s4] =	ssyncset.s32 $0xFFFFF086  }
0x25: {  	[simem:s6], [sflag:s4] =	dma.local [hbm:s3], $0xF7A  }
0x26: {  	[smem:$0x3F8C] =	sst s1;
	(tag) =	ssettag s2;
	_ =	strace s9  }
0x27: {  	s1 =	sld [smem:$0x3F9C]  }
0x28: {  	s2 =	sld [smem:$0x3F9D]  }
0x29: {  	s4 =	sld [smem:$0x3F9F]  }
0x2a: {  	p0 =	seq.s32 s5, $0x0;
	s5 =	sld [smem:$0x3FA0]  }
0x2b: {  	s6 =	sld [smem:$0x3FA1]  }
0x2c: {  	s7 =	sld [smem:$0x3FA2]  }
0x2d: {  	s3 =	simm.s32 $0x108;
	s8 =	sld [smem:$0x3FA3]  }
0x2e: {  	s3 =	simm.s32 @!p0 $0x1082;
	s9 =	sld [smem:$0x3FA4]  }
0x2f: {  	lr =	sadd.s32 s0, s3;
	s0 =	sld [smem:$0x3F9B]  }
0x30: {  	s3 =	sld [smem:$0x3F9E]  }
0x31: {  	[smem:$0x3FA7] =	sst s10  }
0x32: {  	s10 =	sld [smem:$0x3FA5];
	_ =	sdelay $0x3  }
0x33: {  	p0 =	seq.s32 s10, $0x1;
	s10 =	sld [smem:$0x3FA7];
	_ =	sdelay $0x3  }
0x34: {  	[smem:$0x3FA7] =	sst s10  }
0x35: {  	s10 =	sld [smem:$0x3FA6];
	_ =	sdelay $0x3  }
0x36: {  	p1 =	seq.s32 s10, $0x1;
	s10 =	sld [smem:$0x3FA7];
	_ =	sdelay $0x3  }
0x37: {  	[smem:$0x3FA7] =	sst s10  }
0x38: {  	s10 =	sld [smem:$0x3FA8]  }
0x39: {  	_ = 	snop;
	(pc) =	sbr.ind lr, $3  }
0x3a: {  	_ = 	snop  }
0x3b: {  	_ = 	snop  }
0x3c: {  	p2 =	seq.s32 s10, $0x1;
	s10 =	sld [smem:$0x3FA7]  }
0x3d: {  	_ =	shalt  }
0x3e: {  	_ =	shalt  }
0x3f: {  	_ =	shalt  }
0x40: {  	_ =	shalt  }
0x41: {  	_ =	shalt  }
0x42: {  	_ =	shalt  }
0x43: {  	_ =	shalt  }
0x44: {  	_ =	shalt  }
0x45: {  	_ =	shalt  }
0x46: {  	_ =	shalt  }
0x47: {  	_ =	shalt  }
0x48: {  	_ =	shalt  }
0x49: {  	_ =	shalt  }
0x4a: {  	_ =	shalt  }
0x4b: {  	_ =	shalt  }
0x4c: {  	_ =	shalt  }
0x4d: {  	_ =	shalt  }
0x4e: {  	_ =	shalt  }
0x4f: {  	_ =	shalt  }
0x50: {  	_ =	shalt  }
0x51: {  	_ =	shalt  }
0x52: {  	_ =	shalt  }
0x53: {  	_ =	shalt  }
0x54: {  	_ =	shalt  }
0x55: {  	_ =	shalt  }
0x56: {  	_ =	shalt  }
0x57: {  	_ =	shalt  }
0x58: {  	_ =	shalt  }
0x59: {  	_ =	shalt  }
0x5a: {  	_ =	shalt  }
0x5b: {  	_ =	shalt  }
0x5c: {  	_ =	shalt  }
0x5d: {  	_ =	shalt  }
0x5e: {  	_ =	shalt  }
0x5f: {  	_ =	shalt  }
0x60: {  	_ =	shalt  }
0x61: {  	_ =	shalt  }
0x62: {  	_ =	shalt  }
0x63: {  	_ =	shalt  }
0x64: {  	_ =	shalt  }
0x65: {  	_ =	shalt  }
0x66: {  	_ =	shalt  }
0x67: {  	_ =	shalt  }
0x68: {  	_ =	shalt  }
0x69: {  	_ =	shalt  }
0x6a: {  	_ =	shalt  }
0x6b: {  	_ =	shalt  }
0x6c: {  	_ =	shalt  }
0x6d: {  	_ =	shalt  }
0x6e: {  	_ =	shalt  }
0x6f: {  	_ =	shalt  }
0x70: {  	_ =	shalt  }
0x71: {  	_ =	shalt  }
0x72: {  	_ =	shalt  }
0x73: {  	_ =	shalt  }
0x74: {  	_ =	shalt  }
0x75: {  	_ =	shalt  }
0x76: {  	_ =	shalt  }
0x77: {  	_ =	shalt  }
0x78: {  	_ =	shalt  }
0x79: {  	_ =	shalt  }
0x7a: {  	_ =	shalt  }
0x7b: {  	_ =	shalt  }
0x7c: {  	_ =	shalt  }
0x7d: {  	_ =	shalt  }
0x7e: {  	_ =	shalt  }
0x7f: {  	_ =	shalt  }
0x80: {  	_ =	shalt  }
0x81: {  	_ =	shalt  }
0x82: {  	_ =	shalt  }
0x83: {  	_ =	shalt  }
0x84: {  	_ =	shalt  }
0x85: {  	_ =	shalt  }
0x86: {  	_ =	shalt  }
0x87: {  	_ =	shalt  }
.Lfunc_end0:
.L_simem_size_0:
called_computation.5_lowered:
.L_overlay_start_0:
0x88: {  	s2 =	sld [smem:$0x3FD9]  }
0x89: {  	s3 =	sld [smem:$0x3FFE];
	_ =	sdelay $0x1  }
0x8a: {  	s1 =	srdreg.scid  }
0x8b: {  	s0 =	sand.u32 $0x1, s1  }
0x8c: {  	s15 =	sshll.u32 s0, $0xA;
	s2 =	sadd.s32 s3, s2  }
0x8d: {  	s2 =	sadd.s32 s2, s15  }
0x8e: {  	[smem:$0x3FB3] =	sst s2  }
0x8f: {  	_ = 	snop  }
0x90: {  	s2 =	sld [smem:$0x3FD0];
	_ =	sdelay $0x2  }
0x91: {  	s16 =	simm.s32 $0xC;
	s4 =	simm.s32 $0x10  }
0x92: {  	[smem:s4], [sflag:s16] =	dma.local [hbm:s2], $0x1  }
0x93: {  	_ =	swait.eq [sflag:s16], $0x1  }
0x94: {  	[sflag:s16] =	ssyncset.done $0x0  }
0x95: {  	[sflag:s16] =	ssyncadd.s32 $0xFFFFFFFF  }
0x96: {  	s17 =	sld [smem:$0x10];
	(tm) =	ssettm $0x1  }
0x97: {  	s18 =	sld [smem:$0x3FFB];
	_ =	sdelay $0x3  }
0x98: {  	_ =	strace s18  }
0x99: {  	s2 =	sld [smem:$0x3FFC];
	_ =	sdelay $0x3  }
0x9a: {  	_ =	strace s2  }
0x9b: {  	s2 =	sld [smem:$0x3FFD];
	_ =	sdelay $0x3  }
0x9c: {  	_ =	strace s2  }
0x9d: {  	_ =	strace $0x8FFFFFFF  }
0x9e: {  	s19 =	sld [smem:$0x3FDB];
	_ =	sdelay $0x1  }
0x9f: {  	s20 =	simm.s32 $_scs_section_size  }
0xa0: {  	s5 =	simm.s32 $_size__tile_overlayer_lowered;
	s6 =	simm.s32 $_tile_overlayer_lowered  }
0xa1: {  	s7 =	simm.s32 $0x1BFF;
	s21 =	sshll.u32 s6, $0x1;
	s4 =	sadd.s32 s20, s19  }
0xa2: {  	s22 =	simm.s32 $0x0;
	s5 =	sshll.u32 s5, $0x1;
	s6 =	sadd.s32 s21, s4  }
0xa3: {  	[timem:s22], [sflag:s7] =	dma.local [hbm:s6], s5  }
0xa4: {  	_ =	swait.ge [sflag:s7], s5  }
0xa5: {  	s5 =	ssub.s32 $0x0, s5;
	[sflag:s7] =	ssyncset.done $0x0  }
0xa6: {  	[sflag:s7] =	ssyncadd.s32 s5;
	_ =	sdelay $0x1  }
0xa7: {  	s23 =	simm.s32 $0x1B8B  }
0xa8: {  	_ =	swait.ge [sflag:s23], $0x1  }
0xa9: {  	[sflag:s23] =	ssyncset.done $0x0  }
0xaa: {  	[sflag:s23] =	ssyncadd.s32 $0xFFFFFFFF  }
0xab: {  	s5 =	sld [smem:$0x0]  }
0xac: {  	s6 =	sand.u32 $0xFFFFFFFE, s1  }
0xad: {  	p0 =	sne.s32 s1, s6  }
0xae: {  	s6 =	sshll.u32 @p0 s6, $0xE  }
0xaf: {  	s6 =	sadd.s32 @p0 $0x11B8D, s6;
	s7 =	sshll.u32 @p0 s5, $0x11  }
0xb0: {  	s6 =	sor.u32 @p0 s7, s6  }
0xb1: {  	[sflag:s6] =	ssyncadd.remote.s32 @p0 $0x1;
	_ =	sdelay $0x1  }
0xb2: {  	s6 =	simm.s32 @p0 $0x1B8D  }
0xb3: {  	_ =	swait.eq @p0 [sflag:s6], $0x1  }
0xb4: {  	[sflag:s6] =	ssyncadd.s32 @p0 $0xFFFFFFFF  }
0xb5: {  	s7 =	sshll.u32 @!p0 s1, $0xE  }
0xb6: {  	s7 =	sor.u32 @!p0 $0x4000, s7;
	s6 =	simm.s32 @!p0 $0x1B8D  }
0xb7: {  	s5 =	sshll.u32 @!p0 s5, $0x11;
	s7 =	sadd.s32 @!p0 $0x11B8D, s7;
	_ =	swait.eq @!p0 [sflag:s6], $0x1  }
0xb8: {  	s5 =	sor.u32 @!p0 s5, s7;
	[sflag:s6] =	ssyncadd.s32 @!p0 $0xFFFFFFFF  }
0xb9: {  	s25 =	simm.s32 $0x1B8E;
	s24 =	sld [smem:$0x3FFE];
	[sflag:s5] =	ssyncadd.remote.s32 @!p0 $0x1  }
0xba: {  	s26 =	simm.s32 $execute0_lowered;
	[smem:$0x3FD2] =	sst s25  }
0xbb: {  	s6 =	sshll.u32 s26, $0x1;
	_ =	strace $0x80000058;
	[dreg:$0x1] =	wrdreg $0xFFFFFFFF  }
0xbc: {  	s28 =	simm.s32 $_size_execute0_lowered;
	s4 =	sadd.s32 s4, s6;
	[dreg:$0x0] =	wrdreg $0x0  }
0xbd: {  	s6 =	sshll.u32 s28, $0x1;
	[dreg:$0x2] =	wrdreg s4  }
0xbe: {  	[dreg:$0x3] =	wrdreg s6  }
0xbf: {  	[dreg:$0x4] =	wrdreg $0xC0  }
0xc0: {  	_ =	task [dreg:s22], $0x5FFFF  }
0xc1: {  	[dreg:$0x1] =	wrdreg $0xFFFFFFFF  }
0xc2: {  	[dreg:$0x0] =	wrdreg $0x60  }
0xc3: {  	[dreg:$0x2] =	wrdreg s24  }
0xc4: {  	[dreg:$0x3] =	wrdreg s17  }
0xc5: {  	[dreg:$0x4] =	wrdreg $0xA  }
0xc6: {  	_ =	task.clear_ibuf [dreg:s22], $0x5FFFF;
	_ =	strace $0x90000058  }
0xc7: {  	s29 =	simm.s32 $0xA;
	_ =	strace $0x8000005A  }
0xc8: {  	_ =	swait.ge [sflag:s29], $0x1  }
0xc9: {  	[sflag:s29] =	ssyncadd.s32 $0xFFFFFFFF  }
0xca: {  	_ =	strace $0x9000005A  }
0xcb: {  	_ =	sfence  }
0xcc: {  	s30 =	sld [smem:$0x0];
	_ =	sdelay $0x2  }
0xcd: {  	s31 =	sshll.u32 s1, $0xD;
	s1 =	sshrl.u32 s1, $0x2  }
0xce: {  	s4 =	sand.u32 $0x4000, s31;
	s1 =	sadd.s32 s1, s30  }
0xcf: {  	s0 =	sor.u32 s4, s0;
	s1 =	sshll.u32 s1, $0x11  }
0xd0: {  	s0 =	sor.u32 s1, s0  }
0xd1: {  	s0 =	sadd.s32 $0x8F2B, s0  }
0xd2: {  	[sflag:s0] =	ssyncadd.remote.s32 $0x1  }
0xd3: {  	_ =	sfence.sel $0xFFFF  }
0xd4: {  	[dreg:$0x0] =	wrdreg $0xFFFFFFFF;
	(pc) =	sbr.abs _section_cstart, $3  }
0xd5: {  	[dreg:$0x1] =	wrdreg $0xFFFFFFFF  }
0xd6: {  	_ =	task.clear_ibuf [dreg:s22], $0x2FFFF;
	_ =	strace $0x9FFFFFFF  }
0xd7: {  	(tm) =	ssettm $0x7FFFFFFF  }
tec
execute0_lowered:
.L_overlay_start_1:
0x0: {  	(tag) =	ssettag $0x1  }
0x1: {  	s1 =	srdreg.scid  }
0x2: {  	s11 =	rddreg [dreg:$0x0];
	s0 =	stileid.u32;
	s12 =	sand.u32 $0x1, s1  }
0x3: {  	s8 =	rddreg [dreg:$0x1];
	s3 =	sshll.u32 s0, $0x9;
	s4 =	sshll.u32 s12, $0x8  }
0x4: {  	s2 =	simm.s32 $0x0;
	s1 =	rddreg [dreg:$0x2];
	s13 =	sor.u32 s4, s3  }
0x5: {  	[smem:$0x7FF] =	sst s2;
	s3 =	sshrl.u32 s13, $0x3  }
0x6: {  	_ =	strace $0x80000059;
	s4 =	sadd.s32 s8, s3;
	s3 =	simm.s32 $0x3  }
0x7: {  	[tilespmem:s2], [sflag:$0x3] =	stream.linear.gather [hbm4b:s4+s2], $0x80, $0x38;
	[tilespmem:$0x8100] =	vst v63  }
0x8: {  	s6 =	simm.s32 $0x80;
	_ =	swait.ge [sflag:s3], $0x80  }
0x9: {  	s7 =	simm.s32 $0x100;
	s14 =	sor.u32 $0x80, s13;
	[sflag:s3] =	ssyncset.done $0x0  }
0xa: {  	s5 =	sadd.s32 $0x43400, s11;
	s9 =	sshrl.u32 s14, $0x3;
	[sflag:s3] =	ssyncadd.s32 $0xFFFFFF80  }
0xb: {  	[tilespmem:s7], [sflag:$0x1] =	stream.indirect.gather [hbm4b:s5+s6], $0x80, s2, s6, $0xb8;
	[tilespmem:$0x8100] =	vst v63  }
0xc: {  	s8 =	sadd.s32 s8, s9  }
0xd: {  	[tilespmem:s6], [sflag:$0x3] =	stream.linear.gather [hbm4b:s8+s2], $0x80, $0x38;
	[tilespmem:$0x8100] =	vst v63  }
0xe: {  	_ =	swait.ge [sflag:s3], $0x80  }
0xf: {  	[sflag:s3] =	ssyncset.done $0x0  }
0x10: {  	s10 =	simm.s32 $0x1;
	s9 =	simm.s32 $0x4100;
	[sflag:s3] =	ssyncadd.s32 $0xFFFFFF80  }
0x11: {  	[tilespmem:s9], [sflag:$0x2] =	stream.indirect.gather [hbm4b:s5+s6], $0x80, s6, s6, $0xb8;
	[tilespmem:$0x8100] =	vst v63  }
0x12: {  	_ =	swait.ge [sflag:s10], $0x4000  }
0x13: {  	s15 =	sadd.s32 $0x6B400, s11;
	s28 =	sshll.u32 s13, $0x4;
	[sflag:s10] =	ssyncset.done $0x0  }
0x14: {  	s29 =	ssub.s32 $0x2, s12;
	s11 =	sadd.s32 s15, s28;
	[sflag:s10] =	ssyncadd.s32 $0xFFFFC000  }
0x15: {  	[hbm4b:s11+s2] =	stream.linear.scatter [tilespmem:s7], [sflag:$0x3], $0x4000, $0x38;
	[tilespmem:$0x8100] =	vst v63  }
0x16: {  	s16 =	sshrl.u32 s29, $0x1;
	_ =	swait.ge [sflag:s3], $0x4000  }
0x17: {  	s16 =	ssub.s32 s29, s16;
	[sflag:s3] =	ssyncset.done $0x0  }
0x18: {  	s12 =	simm.s32 $0x2;
	s31 =	smax.u32 s16, $0x1;
	[sflag:s3] =	ssyncadd.s32 $0xFFFFC000  }
0x19: {  	p0 =	sne.s32 s31, $0x1;
	_ =	swait.ge [sflag:s12], $0x4000  }
.Ltmp0:
0x1a: {  	s30 =	sshll.u32 s14, $0x4;
	[sflag:s12] =	ssyncset.done $0x0;
	(pc) =	sbr.rel @!p0 .LBB2_2-.Ltmp0, $4  }
0x1b: {  	s13 =	sadd.s32 s15, s30;
	[sflag:s12] =	ssyncadd.s32 $0xFFFFC000  }
0x1c: {  	[hbm4b:s13+s2] =	stream.linear.scatter [tilespmem:s9], [sflag:$0x3], $0x4000, $0x38;
	[tilespmem:$0x8100] =	vst v63  }
0x1d: {  	_ =	swait.ge [sflag:s3], $0x4000  }
0x1e: {  	s14 =	sadd.s32 $0xFFFFFFFF, s31;
	[sflag:s3] =	ssyncset.done $0x0  }
.LBB2_1:
0x1f: {  	p0 =	sne.s32 s14, $0x1;
	s14 =	sadd.s32 $0xFFFFFFFF, s14;
	[sflag:s3] =	ssyncadd.s32 $0xFFFFC000  }
0x20: {  	[tilespmem:s2], [sflag:$0x3] =	stream.linear.gather [hbm4b:s4+s2], $0x80, $0x38;
	[tilespmem:$0x8100] =	vst v63  }
0x21: {  	_ =	swait.ge [sflag:s3], $0x80  }
0x22: {  	[sflag:s3] =	ssyncset.done $0x0  }
0x23: {  	[sflag:s3] =	ssyncadd.s32 $0xFFFFFF80  }
0x24: {  	[tilespmem:s7], [sflag:$0x1] =	stream.indirect.gather [hbm4b:s5+s6], $0x80, s2, s6, $0xb8;
	[tilespmem:$0x8100] =	vst v63  }
0x25: {  	_ = 	snop  }
0x26: {  	[tilespmem:s6], [sflag:$0x3] =	stream.linear.gather [hbm4b:s8+s2], $0x80, $0x38;
	[tilespmem:$0x8100] =	vst v63  }
0x27: {  	_ =	swait.ge [sflag:s3], $0x80  }
0x28: {  	[sflag:s3] =	ssyncset.done $0x0  }
0x29: {  	[sflag:s3] =	ssyncadd.s32 $0xFFFFFF80  }
0x2a: {  	[tilespmem:s9], [sflag:$0x2] =	stream.indirect.gather [hbm4b:s5+s6], $0x80, s6, s6, $0xb8;
	[tilespmem:$0x8100] =	vst v63  }
0x2b: {  	_ =	swait.ge [sflag:s10], $0x4000  }
0x2c: {  	[sflag:s10] =	ssyncset.done $0x0  }
0x2d: {  	[sflag:s10] =	ssyncadd.s32 $0xFFFFC000  }
0x2e: {  	[hbm4b:s11+s2] =	stream.linear.scatter [tilespmem:s7], [sflag:$0x3], $0x4000, $0x38;
	[tilespmem:$0x8100] =	vst v63  }
0x2f: {  	_ =	swait.ge [sflag:s3], $0x4000  }
0x30: {  	[sflag:s3] =	ssyncset.done $0x0  }
0x31: {  	[sflag:s3] =	ssyncadd.s32 $0xFFFFC000  }
0x32: {  	_ =	swait.ge [sflag:s12], $0x4000  }
.Ltmp1:
0x33: {  	[sflag:s12] =	ssyncset.done $0x0;
	(pc) =	sbr.rel @p0 .LBB2_1-.Ltmp1, $4  }
0x34: {  	[sflag:s12] =	ssyncadd.s32 $0xFFFFC000  }
0x35: {  	[hbm4b:s13+s2] =	stream.linear.scatter [tilespmem:s9], [sflag:$0x3], $0x4000, $0x38;
	[tilespmem:$0x8100] =	vst v63  }
0x36: {  	_ =	swait.ge [sflag:s3], $0x4000  }
0x37: {  	[sflag:s3] =	ssyncset.done $0x0  }
.LBB2_2:
0x38: {  	[sflag:s3] =	ssyncadd.s32 $0xFFFFC000  }
0x39: {  	_ =	sfence.sel $0x180000  }
0x3a: {  	[bflag:$0x0] =	sbarrier.arrive $0xFFFF  }
0x3b: {  	p0 =	sne.s32 s0, $0x0;
	_ =	strace $0x90000059  }
0x3c: {  	s0 =	sadd.s32 @!p0 $0x100000, s1;
	[bflag:$0x2] =	sbarrier.arrive $0xFFFF  }
0x3d: {  	[sflag:s0] =	ssyncadd.tile.s32 @!p0 $0x1;
	_ =	shalt  }
.Lfunc_end2:
_tile_overlayer_lowered:
.L_overlay_start_2:
0x3e: {  	(tag) =	ssettag $0x2  }
0x3f: {  	s0 =	rddreg [dreg:$0x0];
	s2 =	stileid.u32  }
0x40: {  	s1 =	rddreg [dreg:$0x1];
	p0 =	sne.s32 s2, $0x0  }
0x41: {  	s3 =	rddreg [dreg:$0x2];
	[bflag:$0x3] =	sbarrier.arrive $0xFFFF;
	s2 =	simm.s32 @!p0 $0x1C03  }
0x42: {  	[timem:s3], [sflag:s2] =	dma.local @!p0 [hbm:s0], s1  }
0x43: {  	s0 =	simm.s32 @!p0 $0x3  }
0x44: {  	_ =	swait.ge @!p0 [sflag:s0], s1  }
0x45: {  	s1 =	ssub.s32 @!p0 $0x0, s1;
	[sflag:s0] =	ssyncset.done @!p0 $0x0  }
0x46: {  	[sflag:s0] =	ssyncadd.s32 @!p0 s1  }
0x47: {  	[bflag:$0x3] =	sbarrier.arrive $0xFFFF  }
0x48: {  	_ =	shalt  }

// kernel: kernel.33.cloned.1.call-start
scs
__scs_entry_jumppad:
0x0: {  	(pc) =	sbr.rel $0x88, $3  }
0x1: {  	(tag) =	ssettag $0x0;
	lr =	simm.s32 $0x1  }
0x2: {  	[smem:$0x3F8C] =	sst lr;
	_ =	strace $0xD0000000  }
0x3: {  	_ = 	snop  }
0x4: {  	_ = 	snop  }
0x5: {  	_ = 	snop  }
0x6: {  	_ = 	snop  }
0x7: {  	_ = 	snop  }
__scs_overlays_trampoline_lowered:
0x8: {  	[smem:$0x3F9B] =	sst s0  }
0x9: {  	[smem:$0x3F9C] =	sst s1  }
0xa: {  	[smem:$0x3F9D] =	sst s2  }
0xb: {  	[smem:$0x3F9E] =	sst s3  }
0xc: {  	[smem:$0x3F9F] =	sst s4  }
0xd: {  	[smem:$0x3FA0] =	sst s5  }
0xe: {  	[smem:$0x3FA1] =	sst s6  }
0xf: {  	[smem:$0x3FA2] =	sst s7  }
0x10: {  	[smem:$0x3FA3] =	sst s8  }
0x11: {  	[smem:$0x3FA4] =	sst s9;
	s0 =	simm.s32 @!p0 $0x0  }
0x12: {  	s1 =	sld [smem:$0x3F8A];
	s0 =	simm.s32 @p0 $0x1  }
0x13: {  	[smem:$0x3FA5] =	sst s0;
	s0 =	simm.s32 @!p1 $0x0  }
0x14: {  	s2 =	sld [smem:$0x3F89];
	s0 =	simm.s32 @p1 $0x1  }
0x15: {  	[smem:$0x3FA6] =	sst s0;
	s0 =	simm.s32 @!p2 $0x0  }
0x16: {  	s3 =	sld [smem:$0x3FDB];
	s0 =	simm.s32 @p2 $0x1  }
0x17: {  	s4 =	simm.s32 $0x1BF5;
	[smem:$0x3FA8] =	sst s0  }
0x18: {  	s0 =	sld [smem:$0x3F8B];
	_ =	swait.ge [sflag:s4], $0x0  }
0x19: {  	s7 =	sld [smem:$0x3F8C]  }
0x1a: {  	s8 =	sadd.s32 $0xFFFFE003, lr  }
0x1b: {  	s9 =	sadd.s32 $0xFFFFFEF7, lr;
	s5 =	simm.s32 $0xFFFFFFFF;
	p2 =	slt.u32 s8, $0xFFFFF086  }
0x1c: {  	p1 =	slt.u32 s9, $0xF7A;
	s5 =	simm.s32 @!p2 $0x0  }
0x1d: {  	s5 =	simm.s32 @p1 $0x1;
	p0 =	seq.s32 s7, s2  }
0x1e: {  	s7 =	smul.u32 @!p0 $0xF7A, s2;
	p2 =	seq.s32 @!p0 s5, $0x0  }
0x1f: {  	s9 =	smul.u32 $0xF7A, s1;
	s8 =	simm.s32 @!p0 $0x1BF5;
	p2 =	por !p2, p0  }
0x20: {  	[sflag:s8] =	ssyncset.s32 @!p0 $0xFFFFF086;
	s6 =	sadd.s32 @!p0 s3, s7;
	s7 =	simm.s32 @!p0 $0x108  }
0x21: {  	s3 =	sadd.s32 s3, s9;
	s6 =	sadd.s32 @!p0 $0x88, s6;
	s7 =	simm.s32 @p2 $0x1082  }
0x22: {  	[simem:s7], [sflag:s8] =	dma.local @!p0 [hbm:s6], $0xF7A  }
0x23: {  	s9 =	sor.u32 $0xD0000000, s2;
	s6 =	simm.s32 $0x108;
	_ =	swait.ge @!p0 [sflag:s8], $0x0  }
0x24: {  	s3 =	sadd.s32 $0x88, s3;
	s6 =	simm.s32 @!p1 $0x1082;
	[sflag:s4] =	ssyncset.s32 $0xFFFFF086  }
0x25: {  	[simem:s6], [sflag:s4] =	dma.local [hbm:s3], $0xF7A  }
0x26: {  	[smem:$0x3F8C] =	sst s1;
	(tag) =	ssettag s2;
	_ =	strace s9  }
0x27: {  	s1 =	sld [smem:$0x3F9C]  }
0x28: {  	s2 =	sld [smem:$0x3F9D]  }
0x29: {  	s4 =	sld [smem:$0x3F9F]  }
0x2a: {  	p0 =	seq.s32 s5, $0x0;
	s5 =	sld [smem:$0x3FA0]  }
0x2b: {  	s6 =	sld [smem:$0x3FA1]  }
0x2c: {  	s7 =	sld [smem:$0x3FA2]  }
0x2d: {  	s3 =	simm.s32 $0x108;
	s8 =	sld [smem:$0x3FA3]  }
0x2e: {  	s3 =	simm.s32 @!p0 $0x1082;
	s9 =	sld [smem:$0x3FA4]  }
0x2f: {  	lr =	sadd.s32 s0, s3;
	s0 =	sld [smem:$0x3F9B]  }
0x30: {  	s3 =	sld [smem:$0x3F9E]  }
0x31: {  	[smem:$0x3FA7] =	sst s10  }
0x32: {  	s10 =	sld [smem:$0x3FA5];
	_ =	sdelay $0x3  }
0x33: {  	p0 =	seq.s32 s10, $0x1;
	s10 =	sld [smem:$0x3FA7];
	_ =	sdelay $0x3  }
0x34: {  	[smem:$0x3FA7] =	sst s10  }
0x35: {  	s10 =	sld [smem:$0x3FA6];
	_ =	sdelay $0x3  }
0x36: {  	p1 =	seq.s32 s10, $0x1;
	s10 =	sld [smem:$0x3FA7];
	_ =	sdelay $0x3  }
0x37: {  	[smem:$0x3FA7] =	sst s10  }
0x38: {  	s10 =	sld [smem:$0x3FA8]  }
0x39: {  	_ = 	snop;
	(pc) =	sbr.ind lr, $3  }
0x3a: {  	_ = 	snop  }
0x3b: {  	_ = 	snop  }
0x3c: {  	p2 =	seq.s32 s10, $0x1;
	s10 =	sld [smem:$0x3FA7]  }
0x3d: {  	_ =	shalt  }
0x3e: {  	_ =	shalt  }
0x3f: {  	_ =	shalt  }
0x40: {  	_ =	shalt  }
0x41: {  	_ =	shalt  }
0x42: {  	_ =	shalt  }
0x43: {  	_ =	shalt  }
0x44: {  	_ =	shalt  }
0x45: {  	_ =	shalt  }
0x46: {  	_ =	shalt  }
0x47: {  	_ =	shalt  }
0x48: {  	_ =	shalt  }
0x49: {  	_ =	shalt  }
0x4a: {  	_ =	shalt  }
0x4b: {  	_ =	shalt  }
0x4c: {  	_ =	shalt  }
0x4d: {  	_ =	shalt  }
0x4e: {  	_ =	shalt  }
0x4f: {  	_ =	shalt  }
0x50: {  	_ =	shalt  }
0x51: {  	_ =	shalt  }
0x52: {  	_ =	shalt  }
0x53: {  	_ =	shalt  }
0x54: {  	_ =	shalt  }
0x55: {  	_ =	shalt  }
0x56: {  	_ =	shalt  }
0x57: {  	_ =	shalt  }
0x58: {  	_ =	shalt  }
0x59: {  	_ =	shalt  }
0x5a: {  	_ =	shalt  }
0x5b: {  	_ =	shalt  }
0x5c: {  	_ =	shalt  }
0x5d: {  	_ =	shalt  }
0x5e: {  	_ =	shalt  }
0x5f: {  	_ =	shalt  }
0x60: {  	_ =	shalt  }
0x61: {  	_ =	shalt  }
0x62: {  	_ =	shalt  }
0x63: {  	_ =	shalt  }
0x64: {  	_ =	shalt  }
0x65: {  	_ =	shalt  }
0x66: {  	_ =	shalt  }
0x67: {  	_ =	shalt  }
0x68: {  	_ =	shalt  }
0x69: {  	_ =	shalt  }
0x6a: {  	_ =	shalt  }
0x6b: {  	_ =	shalt  }
0x6c: {  	_ =	shalt  }
0x6d: {  	_ =	shalt  }
0x6e: {  	_ =	shalt  }
0x6f: {  	_ =	shalt  }
0x70: {  	_ =	shalt  }
0x71: {  	_ =	shalt  }
0x72: {  	_ =	shalt  }
0x73: {  	_ =	shalt  }
0x74: {  	_ =	shalt  }
0x75: {  	_ =	shalt  }
0x76: {  	_ =	shalt  }
0x77: {  	_ =	shalt  }
0x78: {  	_ =	shalt  }
0x79: {  	_ =	shalt  }
0x7a: {  	_ =	shalt  }
0x7b: {  	_ =	shalt  }
0x7c: {  	_ =	shalt  }
0x7d: {  	_ =	shalt  }
0x7e: {  	_ =	shalt  }
0x7f: {  	_ =	shalt  }
0x80: {  	_ =	shalt  }
0x81: {  	_ =	shalt  }
0x82: {  	_ =	shalt  }
0x83: {  	_ =	shalt  }
0x84: {  	_ =	shalt  }
0x85: {  	_ =	shalt  }
0x86: {  	_ =	shalt  }
0x87: {  	_ =	shalt  }
.Lfunc_end0:
.L_simem_size_0:
called_computation.6_lowered:
.L_overlay_start_0:
0x88: {  	s2 =	sld [smem:$0x3FD9]  }
0x89: {  	s3 =	sld [smem:$0x3FFE];
	_ =	sdelay $0x1  }
0x8a: {  	s1 =	srdreg.scid  }
0x8b: {  	s0 =	sand.u32 $0x1, s1  }
0x8c: {  	s15 =	sshll.u32 s0, $0xA;
	s2 =	sadd.s32 s3, s2  }
0x8d: {  	s2 =	sadd.s32 s2, s15  }
0x8e: {  	[smem:$0x3FB3] =	sst s2  }
0x8f: {  	_ = 	snop  }
0x90: {  	s2 =	sld [smem:$0x3FD0];
	_ =	sdelay $0x2  }
0x91: {  	s16 =	simm.s32 $0xC;
	s4 =	simm.s32 $0x10  }
0x92: {  	[smem:s4], [sflag:s16] =	dma.local [hbm:s2], $0x1  }
0x93: {  	_ =	swait.eq [sflag:s16], $0x1  }
0x94: {  	[sflag:s16] =	ssyncset.done $0x0  }
0x95: {  	[sflag:s16] =	ssyncadd.s32 $0xFFFFFFFF  }
0x96: {  	s17 =	sld [smem:$0x10];
	(tm) =	ssettm $0x1  }
0x97: {  	s18 =	sld [smem:$0x3FFB];
	_ =	sdelay $0x3  }
0x98: {  	_ =	strace s18  }
0x99: {  	s2 =	sld [smem:$0x3FFC];
	_ =	sdelay $0x3  }
0x9a: {  	_ =	strace s2  }
0x9b: {  	s2 =	sld [smem:$0x3FFD];
	_ =	sdelay $0x3  }
0x9c: {  	_ =	strace s2  }
0x9d: {  	_ =	strace $0x8FFFFFFF  }
0x9e: {  	s19 =	sld [smem:$0x3FDB];
	_ =	sdelay $0x1  }
0x9f: {  	s20 =	simm.s32 $_scs_section_size  }
0xa0: {  	s5 =	simm.s32 $_size__tile_overlayer_lowered;
	s6 =	simm.s32 $_tile_overlayer_lowered  }
0xa1: {  	s7 =	simm.s32 $0x1BFF;
	s21 =	sshll.u32 s6, $0x1;
	s4 =	sadd.s32 s20, s19  }
0xa2: {  	s22 =	simm.s32 $0x0;
	s5 =	sshll.u32 s5, $0x1;
	s6 =	sadd.s32 s21, s4  }
0xa3: {  	[timem:s22], [sflag:s7] =	dma.local [hbm:s6], s5  }
0xa4: {  	_ =	swait.ge [sflag:s7], s5  }
0xa5: {  	s5 =	ssub.s32 $0x0, s5;
	[sflag:s7] =	ssyncset.done $0x0  }
0xa6: {  	[sflag:s7] =	ssyncadd.s32 s5;
	_ =	sdelay $0x1  }
0xa7: {  	s23 =	simm.s32 $0x1B8B  }
0xa8: {  	_ =	swait.ge [sflag:s23], $0x1  }
0xa9: {  	[sflag:s23] =	ssyncset.done $0x0  }
0xaa: {  	[sflag:s23] =	ssyncadd.s32 $0xFFFFFFFF  }
0xab: {  	s5 =	sld [smem:$0x0]  }
0xac: {  	s6 =	sand.u32 $0xFFFFFFFE, s1  }
0xad: {  	p0 =	sne.s32 s1, s6  }
0xae: {  	s6 =	sshll.u32 @p0 s6, $0xE  }
0xaf: {  	s6 =	sadd.s32 @p0 $0x11B8D, s6;
	s7 =	sshll.u32 @p0 s5, $0x11  }
0xb0: {  	s6 =	sor.u32 @p0 s7, s6  }
0xb1: {  	[sflag:s6] =	ssyncadd.remote.s32 @p0 $0x1;
	_ =	sdelay $0x1  }
0xb2: {  	s6 =	simm.s32 @p0 $0x1B8D  }
0xb3: {  	_ =	swait.eq @p0 [sflag:s6], $0x1  }
0xb4: {  	[sflag:s6] =	ssyncadd.s32 @p0 $0xFFFFFFFF  }
0xb5: {  	s7 =	sshll.u32 @!p0 s1, $0xE  }
0xb6: {  	s7 =	sor.u32 @!p0 $0x4000, s7;
	s6 =	simm.s32 @!p0 $0x1B8D  }
0xb7: {  	s5 =	sshll.u32 @!p0 s5, $0x11;
	s7 =	sadd.s32 @!p0 $0x11B8D, s7;
	_ =	swait.eq @!p0 [sflag:s6], $0x1  }
0xb8: {  	s5 =	sor.u32 @!p0 s5, s7;
	[sflag:s6] =	ssyncadd.s32 @!p0 $0xFFFFFFFF  }
0xb9: {  	s25 =	simm.s32 $0x1B8E;
	s24 =	sld [smem:$0x3FFE];
	[sflag:s5] =	ssyncadd.remote.s32 @!p0 $0x1  }
0xba: {  	s26 =	simm.s32 $execute0_lowered;
	[smem:$0x3FD2] =	sst s25  }
0xbb: {  	s6 =	sshll.u32 s26, $0x1;
	_ =	strace $0x80000055;
	[dreg:$0x1] =	wrdreg $0xFFFFFFFF  }
0xbc: {  	s28 =	simm.s32 $_size_execute0_lowered;
	s4 =	sadd.s32 s4, s6;
	[dreg:$0x0] =	wrdreg $0x0  }
0xbd: {  	s6 =	sshll.u32 s28, $0x1;
	[dreg:$0x2] =	wrdreg s4  }
0xbe: {  	[dreg:$0x3] =	wrdreg s6  }
0xbf: {  	[dreg:$0x4] =	wrdreg $0xC0  }
0xc0: {  	_ =	task [dreg:s22], $0x5FFFF  }
0xc1: {  	[dreg:$0x1] =	wrdreg $0xFFFFFFFF  }
0xc2: {  	[dreg:$0x0] =	wrdreg $0x60  }
0xc3: {  	[dreg:$0x2] =	wrdreg s24  }
0xc4: {  	[dreg:$0x3] =	wrdreg s17  }
0xc5: {  	[dreg:$0x4] =	wrdreg $0x9  }
0xc6: {  	_ =	task.clear_ibuf [dreg:s22], $0x5FFFF;
	_ =	strace $0x90000055  }
0xc7: {  	s29 =	simm.s32 $0x9;
	_ =	strace $0x80000057  }
0xc8: {  	_ =	swait.ge [sflag:s29], $0x1  }
0xc9: {  	[sflag:s29] =	ssyncadd.s32 $0xFFFFFFFF  }
0xca: {  	_ =	strace $0x90000057  }
0xcb: {  	_ =	sfence  }
0xcc: {  	s30 =	sld [smem:$0x0];
	_ =	sdelay $0x2  }
0xcd: {  	s31 =	sshll.u32 s1, $0xD;
	s1 =	sshrl.u32 s1, $0x2  }
0xce: {  	s4 =	sand.u32 $0x4000, s31;
	s1 =	sadd.s32 s1, s30  }
0xcf: {  	s0 =	sor.u32 s4, s0;
	s1 =	sshll.u32 s1, $0x11  }
0xd0: {  	s0 =	sor.u32 s1, s0  }
0xd1: {  	s0 =	sadd.s32 $0x8F2B, s0  }
0xd2: {  	[sflag:s0] =	ssyncadd.remote.s32 $0x1  }
0xd3: {  	_ =	sfence.sel $0xFFFF  }
0xd4: {  	[dreg:$0x0] =	wrdreg $0xFFFFFFFF;
	(pc) =	sbr.abs _section_cstart, $3  }
0xd5: {  	[dreg:$0x1] =	wrdreg $0xFFFFFFFF  }
0xd6: {  	_ =	task.clear_ibuf [dreg:s22], $0x2FFFF;
	_ =	strace $0x9FFFFFFF  }
0xd7: {  	(tm) =	ssettm $0x7FFFFFFF  }
tec
execute0_lowered:
.L_overlay_start_1:
0x0: {  	(tag) =	ssettag $0x1  }
0x1: {  	s1 =	srdreg.scid  }
0x2: {  	s11 =	rddreg [dreg:$0x0];
	s0 =	stileid.u32;
	s12 =	sand.u32 $0x1, s1  }
0x3: {  	s8 =	rddreg [dreg:$0x1];
	s3 =	sshll.u32 s0, $0x9;
	s4 =	sshll.u32 s12, $0x8  }
0x4: {  	s2 =	simm.s32 $0x0;
	s1 =	rddreg [dreg:$0x2];
	s13 =	sor.u32 s4, s3  }
0x5: {  	[smem:$0x7FF] =	sst s2;
	s3 =	sshrl.u32 s13, $0x3  }
0x6: {  	_ =	strace $0x80000056;
	s4 =	sadd.s32 s8, s3;
	s3 =	simm.s32 $0x3  }
0x7: {  	[tilespmem:s2], [sflag:$0x3] =	stream.linear.gather [hbm4b:s4+s2], $0x80, $0x38;
	[tilespmem:$0x8100] =	vst v63  }
0x8: {  	s6 =	simm.s32 $0x80;
	_ =	swait.ge [sflag:s3], $0x80  }
0x9: {  	s7 =	simm.s32 $0x100;
	s14 =	sor.u32 $0x80, s13;
	[sflag:s3] =	ssyncset.done $0x0  }
0xa: {  	s5 =	sadd.s32 $0x1B400, s11;
	s9 =	sshrl.u32 s14, $0x3;
	[sflag:s3] =	ssyncadd.s32 $0xFFFFFF80  }
0xb: {  	[tilespmem:s7], [sflag:$0x1] =	stream.indirect.gather [hbm4b:s5+s6], $0x80, s2, s6, $0xb8;
	[tilespmem:$0x8100] =	vst v63  }
0xc: {  	s8 =	sadd.s32 s8, s9  }
0xd: {  	[tilespmem:s6], [sflag:$0x3] =	stream.linear.gather [hbm4b:s8+s2], $0x80, $0x38;
	[tilespmem:$0x8100] =	vst v63  }
0xe: {  	_ =	swait.ge [sflag:s3], $0x80  }
0xf: {  	[sflag:s3] =	ssyncset.done $0x0  }
0x10: {  	s10 =	simm.s32 $0x1;
	s9 =	simm.s32 $0x4100;
	[sflag:s3] =	ssyncadd.s32 $0xFFFFFF80  }
0x11: {  	[tilespmem:s9], [sflag:$0x2] =	stream.indirect.gather [hbm4b:s5+s6], $0x80, s6, s6, $0xb8;
	[tilespmem:$0x8100] =	vst v63  }
0x12: {  	_ =	swait.ge [sflag:s10], $0x4000  }
0x13: {  	s15 =	sadd.s32 $0x55B400, s11;
	s28 =	sshll.u32 s13, $0x4;
	[sflag:s10] =	ssyncset.done $0x0  }
0x14: {  	s29 =	ssub.s32 $0x2, s12;
	s11 =	sadd.s32 s15, s28;
	[sflag:s10] =	ssyncadd.s32 $0xFFFFC000  }
0x15: {  	[hbm4b:s11+s2] =	stream.linear.scatter [tilespmem:s7], [sflag:$0x3], $0x4000, $0x38;
	[tilespmem:$0x8100] =	vst v63  }
0x16: {  	s16 =	sshrl.u32 s29, $0x1;
	_ =	swait.ge [sflag:s3], $0x4000  }
0x17: {  	s16 =	ssub.s32 s29, s16;
	[sflag:s3] =	ssyncset.done $0x0  }
0x18: {  	s12 =	simm.s32 $0x2;
	s31 =	smax.u32 s16, $0x1;
	[sflag:s3] =	ssyncadd.s32 $0xFFFFC000  }
0x19: {  	p0 =	sne.s32 s31, $0x1;
	_ =	swait.ge [sflag:s12], $0x4000  }
.Ltmp0:
0x1a: {  	s30 =	sshll.u32 s14, $0x4;
	[sflag:s12] =	ssyncset.done $0x0;
	(pc) =	sbr.rel @!p0 .LBB2_2-.Ltmp0, $4  }
0x1b: {  	s13 =	sadd.s32 s15, s30;
	[sflag:s12] =	ssyncadd.s32 $0xFFFFC000  }
0x1c: {  	[hbm4b:s13+s2] =	stream.linear.scatter [tilespmem:s9], [sflag:$0x3], $0x4000, $0x38;
	[tilespmem:$0x8100] =	vst v63  }
0x1d: {  	_ =	swait.ge [sflag:s3], $0x4000  }
0x1e: {  	s14 =	sadd.s32 $0xFFFFFFFF, s31;
	[sflag:s3] =	ssyncset.done $0x0  }
.LBB2_1:
0x1f: {  	p0 =	sne.s32 s14, $0x1;
	s14 =	sadd.s32 $0xFFFFFFFF, s14;
	[sflag:s3] =	ssyncadd.s32 $0xFFFFC000  }
0x20: {  	[tilespmem:s2], [sflag:$0x3] =	stream.linear.gather [hbm4b:s4+s2], $0x80, $0x38;
	[tilespmem:$0x8100] =	vst v63  }
0x21: {  	_ =	swait.ge [sflag:s3], $0x80  }
0x22: {  	[sflag:s3] =	ssyncset.done $0x0  }
0x23: {  	[sflag:s3] =	ssyncadd.s32 $0xFFFFFF80  }
0x24: {  	[tilespmem:s7], [sflag:$0x1] =	stream.indirect.gather [hbm4b:s5+s6], $0x80, s2, s6, $0xb8;
	[tilespmem:$0x8100] =	vst v63  }
0x25: {  	_ = 	snop  }
0x26: {  	[tilespmem:s6], [sflag:$0x3] =	stream.linear.gather [hbm4b:s8+s2], $0x80, $0x38;
	[tilespmem:$0x8100] =	vst v63  }
0x27: {  	_ =	swait.ge [sflag:s3], $0x80  }
0x28: {  	[sflag:s3] =	ssyncset.done $0x0  }
0x29: {  	[sflag:s3] =	ssyncadd.s32 $0xFFFFFF80  }
0x2a: {  	[tilespmem:s9], [sflag:$0x2] =	stream.indirect.gather [hbm4b:s5+s6], $0x80, s6, s6, $0xb8;
	[tilespmem:$0x8100] =	vst v63  }
0x2b: {  	_ =	swait.ge [sflag:s10], $0x4000  }
0x2c: {  	[sflag:s10] =	ssyncset.done $0x0  }
0x2d: {  	[sflag:s10] =	ssyncadd.s32 $0xFFFFC000  }
0x2e: {  	[hbm4b:s11+s2] =	stream.linear.scatter [tilespmem:s7], [sflag:$0x3], $0x4000, $0x38;
	[tilespmem:$0x8100] =	vst v63  }
0x2f: {  	_ =	swait.ge [sflag:s3], $0x4000  }
0x30: {  	[sflag:s3] =	ssyncset.done $0x0  }
0x31: {  	[sflag:s3] =	ssyncadd.s32 $0xFFFFC000  }
0x32: {  	_ =	swait.ge [sflag:s12], $0x4000  }
.Ltmp1:
0x33: {  	[sflag:s12] =	ssyncset.done $0x0;
	(pc) =	sbr.rel @p0 .LBB2_1-.Ltmp1, $4  }
0x34: {  	[sflag:s12] =	ssyncadd.s32 $0xFFFFC000  }
0x35: {  	[hbm4b:s13+s2] =	stream.linear.scatter [tilespmem:s9], [sflag:$0x3], $0x4000, $0x38;
	[tilespmem:$0x8100] =	vst v63  }
0x36: {  	_ =	swait.ge [sflag:s3], $0x4000  }
0x37: {  	[sflag:s3] =	ssyncset.done $0x0  }
.LBB2_2:
0x38: {  	[sflag:s3] =	ssyncadd.s32 $0xFFFFC000  }
0x39: {  	_ =	sfence.sel $0x180000  }
0x3a: {  	[bflag:$0x0] =	sbarrier.arrive $0xFFFF  }
0x3b: {  	p0 =	sne.s32 s0, $0x0;
	_ =	strace $0x90000056  }
0x3c: {  	s0 =	sadd.s32 @!p0 $0x100000, s1;
	[bflag:$0x2] =	sbarrier.arrive $0xFFFF  }
0x3d: {  	[sflag:s0] =	ssyncadd.tile.s32 @!p0 $0x1;
	_ =	shalt  }
.Lfunc_end2:
_tile_overlayer_lowered:
.L_overlay_start_2:
0x3e: {  	(tag) =	ssettag $0x2  }
0x3f: {  	s0 =	rddreg [dreg:$0x0];
	s2 =	stileid.u32  }
0x40: {  	s1 =	rddreg [dreg:$0x1];
	p0 =	sne.s32 s2, $0x0  }
0x41: {  	s3 =	rddreg [dreg:$0x2];
	[bflag:$0x3] =	sbarrier.arrive $0xFFFF;
	s2 =	simm.s32 @!p0 $0x1C03  }
0x42: {  	[timem:s3], [sflag:s2] =	dma.local @!p0 [hbm:s0], s1  }
0x43: {  	s0 =	simm.s32 @!p0 $0x3  }
0x44: {  	_ =	swait.ge @!p0 [sflag:s0], s1  }
0x45: {  	s1 =	ssub.s32 @!p0 $0x0, s1;
	[sflag:s0] =	ssyncset.done @!p0 $0x0  }
0x46: {  	[sflag:s0] =	ssyncadd.s32 @!p0 s1  }
0x47: {  	[bflag:$0x3] =	sbarrier.arrive $0xFFFF  }
0x48: {  	_ =	shalt  }

</sc_bundles>
